<compile_context>
chip_gen: v7x
topology: tpu7x:2x2x1
jax: 0.10.2.dev20260603
libtpu: 0.0.44.dev20260713+nightly
codegen_flags: <defaults>
</compile_context>

<pallas_src>
import functools

import jax
import jax.numpy as jnp
from jax import lax
from jax.experimental import pallas as pl
from jax.experimental.pallas import tpu as pltpu
from jax.experimental.pallas import tpu_sc as plsc

EMBED = 32
NC = 2
NS = 16
NW = NC * NS
LANES = 16

BATCH = 16384
SEQ = 50
NBT = BATCH // 128
BT_PER_W = NBT // NW
ROWS = BT_PER_W * 128
N_PAIR = SEQ // 2


def _make_gather():
    mesh = plsc.VectorSubcoreMesh(core_axis_name="c", subcore_axis_name="s")

    @functools.partial(
        pl.kernel,
        mesh=mesh,
        out_type=jax.ShapeDtypeStruct((SEQ, EMBED // 8, NBT, 1024),
                                      jnp.float32),
        scratch_types=[
            pltpu.VMEM((ROWS,), jnp.int32),
            pltpu.VMEM((ROWS,), jnp.int32),
            pltpu.VMEM((ROWS, EMBED), jnp.float32),
            pltpu.VMEM((ROWS, EMBED), jnp.float32),
            pltpu.VMEM((BT_PER_W * 4 * 1024,), jnp.float32),
            pltpu.VMEM((BT_PER_W * 4 * 1024,), jnp.float32),
            pltpu.SemaphoreType.DMA,
            pltpu.SemaphoreType.DMA,
            pltpu.SemaphoreType.DMA,
            pltpu.SemaphoreType.DMA,
        ],
        compiler_params=pltpu.CompilerParams(
            use_tc_tiling_on_sc=False, needs_layout_passes=False),
    )
    def k(ids_hbm, table_hbm, out_hbm, idx0, idx1, rows0, rows1, tb0, tb1,
          gs0, gs1, ss0, ss1):
        wid = lax.axis_index("s") * NC + lax.axis_index("c")
        bt0 = wid * BT_PER_W
        idx = (idx0, idx1)
        rows = (rows0, rows1)
        tbuf = (tb0, tb1)
        gs = (gs0, gs1)
        ss = (ss0, ss1)
        lane = lax.iota(jnp.int32, LANES)

        gdn = lax.GatherDimensionNumbers(
            offset_dims=(), collapsed_slice_dims=(0,), start_index_map=(0,))
        perms = {s: (lane ^ s)[:, None] for s in (1, 2, 4, 8)}
        masks = {s: (lane & s) == 0 for s in (1, 2, 4, 8)}

        def _shuf(v, s):
            return lax.gather(v, perms[s], gdn, slice_sizes=(1,),
                              mode=lax.GatherScatterMode.PROMISE_IN_BOUNDS)

        def transpose_rows(p):
            @plsc.parallel_loop(0, 64, 1, unroll=2)
            def mbody(m):
                q = m >> 4
                lg = (m >> 1) & 7
                eh = m & 1
                r0 = q * 128 + lg * 16
                regs = [rows[p][r0 + i, pl.ds(eh * 16, LANES)]
                        for i in range(LANES)]
                for s in (1, 2, 4, 8):
                    msk = masks[s]
                    nxt = list(regs)
                    for i in range(LANES):
                        if i & s == 0:
                            j = i | s
                            a, b2 = regs[i], regs[j]
                            nxt[i] = jnp.where(msk, a, _shuf(b2, s))
                            nxt[j] = jnp.where(msk, _shuf(a, s), b2)
                    regs = nxt
                base = q * 4096 + lg * 16
                for k in range(LANES):
                    e = eh * 16 + k
                    off = (e >> 3) * 1024 + (e & 7) * 128 + base
                    tbuf[p][pl.ds(off, LANES)] = regs[k]

        def fire_stores(p, l):
            for q in range(BT_PER_W):
                for eT in range(EMBED // 8):
                    pltpu.async_copy(
                        tbuf[p].at[pl.ds(q * 4096 + eT * 1024, 1024)],
                        out_hbm.at[l, eT, bt0 + q],
                        ss[p])

        def drain_stores(p):
            for _ in range(BT_PER_W * (EMBED // 8)):
                pltpu.make_async_copy(
                    tbuf[p].at[pl.ds(0, 1024)], out_hbm.at[0, 0, 0],
                    ss[p]).wait()

        def body(g, carry):
            for b in (0, 1):
                l = 2 * g + b
                p = 1 - b

                @pl.when(g > 0)
                def _wait_prev_stores():
                    drain_stores(b)

                pltpu.sync_copy(
                    ids_hbm.at[pl.ds(l * BATCH + bt0 * 128, ROWS)], idx[b])
                pltpu.async_copy(table_hbm.at[idx[b]], rows[b], gs[b])

                def _retire():
                    pltpu.make_async_copy(
                        table_hbm.at[idx[p]], rows[p], gs[p]).wait()
                    transpose_rows(p)
                    fire_stores(p, l - 1)

                if b == 0:
                    pl.when(g > 0)(_retire)
                else:
                    _retire()
            return carry

        lax.fori_loop(0, N_PAIR, body, 0)

        pltpu.make_async_copy(table_hbm.at[idx1], rows1, gs1).wait()
        transpose_rows(1)
        fire_stores(1, SEQ - 1)
        drain_stores(0)
        drain_stores(1)

    return k


_gather = _make_gather()


def kernel(input_ids, table):
    flat_ids_t = input_ids.T.reshape(SEQ * BATCH)
    out5 = _gather(flat_ids_t, table)
    out = out5.reshape(SEQ, EMBED // 8, NBT, 8, 128)
    out = out.transpose(2, 4, 0, 1, 3)
    return out.reshape(BATCH, SEQ, EMBED)

# --- scband reference (transcript-rebuilt; emitter-appended) ---
"""Pipeline reference for scband-base-model-41068477284613 (READ-ONLY COPY).

The authoritative reference and input builder live on the scoring server;
editing this copy changes nothing except your own understanding.
"""

import jax, jax.numpy as jnp
import numpy as np

VOCAB = 1000000
EMBED = 32

def setup_inputs(seed: int = 0) -> dict:
    key = jax.random.key(seed)
    k1, k2 = jax.random.split(key)
    input_ids = jax.random.randint(k1, (16384, 50), 0, VOCAB, dtype=jnp.int64 if jax.config.jax_enable_x64 else jnp.int32)
    table = jax.random.normal(k2, (VOCAB, EMBED), dtype=jnp.float32) * 0.02
    return {"input_ids": input_ids, "table": table}

def reference(input_ids, table):
    # Faithful translation of nn.Embedding lookup (BaseModel.get_embeddings):
    # out[b, l, :] = table[input_ids[b, l], :]
    return jnp.take(table, input_ids, axis=0)

if __name__ == "__main__":
    import jax
    _d = setup_inputs()
    print(jax.jit(kernel)(*tuple(_d.values())))

</pallas_src>

<mosaic_0001>
#map = affine_map<(d0, d1) -> (0)>
#map1 = affine_map<(d0, d1) -> (0, 0)>
#map2 = affine_map<(d0, d1) -> (0, 0, 0, 0)>
module attributes {stable_mosaic.version = 14 : i64} {
  func.func @k(%arg0: i32, %arg1: i32, %arg2: memref<819200xi32, #tpu.memory_space<hbm>>, %arg3: memref<1000000x32xf32, #tpu.memory_space<hbm>>, %arg4: memref<50x4x128x1024xf32, #tpu.memory_space<hbm>>, %arg5: memref<512xi32, #tpu.memory_space<vmem>>, %arg6: memref<512xi32, #tpu.memory_space<vmem>>, %arg7: memref<512x32xf32, #tpu.memory_space<vmem>>, %arg8: memref<512x32xf32, #tpu.memory_space<vmem>>, %arg9: memref<16384xf32, #tpu.memory_space<vmem>>, %arg10: memref<16384xf32, #tpu.memory_space<vmem>>, %arg11: memref<!tpu.dma_semaphore, #tpu.memory_space<semaphore_mem>>, %arg12: memref<!tpu.dma_semaphore, #tpu.memory_space<semaphore_mem>>, %arg13: memref<!tpu.dma_semaphore, #tpu.memory_space<semaphore_mem>>, %arg14: memref<!tpu.dma_semaphore, #tpu.memory_space<semaphore_mem>>) attributes {dimension_semantics = [#tpu.dimension_semantics<core_parallel>, #tpu.dimension_semantics<subcore_parallel>], iteration_bounds = array<i64: 2, 16>, scalar_prefetch = 0 : i64, scratch_operands = 10 : i64, tpu.core_type = #tpu.core_type<sc_vector_subcore>, window_params = [{transform_indices = #map}, {transform_indices = #map1}, {transform_indices = #map2}]} {
    %mul3A = arith.constant 2 : i32
    %mul3A_0 = arith.muli %arg1, %mul3A : i32
    %add3A = arith.addi %mul3A_0, %arg0 : i32
    %mul3A_1 = arith.constant 4 : i32
    %mul3A_2 = arith.muli %add3A, %mul3A_1 : i32
    %iota3A = tpu.iota {dimensions = array<i32: 0>} : vector<16xi32>
    %xor3A = arith.constant 1 : i32
    %xor3A_3 = vector.broadcast %xor3A : i32 to vector<16xi32>
    %xor3A_4 = arith.xori %iota3A, %xor3A_3 : vector<16xi32>
    %broadcast_in_dim3A = vector.shape_cast %xor3A_4 : vector<16xi32> to vector<16x1xi32>
    %xor3A_5 = arith.constant 2 : i32
    %xor3A_6 = vector.broadcast %xor3A_5 : i32 to vector<16xi32>
    %xor3A_7 = arith.xori %iota3A, %xor3A_6 : vector<16xi32>
    %broadcast_in_dim3A_8 = vector.shape_cast %xor3A_7 : vector<16xi32> to vector<16x1xi32>
    %xor3A_9 = arith.constant 4 : i32
    %xor3A_10 = vector.broadcast %xor3A_9 : i32 to vector<16xi32>
    %xor3A_11 = arith.xori %iota3A, %xor3A_10 : vector<16xi32>
    %broadcast_in_dim3A_12 = vector.shape_cast %xor3A_11 : vector<16xi32> to vector<16x1xi32>
    %xor3A_13 = arith.constant 8 : i32
    %xor3A_14 = vector.broadcast %xor3A_13 : i32 to vector<16xi32>
    %xor3A_15 = arith.xori %iota3A, %xor3A_14 : vector<16xi32>
    %broadcast_in_dim3A_16 = vector.shape_cast %xor3A_15 : vector<16xi32> to vector<16x1xi32>
    %and3A = arith.constant 1 : i32
    %and3A_17 = vector.broadcast %and3A : i32 to vector<16xi32>
    %and3A_18 = arith.andi %iota3A, %and3A_17 : vector<16xi32>
    %eq3A = arith.constant 0 : i32
    %eq3A_19 = vector.broadcast %eq3A : i32 to vector<16xi32>
    %eq3A_20 = arith.cmpi eq, %and3A_18, %eq3A_19 : vector<16xi32>
    %and3A_21 = arith.constant 2 : i32
    %and3A_22 = vector.broadcast %and3A_21 : i32 to vector<16xi32>
    %and3A_23 = arith.andi %iota3A, %and3A_22 : vector<16xi32>
    %eq3A_24 = arith.constant 0 : i32
    %eq3A_25 = vector.broadcast %eq3A_24 : i32 to vector<16xi32>
    %eq3A_26 = arith.cmpi eq, %and3A_23, %eq3A_25 : vector<16xi32>
    %and3A_27 = arith.constant 4 : i32
    %and3A_28 = vector.broadcast %and3A_27 : i32 to vector<16xi32>
    %and3A_29 = arith.andi %iota3A, %and3A_28 : vector<16xi32>
    %eq3A_30 = arith.constant 0 : i32
    %eq3A_31 = vector.broadcast %eq3A_30 : i32 to vector<16xi32>
    %eq3A_32 = arith.cmpi eq, %and3A_29, %eq3A_31 : vector<16xi32>
    %and3A_33 = arith.constant 8 : i32
    %and3A_34 = vector.broadcast %and3A_33 : i32 to vector<16xi32>
    %and3A_35 = arith.andi %iota3A, %and3A_34 : vector<16xi32>
    %eq3A_36 = arith.constant 0 : i32
    %eq3A_37 = vector.broadcast %eq3A_36 : i32 to vector<16xi32>
    %eq3A_38 = arith.cmpi eq, %and3A_35, %eq3A_37 : vector<16xi32>
    %scan3A = arith.constant 0 : i32
    %scan3A_39 = arith.constant 0 : i32
    %scan3A_40 = arith.constant 25 : i32
    %scan3A_41 = arith.addi %scan3A_39, %scan3A_40 : i32
    %scan3A_42 = arith.constant 1 : i32
    scf.for %scan3A_687 = %scan3A_39 to %scan3A_41 step %scan3A_42  : i32 {
      %mul3A_688 = arith.constant 2 : i32
      %mul3A_689 = arith.muli %mul3A_688, %scan3A_687 : i32
      %add3A_690 = arith.constant 0 : i32
      %add3A_691 = arith.addi %mul3A_689, %add3A_690 : i32
      %gt3A = arith.constant 0 : i32
      %gt3A_692 = arith.cmpi sgt, %scan3A_687, %gt3A : i32
      %convert_element_type3A = arith.extui %gt3A_692 : i1 to i32
      %cond3A = arith.constant 0 : i32
      %cond3A_693 = arith.cmpi ne, %convert_element_type3A, %cond3A : i32
      scf.if %cond3A_693 {
        %dma_wait3A_939 = arith.constant 0 : i32
        %dma_wait3A_940 = arith.constant 0 : i32
        %dma_wait3A_941 = arith.constant 0 : i32
        %dma_wait3A_942 = arith.constant 0 : i32
        %dma_wait3A_943 = tpu.memref_slice %arg9[%dma_wait3A_942] : memref<16384xf32, #tpu.memory_space<vmem>> -> memref<1024xf32, #tpu.memory_space<vmem>>
        %dma_wait3A_944 = arith.constant 0 : i32
        %dma_wait3A_945 = tpu.memref_slice %arg4[%dma_wait3A_939, %dma_wait3A_940, %dma_wait3A_941, %dma_wait3A_944] : memref<50x4x128x1024xf32, #tpu.memory_space<hbm>> -> memref<1x1x1x1024xf32, #tpu.memory_space<hbm>>
        %dma_wait3A_946 = tpu.memref_squeeze %dma_wait3A_945 : memref<1x1x1x1024xf32, #tpu.memory_space<hbm>> -> memref<1024xf32, #tpu.memory_space<hbm>>
        %dma_wait3A_947 = arith.constant 0 : i32
        %dma_wait3A_948 = tpu.memref_slice %arg4[%dma_wait3A_939, %dma_wait3A_940, %dma_wait3A_941, %dma_wait3A_947] : memref<50x4x128x1024xf32, #tpu.memory_space<hbm>> -> memref<1x1x1x1024xf32, #tpu.memory_space<hbm>>
        %dma_wait3A_949 = tpu.memref_squeeze %dma_wait3A_948 : memref<1x1x1x1024xf32, #tpu.memory_space<hbm>> -> memref<1024xf32, #tpu.memory_space<hbm>>
        %dma_wait3A_950 = arith.constant 0 : i32
        %dma_wait3A_951 = tpu.memref_slice %arg9[%dma_wait3A_950] : memref<16384xf32, #tpu.memory_space<vmem>> -> memref<1024xf32, #tpu.memory_space<vmem>>
        tpu.wait_dma2 semaphore(%arg13 : memref<!tpu.dma_semaphore, #tpu.memory_space<semaphore_mem>>) src(%dma_wait3A_951 : memref<1024xf32, #tpu.memory_space<vmem>>) dst(%dma_wait3A_949 : memref<1024xf32, #tpu.memory_space<hbm>>)
        %dma_wait3A_952 = arith.constant 0 : i32
        %dma_wait3A_953 = arith.constant 0 : i32
        %dma_wait3A_954 = arith.constant 0 : i32
        %dma_wait3A_955 = arith.constant 0 : i32
        %dma_wait3A_956 = tpu.memref_slice %arg9[%dma_wait3A_955] : memref<16384xf32, #tpu.memory_space<vmem>> -> memref<1024xf32, #tpu.memory_space<vmem>>
        %dma_wait3A_957 = arith.constant 0 : i32
        %dma_wait3A_958 = tpu.memref_slice %arg4[%dma_wait3A_952, %dma_wait3A_953, %dma_wait3A_954, %dma_wait3A_957] : memref<50x4x128x1024xf32, #tpu.memory_space<hbm>> -> memref<1x1x1x1024xf32, #tpu.memory_space<hbm>>
        %dma_wait3A_959 = tpu.memref_squeeze %dma_wait3A_958 : memref<1x1x1x1024xf32, #tpu.memory_space<hbm>> -> memref<1024xf32, #tpu.memory_space<hbm>>
        %dma_wait3A_960 = arith.constant 0 : i32
        %dma_wait3A_961 = tpu.memref_slice %arg4[%dma_wait3A_952, %dma_wait3A_953, %dma_wait3A_954, %dma_wait3A_960] : memref<50x4x128x1024xf32, #tpu.memory_space<hbm>> -> memref<1x1x1x1024xf32, #tpu.memory_space<hbm>>
        %dma_wait3A_962 = tpu.memref_squeeze %dma_wait3A_961 : memref<1x1x1x1024xf32, #tpu.memory_space<hbm>> -> memref<1024xf32, #tpu.memory_space<hbm>>
        %dma_wait3A_963 = arith.constant 0 : i32
        %dma_wait3A_964 = tpu.memref_slice %arg9[%dma_wait3A_963] : memref<16384xf32, #tpu.memory_space<vmem>> -> memref<1024xf32, #tpu.memory_space<vmem>>
        tpu.wait_dma2 semaphore(%arg13 : memref<!tpu.dma_semaphore, #tpu.memory_space<semaphore_mem>>) src(%dma_wait3A_964 : memref<1024xf32, #tpu.memory_space<vmem>>) dst(%dma_wait3A_962 : memref<1024xf32, #tpu.memory_space<hbm>>)
        %dma_wait3A_965 = arith.constant 0 : i32
        %dma_wait3A_966 = arith.constant 0 : i32
        %dma_wait3A_967 = arith.constant 0 : i32
        %dma_wait3A_968 = arith.constant 0 : i32
        %dma_wait3A_969 = tpu.memref_slice %arg9[%dma_wait3A_968] : memref<16384xf32, #tpu.memory_space<vmem>> -> memref<1024xf32, #tpu.memory_space<vmem>>
        %dma_wait3A_970 = arith.constant 0 : i32
        %dma_wait3A_971 = tpu.memref_slice %arg4[%dma_wait3A_965, %dma_wait3A_966, %dma_wait3A_967, %dma_wait3A_970] : memref<50x4x128x1024xf32, #tpu.memory_space<hbm>> -> memref<1x1x1x1024xf32, #tpu.memory_space<hbm>>
        %dma_wait3A_972 = tpu.memref_squeeze %dma_wait3A_971 : memref<1x1x1x1024xf32, #tpu.memory_space<hbm>> -> memref<1024xf32, #tpu.memory_space<hbm>>
        %dma_wait3A_973 = arith.constant 0 : i32
        %dma_wait3A_974 = tpu.memref_slice %arg4[%dma_wait3A_965, %dma_wait3A_966, %dma_wait3A_967, %dma_wait3A_973] : memref<50x4x128x1024xf32, #tpu.memory_space<hbm>> -> memref<1x1x1x1024xf32, #tpu.memory_space<hbm>>
        %dma_wait3A_975 = tpu.memref_squeeze %dma_wait3A_974 : memref<1x1x1x1024xf32, #tpu.memory_space<hbm>> -> memref<1024xf32, #tpu.memory_space<hbm>>
        %dma_wait3A_976 = arith.constant 0 : i32
        %dma_wait3A_977 = tpu.memref_slice %arg9[%dma_wait3A_976] : memref<16384xf32, #tpu.memory_space<vmem>> -> memref<1024xf32, #tpu.memory_space<vmem>>
        tpu.wait_dma2 semaphore(%arg13 : memref<!tpu.dma_semaphore, #tpu.memory_space<semaphore_mem>>) src(%dma_wait3A_977 : memref<1024xf32, #tpu.memory_space<vmem>>) dst(%dma_wait3A_975 : memref<1024xf32, #tpu.memory_space<hbm>>)
        %dma_wait3A_978 = arith.constant 0 : i32
        %dma_wait3A_979 = arith.constant 0 : i32
        %dma_wait3A_980 = arith.constant 0 : i32
        %dma_wait3A_981 = arith.constant 0 : i32
        %dma_wait3A_982 = tpu.memref_slice %arg9[%dma_wait3A_981] : memref<16384xf32, #tpu.memory_space<vmem>> -> memref<1024xf32, #tpu.memory_space<vmem>>
        %dma_wait3A_983 = arith.constant 0 : i32
        %dma_wait3A_984 = tpu.memref_slice %arg4[%dma_wait3A_978, %dma_wait3A_979, %dma_wait3A_980, %dma_wait3A_983] : memref<50x4x128x1024xf32, #tpu.memory_space<hbm>> -> memref<1x1x1x1024xf32, #tpu.memory_space<hbm>>
        %dma_wait3A_985 = tpu.memref_squeeze %dma_wait3A_984 : memref<1x1x1x1024xf32, #tpu.memory_space<hbm>> -> memref<1024xf32, #tpu.memory_space<hbm>>
        %dma_wait3A_986 = arith.constant 0 : i32
        %dma_wait3A_987 = tpu.memref_slice %arg4[%dma_wait3A_978, %dma_wait3A_979, %dma_wait3A_980, %dma_wait3A_986] : memref<50x4x128x1024xf32, #tpu.memory_space<hbm>> -> memref<1x1x1x1024xf32, #tpu.memory_space<hbm>>
        %dma_wait3A_988 = tpu.memref_squeeze %dma_wait3A_987 : memref<1x1x1x1024xf32, #tpu.memory_space<hbm>> -> memref<1024xf32, #tpu.memory_space<hbm>>
        %dma_wait3A_989 = arith.constant 0 : i32
        %dma_wait3A_990 = tpu.memref_slice %arg9[%dma_wait3A_989] : memref<16384xf32, #tpu.memory_space<vmem>> -> memref<1024xf32, #tpu.memory_space<vmem>>
        tpu.wait_dma2 semaphore(%arg13 : memref<!tpu.dma_semaphore, #tpu.memory_space<semaphore_mem>>) src(%dma_wait3A_990 : memref<1024xf32, #tpu.memory_space<vmem>>) dst(%dma_wait3A_988 : memref<1024xf32, #tpu.memory_space<hbm>>)
        %dma_wait3A_991 = arith.constant 0 : i32
        %dma_wait3A_992 = arith.constant 0 : i32
        %dma_wait3A_993 = arith.constant 0 : i32
        %dma_wait3A_994 = arith.constant 0 : i32
        %dma_wait3A_995 = tpu.memref_slice %arg9[%dma_wait3A_994] : memref<16384xf32, #tpu.memory_space<vmem>> -> memref<1024xf32, #tpu.memory_space<vmem>>
        %dma_wait3A_996 = arith.constant 0 : i32
        %dma_wait3A_997 = tpu.memref_slice %arg4[%dma_wait3A_991, %dma_wait3A_992, %dma_wait3A_993, %dma_wait3A_996] : memref<50x4x128x1024xf32, #tpu.memory_space<hbm>> -> memref<1x1x1x1024xf32, #tpu.memory_space<hbm>>
        %dma_wait3A_998 = tpu.memref_squeeze %dma_wait3A_997 : memref<1x1x1x1024xf32, #tpu.memory_space<hbm>> -> memref<1024xf32, #tpu.memory_space<hbm>>
        %dma_wait3A_999 = arith.constant 0 : i32
        %dma_wait3A_1000 = tpu.memref_slice %arg4[%dma_wait3A_991, %dma_wait3A_992, %dma_wait3A_993, %dma_wait3A_999] : memref<50x4x128x1024xf32, #tpu.memory_space<hbm>> -> memref<1x1x1x1024xf32, #tpu.memory_space<hbm>>
        %dma_wait3A_1001 = tpu.memref_squeeze %dma_wait3A_1000 : memref<1x1x1x1024xf32, #tpu.memory_space<hbm>> -> memref<1024xf32, #tpu.memory_space<hbm>>
        %dma_wait3A_1002 = arith.constant 0 : i32
        %dma_wait3A_1003 = tpu.memref_slice %arg9[%dma_wait3A_1002] : memref<16384xf32, #tpu.memory_space<vmem>> -> memref<1024xf32, #tpu.memory_space<vmem>>
        tpu.wait_dma2 semaphore(%arg13 : memref<!tpu.dma_semaphore, #tpu.memory_space<semaphore_mem>>) src(%dma_wait3A_1003 : memref<1024xf32, #tpu.memory_space<vmem>>) dst(%dma_wait3A_1001 : memref<1024xf32, #tpu.memory_space<hbm>>)
        %dma_wait3A_1004 = arith.constant 0 : i32
        %dma_wait3A_1005 = arith.constant 0 : i32
        %dma_wait3A_1006 = arith.constant 0 : i32
        %dma_wait3A_1007 = arith.constant 0 : i32
        %dma_wait3A_1008 = tpu.memref_slice %arg9[%dma_wait3A_1007] : memref<16384xf32, #tpu.memory_space<vmem>> -> memref<1024xf32, #tpu.memory_space<vmem>>
        %dma_wait3A_1009 = arith.constant 0 : i32
        %dma_wait3A_1010 = tpu.memref_slice %arg4[%dma_wait3A_1004, %dma_wait3A_1005, %dma_wait3A_1006, %dma_wait3A_1009] : memref<50x4x128x1024xf32, #tpu.memory_space<hbm>> -> memref<1x1x1x1024xf32, #tpu.memory_space<hbm>>
        %dma_wait3A_1011 = tpu.memref_squeeze %dma_wait3A_1010 : memref<1x1x1x1024xf32, #tpu.memory_space<hbm>> -> memref<1024xf32, #tpu.memory_space<hbm>>
        %dma_wait3A_1012 = arith.constant 0 : i32
        %dma_wait3A_1013 = tpu.memref_slice %arg4[%dma_wait3A_1004, %dma_wait3A_1005, %dma_wait3A_1006, %dma_wait3A_1012] : memref<50x4x128x1024xf32, #tpu.memory_space<hbm>> -> memref<1x1x1x1024xf32, #tpu.memory_space<hbm>>
        %dma_wait3A_1014 = tpu.memref_squeeze %dma_wait3A_1013 : memref<1x1x1x1024xf32, #tpu.memory_space<hbm>> -> memref<1024xf32, #tpu.memory_space<hbm>>
        %dma_wait3A_1015 = arith.constant 0 : i32
        %dma_wait3A_1016 = tpu.memref_slice %arg9[%dma_wait3A_1015] : memref<16384xf32, #tpu.memory_space<vmem>> -> memref<1024xf32, #tpu.memory_space<vmem>>
        tpu.wait_dma2 semaphore(%arg13 : memref<!tpu.dma_semaphore, #tpu.memory_space<semaphore_mem>>) src(%dma_wait3A_1016 : memref<1024xf32, #tpu.memory_space<vmem>>) dst(%dma_wait3A_1014 : memref<1024xf32, #tpu.memory_space<hbm>>)
        %dma_wait3A_1017 = arith.constant 0 : i32
        %dma_wait3A_1018 = arith.constant 0 : i32
        %dma_wait3A_1019 = arith.constant 0 : i32
        %dma_wait3A_1020 = arith.constant 0 : i32
        %dma_wait3A_1021 = tpu.memref_slice %arg9[%dma_wait3A_1020] : memref<16384xf32, #tpu.memory_space<vmem>> -> memref<1024xf32, #tpu.memory_space<vmem>>
        %dma_wait3A_1022 = arith.constant 0 : i32
        %dma_wait3A_1023 = tpu.memref_slice %arg4[%dma_wait3A_1017, %dma_wait3A_1018, %dma_wait3A_1019, %dma_wait3A_1022] : memref<50x4x128x1024xf32, #tpu.memory_space<hbm>> -> memref<1x1x1x1024xf32, #tpu.memory_space<hbm>>
        %dma_wait3A_1024 = tpu.memref_squeeze %dma_wait3A_1023 : memref<1x1x1x1024xf32, #tpu.memory_space<hbm>> -> memref<1024xf32, #tpu.memory_space<hbm>>
        %dma_wait3A_1025 = arith.constant 0 : i32
        %dma_wait3A_1026 = tpu.memref_slice %arg4[%dma_wait3A_1017, %dma_wait3A_1018, %dma_wait3A_1019, %dma_wait3A_1025] : memref<50x4x128x1024xf32, #tpu.memory_space<hbm>> -> memref<1x1x1x1024xf32, #tpu.memory_space<hbm>>
        %dma_wait3A_1027 = tpu.memref_squeeze %dma_wait3A_1026 : memref<1x1x1x1024xf32, #tpu.memory_space<hbm>> -> memref<1024xf32, #tpu.memory_space<hbm>>
        %dma_wait3A_1028 = arith.constant 0 : i32
        %dma_wait3A_1029 = tpu.memref_slice %arg9[%dma_wait3A_1028] : memref<16384xf32, #tpu.memory_space<vmem>> -> memref<1024xf32, #tpu.memory_space<vmem>>
        tpu.wait_dma2 semaphore(%arg13 : memref<!tpu.dma_semaphore, #tpu.memory_space<semaphore_mem>>) src(%dma_wait3A_1029 : memref<1024xf32, #tpu.memory_space<vmem>>) dst(%dma_wait3A_1027 : memref<1024xf32, #tpu.memory_space<hbm>>)
        %dma_wait3A_1030 = arith.constant 0 : i32
        %dma_wait3A_1031 = arith.constant 0 : i32
        %dma_wait3A_1032 = arith.constant 0 : i32
        %dma_wait3A_1033 = arith.constant 0 : i32
        %dma_wait3A_1034 = tpu.memref_slice %arg9[%dma_wait3A_1033] : memref<16384xf32, #tpu.memory_space<vmem>> -> memref<1024xf32, #tpu.memory_space<vmem>>
        %dma_wait3A_1035 = arith.constant 0 : i32
        %dma_wait3A_1036 = tpu.memref_slice %arg4[%dma_wait3A_1030, %dma_wait3A_1031, %dma_wait3A_1032, %dma_wait3A_1035] : memref<50x4x128x1024xf32, #tpu.memory_space<hbm>> -> memref<1x1x1x1024xf32, #tpu.memory_space<hbm>>
        %dma_wait3A_1037 = tpu.memref_squeeze %dma_wait3A_1036 : memref<1x1x1x1024xf32, #tpu.memory_space<hbm>> -> memref<1024xf32, #tpu.memory_space<hbm>>
        %dma_wait3A_1038 = arith.constant 0 : i32
        %dma_wait3A_1039 = tpu.memref_slice %arg4[%dma_wait3A_1030, %dma_wait3A_1031, %dma_wait3A_1032, %dma_wait3A_1038] : memref<50x4x128x1024xf32, #tpu.memory_space<hbm>> -> memref<1x1x1x1024xf32, #tpu.memory_space<hbm>>
        %dma_wait3A_1040 = tpu.memref_squeeze %dma_wait3A_1039 : memref<1x1x1x1024xf32, #tpu.memory_space<hbm>> -> memref<1024xf32, #tpu.memory_space<hbm>>
        %dma_wait3A_1041 = arith.constant 0 : i32
        %dma_wait3A_1042 = tpu.memref_slice %arg9[%dma_wait3A_1041] : memref<16384xf32, #tpu.memory_space<vmem>> -> memref<1024xf32, #tpu.memory_space<vmem>>
        tpu.wait_dma2 semaphore(%arg13 : memref<!tpu.dma_semaphore, #tpu.memory_space<semaphore_mem>>) src(%dma_wait3A_1042 : memref<1024xf32, #tpu.memory_space<vmem>>) dst(%dma_wait3A_1040 : memref<1024xf32, #tpu.memory_space<hbm>>)
        %dma_wait3A_1043 = arith.constant 0 : i32
        %dma_wait3A_1044 = arith.constant 0 : i32
        %dma_wait3A_1045 = arith.constant 0 : i32
        %dma_wait3A_1046 = arith.constant 0 : i32
        %dma_wait3A_1047 = tpu.memref_slice %arg9[%dma_wait3A_1046] : memref<16384xf32, #tpu.memory_space<vmem>> -> memref<1024xf32, #tpu.memory_space<vmem>>
        %dma_wait3A_1048 = arith.constant 0 : i32
        %dma_wait3A_1049 = tpu.memref_slice %arg4[%dma_wait3A_1043, %dma_wait3A_1044, %dma_wait3A_1045, %dma_wait3A_1048] : memref<50x4x128x1024xf32, #tpu.memory_space<hbm>> -> memref<1x1x1x1024xf32, #tpu.memory_space<hbm>>
        %dma_wait3A_1050 = tpu.memref_squeeze %dma_wait3A_1049 : memref<1x1x1x1024xf32, #tpu.memory_space<hbm>> -> memref<1024xf32, #tpu.memory_space<hbm>>
        %dma_wait3A_1051 = arith.constant 0 : i32
        %dma_wait3A_1052 = tpu.memref_slice %arg4[%dma_wait3A_1043, %dma_wait3A_1044, %dma_wait3A_1045, %dma_wait3A_1051] : memref<50x4x128x1024xf32, #tpu.memory_space<hbm>> -> memref<1x1x1x1024xf32, #tpu.memory_space<hbm>>
        %dma_wait3A_1053 = tpu.memref_squeeze %dma_wait3A_1052 : memref<1x1x1x1024xf32, #tpu.memory_space<hbm>> -> memref<1024xf32, #tpu.memory_space<hbm>>
        %dma_wait3A_1054 = arith.constant 0 : i32
        %dma_wait3A_1055 = tpu.memref_slice %arg9[%dma_wait3A_1054] : memref<16384xf32, #tpu.memory_space<vmem>> -> memref<1024xf32, #tpu.memory_space<vmem>>
        tpu.wait_dma2 semaphore(%arg13 : memref<!tpu.dma_semaphore, #tpu.memory_space<semaphore_mem>>) src(%dma_wait3A_1055 : memref<1024xf32, #tpu.memory_space<vmem>>) dst(%dma_wait3A_1053 : memref<1024xf32, #tpu.memory_space<hbm>>)
        %dma_wait3A_1056 = arith.constant 0 : i32
        %dma_wait3A_1057 = arith.constant 0 : i32
        %dma_wait3A_1058 = arith.constant 0 : i32
        %dma_wait3A_1059 = arith.constant 0 : i32
        %dma_wait3A_1060 = tpu.memref_slice %arg9[%dma_wait3A_1059] : memref<16384xf32, #tpu.memory_space<vmem>> -> memref<1024xf32, #tpu.memory_space<vmem>>
        %dma_wait3A_1061 = arith.constant 0 : i32
        %dma_wait3A_1062 = tpu.memref_slice %arg4[%dma_wait3A_1056, %dma_wait3A_1057, %dma_wait3A_1058, %dma_wait3A_1061] : memref<50x4x128x1024xf32, #tpu.memory_space<hbm>> -> memref<1x1x1x1024xf32, #tpu.memory_space<hbm>>
        %dma_wait3A_1063 = tpu.memref_squeeze %dma_wait3A_1062 : memref<1x1x1x1024xf32, #tpu.memory_space<hbm>> -> memref<1024xf32, #tpu.memory_space<hbm>>
        %dma_wait3A_1064 = arith.constant 0 : i32
        %dma_wait3A_1065 = tpu.memref_slice %arg4[%dma_wait3A_1056, %dma_wait3A_1057, %dma_wait3A_1058, %dma_wait3A_1064] : memref<50x4x128x1024xf32, #tpu.memory_space<hbm>> -> memref<1x1x1x1024xf32, #tpu.memory_space<hbm>>
        %dma_wait3A_1066 = tpu.memref_squeeze %dma_wait3A_1065 : memref<1x1x1x1024xf32, #tpu.memory_space<hbm>> -> memref<1024xf32, #tpu.memory_space<hbm>>
        %dma_wait3A_1067 = arith.constant 0 : i32
        %dma_wait3A_1068 = tpu.memref_slice %arg9[%dma_wait3A_1067] : memref<16384xf32, #tpu.memory_space<vmem>> -> memref<1024xf32, #tpu.memory_space<vmem>>
        tpu.wait_dma2 semaphore(%arg13 : memref<!tpu.dma_semaphore, #tpu.memory_space<semaphore_mem>>) src(%dma_wait3A_1068 : memref<1024xf32, #tpu.memory_space<vmem>>) dst(%dma_wait3A_1066 : memref<1024xf32, #tpu.memory_space<hbm>>)
        %dma_wait3A_1069 = arith.constant 0 : i32
        %dma_wait3A_1070 = arith.constant 0 : i32
        %dma_wait3A_1071 = arith.constant 0 : i32
        %dma_wait3A_1072 = arith.constant 0 : i32
        %dma_wait3A_1073 = tpu.memref_slice %arg9[%dma_wait3A_1072] : memref<16384xf32, #tpu.memory_space<vmem>> -> memref<1024xf32, #tpu.memory_space<vmem>>
        %dma_wait3A_1074 = arith.constant 0 : i32
        %dma_wait3A_1075 = tpu.memref_slice %arg4[%dma_wait3A_1069, %dma_wait3A_1070, %dma_wait3A_1071, %dma_wait3A_1074] : memref<50x4x128x1024xf32, #tpu.memory_space<hbm>> -> memref<1x1x1x1024xf32, #tpu.memory_space<hbm>>
        %dma_wait3A_1076 = tpu.memref_squeeze %dma_wait3A_1075 : memref<1x1x1x1024xf32, #tpu.memory_space<hbm>> -> memref<1024xf32, #tpu.memory_space<hbm>>
        %dma_wait3A_1077 = arith.constant 0 : i32
        %dma_wait3A_1078 = tpu.memref_slice %arg4[%dma_wait3A_1069, %dma_wait3A_1070, %dma_wait3A_1071, %dma_wait3A_1077] : memref<50x4x128x1024xf32, #tpu.memory_space<hbm>> -> memref<1x1x1x1024xf32, #tpu.memory_space<hbm>>
        %dma_wait3A_1079 = tpu.memref_squeeze %dma_wait3A_1078 : memref<1x1x1x1024xf32, #tpu.memory_space<hbm>> -> memref<1024xf32, #tpu.memory_space<hbm>>
        %dma_wait3A_1080 = arith.constant 0 : i32
        %dma_wait3A_1081 = tpu.memref_slice %arg9[%dma_wait3A_1080] : memref<16384xf32, #tpu.memory_space<vmem>> -> memref<1024xf32, #tpu.memory_space<vmem>>
        tpu.wait_dma2 semaphore(%arg13 : memref<!tpu.dma_semaphore, #tpu.memory_space<semaphore_mem>>) src(%dma_wait3A_1081 : memref<1024xf32, #tpu.memory_space<vmem>>) dst(%dma_wait3A_1079 : memref<1024xf32, #tpu.memory_space<hbm>>)
        %dma_wait3A_1082 = arith.constant 0 : i32
        %dma_wait3A_1083 = arith.constant 0 : i32
        %dma_wait3A_1084 = arith.constant 0 : i32
        %dma_wait3A_1085 = arith.constant 0 : i32
        %dma_wait3A_1086 = tpu.memref_slice %arg9[%dma_wait3A_1085] : memref<16384xf32, #tpu.memory_space<vmem>> -> memref<1024xf32, #tpu.memory_space<vmem>>
        %dma_wait3A_1087 = arith.constant 0 : i32
        %dma_wait3A_1088 = tpu.memref_slice %arg4[%dma_wait3A_1082, %dma_wait3A_1083, %dma_wait3A_1084, %dma_wait3A_1087] : memref<50x4x128x1024xf32, #tpu.memory_space<hbm>> -> memref<1x1x1x1024xf32, #tpu.memory_space<hbm>>
        %dma_wait3A_1089 = tpu.memref_squeeze %dma_wait3A_1088 : memref<1x1x1x1024xf32, #tpu.memory_space<hbm>> -> memref<1024xf32, #tpu.memory_space<hbm>>
        %dma_wait3A_1090 = arith.constant 0 : i32
        %dma_wait3A_1091 = tpu.memref_slice %arg4[%dma_wait3A_1082, %dma_wait3A_1083, %dma_wait3A_1084, %dma_wait3A_1090] : memref<50x4x128x1024xf32, #tpu.memory_space<hbm>> -> memref<1x1x1x1024xf32, #tpu.memory_space<hbm>>
        %dma_wait3A_1092 = tpu.memref_squeeze %dma_wait3A_1091 : memref<1x1x1x1024xf32, #tpu.memory_space<hbm>> -> memref<1024xf32, #tpu.memory_space<hbm>>
        %dma_wait3A_1093 = arith.constant 0 : i32
        %dma_wait3A_1094 = tpu.memref_slice %arg9[%dma_wait3A_1093] : memref<16384xf32, #tpu.memory_space<vmem>> -> memref<1024xf32, #tpu.memory_space<vmem>>
        tpu.wait_dma2 semaphore(%arg13 : memref<!tpu.dma_semaphore, #tpu.memory_space<semaphore_mem>>) src(%dma_wait3A_1094 : memref<1024xf32, #tpu.memory_space<vmem>>) dst(%dma_wait3A_1092 : memref<1024xf32, #tpu.memory_space<hbm>>)
        %dma_wait3A_1095 = arith.constant 0 : i32
        %dma_wait3A_1096 = arith.constant 0 : i32
        %dma_wait3A_1097 = arith.constant 0 : i32
        %dma_wait3A_1098 = arith.constant 0 : i32
        %dma_wait3A_1099 = tpu.memref_slice %arg9[%dma_wait3A_1098] : memref<16384xf32, #tpu.memory_space<vmem>> -> memref<1024xf32, #tpu.memory_space<vmem>>
        %dma_wait3A_1100 = arith.constant 0 : i32
        %dma_wait3A_1101 = tpu.memref_slice %arg4[%dma_wait3A_1095, %dma_wait3A_1096, %dma_wait3A_1097, %dma_wait3A_1100] : memref<50x4x128x1024xf32, #tpu.memory_space<hbm>> -> memref<1x1x1x1024xf32, #tpu.memory_space<hbm>>
        %dma_wait3A_1102 = tpu.memref_squeeze %dma_wait3A_1101 : memref<1x1x1x1024xf32, #tpu.memory_space<hbm>> -> memref<1024xf32, #tpu.memory_space<hbm>>
        %dma_wait3A_1103 = arith.constant 0 : i32
        %dma_wait3A_1104 = tpu.memref_slice %arg4[%dma_wait3A_1095, %dma_wait3A_1096, %dma_wait3A_1097, %dma_wait3A_1103] : memref<50x4x128x1024xf32, #tpu.memory_space<hbm>> -> memref<1x1x1x1024xf32, #tpu.memory_space<hbm>>
        %dma_wait3A_1105 = tpu.memref_squeeze %dma_wait3A_1104 : memref<1x1x1x1024xf32, #tpu.memory_space<hbm>> -> memref<1024xf32, #tpu.memory_space<hbm>>
        %dma_wait3A_1106 = arith.constant 0 : i32
        %dma_wait3A_1107 = tpu.memref_slice %arg9[%dma_wait3A_1106] : memref<16384xf32, #tpu.memory_space<vmem>> -> memref<1024xf32, #tpu.memory_space<vmem>>
        tpu.wait_dma2 semaphore(%arg13 : memref<!tpu.dma_semaphore, #tpu.memory_space<semaphore_mem>>) src(%dma_wait3A_1107 : memref<1024xf32, #tpu.memory_space<vmem>>) dst(%dma_wait3A_1105 : memref<1024xf32, #tpu.memory_space<hbm>>)
        %dma_wait3A_1108 = arith.constant 0 : i32
        %dma_wait3A_1109 = arith.constant 0 : i32
        %dma_wait3A_1110 = arith.constant 0 : i32
        %dma_wait3A_1111 = arith.constant 0 : i32
        %dma_wait3A_1112 = tpu.memref_slice %arg9[%dma_wait3A_1111] : memref<16384xf32, #tpu.memory_space<vmem>> -> memref<1024xf32, #tpu.memory_space<vmem>>
        %dma_wait3A_1113 = arith.constant 0 : i32
        %dma_wait3A_1114 = tpu.memref_slice %arg4[%dma_wait3A_1108, %dma_wait3A_1109, %dma_wait3A_1110, %dma_wait3A_1113] : memref<50x4x128x1024xf32, #tpu.memory_space<hbm>> -> memref<1x1x1x1024xf32, #tpu.memory_space<hbm>>
        %dma_wait3A_1115 = tpu.memref_squeeze %dma_wait3A_1114 : memref<1x1x1x1024xf32, #tpu.memory_space<hbm>> -> memref<1024xf32, #tpu.memory_space<hbm>>
        %dma_wait3A_1116 = arith.constant 0 : i32
        %dma_wait3A_1117 = tpu.memref_slice %arg4[%dma_wait3A_1108, %dma_wait3A_1109, %dma_wait3A_1110, %dma_wait3A_1116] : memref<50x4x128x1024xf32, #tpu.memory_space<hbm>> -> memref<1x1x1x1024xf32, #tpu.memory_space<hbm>>
        %dma_wait3A_1118 = tpu.memref_squeeze %dma_wait3A_1117 : memref<1x1x1x1024xf32, #tpu.memory_space<hbm>> -> memref<1024xf32, #tpu.memory_space<hbm>>
        %dma_wait3A_1119 = arith.constant 0 : i32
        %dma_wait3A_1120 = tpu.memref_slice %arg9[%dma_wait3A_1119] : memref<16384xf32, #tpu.memory_space<vmem>> -> memref<1024xf32, #tpu.memory_space<vmem>>
        tpu.wait_dma2 semaphore(%arg13 : memref<!tpu.dma_semaphore, #tpu.memory_space<semaphore_mem>>) src(%dma_wait3A_1120 : memref<1024xf32, #tpu.memory_space<vmem>>) dst(%dma_wait3A_1118 : memref<1024xf32, #tpu.memory_space<hbm>>)
        %dma_wait3A_1121 = arith.constant 0 : i32
        %dma_wait3A_1122 = arith.constant 0 : i32
        %dma_wait3A_1123 = arith.constant 0 : i32
        %dma_wait3A_1124 = arith.constant 0 : i32
        %dma_wait3A_1125 = tpu.memref_slice %arg9[%dma_wait3A_1124] : memref<16384xf32, #tpu.memory_space<vmem>> -> memref<1024xf32, #tpu.memory_space<vmem>>
        %dma_wait3A_1126 = arith.constant 0 : i32
        %dma_wait3A_1127 = tpu.memref_slice %arg4[%dma_wait3A_1121, %dma_wait3A_1122, %dma_wait3A_1123, %dma_wait3A_1126] : memref<50x4x128x1024xf32, #tpu.memory_space<hbm>> -> memref<1x1x1x1024xf32, #tpu.memory_space<hbm>>
        %dma_wait3A_1128 = tpu.memref_squeeze %dma_wait3A_1127 : memref<1x1x1x1024xf32, #tpu.memory_space<hbm>> -> memref<1024xf32, #tpu.memory_space<hbm>>
        %dma_wait3A_1129 = arith.constant 0 : i32
        %dma_wait3A_1130 = tpu.memref_slice %arg4[%dma_wait3A_1121, %dma_wait3A_1122, %dma_wait3A_1123, %dma_wait3A_1129] : memref<50x4x128x1024xf32, #tpu.memory_space<hbm>> -> memref<1x1x1x1024xf32, #tpu.memory_space<hbm>>
        %dma_wait3A_1131 = tpu.memref_squeeze %dma_wait3A_1130 : memref<1x1x1x1024xf32, #tpu.memory_space<hbm>> -> memref<1024xf32, #tpu.memory_space<hbm>>
        %dma_wait3A_1132 = arith.constant 0 : i32
        %dma_wait3A_1133 = tpu.memref_slice %arg9[%dma_wait3A_1132] : memref<16384xf32, #tpu.memory_space<vmem>> -> memref<1024xf32, #tpu.memory_space<vmem>>
        tpu.wait_dma2 semaphore(%arg13 : memref<!tpu.dma_semaphore, #tpu.memory_space<semaphore_mem>>) src(%dma_wait3A_1133 : memref<1024xf32, #tpu.memory_space<vmem>>) dst(%dma_wait3A_1131 : memref<1024xf32, #tpu.memory_space<hbm>>)
        %dma_wait3A_1134 = arith.constant 0 : i32
        %dma_wait3A_1135 = arith.constant 0 : i32
        %dma_wait3A_1136 = arith.constant 0 : i32
        %dma_wait3A_1137 = arith.constant 0 : i32
        %dma_wait3A_1138 = tpu.memref_slice %arg9[%dma_wait3A_1137] : memref<16384xf32, #tpu.memory_space<vmem>> -> memref<1024xf32, #tpu.memory_space<vmem>>
        %dma_wait3A_1139 = arith.constant 0 : i32
        %dma_wait3A_1140 = tpu.memref_slice %arg4[%dma_wait3A_1134, %dma_wait3A_1135, %dma_wait3A_1136, %dma_wait3A_1139] : memref<50x4x128x1024xf32, #tpu.memory_space<hbm>> -> memref<1x1x1x1024xf32, #tpu.memory_space<hbm>>
        %dma_wait3A_1141 = tpu.memref_squeeze %dma_wait3A_1140 : memref<1x1x1x1024xf32, #tpu.memory_space<hbm>> -> memref<1024xf32, #tpu.memory_space<hbm>>
        %dma_wait3A_1142 = arith.constant 0 : i32
        %dma_wait3A_1143 = tpu.memref_slice %arg4[%dma_wait3A_1134, %dma_wait3A_1135, %dma_wait3A_1136, %dma_wait3A_1142] : memref<50x4x128x1024xf32, #tpu.memory_space<hbm>> -> memref<1x1x1x1024xf32, #tpu.memory_space<hbm>>
        %dma_wait3A_1144 = tpu.memref_squeeze %dma_wait3A_1143 : memref<1x1x1x1024xf32, #tpu.memory_space<hbm>> -> memref<1024xf32, #tpu.memory_space<hbm>>
        %dma_wait3A_1145 = arith.constant 0 : i32
        %dma_wait3A_1146 = tpu.memref_slice %arg9[%dma_wait3A_1145] : memref<16384xf32, #tpu.memory_space<vmem>> -> memref<1024xf32, #tpu.memory_space<vmem>>
        tpu.wait_dma2 semaphore(%arg13 : memref<!tpu.dma_semaphore, #tpu.memory_space<semaphore_mem>>) src(%dma_wait3A_1146 : memref<1024xf32, #tpu.memory_space<vmem>>) dst(%dma_wait3A_1144 : memref<1024xf32, #tpu.memory_space<hbm>>)
      } else {
      }
      %mul3A_694 = arith.constant 16384 : i32
      %mul3A_695 = arith.muli %add3A_691, %mul3A_694 : i32
      %mul3A_696 = arith.constant 128 : i32
      %mul3A_697 = arith.muli %mul3A_2, %mul3A_696 : i32
      %add3A_698 = arith.addi %mul3A_695, %mul3A_697 : i32
      "tpu.region"() ({
        %run_scoped3A = tpu.sem_alloc : memref<!tpu.dma_semaphore, #tpu.memory_space<semaphore_mem>>
        %dma_start3A_939 = tpu.memref_slice %arg2[%add3A_698] : memref<819200xi32, #tpu.memory_space<hbm>> -> memref<512xi32, #tpu.memory_space<hbm>>
        %dma_start3A_940 = tpu.memref_slice %arg2[%add3A_698] : memref<819200xi32, #tpu.memory_space<hbm>> -> memref<512xi32, #tpu.memory_space<hbm>>
        tpu.enqueue_dma source(%dma_start3A_940 : memref<512xi32, #tpu.memory_space<hbm>>) target(%arg5 : memref<512xi32, #tpu.memory_space<vmem>>) target_semaphore(%run_scoped3A : memref<!tpu.dma_semaphore, #tpu.memory_space<semaphore_mem>>)
        %dma_wait3A_941 = tpu.memref_slice %arg2[%add3A_698] : memref<819200xi32, #tpu.memory_space<hbm>> -> memref<512xi32, #tpu.memory_space<hbm>>
        %dma_wait3A_942 = tpu.memref_slice %arg2[%add3A_698] : memref<819200xi32, #tpu.memory_space<hbm>> -> memref<512xi32, #tpu.memory_space<hbm>>
        tpu.wait_dma2 semaphore(%run_scoped3A : memref<!tpu.dma_semaphore, #tpu.memory_space<semaphore_mem>>) src(%dma_wait3A_942 : memref<512xi32, #tpu.memory_space<hbm>>) dst(%arg5 : memref<512xi32, #tpu.memory_space<vmem>>)
        tpu.yield
      }) : () -> ()
      %dma_start3A_699 = arith.constant 0 : i32
      %dma_start3A_700 = arith.constant 0 : i32
      %dma_start3A_701 = tpu.memref_slice %arg3[%dma_start3A_699, %dma_start3A_700] : memref<1000000x32xf32, #tpu.memory_space<hbm>> -> memref<1000000x32xf32, #tpu.memory_space<hbm>>
      tpu.enqueue_indirect_dma source(%dma_start3A_701 : memref<1000000x32xf32, #tpu.memory_space<hbm>>) target(%arg7 : memref<512x32xf32, #tpu.memory_space<vmem>>) offsets(%arg5 : memref<512xi32, #tpu.memory_space<vmem>>) semaphore(%arg11 : memref<!tpu.dma_semaphore, #tpu.memory_space<semaphore_mem>>)
      %gt3A_702 = arith.constant 0 : i32
      %gt3A_703 = arith.cmpi sgt, %scan3A_687, %gt3A_702 : i32
      %convert_element_type3A_704 = arith.extui %gt3A_703 : i1 to i32
      %cond3A_705 = arith.constant 0 : i32
      %cond3A_706 = arith.cmpi ne, %convert_element_type3A_704, %cond3A_705 : i32
      scf.if %cond3A_706 {
        %dma_wait3A_939 = arith.constant 0 : i32
        %dma_wait3A_940 = arith.constant 0 : i32
        %dma_wait3A_941 = tpu.memref_slice %arg3[%dma_wait3A_939, %dma_wait3A_940] : memref<1000000x32xf32, #tpu.memory_space<hbm>> -> memref<1000000x32xf32, #tpu.memory_space<hbm>>
        tpu.wait_indirect_dma semaphore(%arg12 : memref<!tpu.dma_semaphore, #tpu.memory_space<semaphore_mem>>) src(%dma_wait3A_941 : memref<1000000x32xf32, #tpu.memory_space<hbm>>) dst(%arg8 : memref<512x32xf32, #tpu.memory_space<vmem>>)
        %parallel_loop3A_942 = arith.constant 0 : i32
        %parallel_loop3A_943 = arith.constant 64 : i32
        %parallel_loop3A_944 = arith.constant 1 : i32
        scf.for %parallel_loop3A_1155 = %parallel_loop3A_942 to %parallel_loop3A_943 step %parallel_loop3A_944  : i32 {
          %parallel_loop3A_1156 = arith.constant 4 : i32
          %parallel_loop3A_1157 = arith.shrsi %parallel_loop3A_1155, %parallel_loop3A_1156 : i32
          %parallel_loop3A_1158 = arith.constant 1 : i32
          %parallel_loop3A_1159 = arith.shrsi %parallel_loop3A_1155, %parallel_loop3A_1158 : i32
          %parallel_loop3A_1160 = arith.constant 7 : i32
          %parallel_loop3A_1161 = arith.andi %parallel_loop3A_1159, %parallel_loop3A_1160 : i32
          %parallel_loop3A_1162 = arith.constant 1 : i32
          %parallel_loop3A_1163 = arith.andi %parallel_loop3A_1155, %parallel_loop3A_1162 : i32
          %parallel_loop3A_1164 = arith.constant 128 : i32
          %parallel_loop3A_1165 = arith.muli %parallel_loop3A_1157, %parallel_loop3A_1164 : i32
          %parallel_loop3A_1166 = arith.constant 16 : i32
          %parallel_loop3A_1167 = arith.muli %parallel_loop3A_1161, %parallel_loop3A_1166 : i32
          %parallel_loop3A_1168 = arith.addi %parallel_loop3A_1165, %parallel_loop3A_1167 : i32
          %parallel_loop3A_1169 = arith.constant 0 : i32
          %parallel_loop3A_1170 = arith.addi %parallel_loop3A_1168, %parallel_loop3A_1169 : i32
          %parallel_loop3A_1171 = arith.constant 16 : i32
          %parallel_loop3A_1172 = arith.muli %parallel_loop3A_1163, %parallel_loop3A_1171 : i32
          %parallel_loop3A_1173 = arith.index_cast %parallel_loop3A_1170 : i32 to index
          %parallel_loop3A_1174 = arith.index_cast %parallel_loop3A_1172 : i32 to index
          %parallel_loop3A_1175 = tpu.vector_load %arg8[%parallel_loop3A_1173, %parallel_loop3A_1174] {strides = array<i32>} : memref<512x32xf32, #tpu.memory_space<vmem>>, vector<16xf32>,
          %parallel_loop3A_1176 = arith.constant 1 : i32
          %parallel_loop3A_1177 = arith.addi %parallel_loop3A_1168, %parallel_loop3A_1176 : i32
          %parallel_loop3A_1178 = arith.constant 16 : i32
          %parallel_loop3A_1179 = arith.muli %parallel_loop3A_1163, %parallel_loop3A_1178 : i32
          %parallel_loop3A_1180 = arith.index_cast %parallel_loop3A_1177 : i32 to index
          %parallel_loop3A_1181 = arith.index_cast %parallel_loop3A_1179 : i32 to index
          %parallel_loop3A_1182 = tpu.vector_load %arg8[%parallel_loop3A_1180, %parallel_loop3A_1181] {strides = array<i32>} : memref<512x32xf32, #tpu.memory_space<vmem>>, vector<16xf32>,
          %parallel_loop3A_1183 = arith.constant 2 : i32
          %parallel_loop3A_1184 = arith.addi %parallel_loop3A_1168, %parallel_loop3A_1183 : i32
          %parallel_loop3A_1185 = arith.constant 16 : i32
          %parallel_loop3A_1186 = arith.muli %parallel_loop3A_1163, %parallel_loop3A_1185 : i32
          %parallel_loop3A_1187 = arith.index_cast %parallel_loop3A_1184 : i32 to index
          %parallel_loop3A_1188 = arith.index_cast %parallel_loop3A_1186 : i32 to index
          %parallel_loop3A_1189 = tpu.vector_load %arg8[%parallel_loop3A_1187, %parallel_loop3A_1188] {strides = array<i32>} : memref<512x32xf32, #tpu.memory_space<vmem>>, vector<16xf32>,
          %parallel_loop3A_1190 = arith.constant 3 : i32
          %parallel_loop3A_1191 = arith.addi %parallel_loop3A_1168, %parallel_loop3A_1190 : i32
          %parallel_loop3A_1192 = arith.constant 16 : i32
          %parallel_loop3A_1193 = arith.muli %parallel_loop3A_1163, %parallel_loop3A_1192 : i32
          %parallel_loop3A_1194 = arith.index_cast %parallel_loop3A_1191 : i32 to index
          %parallel_loop3A_1195 = arith.index_cast %parallel_loop3A_1193 : i32 to index
          %parallel_loop3A_1196 = tpu.vector_load %arg8[%parallel_loop3A_1194, %parallel_loop3A_1195] {strides = array<i32>} : memref<512x32xf32, #tpu.memory_space<vmem>>, vector<16xf32>,
          %parallel_loop3A_1197 = arith.constant 4 : i32
          %parallel_loop3A_1198 = arith.addi %parallel_loop3A_1168, %parallel_loop3A_1197 : i32
          %parallel_loop3A_1199 = arith.constant 16 : i32
          %parallel_loop3A_1200 = arith.muli %parallel_loop3A_1163, %parallel_loop3A_1199 : i32
          %parallel_loop3A_1201 = arith.index_cast %parallel_loop3A_1198 : i32 to index
          %parallel_loop3A_1202 = arith.index_cast %parallel_loop3A_1200 : i32 to index
          %parallel_loop3A_1203 = tpu.vector_load %arg8[%parallel_loop3A_1201, %parallel_loop3A_1202] {strides = array<i32>} : memref<512x32xf32, #tpu.memory_space<vmem>>, vector<16xf32>,
          %parallel_loop3A_1204 = arith.constant 5 : i32
          %parallel_loop3A_1205 = arith.addi %parallel_loop3A_1168, %parallel_loop3A_1204 : i32
          %parallel_loop3A_1206 = arith.constant 16 : i32
          %parallel_loop3A_1207 = arith.muli %parallel_loop3A_1163, %parallel_loop3A_1206 : i32
          %parallel_loop3A_1208 = arith.index_cast %parallel_loop3A_1205 : i32 to index
          %parallel_loop3A_1209 = arith.index_cast %parallel_loop3A_1207 : i32 to index
          %parallel_loop3A_1210 = tpu.vector_load %arg8[%parallel_loop3A_1208, %parallel_loop3A_1209] {strides = array<i32>} : memref<512x32xf32, #tpu.memory_space<vmem>>, vector<16xf32>,
          %parallel_loop3A_1211 = arith.constant 6 : i32
          %parallel_loop3A_1212 = arith.addi %parallel_loop3A_1168, %parallel_loop3A_1211 : i32
          %parallel_loop3A_1213 = arith.constant 16 : i32
          %parallel_loop3A_1214 = arith.muli %parallel_loop3A_1163, %parallel_loop3A_1213 : i32
          %parallel_loop3A_1215 = arith.index_cast %parallel_loop3A_1212 : i32 to index
          %parallel_loop3A_1216 = arith.index_cast %parallel_loop3A_1214 : i32 to index
          %parallel_loop3A_1217 = tpu.vector_load %arg8[%parallel_loop3A_1215, %parallel_loop3A_1216] {strides = array<i32>} : memref<512x32xf32, #tpu.memory_space<vmem>>, vector<16xf32>,
          %parallel_loop3A_1218 = arith.constant 7 : i32
          %parallel_loop3A_1219 = arith.addi %parallel_loop3A_1168, %parallel_loop3A_1218 : i32
          %parallel_loop3A_1220 = arith.constant 16 : i32
          %parallel_loop3A_1221 = arith.muli %parallel_loop3A_1163, %parallel_loop3A_1220 : i32
          %parallel_loop3A_1222 = arith.index_cast %parallel_loop3A_1219 : i32 to index
          %parallel_loop3A_1223 = arith.index_cast %parallel_loop3A_1221 : i32 to index
          %parallel_loop3A_1224 = tpu.vector_load %arg8[%parallel_loop3A_1222, %parallel_loop3A_1223] {strides = array<i32>} : memref<512x32xf32, #tpu.memory_space<vmem>>, vector<16xf32>,
          %parallel_loop3A_1225 = arith.constant 8 : i32
          %parallel_loop3A_1226 = arith.addi %parallel_loop3A_1168, %parallel_loop3A_1225 : i32
          %parallel_loop3A_1227 = arith.constant 16 : i32
          %parallel_loop3A_1228 = arith.muli %parallel_loop3A_1163, %parallel_loop3A_1227 : i32
          %parallel_loop3A_1229 = arith.index_cast %parallel_loop3A_1226 : i32 to index
          %parallel_loop3A_1230 = arith.index_cast %parallel_loop3A_1228 : i32 to index
          %parallel_loop3A_1231 = tpu.vector_load %arg8[%parallel_loop3A_1229, %parallel_loop3A_1230] {strides = array<i32>} : memref<512x32xf32, #tpu.memory_space<vmem>>, vector<16xf32>,
          %parallel_loop3A_1232 = arith.constant 9 : i32
          %parallel_loop3A_1233 = arith.addi %parallel_loop3A_1168, %parallel_loop3A_1232 : i32
          %parallel_loop3A_1234 = arith.constant 16 : i32
          %parallel_loop3A_1235 = arith.muli %parallel_loop3A_1163, %parallel_loop3A_1234 : i32
          %parallel_loop3A_1236 = arith.index_cast %parallel_loop3A_1233 : i32 to index
          %parallel_loop3A_1237 = arith.index_cast %parallel_loop3A_1235 : i32 to index
          %parallel_loop3A_1238 = tpu.vector_load %arg8[%parallel_loop3A_1236, %parallel_loop3A_1237] {strides = array<i32>} : memref<512x32xf32, #tpu.memory_space<vmem>>, vector<16xf32>,
          %parallel_loop3A_1239 = arith.constant 10 : i32
          %parallel_loop3A_1240 = arith.addi %parallel_loop3A_1168, %parallel_loop3A_1239 : i32
          %parallel_loop3A_1241 = arith.constant 16 : i32
          %parallel_loop3A_1242 = arith.muli %parallel_loop3A_1163, %parallel_loop3A_1241 : i32
          %parallel_loop3A_1243 = arith.index_cast %parallel_loop3A_1240 : i32 to index
          %parallel_loop3A_1244 = arith.index_cast %parallel_loop3A_1242 : i32 to index
          %parallel_loop3A_1245 = tpu.vector_load %arg8[%parallel_loop3A_1243, %parallel_loop3A_1244] {strides = array<i32>} : memref<512x32xf32, #tpu.memory_space<vmem>>, vector<16xf32>,
          %parallel_loop3A_1246 = arith.constant 11 : i32
          %parallel_loop3A_1247 = arith.addi %parallel_loop3A_1168, %parallel_loop3A_1246 : i32
          %parallel_loop3A_1248 = arith.constant 16 : i32
          %parallel_loop3A_1249 = arith.muli %parallel_loop3A_1163, %parallel_loop3A_1248 : i32
          %parallel_loop3A_1250 = arith.index_cast %parallel_loop3A_1247 : i32 to index
          %parallel_loop3A_1251 = arith.index_cast %parallel_loop3A_1249 : i32 to index
          %parallel_loop3A_1252 = tpu.vector_load %arg8[%parallel_loop3A_1250, %parallel_loop3A_1251] {strides = array<i32>} : memref<512x32xf32, #tpu.memory_space<vmem>>, vector<16xf32>,
          %parallel_loop3A_1253 = arith.constant 12 : i32
          %parallel_loop3A_1254 = arith.addi %parallel_loop3A_1168, %parallel_loop3A_1253 : i32
          %parallel_loop3A_1255 = arith.constant 16 : i32
          %parallel_loop3A_1256 = arith.muli %parallel_loop3A_1163, %parallel_loop3A_1255 : i32
          %parallel_loop3A_1257 = arith.index_cast %parallel_loop3A_1254 : i32 to index
          %parallel_loop3A_1258 = arith.index_cast %parallel_loop3A_1256 : i32 to index
          %parallel_loop3A_1259 = tpu.vector_load %arg8[%parallel_loop3A_1257, %parallel_loop3A_1258] {strides = array<i32>} : memref<512x32xf32, #tpu.memory_space<vmem>>, vector<16xf32>,
          %parallel_loop3A_1260 = arith.constant 13 : i32
          %parallel_loop3A_1261 = arith.addi %parallel_loop3A_1168, %parallel_loop3A_1260 : i32
          %parallel_loop3A_1262 = arith.constant 16 : i32
          %parallel_loop3A_1263 = arith.muli %parallel_loop3A_1163, %parallel_loop3A_1262 : i32
          %parallel_loop3A_1264 = arith.index_cast %parallel_loop3A_1261 : i32 to index
          %parallel_loop3A_1265 = arith.index_cast %parallel_loop3A_1263 : i32 to index
          %parallel_loop3A_1266 = tpu.vector_load %arg8[%parallel_loop3A_1264, %parallel_loop3A_1265] {strides = array<i32>} : memref<512x32xf32, #tpu.memory_space<vmem>>, vector<16xf32>,
          %parallel_loop3A_1267 = arith.constant 14 : i32
          %parallel_loop3A_1268 = arith.addi %parallel_loop3A_1168, %parallel_loop3A_1267 : i32
          %parallel_loop3A_1269 = arith.constant 16 : i32
          %parallel_loop3A_1270 = arith.muli %parallel_loop3A_1163, %parallel_loop3A_1269 : i32
          %parallel_loop3A_1271 = arith.index_cast %parallel_loop3A_1268 : i32 to index
          %parallel_loop3A_1272 = arith.index_cast %parallel_loop3A_1270 : i32 to index
          %parallel_loop3A_1273 = tpu.vector_load %arg8[%parallel_loop3A_1271, %parallel_loop3A_1272] {strides = array<i32>} : memref<512x32xf32, #tpu.memory_space<vmem>>, vector<16xf32>,
          %parallel_loop3A_1274 = arith.constant 15 : i32
          %parallel_loop3A_1275 = arith.addi %parallel_loop3A_1168, %parallel_loop3A_1274 : i32
          %parallel_loop3A_1276 = arith.constant 16 : i32
          %parallel_loop3A_1277 = arith.muli %parallel_loop3A_1163, %parallel_loop3A_1276 : i32
          %parallel_loop3A_1278 = arith.index_cast %parallel_loop3A_1275 : i32 to index
          %parallel_loop3A_1279 = arith.index_cast %parallel_loop3A_1277 : i32 to index
          %parallel_loop3A_1280 = tpu.vector_load %arg8[%parallel_loop3A_1278, %parallel_loop3A_1279] {strides = array<i32>} : memref<512x32xf32, #tpu.memory_space<vmem>>, vector<16xf32>,
          %parallel_loop3A_1281 = vector.shape_cast %broadcast_in_dim3A : vector<16x1xi32> to vector<16xi32>
          %parallel_loop3A_1282 = tpu.dynamic_gather %parallel_loop3A_1182[%parallel_loop3A_1281] in [0] : vector<16xf32>, vector<16xi32> -> vector<16xf32>
          %parallel_loop3A_1283 = arith.select %eq3A_20, %parallel_loop3A_1175, %parallel_loop3A_1282 : vector<16xi1>, vector<16xf32>
          %parallel_loop3A_1284 = vector.shape_cast %broadcast_in_dim3A : vector<16x1xi32> to vector<16xi32>
          %parallel_loop3A_1285 = tpu.dynamic_gather %parallel_loop3A_1175[%parallel_loop3A_1284] in [0] : vector<16xf32>, vector<16xi32> -> vector<16xf32>
          %parallel_loop3A_1286 = arith.select %eq3A_20, %parallel_loop3A_1285, %parallel_loop3A_1182 : vector<16xi1>, vector<16xf32>
          %parallel_loop3A_1287 = vector.shape_cast %broadcast_in_dim3A : vector<16x1xi32> to vector<16xi32>
          %parallel_loop3A_1288 = tpu.dynamic_gather %parallel_loop3A_1196[%parallel_loop3A_1287] in [0] : vector<16xf32>, vector<16xi32> -> vector<16xf32>
          %parallel_loop3A_1289 = arith.select %eq3A_20, %parallel_loop3A_1189, %parallel_loop3A_1288 : vector<16xi1>, vector<16xf32>
          %parallel_loop3A_1290 = vector.shape_cast %broadcast_in_dim3A : vector<16x1xi32> to vector<16xi32>
          %parallel_loop3A_1291 = tpu.dynamic_gather %parallel_loop3A_1189[%parallel_loop3A_1290] in [0] : vector<16xf32>, vector<16xi32> -> vector<16xf32>
          %parallel_loop3A_1292 = arith.select %eq3A_20, %parallel_loop3A_1291, %parallel_loop3A_1196 : vector<16xi1>, vector<16xf32>
          %parallel_loop3A_1293 = vector.shape_cast %broadcast_in_dim3A : vector<16x1xi32> to vector<16xi32>
          %parallel_loop3A_1294 = tpu.dynamic_gather %parallel_loop3A_1210[%parallel_loop3A_1293] in [0] : vector<16xf32>, vector<16xi32> -> vector<16xf32>
          %parallel_loop3A_1295 = arith.select %eq3A_20, %parallel_loop3A_1203, %parallel_loop3A_1294 : vector<16xi1>, vector<16xf32>
          %parallel_loop3A_1296 = vector.shape_cast %broadcast_in_dim3A : vector<16x1xi32> to vector<16xi32>
          %parallel_loop3A_1297 = tpu.dynamic_gather %parallel_loop3A_1203[%parallel_loop3A_1296] in [0] : vector<16xf32>, vector<16xi32> -> vector<16xf32>
          %parallel_loop3A_1298 = arith.select %eq3A_20, %parallel_loop3A_1297, %parallel_loop3A_1210 : vector<16xi1>, vector<16xf32>
          %parallel_loop3A_1299 = vector.shape_cast %broadcast_in_dim3A : vector<16x1xi32> to vector<16xi32>
          %parallel_loop3A_1300 = tpu.dynamic_gather %parallel_loop3A_1224[%parallel_loop3A_1299] in [0] : vector<16xf32>, vector<16xi32> -> vector<16xf32>
          %parallel_loop3A_1301 = arith.select %eq3A_20, %parallel_loop3A_1217, %parallel_loop3A_1300 : vector<16xi1>, vector<16xf32>
          %parallel_loop3A_1302 = vector.shape_cast %broadcast_in_dim3A : vector<16x1xi32> to vector<16xi32>
          %parallel_loop3A_1303 = tpu.dynamic_gather %parallel_loop3A_1217[%parallel_loop3A_1302] in [0] : vector<16xf32>, vector<16xi32> -> vector<16xf32>
          %parallel_loop3A_1304 = arith.select %eq3A_20, %parallel_loop3A_1303, %parallel_loop3A_1224 : vector<16xi1>, vector<16xf32>
          %parallel_loop3A_1305 = vector.shape_cast %broadcast_in_dim3A : vector<16x1xi32> to vector<16xi32>
          %parallel_loop3A_1306 = tpu.dynamic_gather %parallel_loop3A_1238[%parallel_loop3A_1305] in [0] : vector<16xf32>, vector<16xi32> -> vector<16xf32>
          %parallel_loop3A_1307 = arith.select %eq3A_20, %parallel_loop3A_1231, %parallel_loop3A_1306 : vector<16xi1>, vector<16xf32>
          %parallel_loop3A_1308 = vector.shape_cast %broadcast_in_dim3A : vector<16x1xi32> to vector<16xi32>
          %parallel_loop3A_1309 = tpu.dynamic_gather %parallel_loop3A_1231[%parallel_loop3A_1308] in [0] : vector<16xf32>, vector<16xi32> -> vector<16xf32>
          %parallel_loop3A_1310 = arith.select %eq3A_20, %parallel_loop3A_1309, %parallel_loop3A_1238 : vector<16xi1>, vector<16xf32>
          %parallel_loop3A_1311 = vector.shape_cast %broadcast_in_dim3A : vector<16x1xi32> to vector<16xi32>
          %parallel_loop3A_1312 = tpu.dynamic_gather %parallel_loop3A_1252[%parallel_loop3A_1311] in [0] : vector<16xf32>, vector<16xi32> -> vector<16xf32>
          %parallel_loop3A_1313 = arith.select %eq3A_20, %parallel_loop3A_1245, %parallel_loop3A_1312 : vector<16xi1>, vector<16xf32>
          %parallel_loop3A_1314 = vector.shape_cast %broadcast_in_dim3A : vector<16x1xi32> to vector<16xi32>
          %parallel_loop3A_1315 = tpu.dynamic_gather %parallel_loop3A_1245[%parallel_loop3A_1314] in [0] : vector<16xf32>, vector<16xi32> -> vector<16xf32>
          %parallel_loop3A_1316 = arith.select %eq3A_20, %parallel_loop3A_1315, %parallel_loop3A_1252 : vector<16xi1>, vector<16xf32>
          %parallel_loop3A_1317 = vector.shape_cast %broadcast_in_dim3A : vector<16x1xi32> to vector<16xi32>
          %parallel_loop3A_1318 = tpu.dynamic_gather %parallel_loop3A_1266[%parallel_loop3A_1317] in [0] : vector<16xf32>, vector<16xi32> -> vector<16xf32>
          %parallel_loop3A_1319 = arith.select %eq3A_20, %parallel_loop3A_1259, %parallel_loop3A_1318 : vector<16xi1>, vector<16xf32>
          %parallel_loop3A_1320 = vector.shape_cast %broadcast_in_dim3A : vector<16x1xi32> to vector<16xi32>
          %parallel_loop3A_1321 = tpu.dynamic_gather %parallel_loop3A_1259[%parallel_loop3A_1320] in [0] : vector<16xf32>, vector<16xi32> -> vector<16xf32>
          %parallel_loop3A_1322 = arith.select %eq3A_20, %parallel_loop3A_1321, %parallel_loop3A_1266 : vector<16xi1>, vector<16xf32>
          %parallel_loop3A_1323 = vector.shape_cast %broadcast_in_dim3A : vector<16x1xi32> to vector<16xi32>
          %parallel_loop3A_1324 = tpu.dynamic_gather %parallel_loop3A_1280[%parallel_loop3A_1323] in [0] : vector<16xf32>, vector<16xi32> -> vector<16xf32>
          %parallel_loop3A_1325 = arith.select %eq3A_20, %parallel_loop3A_1273, %parallel_loop3A_1324 : vector<16xi1>, vector<16xf32>
          %parallel_loop3A_1326 = vector.shape_cast %broadcast_in_dim3A : vector<16x1xi32> to vector<16xi32>
          %parallel_loop3A_1327 = tpu.dynamic_gather %parallel_loop3A_1273[%parallel_loop3A_1326] in [0] : vector<16xf32>, vector<16xi32> -> vector<16xf32>
          %parallel_loop3A_1328 = arith.select %eq3A_20, %parallel_loop3A_1327, %parallel_loop3A_1280 : vector<16xi1>, vector<16xf32>
          %parallel_loop3A_1329 = vector.shape_cast %broadcast_in_dim3A_8 : vector<16x1xi32> to vector<16xi32>
          %parallel_loop3A_1330 = tpu.dynamic_gather %parallel_loop3A_1289[%parallel_loop3A_1329] in [0] : vector<16xf32>, vector<16xi32> -> vector<16xf32>
          %parallel_loop3A_1331 = arith.select %eq3A_26, %parallel_loop3A_1283, %parallel_loop3A_1330 : vector<16xi1>, vector<16xf32>
          %parallel_loop3A_1332 = vector.shape_cast %broadcast_in_dim3A_8 : vector<16x1xi32> to vector<16xi32>
          %parallel_loop3A_1333 = tpu.dynamic_gather %parallel_loop3A_1283[%parallel_loop3A_1332] in [0] : vector<16xf32>, vector<16xi32> -> vector<16xf32>
          %parallel_loop3A_1334 = arith.select %eq3A_26, %parallel_loop3A_1333, %parallel_loop3A_1289 : vector<16xi1>, vector<16xf32>
          %parallel_loop3A_1335 = vector.shape_cast %broadcast_in_dim3A_8 : vector<16x1xi32> to vector<16xi32>
          %parallel_loop3A_1336 = tpu.dynamic_gather %parallel_loop3A_1292[%parallel_loop3A_1335] in [0] : vector<16xf32>, vector<16xi32> -> vector<16xf32>
          %parallel_loop3A_1337 = arith.select %eq3A_26, %parallel_loop3A_1286, %parallel_loop3A_1336 : vector<16xi1>, vector<16xf32>
          %parallel_loop3A_1338 = vector.shape_cast %broadcast_in_dim3A_8 : vector<16x1xi32> to vector<16xi32>
          %parallel_loop3A_1339 = tpu.dynamic_gather %parallel_loop3A_1286[%parallel_loop3A_1338] in [0] : vector<16xf32>, vector<16xi32> -> vector<16xf32>
          %parallel_loop3A_1340 = arith.select %eq3A_26, %parallel_loop3A_1339, %parallel_loop3A_1292 : vector<16xi1>, vector<16xf32>
          %parallel_loop3A_1341 = vector.shape_cast %broadcast_in_dim3A_8 : vector<16x1xi32> to vector<16xi32>
          %parallel_loop3A_1342 = tpu.dynamic_gather %parallel_loop3A_1301[%parallel_loop3A_1341] in [0] : vector<16xf32>, vector<16xi32> -> vector<16xf32>
          %parallel_loop3A_1343 = arith.select %eq3A_26, %parallel_loop3A_1295, %parallel_loop3A_1342 : vector<16xi1>, vector<16xf32>
          %parallel_loop3A_1344 = vector.shape_cast %broadcast_in_dim3A_8 : vector<16x1xi32> to vector<16xi32>
          %parallel_loop3A_1345 = tpu.dynamic_gather %parallel_loop3A_1295[%parallel_loop3A_1344] in [0] : vector<16xf32>, vector<16xi32> -> vector<16xf32>
          %parallel_loop3A_1346 = arith.select %eq3A_26, %parallel_loop3A_1345, %parallel_loop3A_1301 : vector<16xi1>, vector<16xf32>
          %parallel_loop3A_1347 = vector.shape_cast %broadcast_in_dim3A_8 : vector<16x1xi32> to vector<16xi32>
          %parallel_loop3A_1348 = tpu.dynamic_gather %parallel_loop3A_1304[%parallel_loop3A_1347] in [0] : vector<16xf32>, vector<16xi32> -> vector<16xf32>
          %parallel_loop3A_1349 = arith.select %eq3A_26, %parallel_loop3A_1298, %parallel_loop3A_1348 : vector<16xi1>, vector<16xf32>
          %parallel_loop3A_1350 = vector.shape_cast %broadcast_in_dim3A_8 : vector<16x1xi32> to vector<16xi32>
          %parallel_loop3A_1351 = tpu.dynamic_gather %parallel_loop3A_1298[%parallel_loop3A_1350] in [0] : vector<16xf32>, vector<16xi32> -> vector<16xf32>
          %parallel_loop3A_1352 = arith.select %eq3A_26, %parallel_loop3A_1351, %parallel_loop3A_1304 : vector<16xi1>, vector<16xf32>
          %parallel_loop3A_1353 = vector.shape_cast %broadcast_in_dim3A_8 : vector<16x1xi32> to vector<16xi32>
          %parallel_loop3A_1354 = tpu.dynamic_gather %parallel_loop3A_1313[%parallel_loop3A_1353] in [0] : vector<16xf32>, vector<16xi32> -> vector<16xf32>
          %parallel_loop3A_1355 = arith.select %eq3A_26, %parallel_loop3A_1307, %parallel_loop3A_1354 : vector<16xi1>, vector<16xf32>
          %parallel_loop3A_1356 = vector.shape_cast %broadcast_in_dim3A_8 : vector<16x1xi32> to vector<16xi32>
          %parallel_loop3A_1357 = tpu.dynamic_gather %parallel_loop3A_1307[%parallel_loop3A_1356] in [0] : vector<16xf32>, vector<16xi32> -> vector<16xf32>
          %parallel_loop3A_1358 = arith.select %eq3A_26, %parallel_loop3A_1357, %parallel_loop3A_1313 : vector<16xi1>, vector<16xf32>
          %parallel_loop3A_1359 = vector.shape_cast %broadcast_in_dim3A_8 : vector<16x1xi32> to vector<16xi32>
          %parallel_loop3A_1360 = tpu.dynamic_gather %parallel_loop3A_1316[%parallel_loop3A_1359] in [0] : vector<16xf32>, vector<16xi32> -> vector<16xf32>
          %parallel_loop3A_1361 = arith.select %eq3A_26, %parallel_loop3A_1310, %parallel_loop3A_1360 : vector<16xi1>, vector<16xf32>
          %parallel_loop3A_1362 = vector.shape_cast %broadcast_in_dim3A_8 : vector<16x1xi32> to vector<16xi32>
          %parallel_loop3A_1363 = tpu.dynamic_gather %parallel_loop3A_1310[%parallel_loop3A_1362] in [0] : vector<16xf32>, vector<16xi32> -> vector<16xf32>
          %parallel_loop3A_1364 = arith.select %eq3A_26, %parallel_loop3A_1363, %parallel_loop3A_1316 : vector<16xi1>, vector<16xf32>
          %parallel_loop3A_1365 = vector.shape_cast %broadcast_in_dim3A_8 : vector<16x1xi32> to vector<16xi32>
          %parallel_loop3A_1366 = tpu.dynamic_gather %parallel_loop3A_1325[%parallel_loop3A_1365] in [0] : vector<16xf32>, vector<16xi32> -> vector<16xf32>
          %parallel_loop3A_1367 = arith.select %eq3A_26, %parallel_loop3A_1319, %parallel_loop3A_1366 : vector<16xi1>, vector<16xf32>
          %parallel_loop3A_1368 = vector.shape_cast %broadcast_in_dim3A_8 : vector<16x1xi32> to vector<16xi32>
          %parallel_loop3A_1369 = tpu.dynamic_gather %parallel_loop3A_1319[%parallel_loop3A_1368] in [0] : vector<16xf32>, vector<16xi32> -> vector<16xf32>
          %parallel_loop3A_1370 = arith.select %eq3A_26, %parallel_loop3A_1369, %parallel_loop3A_1325 : vector<16xi1>, vector<16xf32>
          %parallel_loop3A_1371 = vector.shape_cast %broadcast_in_dim3A_8 : vector<16x1xi32> to vector<16xi32>
          %parallel_loop3A_1372 = tpu.dynamic_gather %parallel_loop3A_1328[%parallel_loop3A_1371] in [0] : vector<16xf32>, vector<16xi32> -> vector<16xf32>
          %parallel_loop3A_1373 = arith.select %eq3A_26, %parallel_loop3A_1322, %parallel_loop3A_1372 : vector<16xi1>, vector<16xf32>
          %parallel_loop3A_1374 = vector.shape_cast %broadcast_in_dim3A_8 : vector<16x1xi32> to vector<16xi32>
          %parallel_loop3A_1375 = tpu.dynamic_gather %parallel_loop3A_1322[%parallel_loop3A_1374] in [0] : vector<16xf32>, vector<16xi32> -> vector<16xf32>
          %parallel_loop3A_1376 = arith.select %eq3A_26, %parallel_loop3A_1375, %parallel_loop3A_1328 : vector<16xi1>, vector<16xf32>
          %parallel_loop3A_1377 = vector.shape_cast %broadcast_in_dim3A_12 : vector<16x1xi32> to vector<16xi32>
          %parallel_loop3A_1378 = tpu.dynamic_gather %parallel_loop3A_1343[%parallel_loop3A_1377] in [0] : vector<16xf32>, vector<16xi32> -> vector<16xf32>
          %parallel_loop3A_1379 = arith.select %eq3A_32, %parallel_loop3A_1331, %parallel_loop3A_1378 : vector<16xi1>, vector<16xf32>
          %parallel_loop3A_1380 = vector.shape_cast %broadcast_in_dim3A_12 : vector<16x1xi32> to vector<16xi32>
          %parallel_loop3A_1381 = tpu.dynamic_gather %parallel_loop3A_1331[%parallel_loop3A_1380] in [0] : vector<16xf32>, vector<16xi32> -> vector<16xf32>
          %parallel_loop3A_1382 = arith.select %eq3A_32, %parallel_loop3A_1381, %parallel_loop3A_1343 : vector<16xi1>, vector<16xf32>
          %parallel_loop3A_1383 = vector.shape_cast %broadcast_in_dim3A_12 : vector<16x1xi32> to vector<16xi32>
          %parallel_loop3A_1384 = tpu.dynamic_gather %parallel_loop3A_1349[%parallel_loop3A_1383] in [0] : vector<16xf32>, vector<16xi32> -> vector<16xf32>
          %parallel_loop3A_1385 = arith.select %eq3A_32, %parallel_loop3A_1337, %parallel_loop3A_1384 : vector<16xi1>, vector<16xf32>
          %parallel_loop3A_1386 = vector.shape_cast %broadcast_in_dim3A_12 : vector<16x1xi32> to vector<16xi32>
          %parallel_loop3A_1387 = tpu.dynamic_gather %parallel_loop3A_1337[%parallel_loop3A_1386] in [0] : vector<16xf32>, vector<16xi32> -> vector<16xf32>
          %parallel_loop3A_1388 = arith.select %eq3A_32, %parallel_loop3A_1387, %parallel_loop3A_1349 : vector<16xi1>, vector<16xf32>
          %parallel_loop3A_1389 = vector.shape_cast %broadcast_in_dim3A_12 : vector<16x1xi32> to vector<16xi32>
          %parallel_loop3A_1390 = tpu.dynamic_gather %parallel_loop3A_1346[%parallel_loop3A_1389] in [0] : vector<16xf32>, vector<16xi32> -> vector<16xf32>
          %parallel_loop3A_1391 = arith.select %eq3A_32, %parallel_loop3A_1334, %parallel_loop3A_1390 : vector<16xi1>, vector<16xf32>
          %parallel_loop3A_1392 = vector.shape_cast %broadcast_in_dim3A_12 : vector<16x1xi32> to vector<16xi32>
          %parallel_loop3A_1393 = tpu.dynamic_gather %parallel_loop3A_1334[%parallel_loop3A_1392] in [0] : vector<16xf32>, vector<16xi32> -> vector<16xf32>
          %parallel_loop3A_1394 = arith.select %eq3A_32, %parallel_loop3A_1393, %parallel_loop3A_1346 : vector<16xi1>, vector<16xf32>
          %parallel_loop3A_1395 = vector.shape_cast %broadcast_in_dim3A_12 : vector<16x1xi32> to vector<16xi32>
          %parallel_loop3A_1396 = tpu.dynamic_gather %parallel_loop3A_1352[%parallel_loop3A_1395] in [0] : vector<16xf32>, vector<16xi32> -> vector<16xf32>
          %parallel_loop3A_1397 = arith.select %eq3A_32, %parallel_loop3A_1340, %parallel_loop3A_1396 : vector<16xi1>, vector<16xf32>
          %parallel_loop3A_1398 = vector.shape_cast %broadcast_in_dim3A_12 : vector<16x1xi32> to vector<16xi32>
          %parallel_loop3A_1399 = tpu.dynamic_gather %parallel_loop3A_1340[%parallel_loop3A_1398] in [0] : vector<16xf32>, vector<16xi32> -> vector<16xf32>
          %parallel_loop3A_1400 = arith.select %eq3A_32, %parallel_loop3A_1399, %parallel_loop3A_1352 : vector<16xi1>, vector<16xf32>
          %parallel_loop3A_1401 = vector.shape_cast %broadcast_in_dim3A_12 : vector<16x1xi32> to vector<16xi32>
          %parallel_loop3A_1402 = tpu.dynamic_gather %parallel_loop3A_1367[%parallel_loop3A_1401] in [0] : vector<16xf32>, vector<16xi32> -> vector<16xf32>
          %parallel_loop3A_1403 = arith.select %eq3A_32, %parallel_loop3A_1355, %parallel_loop3A_1402 : vector<16xi1>, vector<16xf32>
          %parallel_loop3A_1404 = vector.shape_cast %broadcast_in_dim3A_12 : vector<16x1xi32> to vector<16xi32>
          %parallel_loop3A_1405 = tpu.dynamic_gather %parallel_loop3A_1355[%parallel_loop3A_1404] in [0] : vector<16xf32>, vector<16xi32> -> vector<16xf32>
          %parallel_loop3A_1406 = arith.select %eq3A_32, %parallel_loop3A_1405, %parallel_loop3A_1367 : vector<16xi1>, vector<16xf32>
          %parallel_loop3A_1407 = vector.shape_cast %broadcast_in_dim3A_12 : vector<16x1xi32> to vector<16xi32>
          %parallel_loop3A_1408 = tpu.dynamic_gather %parallel_loop3A_1373[%parallel_loop3A_1407] in [0] : vector<16xf32>, vector<16xi32> -> vector<16xf32>
          %parallel_loop3A_1409 = arith.select %eq3A_32, %parallel_loop3A_1361, %parallel_loop3A_1408 : vector<16xi1>, vector<16xf32>
          %parallel_loop3A_1410 = vector.shape_cast %broadcast_in_dim3A_12 : vector<16x1xi32> to vector<16xi32>
          %parallel_loop3A_1411 = tpu.dynamic_gather %parallel_loop3A_1361[%parallel_loop3A_1410] in [0] : vector<16xf32>, vector<16xi32> -> vector<16xf32>
          %parallel_loop3A_1412 = arith.select %eq3A_32, %parallel_loop3A_1411, %parallel_loop3A_1373 : vector<16xi1>, vector<16xf32>
          %parallel_loop3A_1413 = vector.shape_cast %broadcast_in_dim3A_12 : vector<16x1xi32> to vector<16xi32>
          %parallel_loop3A_1414 = tpu.dynamic_gather %parallel_loop3A_1370[%parallel_loop3A_1413] in [0] : vector<16xf32>, vector<16xi32> -> vector<16xf32>
          %parallel_loop3A_1415 = arith.select %eq3A_32, %parallel_loop3A_1358, %parallel_loop3A_1414 : vector<16xi1>, vector<16xf32>
          %parallel_loop3A_1416 = vector.shape_cast %broadcast_in_dim3A_12 : vector<16x1xi32> to vector<16xi32>
          %parallel_loop3A_1417 = tpu.dynamic_gather %parallel_loop3A_1358[%parallel_loop3A_1416] in [0] : vector<16xf32>, vector<16xi32> -> vector<16xf32>
          %parallel_loop3A_1418 = arith.select %eq3A_32, %parallel_loop3A_1417, %parallel_loop3A_1370 : vector<16xi1>, vector<16xf32>
          %parallel_loop3A_1419 = vector.shape_cast %broadcast_in_dim3A_12 : vector<16x1xi32> to vector<16xi32>
          %parallel_loop3A_1420 = tpu.dynamic_gather %parallel_loop3A_1376[%parallel_loop3A_1419] in [0] : vector<16xf32>, vector<16xi32> -> vector<16xf32>
          %parallel_loop3A_1421 = arith.select %eq3A_32, %parallel_loop3A_1364, %parallel_loop3A_1420 : vector<16xi1>, vector<16xf32>
          %parallel_loop3A_1422 = vector.shape_cast %broadcast_in_dim3A_12 : vector<16x1xi32> to vector<16xi32>
          %parallel_loop3A_1423 = tpu.dynamic_gather %parallel_loop3A_1364[%parallel_loop3A_1422] in [0] : vector<16xf32>, vector<16xi32> -> vector<16xf32>
          %parallel_loop3A_1424 = arith.select %eq3A_32, %parallel_loop3A_1423, %parallel_loop3A_1376 : vector<16xi1>, vector<16xf32>
          %parallel_loop3A_1425 = vector.shape_cast %broadcast_in_dim3A_16 : vector<16x1xi32> to vector<16xi32>
          %parallel_loop3A_1426 = tpu.dynamic_gather %parallel_loop3A_1403[%parallel_loop3A_1425] in [0] : vector<16xf32>, vector<16xi32> -> vector<16xf32>
          %parallel_loop3A_1427 = arith.select %eq3A_38, %parallel_loop3A_1379, %parallel_loop3A_1426 : vector<16xi1>, vector<16xf32>
          %parallel_loop3A_1428 = vector.shape_cast %broadcast_in_dim3A_16 : vector<16x1xi32> to vector<16xi32>
          %parallel_loop3A_1429 = tpu.dynamic_gather %parallel_loop3A_1379[%parallel_loop3A_1428] in [0] : vector<16xf32>, vector<16xi32> -> vector<16xf32>
          %parallel_loop3A_1430 = arith.select %eq3A_38, %parallel_loop3A_1429, %parallel_loop3A_1403 : vector<16xi1>, vector<16xf32>
          %parallel_loop3A_1431 = vector.shape_cast %broadcast_in_dim3A_16 : vector<16x1xi32> to vector<16xi32>
          %parallel_loop3A_1432 = tpu.dynamic_gather %parallel_loop3A_1409[%parallel_loop3A_1431] in [0] : vector<16xf32>, vector<16xi32> -> vector<16xf32>
          %parallel_loop3A_1433 = arith.select %eq3A_38, %parallel_loop3A_1385, %parallel_loop3A_1432 : vector<16xi1>, vector<16xf32>
          %parallel_loop3A_1434 = vector.shape_cast %broadcast_in_dim3A_16 : vector<16x1xi32> to vector<16xi32>
          %parallel_loop3A_1435 = tpu.dynamic_gather %parallel_loop3A_1385[%parallel_loop3A_1434] in [0] : vector<16xf32>, vector<16xi32> -> vector<16xf32>
          %parallel_loop3A_1436 = arith.select %eq3A_38, %parallel_loop3A_1435, %parallel_loop3A_1409 : vector<16xi1>, vector<16xf32>
          %parallel_loop3A_1437 = vector.shape_cast %broadcast_in_dim3A_16 : vector<16x1xi32> to vector<16xi32>
          %parallel_loop3A_1438 = tpu.dynamic_gather %parallel_loop3A_1415[%parallel_loop3A_1437] in [0] : vector<16xf32>, vector<16xi32> -> vector<16xf32>
          %parallel_loop3A_1439 = arith.select %eq3A_38, %parallel_loop3A_1391, %parallel_loop3A_1438 : vector<16xi1>, vector<16xf32>
          %parallel_loop3A_1440 = vector.shape_cast %broadcast_in_dim3A_16 : vector<16x1xi32> to vector<16xi32>
          %parallel_loop3A_1441 = tpu.dynamic_gather %parallel_loop3A_1391[%parallel_loop3A_1440] in [0] : vector<16xf32>, vector<16xi32> -> vector<16xf32>
          %parallel_loop3A_1442 = arith.select %eq3A_38, %parallel_loop3A_1441, %parallel_loop3A_1415 : vector<16xi1>, vector<16xf32>
          %parallel_loop3A_1443 = vector.shape_cast %broadcast_in_dim3A_16 : vector<16x1xi32> to vector<16xi32>
          %parallel_loop3A_1444 = tpu.dynamic_gather %parallel_loop3A_1421[%parallel_loop3A_1443] in [0] : vector<16xf32>, vector<16xi32> -> vector<16xf32>
          %parallel_loop3A_1445 = arith.select %eq3A_38, %parallel_loop3A_1397, %parallel_loop3A_1444 : vector<16xi1>, vector<16xf32>
          %parallel_loop3A_1446 = vector.shape_cast %broadcast_in_dim3A_16 : vector<16x1xi32> to vector<16xi32>
          %parallel_loop3A_1447 = tpu.dynamic_gather %parallel_loop3A_1397[%parallel_loop3A_1446] in [0] : vector<16xf32>, vector<16xi32> -> vector<16xf32>
          %parallel_loop3A_1448 = arith.select %eq3A_38, %parallel_loop3A_1447, %parallel_loop3A_1421 : vector<16xi1>, vector<16xf32>
          %parallel_loop3A_1449 = vector.shape_cast %broadcast_in_dim3A_16 : vector<16x1xi32> to vector<16xi32>
          %parallel_loop3A_1450 = tpu.dynamic_gather %parallel_loop3A_1406[%parallel_loop3A_1449] in [0] : vector<16xf32>, vector<16xi32> -> vector<16xf32>
          %parallel_loop3A_1451 = arith.select %eq3A_38, %parallel_loop3A_1382, %parallel_loop3A_1450 : vector<16xi1>, vector<16xf32>
          %parallel_loop3A_1452 = vector.shape_cast %broadcast_in_dim3A_16 : vector<16x1xi32> to vector<16xi32>
          %parallel_loop3A_1453 = tpu.dynamic_gather %parallel_loop3A_1382[%parallel_loop3A_1452] in [0] : vector<16xf32>, vector<16xi32> -> vector<16xf32>
          %parallel_loop3A_1454 = arith.select %eq3A_38, %parallel_loop3A_1453, %parallel_loop3A_1406 : vector<16xi1>, vector<16xf32>
          %parallel_loop3A_1455 = vector.shape_cast %broadcast_in_dim3A_16 : vector<16x1xi32> to vector<16xi32>
          %parallel_loop3A_1456 = tpu.dynamic_gather %parallel_loop3A_1412[%parallel_loop3A_1455] in [0] : vector<16xf32>, vector<16xi32> -> vector<16xf32>
          %parallel_loop3A_1457 = arith.select %eq3A_38, %parallel_loop3A_1388, %parallel_loop3A_1456 : vector<16xi1>, vector<16xf32>
          %parallel_loop3A_1458 = vector.shape_cast %broadcast_in_dim3A_16 : vector<16x1xi32> to vector<16xi32>
          %parallel_loop3A_1459 = tpu.dynamic_gather %parallel_loop3A_1388[%parallel_loop3A_1458] in [0] : vector<16xf32>, vector<16xi32> -> vector<16xf32>
          %parallel_loop3A_1460 = arith.select %eq3A_38, %parallel_loop3A_1459, %parallel_loop3A_1412 : vector<16xi1>, vector<16xf32>
          %parallel_loop3A_1461 = vector.shape_cast %broadcast_in_dim3A_16 : vector<16x1xi32> to vector<16xi32>
          %parallel_loop3A_1462 = tpu.dynamic_gather %parallel_loop3A_1418[%parallel_loop3A_1461] in [0] : vector<16xf32>, vector<16xi32> -> vector<16xf32>
          %parallel_loop3A_1463 = arith.select %eq3A_38, %parallel_loop3A_1394, %parallel_loop3A_1462 : vector<16xi1>, vector<16xf32>
          %parallel_loop3A_1464 = vector.shape_cast %broadcast_in_dim3A_16 : vector<16x1xi32> to vector<16xi32>
          %parallel_loop3A_1465 = tpu.dynamic_gather %parallel_loop3A_1394[%parallel_loop3A_1464] in [0] : vector<16xf32>, vector<16xi32> -> vector<16xf32>
          %parallel_loop3A_1466 = arith.select %eq3A_38, %parallel_loop3A_1465, %parallel_loop3A_1418 : vector<16xi1>, vector<16xf32>
          %parallel_loop3A_1467 = vector.shape_cast %broadcast_in_dim3A_16 : vector<16x1xi32> to vector<16xi32>
          %parallel_loop3A_1468 = tpu.dynamic_gather %parallel_loop3A_1424[%parallel_loop3A_1467] in [0] : vector<16xf32>, vector<16xi32> -> vector<16xf32>
          %parallel_loop3A_1469 = arith.select %eq3A_38, %parallel_loop3A_1400, %parallel_loop3A_1468 : vector<16xi1>, vector<16xf32>
          %parallel_loop3A_1470 = vector.shape_cast %broadcast_in_dim3A_16 : vector<16x1xi32> to vector<16xi32>
          %parallel_loop3A_1471 = tpu.dynamic_gather %parallel_loop3A_1400[%parallel_loop3A_1470] in [0] : vector<16xf32>, vector<16xi32> -> vector<16xf32>
          %parallel_loop3A_1472 = arith.select %eq3A_38, %parallel_loop3A_1471, %parallel_loop3A_1424 : vector<16xi1>, vector<16xf32>
          %parallel_loop3A_1473 = arith.constant 4096 : i32
          %parallel_loop3A_1474 = arith.muli %parallel_loop3A_1157, %parallel_loop3A_1473 : i32
          %parallel_loop3A_1475 = arith.constant 16 : i32
          %parallel_loop3A_1476 = arith.muli %parallel_loop3A_1161, %parallel_loop3A_1475 : i32
          %parallel_loop3A_1477 = arith.addi %parallel_loop3A_1474, %parallel_loop3A_1476 : i32
          %parallel_loop3A_1478 = arith.constant 16 : i32
          %parallel_loop3A_1479 = arith.muli %parallel_loop3A_1163, %parallel_loop3A_1478 : i32
          %parallel_loop3A_1480 = arith.constant 0 : i32
          %parallel_loop3A_1481 = arith.addi %parallel_loop3A_1479, %parallel_loop3A_1480 : i32
          %parallel_loop3A_1482 = arith.constant 3 : i32
          %parallel_loop3A_1483 = arith.shrsi %parallel_loop3A_1481, %parallel_loop3A_1482 : i32
          %parallel_loop3A_1484 = arith.constant 1024 : i32
          %parallel_loop3A_1485 = arith.muli %parallel_loop3A_1483, %parallel_loop3A_1484 : i32
          %parallel_loop3A_1486 = arith.constant 7 : i32
          %parallel_loop3A_1487 = arith.andi %parallel_loop3A_1481, %parallel_loop3A_1486 : i32
          %parallel_loop3A_1488 = arith.constant 128 : i32
          %parallel_loop3A_1489 = arith.muli %parallel_loop3A_1487, %parallel_loop3A_1488 : i32
          %parallel_loop3A_1490 = arith.addi %parallel_loop3A_1485, %parallel_loop3A_1489 : i32
          %parallel_loop3A_1491 = arith.addi %parallel_loop3A_1490, %parallel_loop3A_1477 : i32
          %parallel_loop3A_1492 = arith.index_cast %parallel_loop3A_1491 : i32 to index
          %parallel_loop3A_1493 = tpu.vector_load %arg10[%parallel_loop3A_1492] {strides = array<i32>} : memref<16384xf32, #tpu.memory_space<vmem>>, vector<16xf32>,
          tpu.vector_store %arg10[%parallel_loop3A_1492], %parallel_loop3A_1427 {strides = array<i32>} : memref<16384xf32, #tpu.memory_space<vmem>>, vector<16xf32>,
          %parallel_loop3A_1494 = arith.constant 16 : i32
          %parallel_loop3A_1495 = arith.muli %parallel_loop3A_1163, %parallel_loop3A_1494 : i32
          %parallel_loop3A_1496 = arith.constant 1 : i32
          %parallel_loop3A_1497 = arith.addi %parallel_loop3A_1495, %parallel_loop3A_1496 : i32
          %parallel_loop3A_1498 = arith.constant 3 : i32
          %parallel_loop3A_1499 = arith.shrsi %parallel_loop3A_1497, %parallel_loop3A_1498 : i32
          %parallel_loop3A_1500 = arith.constant 1024 : i32
          %parallel_loop3A_1501 = arith.muli %parallel_loop3A_1499, %parallel_loop3A_1500 : i32
          %parallel_loop3A_1502 = arith.constant 7 : i32
          %parallel_loop3A_1503 = arith.andi %parallel_loop3A_1497, %parallel_loop3A_1502 : i32
          %parallel_loop3A_1504 = arith.constant 128 : i32
          %parallel_loop3A_1505 = arith.muli %parallel_loop3A_1503, %parallel_loop3A_1504 : i32
          %parallel_loop3A_1506 = arith.addi %parallel_loop3A_1501, %parallel_loop3A_1505 : i32
          %parallel_loop3A_1507 = arith.addi %parallel_loop3A_1506, %parallel_loop3A_1477 : i32
          %parallel_loop3A_1508 = arith.index_cast %parallel_loop3A_1507 : i32 to index
          %parallel_loop3A_1509 = tpu.vector_load %arg10[%parallel_loop3A_1508] {strides = array<i32>} : memref<16384xf32, #tpu.memory_space<vmem>>, vector<16xf32>,
          tpu.vector_store %arg10[%parallel_loop3A_1508], %parallel_loop3A_1433 {strides = array<i32>} : memref<16384xf32, #tpu.memory_space<vmem>>, vector<16xf32>,
          %parallel_loop3A_1510 = arith.constant 16 : i32
          %parallel_loop3A_1511 = arith.muli %parallel_loop3A_1163, %parallel_loop3A_1510 : i32
          %parallel_loop3A_1512 = arith.constant 2 : i32
          %parallel_loop3A_1513 = arith.addi %parallel_loop3A_1511, %parallel_loop3A_1512 : i32
          %parallel_loop3A_1514 = arith.constant 3 : i32
          %parallel_loop3A_1515 = arith.shrsi %parallel_loop3A_1513, %parallel_loop3A_1514 : i32
          %parallel_loop3A_1516 = arith.constant 1024 : i32
          %parallel_loop3A_1517 = arith.muli %parallel_loop3A_1515, %parallel_loop3A_1516 : i32
          %parallel_loop3A_1518 = arith.constant 7 : i32
          %parallel_loop3A_1519 = arith.andi %parallel_loop3A_1513, %parallel_loop3A_1518 : i32
          %parallel_loop3A_1520 = arith.constant 128 : i32
          %parallel_loop3A_1521 = arith.muli %parallel_loop3A_1519, %parallel_loop3A_1520 : i32
          %parallel_loop3A_1522 = arith.addi %parallel_loop3A_1517, %parallel_loop3A_1521 : i32
          %parallel_loop3A_1523 = arith.addi %parallel_loop3A_1522, %parallel_loop3A_1477 : i32
          %parallel_loop3A_1524 = arith.index_cast %parallel_loop3A_1523 : i32 to index
          %parallel_loop3A_1525 = tpu.vector_load %arg10[%parallel_loop3A_1524] {strides = array<i32>} : memref<16384xf32, #tpu.memory_space<vmem>>, vector<16xf32>,
          tpu.vector_store %arg10[%parallel_loop3A_1524], %parallel_loop3A_1439 {strides = array<i32>} : memref<16384xf32, #tpu.memory_space<vmem>>, vector<16xf32>,
          %parallel_loop3A_1526 = arith.constant 16 : i32
          %parallel_loop3A_1527 = arith.muli %parallel_loop3A_1163, %parallel_loop3A_1526 : i32
          %parallel_loop3A_1528 = arith.constant 3 : i32
          %parallel_loop3A_1529 = arith.addi %parallel_loop3A_1527, %parallel_loop3A_1528 : i32
          %parallel_loop3A_1530 = arith.constant 3 : i32
          %parallel_loop3A_1531 = arith.shrsi %parallel_loop3A_1529, %parallel_loop3A_1530 : i32
          %parallel_loop3A_1532 = arith.constant 1024 : i32
          %parallel_loop3A_1533 = arith.muli %parallel_loop3A_1531, %parallel_loop3A_1532 : i32
          %parallel_loop3A_1534 = arith.constant 7 : i32
          %parallel_loop3A_1535 = arith.andi %parallel_loop3A_1529, %parallel_loop3A_1534 : i32
          %parallel_loop3A_1536 = arith.constant 128 : i32
          %parallel_loop3A_1537 = arith.muli %parallel_loop3A_1535, %parallel_loop3A_1536 : i32
          %parallel_loop3A_1538 = arith.addi %parallel_loop3A_1533, %parallel_loop3A_1537 : i32
          %parallel_loop3A_1539 = arith.addi %parallel_loop3A_1538, %parallel_loop3A_1477 : i32
          %parallel_loop3A_1540 = arith.index_cast %parallel_loop3A_1539 : i32 to index
          %parallel_loop3A_1541 = tpu.vector_load %arg10[%parallel_loop3A_1540] {strides = array<i32>} : memref<16384xf32, #tpu.memory_space<vmem>>, vector<16xf32>,
          tpu.vector_store %arg10[%parallel_loop3A_1540], %parallel_loop3A_1445 {strides = array<i32>} : memref<16384xf32, #tpu.memory_space<vmem>>, vector<16xf32>,
          %parallel_loop3A_1542 = arith.constant 16 : i32
          %parallel_loop3A_1543 = arith.muli %parallel_loop3A_1163, %parallel_loop3A_1542 : i32
          %parallel_loop3A_1544 = arith.constant 4 : i32
          %parallel_loop3A_1545 = arith.addi %parallel_loop3A_1543, %parallel_loop3A_1544 : i32
          %parallel_loop3A_1546 = arith.constant 3 : i32
          %parallel_loop3A_1547 = arith.shrsi %parallel_loop3A_1545, %parallel_loop3A_1546 : i32
          %parallel_loop3A_1548 = arith.constant 1024 : i32
          %parallel_loop3A_1549 = arith.muli %parallel_loop3A_1547, %parallel_loop3A_1548 : i32
          %parallel_loop3A_1550 = arith.constant 7 : i32
          %parallel_loop3A_1551 = arith.andi %parallel_loop3A_1545, %parallel_loop3A_1550 : i32
          %parallel_loop3A_1552 = arith.constant 128 : i32
          %parallel_loop3A_1553 = arith.muli %parallel_loop3A_1551, %parallel_loop3A_1552 : i32
          %parallel_loop3A_1554 = arith.addi %parallel_loop3A_1549, %parallel_loop3A_1553 : i32
          %parallel_loop3A_1555 = arith.addi %parallel_loop3A_1554, %parallel_loop3A_1477 : i32
          %parallel_loop3A_1556 = arith.index_cast %parallel_loop3A_1555 : i32 to index
          %parallel_loop3A_1557 = tpu.vector_load %arg10[%parallel_loop3A_1556] {strides = array<i32>} : memref<16384xf32, #tpu.memory_space<vmem>>, vector<16xf32>,
          tpu.vector_store %arg10[%parallel_loop3A_1556], %parallel_loop3A_1451 {strides = array<i32>} : memref<16384xf32, #tpu.memory_space<vmem>>, vector<16xf32>,
          %parallel_loop3A_1558 = arith.constant 16 : i32
          %parallel_loop3A_1559 = arith.muli %parallel_loop3A_1163, %parallel_loop3A_1558 : i32
          %parallel_loop3A_1560 = arith.constant 5 : i32
          %parallel_loop3A_1561 = arith.addi %parallel_loop3A_1559, %parallel_loop3A_1560 : i32
          %parallel_loop3A_1562 = arith.constant 3 : i32
          %parallel_loop3A_1563 = arith.shrsi %parallel_loop3A_1561, %parallel_loop3A_1562 : i32
          %parallel_loop3A_1564 = arith.constant 1024 : i32
          %parallel_loop3A_1565 = arith.muli %parallel_loop3A_1563, %parallel_loop3A_1564 : i32
          %parallel_loop3A_1566 = arith.constant 7 : i32
          %parallel_loop3A_1567 = arith.andi %parallel_loop3A_1561, %parallel_loop3A_1566 : i32
          %parallel_loop3A_1568 = arith.constant 128 : i32
          %parallel_loop3A_1569 = arith.muli %parallel_loop3A_1567, %parallel_loop3A_1568 : i32
          %parallel_loop3A_1570 = arith.addi %parallel_loop3A_1565, %parallel_loop3A_1569 : i32
          %parallel_loop3A_1571 = arith.addi %parallel_loop3A_1570, %parallel_loop3A_1477 : i32
          %parallel_loop3A_1572 = arith.index_cast %parallel_loop3A_1571 : i32 to index
          %parallel_loop3A_1573 = tpu.vector_load %arg10[%parallel_loop3A_1572] {strides = array<i32>} : memref<16384xf32, #tpu.memory_space<vmem>>, vector<16xf32>,
          tpu.vector_store %arg10[%parallel_loop3A_1572], %parallel_loop3A_1457 {strides = array<i32>} : memref<16384xf32, #tpu.memory_space<vmem>>, vector<16xf32>,
          %parallel_loop3A_1574 = arith.constant 16 : i32
          %parallel_loop3A_1575 = arith.muli %parallel_loop3A_1163, %parallel_loop3A_1574 : i32
          %parallel_loop3A_1576 = arith.constant 6 : i32
          %parallel_loop3A_1577 = arith.addi %parallel_loop3A_1575, %parallel_loop3A_1576 : i32
          %parallel_loop3A_1578 = arith.constant 3 : i32
          %parallel_loop3A_1579 = arith.shrsi %parallel_loop3A_1577, %parallel_loop3A_1578 : i32
          %parallel_loop3A_1580 = arith.constant 1024 : i32
          %parallel_loop3A_1581 = arith.muli %parallel_loop3A_1579, %parallel_loop3A_1580 : i32
          %parallel_loop3A_1582 = arith.constant 7 : i32
          %parallel_loop3A_1583 = arith.andi %parallel_loop3A_1577, %parallel_loop3A_1582 : i32
          %parallel_loop3A_1584 = arith.constant 128 : i32
          %parallel_loop3A_1585 = arith.muli %parallel_loop3A_1583, %parallel_loop3A_1584 : i32
          %parallel_loop3A_1586 = arith.addi %parallel_loop3A_1581, %parallel_loop3A_1585 : i32
          %parallel_loop3A_1587 = arith.addi %parallel_loop3A_1586, %parallel_loop3A_1477 : i32
          %parallel_loop3A_1588 = arith.index_cast %parallel_loop3A_1587 : i32 to index
          %parallel_loop3A_1589 = tpu.vector_load %arg10[%parallel_loop3A_1588] {strides = array<i32>} : memref<16384xf32, #tpu.memory_space<vmem>>, vector<16xf32>,
          tpu.vector_store %arg10[%parallel_loop3A_1588], %parallel_loop3A_1463 {strides = array<i32>} : memref<16384xf32, #tpu.memory_space<vmem>>, vector<16xf32>,
          %parallel_loop3A_1590 = arith.constant 16 : i32
          %parallel_loop3A_1591 = arith.muli %parallel_loop3A_1163, %parallel_loop3A_1590 : i32
          %parallel_loop3A_1592 = arith.constant 7 : i32
          %parallel_loop3A_1593 = arith.addi %parallel_loop3A_1591, %parallel_loop3A_1592 : i32
          %parallel_loop3A_1594 = arith.constant 3 : i32
          %parallel_loop3A_1595 = arith.shrsi %parallel_loop3A_1593, %parallel_loop3A_1594 : i32
          %parallel_loop3A_1596 = arith.constant 1024 : i32
          %parallel_loop3A_1597 = arith.muli %parallel_loop3A_1595, %parallel_loop3A_1596 : i32
          %parallel_loop3A_1598 = arith.constant 7 : i32
          %parallel_loop3A_1599 = arith.andi %parallel_loop3A_1593, %parallel_loop3A_1598 : i32
          %parallel_loop3A_1600 = arith.constant 128 : i32
          %parallel_loop3A_1601 = arith.muli %parallel_loop3A_1599, %parallel_loop3A_1600 : i32
          %parallel_loop3A_1602 = arith.addi %parallel_loop3A_1597, %parallel_loop3A_1601 : i32
          %parallel_loop3A_1603 = arith.addi %parallel_loop3A_1602, %parallel_loop3A_1477 : i32
          %parallel_loop3A_1604 = arith.index_cast %parallel_loop3A_1603 : i32 to index
          %parallel_loop3A_1605 = tpu.vector_load %arg10[%parallel_loop3A_1604] {strides = array<i32>} : memref<16384xf32, #tpu.memory_space<vmem>>, vector<16xf32>,
          tpu.vector_store %arg10[%parallel_loop3A_1604], %parallel_loop3A_1469 {strides = array<i32>} : memref<16384xf32, #tpu.memory_space<vmem>>, vector<16xf32>,
          %parallel_loop3A_1606 = arith.constant 16 : i32
          %parallel_loop3A_1607 = arith.muli %parallel_loop3A_1163, %parallel_loop3A_1606 : i32
          %parallel_loop3A_1608 = arith.constant 8 : i32
          %parallel_loop3A_1609 = arith.addi %parallel_loop3A_1607, %parallel_loop3A_1608 : i32
          %parallel_loop3A_1610 = arith.constant 3 : i32
          %parallel_loop3A_1611 = arith.shrsi %parallel_loop3A_1609, %parallel_loop3A_1610 : i32
          %parallel_loop3A_1612 = arith.constant 1024 : i32
          %parallel_loop3A_1613 = arith.muli %parallel_loop3A_1611, %parallel_loop3A_1612 : i32
          %parallel_loop3A_1614 = arith.constant 7 : i32
          %parallel_loop3A_1615 = arith.andi %parallel_loop3A_1609, %parallel_loop3A_1614 : i32
          %parallel_loop3A_1616 = arith.constant 128 : i32
          %parallel_loop3A_1617 = arith.muli %parallel_loop3A_1615, %parallel_loop3A_1616 : i32
          %parallel_loop3A_1618 = arith.addi %parallel_loop3A_1613, %parallel_loop3A_1617 : i32
          %parallel_loop3A_1619 = arith.addi %parallel_loop3A_1618, %parallel_loop3A_1477 : i32
          %parallel_loop3A_1620 = arith.index_cast %parallel_loop3A_1619 : i32 to index
          %parallel_loop3A_1621 = tpu.vector_load %arg10[%parallel_loop3A_1620] {strides = array<i32>} : memref<16384xf32, #tpu.memory_space<vmem>>, vector<16xf32>,
          tpu.vector_store %arg10[%parallel_loop3A_1620], %parallel_loop3A_1430 {strides = array<i32>} : memref<16384xf32, #tpu.memory_space<vmem>>, vector<16xf32>,
          %parallel_loop3A_1622 = arith.constant 16 : i32
          %parallel_loop3A_1623 = arith.muli %parallel_loop3A_1163, %parallel_loop3A_1622 : i32
          %parallel_loop3A_1624 = arith.constant 9 : i32
          %parallel_loop3A_1625 = arith.addi %parallel_loop3A_1623, %parallel_loop3A_1624 : i32
          %parallel_loop3A_1626 = arith.constant 3 : i32
          %parallel_loop3A_1627 = arith.shrsi %parallel_loop3A_1625, %parallel_loop3A_1626 : i32
          %parallel_loop3A_1628 = arith.constant 1024 : i32
          %parallel_loop3A_1629 = arith.muli %parallel_loop3A_1627, %parallel_loop3A_1628 : i32
          %parallel_loop3A_1630 = arith.constant 7 : i32
          %parallel_loop3A_1631 = arith.andi %parallel_loop3A_1625, %parallel_loop3A_1630 : i32
          %parallel_loop3A_1632 = arith.constant 128 : i32
          %parallel_loop3A_1633 = arith.muli %parallel_loop3A_1631, %parallel_loop3A_1632 : i32
          %parallel_loop3A_1634 = arith.addi %parallel_loop3A_1629, %parallel_loop3A_1633 : i32
          %parallel_loop3A_1635 = arith.addi %parallel_loop3A_1634, %parallel_loop3A_1477 : i32
          %parallel_loop3A_1636 = arith.index_cast %parallel_loop3A_1635 : i32 to index
          %parallel_loop3A_1637 = tpu.vector_load %arg10[%parallel_loop3A_1636] {strides = array<i32>} : memref<16384xf32, #tpu.memory_space<vmem>>, vector<16xf32>,
          tpu.vector_store %arg10[%parallel_loop3A_1636], %parallel_loop3A_1436 {strides = array<i32>} : memref<16384xf32, #tpu.memory_space<vmem>>, vector<16xf32>,
          %parallel_loop3A_1638 = arith.constant 16 : i32
          %parallel_loop3A_1639 = arith.muli %parallel_loop3A_1163, %parallel_loop3A_1638 : i32
          %parallel_loop3A_1640 = arith.constant 10 : i32
          %parallel_loop3A_1641 = arith.addi %parallel_loop3A_1639, %parallel_loop3A_1640 : i32
          %parallel_loop3A_1642 = arith.constant 3 : i32
          %parallel_loop3A_1643 = arith.shrsi %parallel_loop3A_1641, %parallel_loop3A_1642 : i32
          %parallel_loop3A_1644 = arith.constant 1024 : i32
          %parallel_loop3A_1645 = arith.muli %parallel_loop3A_1643, %parallel_loop3A_1644 : i32
          %parallel_loop3A_1646 = arith.constant 7 : i32
          %parallel_loop3A_1647 = arith.andi %parallel_loop3A_1641, %parallel_loop3A_1646 : i32
          %parallel_loop3A_1648 = arith.constant 128 : i32
          %parallel_loop3A_1649 = arith.muli %parallel_loop3A_1647, %parallel_loop3A_1648 : i32
          %parallel_loop3A_1650 = arith.addi %parallel_loop3A_1645, %parallel_loop3A_1649 : i32
          %parallel_loop3A_1651 = arith.addi %parallel_loop3A_1650, %parallel_loop3A_1477 : i32
          %parallel_loop3A_1652 = arith.index_cast %parallel_loop3A_1651 : i32 to index
          %parallel_loop3A_1653 = tpu.vector_load %arg10[%parallel_loop3A_1652] {strides = array<i32>} : memref<16384xf32, #tpu.memory_space<vmem>>, vector<16xf32>,
          tpu.vector_store %arg10[%parallel_loop3A_1652], %parallel_loop3A_1442 {strides = array<i32>} : memref<16384xf32, #tpu.memory_space<vmem>>, vector<16xf32>,
          %parallel_loop3A_1654 = arith.constant 16 : i32
          %parallel_loop3A_1655 = arith.muli %parallel_loop3A_1163, %parallel_loop3A_1654 : i32
          %parallel_loop3A_1656 = arith.constant 11 : i32
          %parallel_loop3A_1657 = arith.addi %parallel_loop3A_1655, %parallel_loop3A_1656 : i32
          %parallel_loop3A_1658 = arith.constant 3 : i32
          %parallel_loop3A_1659 = arith.shrsi %parallel_loop3A_1657, %parallel_loop3A_1658 : i32
          %parallel_loop3A_1660 = arith.constant 1024 : i32
          %parallel_loop3A_1661 = arith.muli %parallel_loop3A_1659, %parallel_loop3A_1660 : i32
          %parallel_loop3A_1662 = arith.constant 7 : i32
          %parallel_loop3A_1663 = arith.andi %parallel_loop3A_1657, %parallel_loop3A_1662 : i32
          %parallel_loop3A_1664 = arith.constant 128 : i32
          %parallel_loop3A_1665 = arith.muli %parallel_loop3A_1663, %parallel_loop3A_1664 : i32
          %parallel_loop3A_1666 = arith.addi %parallel_loop3A_1661, %parallel_loop3A_1665 : i32
          %parallel_loop3A_1667 = arith.addi %parallel_loop3A_1666, %parallel_loop3A_1477 : i32
          %parallel_loop3A_1668 = arith.index_cast %parallel_loop3A_1667 : i32 to index
          %parallel_loop3A_1669 = tpu.vector_load %arg10[%parallel_loop3A_1668] {strides = array<i32>} : memref<16384xf32, #tpu.memory_space<vmem>>, vector<16xf32>,
          tpu.vector_store %arg10[%parallel_loop3A_1668], %parallel_loop3A_1448 {strides = array<i32>} : memref<16384xf32, #tpu.memory_space<vmem>>, vector<16xf32>,
          %parallel_loop3A_1670 = arith.constant 16 : i32
          %parallel_loop3A_1671 = arith.muli %parallel_loop3A_1163, %parallel_loop3A_1670 : i32
          %parallel_loop3A_1672 = arith.constant 12 : i32
          %parallel_loop3A_1673 = arith.addi %parallel_loop3A_1671, %parallel_loop3A_1672 : i32
          %parallel_loop3A_1674 = arith.constant 3 : i32
          %parallel_loop3A_1675 = arith.shrsi %parallel_loop3A_1673, %parallel_loop3A_1674 : i32
          %parallel_loop3A_1676 = arith.constant 1024 : i32
          %parallel_loop3A_1677 = arith.muli %parallel_loop3A_1675, %parallel_loop3A_1676 : i32
          %parallel_loop3A_1678 = arith.constant 7 : i32
          %parallel_loop3A_1679 = arith.andi %parallel_loop3A_1673, %parallel_loop3A_1678 : i32
          %parallel_loop3A_1680 = arith.constant 128 : i32
          %parallel_loop3A_1681 = arith.muli %parallel_loop3A_1679, %parallel_loop3A_1680 : i32
          %parallel_loop3A_1682 = arith.addi %parallel_loop3A_1677, %parallel_loop3A_1681 : i32
          %parallel_loop3A_1683 = arith.addi %parallel_loop3A_1682, %parallel_loop3A_1477 : i32
          %parallel_loop3A_1684 = arith.index_cast %parallel_loop3A_1683 : i32 to index
          %parallel_loop3A_1685 = tpu.vector_load %arg10[%parallel_loop3A_1684] {strides = array<i32>} : memref<16384xf32, #tpu.memory_space<vmem>>, vector<16xf32>,
          tpu.vector_store %arg10[%parallel_loop3A_1684], %parallel_loop3A_1454 {strides = array<i32>} : memref<16384xf32, #tpu.memory_space<vmem>>, vector<16xf32>,
          %parallel_loop3A_1686 = arith.constant 16 : i32
          %parallel_loop3A_1687 = arith.muli %parallel_loop3A_1163, %parallel_loop3A_1686 : i32
          %parallel_loop3A_1688 = arith.constant 13 : i32
          %parallel_loop3A_1689 = arith.addi %parallel_loop3A_1687, %parallel_loop3A_1688 : i32
          %parallel_loop3A_1690 = arith.constant 3 : i32
          %parallel_loop3A_1691 = arith.shrsi %parallel_loop3A_1689, %parallel_loop3A_1690 : i32
          %parallel_loop3A_1692 = arith.constant 1024 : i32
          %parallel_loop3A_1693 = arith.muli %parallel_loop3A_1691, %parallel_loop3A_1692 : i32
          %parallel_loop3A_1694 = arith.constant 7 : i32
          %parallel_loop3A_1695 = arith.andi %parallel_loop3A_1689, %parallel_loop3A_1694 : i32
          %parallel_loop3A_1696 = arith.constant 128 : i32
          %parallel_loop3A_1697 = arith.muli %parallel_loop3A_1695, %parallel_loop3A_1696 : i32
          %parallel_loop3A_1698 = arith.addi %parallel_loop3A_1693, %parallel_loop3A_1697 : i32
          %parallel_loop3A_1699 = arith.addi %parallel_loop3A_1698, %parallel_loop3A_1477 : i32
          %parallel_loop3A_1700 = arith.index_cast %parallel_loop3A_1699 : i32 to index
          %parallel_loop3A_1701 = tpu.vector_load %arg10[%parallel_loop3A_1700] {strides = array<i32>} : memref<16384xf32, #tpu.memory_space<vmem>>, vector<16xf32>,
          tpu.vector_store %arg10[%parallel_loop3A_1700], %parallel_loop3A_1460 {strides = array<i32>} : memref<16384xf32, #tpu.memory_space<vmem>>, vector<16xf32>,
          %parallel_loop3A_1702 = arith.constant 16 : i32
          %parallel_loop3A_1703 = arith.muli %parallel_loop3A_1163, %parallel_loop3A_1702 : i32
          %parallel_loop3A_1704 = arith.constant 14 : i32
          %parallel_loop3A_1705 = arith.addi %parallel_loop3A_1703, %parallel_loop3A_1704 : i32
          %parallel_loop3A_1706 = arith.constant 3 : i32
          %parallel_loop3A_1707 = arith.shrsi %parallel_loop3A_1705, %parallel_loop3A_1706 : i32
          %parallel_loop3A_1708 = arith.constant 1024 : i32
          %parallel_loop3A_1709 = arith.muli %parallel_loop3A_1707, %parallel_loop3A_1708 : i32
          %parallel_loop3A_1710 = arith.constant 7 : i32
          %parallel_loop3A_1711 = arith.andi %parallel_loop3A_1705, %parallel_loop3A_1710 : i32
          %parallel_loop3A_1712 = arith.constant 128 : i32
          %parallel_loop3A_1713 = arith.muli %parallel_loop3A_1711, %parallel_loop3A_1712 : i32
          %parallel_loop3A_1714 = arith.addi %parallel_loop3A_1709, %parallel_loop3A_1713 : i32
          %parallel_loop3A_1715 = arith.addi %parallel_loop3A_1714, %parallel_loop3A_1477 : i32
          %parallel_loop3A_1716 = arith.index_cast %parallel_loop3A_1715 : i32 to index
          %parallel_loop3A_1717 = tpu.vector_load %arg10[%parallel_loop3A_1716] {strides = array<i32>} : memref<16384xf32, #tpu.memory_space<vmem>>, vector<16xf32>,
          tpu.vector_store %arg10[%parallel_loop3A_1716], %parallel_loop3A_1466 {strides = array<i32>} : memref<16384xf32, #tpu.memory_space<vmem>>, vector<16xf32>,
          %parallel_loop3A_1718 = arith.constant 16 : i32
          %parallel_loop3A_1719 = arith.muli %parallel_loop3A_1163, %parallel_loop3A_1718 : i32
          %parallel_loop3A_1720 = arith.constant 15 : i32
          %parallel_loop3A_1721 = arith.addi %parallel_loop3A_1719, %parallel_loop3A_1720 : i32
          %parallel_loop3A_1722 = arith.constant 3 : i32
          %parallel_loop3A_1723 = arith.shrsi %parallel_loop3A_1721, %parallel_loop3A_1722 : i32
          %parallel_loop3A_1724 = arith.constant 1024 : i32
          %parallel_loop3A_1725 = arith.muli %parallel_loop3A_1723, %parallel_loop3A_1724 : i32
          %parallel_loop3A_1726 = arith.constant 7 : i32
          %parallel_loop3A_1727 = arith.andi %parallel_loop3A_1721, %parallel_loop3A_1726 : i32
          %parallel_loop3A_1728 = arith.constant 128 : i32
          %parallel_loop3A_1729 = arith.muli %parallel_loop3A_1727, %parallel_loop3A_1728 : i32
          %parallel_loop3A_1730 = arith.addi %parallel_loop3A_1725, %parallel_loop3A_1729 : i32
          %parallel_loop3A_1731 = arith.addi %parallel_loop3A_1730, %parallel_loop3A_1477 : i32
          %parallel_loop3A_1732 = arith.index_cast %parallel_loop3A_1731 : i32 to index
          %parallel_loop3A_1733 = tpu.vector_load %arg10[%parallel_loop3A_1732] {strides = array<i32>} : memref<16384xf32, #tpu.memory_space<vmem>>, vector<16xf32>,
          tpu.vector_store %arg10[%parallel_loop3A_1732], %parallel_loop3A_1472 {strides = array<i32>} : memref<16384xf32, #tpu.memory_space<vmem>>, vector<16xf32>,
        } {sc.loop_unroll_factor = 2 : i64, sc.parallel_access}
        %sub3A_945 = arith.constant 1 : i32
        %sub3A_946 = arith.subi %add3A_691, %sub3A_945 : i32
        %add3A_947 = arith.constant 0 : i32
        %add3A_948 = arith.addi %mul3A_2, %add3A_947 : i32
        %dma_start3A_949 = arith.constant 0 : i32
        %dma_start3A_950 = arith.constant 0 : i32
        %dma_start3A_951 = tpu.memref_slice %arg10[%dma_start3A_950] : memref<16384xf32, #tpu.memory_space<vmem>> -> memref<1024xf32, #tpu.memory_space<vmem>>
        %dma_start3A_952 = arith.constant 0 : i32
        %dma_start3A_953 = tpu.memref_slice %arg4[%sub3A_946, %dma_start3A_949, %add3A_948, %dma_start3A_952] : memref<50x4x128x1024xf32, #tpu.memory_space<hbm>> -> memref<1x1x1x1024xf32, #tpu.memory_space<hbm>>
        %dma_start3A_954 = tpu.memref_squeeze %dma_start3A_953 : memref<1x1x1x1024xf32, #tpu.memory_space<hbm>> -> memref<1024xf32, #tpu.memory_space<hbm>>
        %dma_start3A_955 = arith.constant 0 : i32
        %dma_start3A_956 = tpu.memref_slice %arg4[%sub3A_946, %dma_start3A_949, %add3A_948, %dma_start3A_955] : memref<50x4x128x1024xf32, #tpu.memory_space<hbm>> -> memref<1x1x1x1024xf32, #tpu.memory_space<hbm>>
        %dma_start3A_957 = tpu.memref_squeeze %dma_start3A_956 : memref<1x1x1x1024xf32, #tpu.memory_space<hbm>> -> memref<1024xf32, #tpu.memory_space<hbm>>
        %dma_start3A_958 = arith.constant 0 : i32
        %dma_start3A_959 = tpu.memref_slice %arg10[%dma_start3A_958] : memref<16384xf32, #tpu.memory_space<vmem>> -> memref<1024xf32, #tpu.memory_space<vmem>>
        tpu.enqueue_dma source(%dma_start3A_959 : memref<1024xf32, #tpu.memory_space<vmem>>) target(%dma_start3A_957 : memref<1024xf32, #tpu.memory_space<hbm>>) target_semaphore(%arg14 : memref<!tpu.dma_semaphore, #tpu.memory_space<semaphore_mem>>)
        %add3A_960 = arith.constant 0 : i32
        %add3A_961 = arith.addi %mul3A_2, %add3A_960 : i32
        %dma_start3A_962 = arith.constant 1 : i32
        %dma_start3A_963 = arith.constant 1024 : i32
        %dma_start3A_964 = tpu.memref_slice %arg10[%dma_start3A_963] : memref<16384xf32, #tpu.memory_space<vmem>> -> memref<1024xf32, #tpu.memory_space<vmem>>
        %dma_start3A_965 = arith.constant 0 : i32
        %dma_start3A_966 = tpu.memref_slice %arg4[%sub3A_946, %dma_start3A_962, %add3A_961, %dma_start3A_965] : memref<50x4x128x1024xf32, #tpu.memory_space<hbm>> -> memref<1x1x1x1024xf32, #tpu.memory_space<hbm>>
        %dma_start3A_967 = tpu.memref_squeeze %dma_start3A_966 : memref<1x1x1x1024xf32, #tpu.memory_space<hbm>> -> memref<1024xf32, #tpu.memory_space<hbm>>
        %dma_start3A_968 = arith.constant 0 : i32
        %dma_start3A_969 = tpu.memref_slice %arg4[%sub3A_946, %dma_start3A_962, %add3A_961, %dma_start3A_968] : memref<50x4x128x1024xf32, #tpu.memory_space<hbm>> -> memref<1x1x1x1024xf32, #tpu.memory_space<hbm>>
        %dma_start3A_970 = tpu.memref_squeeze %dma_start3A_969 : memref<1x1x1x1024xf32, #tpu.memory_space<hbm>> -> memref<1024xf32, #tpu.memory_space<hbm>>
        %dma_start3A_971 = arith.constant 1024 : i32
        %dma_start3A_972 = tpu.memref_slice %arg10[%dma_start3A_971] : memref<16384xf32, #tpu.memory_space<vmem>> -> memref<1024xf32, #tpu.memory_space<vmem>>
        tpu.enqueue_dma source(%dma_start3A_972 : memref<1024xf32, #tpu.memory_space<vmem>>) target(%dma_start3A_970 : memref<1024xf32, #tpu.memory_space<hbm>>) target_semaphore(%arg14 : memref<!tpu.dma_semaphore, #tpu.memory_space<semaphore_mem>>)
        %add3A_973 = arith.constant 0 : i32
        %add3A_974 = arith.addi %mul3A_2, %add3A_973 : i32
        %dma_start3A_975 = arith.constant 2 : i32
        %dma_start3A_976 = arith.constant 2048 : i32
        %dma_start3A_977 = tpu.memref_slice %arg10[%dma_start3A_976] : memref<16384xf32, #tpu.memory_space<vmem>> -> memref<1024xf32, #tpu.memory_space<vmem>>
        %dma_start3A_978 = arith.constant 0 : i32
        %dma_start3A_979 = tpu.memref_slice %arg4[%sub3A_946, %dma_start3A_975, %add3A_974, %dma_start3A_978] : memref<50x4x128x1024xf32, #tpu.memory_space<hbm>> -> memref<1x1x1x1024xf32, #tpu.memory_space<hbm>>
        %dma_start3A_980 = tpu.memref_squeeze %dma_start3A_979 : memref<1x1x1x1024xf32, #tpu.memory_space<hbm>> -> memref<1024xf32, #tpu.memory_space<hbm>>
        %dma_start3A_981 = arith.constant 0 : i32
        %dma_start3A_982 = tpu.memref_slice %arg4[%sub3A_946, %dma_start3A_975, %add3A_974, %dma_start3A_981] : memref<50x4x128x1024xf32, #tpu.memory_space<hbm>> -> memref<1x1x1x1024xf32, #tpu.memory_space<hbm>>
        %dma_start3A_983 = tpu.memref_squeeze %dma_start3A_982 : memref<1x1x1x1024xf32, #tpu.memory_space<hbm>> -> memref<1024xf32, #tpu.memory_space<hbm>>
        %dma_start3A_984 = arith.constant 2048 : i32
        %dma_start3A_985 = tpu.memref_slice %arg10[%dma_start3A_984] : memref<16384xf32, #tpu.memory_space<vmem>> -> memref<1024xf32, #tpu.memory_space<vmem>>
        tpu.enqueue_dma source(%dma_start3A_985 : memref<1024xf32, #tpu.memory_space<vmem>>) target(%dma_start3A_983 : memref<1024xf32, #tpu.memory_space<hbm>>) target_semaphore(%arg14 : memref<!tpu.dma_semaphore, #tpu.memory_space<semaphore_mem>>)
        %add3A_986 = arith.constant 0 : i32
        %add3A_987 = arith.addi %mul3A_2, %add3A_986 : i32
        %dma_start3A_988 = arith.constant 3 : i32
        %dma_start3A_989 = arith.constant 3072 : i32
        %dma_start3A_990 = tpu.memref_slice %arg10[%dma_start3A_989] : memref<16384xf32, #tpu.memory_space<vmem>> -> memref<1024xf32, #tpu.memory_space<vmem>>
        %dma_start3A_991 = arith.constant 0 : i32
        %dma_start3A_992 = tpu.memref_slice %arg4[%sub3A_946, %dma_start3A_988, %add3A_987, %dma_start3A_991] : memref<50x4x128x1024xf32, #tpu.memory_space<hbm>> -> memref<1x1x1x1024xf32, #tpu.memory_space<hbm>>
        %dma_start3A_993 = tpu.memref_squeeze %dma_start3A_992 : memref<1x1x1x1024xf32, #tpu.memory_space<hbm>> -> memref<1024xf32, #tpu.memory_space<hbm>>
        %dma_start3A_994 = arith.constant 0 : i32
        %dma_start3A_995 = tpu.memref_slice %arg4[%sub3A_946, %dma_start3A_988, %add3A_987, %dma_start3A_994] : memref<50x4x128x1024xf32, #tpu.memory_space<hbm>> -> memref<1x1x1x1024xf32, #tpu.memory_space<hbm>>
        %dma_start3A_996 = tpu.memref_squeeze %dma_start3A_995 : memref<1x1x1x1024xf32, #tpu.memory_space<hbm>> -> memref<1024xf32, #tpu.memory_space<hbm>>
        %dma_start3A_997 = arith.constant 3072 : i32
        %dma_start3A_998 = tpu.memref_slice %arg10[%dma_start3A_997] : memref<16384xf32, #tpu.memory_space<vmem>> -> memref<1024xf32, #tpu.memory_space<vmem>>
        tpu.enqueue_dma source(%dma_start3A_998 : memref<1024xf32, #tpu.memory_space<vmem>>) target(%dma_start3A_996 : memref<1024xf32, #tpu.memory_space<hbm>>) target_semaphore(%arg14 : memref<!tpu.dma_semaphore, #tpu.memory_space<semaphore_mem>>)
        %add3A_999 = arith.constant 1 : i32
        %add3A_1000 = arith.addi %mul3A_2, %add3A_999 : i32
        %dma_start3A_1001 = arith.constant 0 : i32
        %dma_start3A_1002 = arith.constant 4096 : i32
        %dma_start3A_1003 = tpu.memref_slice %arg10[%dma_start3A_1002] : memref<16384xf32, #tpu.memory_space<vmem>> -> memref<1024xf32, #tpu.memory_space<vmem>>
        %dma_start3A_1004 = arith.constant 0 : i32
        %dma_start3A_1005 = tpu.memref_slice %arg4[%sub3A_946, %dma_start3A_1001, %add3A_1000, %dma_start3A_1004] : memref<50x4x128x1024xf32, #tpu.memory_space<hbm>> -> memref<1x1x1x1024xf32, #tpu.memory_space<hbm>>
        %dma_start3A_1006 = tpu.memref_squeeze %dma_start3A_1005 : memref<1x1x1x1024xf32, #tpu.memory_space<hbm>> -> memref<1024xf32, #tpu.memory_space<hbm>>
        %dma_start3A_1007 = arith.constant 0 : i32
        %dma_start3A_1008 = tpu.memref_slice %arg4[%sub3A_946, %dma_start3A_1001, %add3A_1000, %dma_start3A_1007] : memref<50x4x128x1024xf32, #tpu.memory_space<hbm>> -> memref<1x1x1x1024xf32, #tpu.memory_space<hbm>>
        %dma_start3A_1009 = tpu.memref_squeeze %dma_start3A_1008 : memref<1x1x1x1024xf32, #tpu.memory_space<hbm>> -> memref<1024xf32, #tpu.memory_space<hbm>>
        %dma_start3A_1010 = arith.constant 4096 : i32
        %dma_start3A_1011 = tpu.memref_slice %arg10[%dma_start3A_1010] : memref<16384xf32, #tpu.memory_space<vmem>> -> memref<1024xf32, #tpu.memory_space<vmem>>
        tpu.enqueue_dma source(%dma_start3A_1011 : memref<1024xf32, #tpu.memory_space<vmem>>) target(%dma_start3A_1009 : memref<1024xf32, #tpu.memory_space<hbm>>) target_semaphore(%arg14 : memref<!tpu.dma_semaphore, #tpu.memory_space<semaphore_mem>>)
        %add3A_1012 = arith.constant 1 : i32
        %add3A_1013 = arith.addi %mul3A_2, %add3A_1012 : i32
        %dma_start3A_1014 = arith.constant 1 : i32
        %dma_start3A_1015 = arith.constant 5120 : i32
        %dma_start3A_1016 = tpu.memref_slice %arg10[%dma_start3A_1015] : memref<16384xf32, #tpu.memory_space<vmem>> -> memref<1024xf32, #tpu.memory_space<vmem>>
        %dma_start3A_1017 = arith.constant 0 : i32
        %dma_start3A_1018 = tpu.memref_slice %arg4[%sub3A_946, %dma_start3A_1014, %add3A_1013, %dma_start3A_1017] : memref<50x4x128x1024xf32, #tpu.memory_space<hbm>> -> memref<1x1x1x1024xf32, #tpu.memory_space<hbm>>
        %dma_start3A_1019 = tpu.memref_squeeze %dma_start3A_1018 : memref<1x1x1x1024xf32, #tpu.memory_space<hbm>> -> memref<1024xf32, #tpu.memory_space<hbm>>
        %dma_start3A_1020 = arith.constant 0 : i32
        %dma_start3A_1021 = tpu.memref_slice %arg4[%sub3A_946, %dma_start3A_1014, %add3A_1013, %dma_start3A_1020] : memref<50x4x128x1024xf32, #tpu.memory_space<hbm>> -> memref<1x1x1x1024xf32, #tpu.memory_space<hbm>>
        %dma_start3A_1022 = tpu.memref_squeeze %dma_start3A_1021 : memref<1x1x1x1024xf32, #tpu.memory_space<hbm>> -> memref<1024xf32, #tpu.memory_space<hbm>>
        %dma_start3A_1023 = arith.constant 5120 : i32
        %dma_start3A_1024 = tpu.memref_slice %arg10[%dma_start3A_1023] : memref<16384xf32, #tpu.memory_space<vmem>> -> memref<1024xf32, #tpu.memory_space<vmem>>
        tpu.enqueue_dma source(%dma_start3A_1024 : memref<1024xf32, #tpu.memory_space<vmem>>) target(%dma_start3A_1022 : memref<1024xf32, #tpu.memory_space<hbm>>) target_semaphore(%arg14 : memref<!tpu.dma_semaphore, #tpu.memory_space<semaphore_mem>>)
        %add3A_1025 = arith.constant 1 : i32
        %add3A_1026 = arith.addi %mul3A_2, %add3A_1025 : i32
        %dma_start3A_1027 = arith.constant 2 : i32
        %dma_start3A_1028 = arith.constant 6144 : i32
        %dma_start3A_1029 = tpu.memref_slice %arg10[%dma_start3A_1028] : memref<16384xf32, #tpu.memory_space<vmem>> -> memref<1024xf32, #tpu.memory_space<vmem>>
        %dma_start3A_1030 = arith.constant 0 : i32
        %dma_start3A_1031 = tpu.memref_slice %arg4[%sub3A_946, %dma_start3A_1027, %add3A_1026, %dma_start3A_1030] : memref<50x4x128x1024xf32, #tpu.memory_space<hbm>> -> memref<1x1x1x1024xf32, #tpu.memory_space<hbm>>
        %dma_start3A_1032 = tpu.memref_squeeze %dma_start3A_1031 : memref<1x1x1x1024xf32, #tpu.memory_space<hbm>> -> memref<1024xf32, #tpu.memory_space<hbm>>
        %dma_start3A_1033 = arith.constant 0 : i32
        %dma_start3A_1034 = tpu.memref_slice %arg4[%sub3A_946, %dma_start3A_1027, %add3A_1026, %dma_start3A_1033] : memref<50x4x128x1024xf32, #tpu.memory_space<hbm>> -> memref<1x1x1x1024xf32, #tpu.memory_space<hbm>>
        %dma_start3A_1035 = tpu.memref_squeeze %dma_start3A_1034 : memref<1x1x1x1024xf32, #tpu.memory_space<hbm>> -> memref<1024xf32, #tpu.memory_space<hbm>>
        %dma_start3A_1036 = arith.constant 6144 : i32
        %dma_start3A_1037 = tpu.memref_slice %arg10[%dma_start3A_1036] : memref<16384xf32, #tpu.memory_space<vmem>> -> memref<1024xf32, #tpu.memory_space<vmem>>
        tpu.enqueue_dma source(%dma_start3A_1037 : memref<1024xf32, #tpu.memory_space<vmem>>) target(%dma_start3A_1035 : memref<1024xf32, #tpu.memory_space<hbm>>) target_semaphore(%arg14 : memref<!tpu.dma_semaphore, #tpu.memory_space<semaphore_mem>>)
        %add3A_1038 = arith.constant 1 : i32
        %add3A_1039 = arith.addi %mul3A_2, %add3A_1038 : i32
        %dma_start3A_1040 = arith.constant 3 : i32
        %dma_start3A_1041 = arith.constant 7168 : i32
        %dma_start3A_1042 = tpu.memref_slice %arg10[%dma_start3A_1041] : memref<16384xf32, #tpu.memory_space<vmem>> -> memref<1024xf32, #tpu.memory_space<vmem>>
        %dma_start3A_1043 = arith.constant 0 : i32
        %dma_start3A_1044 = tpu.memref_slice %arg4[%sub3A_946, %dma_start3A_1040, %add3A_1039, %dma_start3A_1043] : memref<50x4x128x1024xf32, #tpu.memory_space<hbm>> -> memref<1x1x1x1024xf32, #tpu.memory_space<hbm>>
        %dma_start3A_1045 = tpu.memref_squeeze %dma_start3A_1044 : memref<1x1x1x1024xf32, #tpu.memory_space<hbm>> -> memref<1024xf32, #tpu.memory_space<hbm>>
        %dma_start3A_1046 = arith.constant 0 : i32
        %dma_start3A_1047 = tpu.memref_slice %arg4[%sub3A_946, %dma_start3A_1040, %add3A_1039, %dma_start3A_1046] : memref<50x4x128x1024xf32, #tpu.memory_space<hbm>> -> memref<1x1x1x1024xf32, #tpu.memory_space<hbm>>
        %dma_start3A_1048 = tpu.memref_squeeze %dma_start3A_1047 : memref<1x1x1x1024xf32, #tpu.memory_space<hbm>> -> memref<1024xf32, #tpu.memory_space<hbm>>
        %dma_start3A_1049 = arith.constant 7168 : i32
        %dma_start3A_1050 = tpu.memref_slice %arg10[%dma_start3A_1049] : memref<16384xf32, #tpu.memory_space<vmem>> -> memref<1024xf32, #tpu.memory_space<vmem>>
        tpu.enqueue_dma source(%dma_start3A_1050 : memref<1024xf32, #tpu.memory_space<vmem>>) target(%dma_start3A_1048 : memref<1024xf32, #tpu.memory_space<hbm>>) target_semaphore(%arg14 : memref<!tpu.dma_semaphore, #tpu.memory_space<semaphore_mem>>)
        %add3A_1051 = arith.constant 2 : i32
        %add3A_1052 = arith.addi %mul3A_2, %add3A_1051 : i32
        %dma_start3A_1053 = arith.constant 0 : i32
        %dma_start3A_1054 = arith.constant 8192 : i32
        %dma_start3A_1055 = tpu.memref_slice %arg10[%dma_start3A_1054] : memref<16384xf32, #tpu.memory_space<vmem>> -> memref<1024xf32, #tpu.memory_space<vmem>>
        %dma_start3A_1056 = arith.constant 0 : i32
        %dma_start3A_1057 = tpu.memref_slice %arg4[%sub3A_946, %dma_start3A_1053, %add3A_1052, %dma_start3A_1056] : memref<50x4x128x1024xf32, #tpu.memory_space<hbm>> -> memref<1x1x1x1024xf32, #tpu.memory_space<hbm>>
        %dma_start3A_1058 = tpu.memref_squeeze %dma_start3A_1057 : memref<1x1x1x1024xf32, #tpu.memory_space<hbm>> -> memref<1024xf32, #tpu.memory_space<hbm>>
        %dma_start3A_1059 = arith.constant 0 : i32
        %dma_start3A_1060 = tpu.memref_slice %arg4[%sub3A_946, %dma_start3A_1053, %add3A_1052, %dma_start3A_1059] : memref<50x4x128x1024xf32, #tpu.memory_space<hbm>> -> memref<1x1x1x1024xf32, #tpu.memory_space<hbm>>
        %dma_start3A_1061 = tpu.memref_squeeze %dma_start3A_1060 : memref<1x1x1x1024xf32, #tpu.memory_space<hbm>> -> memref<1024xf32, #tpu.memory_space<hbm>>
        %dma_start3A_1062 = arith.constant 8192 : i32
        %dma_start3A_1063 = tpu.memref_slice %arg10[%dma_start3A_1062] : memref<16384xf32, #tpu.memory_space<vmem>> -> memref<1024xf32, #tpu.memory_space<vmem>>
        tpu.enqueue_dma source(%dma_start3A_1063 : memref<1024xf32, #tpu.memory_space<vmem>>) target(%dma_start3A_1061 : memref<1024xf32, #tpu.memory_space<hbm>>) target_semaphore(%arg14 : memref<!tpu.dma_semaphore, #tpu.memory_space<semaphore_mem>>)
        %add3A_1064 = arith.constant 2 : i32
        %add3A_1065 = arith.addi %mul3A_2, %add3A_1064 : i32
        %dma_start3A_1066 = arith.constant 1 : i32
        %dma_start3A_1067 = arith.constant 9216 : i32
        %dma_start3A_1068 = tpu.memref_slice %arg10[%dma_start3A_1067] : memref<16384xf32, #tpu.memory_space<vmem>> -> memref<1024xf32, #tpu.memory_space<vmem>>
        %dma_start3A_1069 = arith.constant 0 : i32
        %dma_start3A_1070 = tpu.memref_slice %arg4[%sub3A_946, %dma_start3A_1066, %add3A_1065, %dma_start3A_1069] : memref<50x4x128x1024xf32, #tpu.memory_space<hbm>> -> memref<1x1x1x1024xf32, #tpu.memory_space<hbm>>
        %dma_start3A_1071 = tpu.memref_squeeze %dma_start3A_1070 : memref<1x1x1x1024xf32, #tpu.memory_space<hbm>> -> memref<1024xf32, #tpu.memory_space<hbm>>
        %dma_start3A_1072 = arith.constant 0 : i32
        %dma_start3A_1073 = tpu.memref_slice %arg4[%sub3A_946, %dma_start3A_1066, %add3A_1065, %dma_start3A_1072] : memref<50x4x128x1024xf32, #tpu.memory_space<hbm>> -> memref<1x1x1x1024xf32, #tpu.memory_space<hbm>>
        %dma_start3A_1074 = tpu.memref_squeeze %dma_start3A_1073 : memref<1x1x1x1024xf32, #tpu.memory_space<hbm>> -> memref<1024xf32, #tpu.memory_space<hbm>>
        %dma_start3A_1075 = arith.constant 9216 : i32
        %dma_start3A_1076 = tpu.memref_slice %arg10[%dma_start3A_1075] : memref<16384xf32, #tpu.memory_space<vmem>> -> memref<1024xf32, #tpu.memory_space<vmem>>
        tpu.enqueue_dma source(%dma_start3A_1076 : memref<1024xf32, #tpu.memory_space<vmem>>) target(%dma_start3A_1074 : memref<1024xf32, #tpu.memory_space<hbm>>) target_semaphore(%arg14 : memref<!tpu.dma_semaphore, #tpu.memory_space<semaphore_mem>>)
        %add3A_1077 = arith.constant 2 : i32
        %add3A_1078 = arith.addi %mul3A_2, %add3A_1077 : i32
        %dma_start3A_1079 = arith.constant 2 : i32
        %dma_start3A_1080 = arith.constant 10240 : i32
        %dma_start3A_1081 = tpu.memref_slice %arg10[%dma_start3A_1080] : memref<16384xf32, #tpu.memory_space<vmem>> -> memref<1024xf32, #tpu.memory_space<vmem>>
        %dma_start3A_1082 = arith.constant 0 : i32
        %dma_start3A_1083 = tpu.memref_slice %arg4[%sub3A_946, %dma_start3A_1079, %add3A_1078, %dma_start3A_1082] : memref<50x4x128x1024xf32, #tpu.memory_space<hbm>> -> memref<1x1x1x1024xf32, #tpu.memory_space<hbm>>
        %dma_start3A_1084 = tpu.memref_squeeze %dma_start3A_1083 : memref<1x1x1x1024xf32, #tpu.memory_space<hbm>> -> memref<1024xf32, #tpu.memory_space<hbm>>
        %dma_start3A_1085 = arith.constant 0 : i32
        %dma_start3A_1086 = tpu.memref_slice %arg4[%sub3A_946, %dma_start3A_1079, %add3A_1078, %dma_start3A_1085] : memref<50x4x128x1024xf32, #tpu.memory_space<hbm>> -> memref<1x1x1x1024xf32, #tpu.memory_space<hbm>>
        %dma_start3A_1087 = tpu.memref_squeeze %dma_start3A_1086 : memref<1x1x1x1024xf32, #tpu.memory_space<hbm>> -> memref<1024xf32, #tpu.memory_space<hbm>>
        %dma_start3A_1088 = arith.constant 10240 : i32
        %dma_start3A_1089 = tpu.memref_slice %arg10[%dma_start3A_1088] : memref<16384xf32, #tpu.memory_space<vmem>> -> memref<1024xf32, #tpu.memory_space<vmem>>
        tpu.enqueue_dma source(%dma_start3A_1089 : memref<1024xf32, #tpu.memory_space<vmem>>) target(%dma_start3A_1087 : memref<1024xf32, #tpu.memory_space<hbm>>) target_semaphore(%arg14 : memref<!tpu.dma_semaphore, #tpu.memory_space<semaphore_mem>>)
        %add3A_1090 = arith.constant 2 : i32
        %add3A_1091 = arith.addi %mul3A_2, %add3A_1090 : i32
        %dma_start3A_1092 = arith.constant 3 : i32
        %dma_start3A_1093 = arith.constant 11264 : i32
        %dma_start3A_1094 = tpu.memref_slice %arg10[%dma_start3A_1093] : memref<16384xf32, #tpu.memory_space<vmem>> -> memref<1024xf32, #tpu.memory_space<vmem>>
        %dma_start3A_1095 = arith.constant 0 : i32
        %dma_start3A_1096 = tpu.memref_slice %arg4[%sub3A_946, %dma_start3A_1092, %add3A_1091, %dma_start3A_1095] : memref<50x4x128x1024xf32, #tpu.memory_space<hbm>> -> memref<1x1x1x1024xf32, #tpu.memory_space<hbm>>
        %dma_start3A_1097 = tpu.memref_squeeze %dma_start3A_1096 : memref<1x1x1x1024xf32, #tpu.memory_space<hbm>> -> memref<1024xf32, #tpu.memory_space<hbm>>
        %dma_start3A_1098 = arith.constant 0 : i32
        %dma_start3A_1099 = tpu.memref_slice %arg4[%sub3A_946, %dma_start3A_1092, %add3A_1091, %dma_start3A_1098] : memref<50x4x128x1024xf32, #tpu.memory_space<hbm>> -> memref<1x1x1x1024xf32, #tpu.memory_space<hbm>>
        %dma_start3A_1100 = tpu.memref_squeeze %dma_start3A_1099 : memref<1x1x1x1024xf32, #tpu.memory_space<hbm>> -> memref<1024xf32, #tpu.memory_space<hbm>>
        %dma_start3A_1101 = arith.constant 11264 : i32
        %dma_start3A_1102 = tpu.memref_slice %arg10[%dma_start3A_1101] : memref<16384xf32, #tpu.memory_space<vmem>> -> memref<1024xf32, #tpu.memory_space<vmem>>
        tpu.enqueue_dma source(%dma_start3A_1102 : memref<1024xf32, #tpu.memory_space<vmem>>) target(%dma_start3A_1100 : memref<1024xf32, #tpu.memory_space<hbm>>) target_semaphore(%arg14 : memref<!tpu.dma_semaphore, #tpu.memory_space<semaphore_mem>>)
        %add3A_1103 = arith.constant 3 : i32
        %add3A_1104 = arith.addi %mul3A_2, %add3A_1103 : i32
        %dma_start3A_1105 = arith.constant 0 : i32
        %dma_start3A_1106 = arith.constant 12288 : i32
        %dma_start3A_1107 = tpu.memref_slice %arg10[%dma_start3A_1106] : memref<16384xf32, #tpu.memory_space<vmem>> -> memref<1024xf32, #tpu.memory_space<vmem>>
        %dma_start3A_1108 = arith.constant 0 : i32
        %dma_start3A_1109 = tpu.memref_slice %arg4[%sub3A_946, %dma_start3A_1105, %add3A_1104, %dma_start3A_1108] : memref<50x4x128x1024xf32, #tpu.memory_space<hbm>> -> memref<1x1x1x1024xf32, #tpu.memory_space<hbm>>
        %dma_start3A_1110 = tpu.memref_squeeze %dma_start3A_1109 : memref<1x1x1x1024xf32, #tpu.memory_space<hbm>> -> memref<1024xf32, #tpu.memory_space<hbm>>
        %dma_start3A_1111 = arith.constant 0 : i32
        %dma_start3A_1112 = tpu.memref_slice %arg4[%sub3A_946, %dma_start3A_1105, %add3A_1104, %dma_start3A_1111] : memref<50x4x128x1024xf32, #tpu.memory_space<hbm>> -> memref<1x1x1x1024xf32, #tpu.memory_space<hbm>>
        %dma_start3A_1113 = tpu.memref_squeeze %dma_start3A_1112 : memref<1x1x1x1024xf32, #tpu.memory_space<hbm>> -> memref<1024xf32, #tpu.memory_space<hbm>>
        %dma_start3A_1114 = arith.constant 12288 : i32
        %dma_start3A_1115 = tpu.memref_slice %arg10[%dma_start3A_1114] : memref<16384xf32, #tpu.memory_space<vmem>> -> memref<1024xf32, #tpu.memory_space<vmem>>
        tpu.enqueue_dma source(%dma_start3A_1115 : memref<1024xf32, #tpu.memory_space<vmem>>) target(%dma_start3A_1113 : memref<1024xf32, #tpu.memory_space<hbm>>) target_semaphore(%arg14 : memref<!tpu.dma_semaphore, #tpu.memory_space<semaphore_mem>>)
        %add3A_1116 = arith.constant 3 : i32
        %add3A_1117 = arith.addi %mul3A_2, %add3A_1116 : i32
        %dma_start3A_1118 = arith.constant 1 : i32
        %dma_start3A_1119 = arith.constant 13312 : i32
        %dma_start3A_1120 = tpu.memref_slice %arg10[%dma_start3A_1119] : memref<16384xf32, #tpu.memory_space<vmem>> -> memref<1024xf32, #tpu.memory_space<vmem>>
        %dma_start3A_1121 = arith.constant 0 : i32
        %dma_start3A_1122 = tpu.memref_slice %arg4[%sub3A_946, %dma_start3A_1118, %add3A_1117, %dma_start3A_1121] : memref<50x4x128x1024xf32, #tpu.memory_space<hbm>> -> memref<1x1x1x1024xf32, #tpu.memory_space<hbm>>
        %dma_start3A_1123 = tpu.memref_squeeze %dma_start3A_1122 : memref<1x1x1x1024xf32, #tpu.memory_space<hbm>> -> memref<1024xf32, #tpu.memory_space<hbm>>
        %dma_start3A_1124 = arith.constant 0 : i32
        %dma_start3A_1125 = tpu.memref_slice %arg4[%sub3A_946, %dma_start3A_1118, %add3A_1117, %dma_start3A_1124] : memref<50x4x128x1024xf32, #tpu.memory_space<hbm>> -> memref<1x1x1x1024xf32, #tpu.memory_space<hbm>>
        %dma_start3A_1126 = tpu.memref_squeeze %dma_start3A_1125 : memref<1x1x1x1024xf32, #tpu.memory_space<hbm>> -> memref<1024xf32, #tpu.memory_space<hbm>>
        %dma_start3A_1127 = arith.constant 13312 : i32
        %dma_start3A_1128 = tpu.memref_slice %arg10[%dma_start3A_1127] : memref<16384xf32, #tpu.memory_space<vmem>> -> memref<1024xf32, #tpu.memory_space<vmem>>
        tpu.enqueue_dma source(%dma_start3A_1128 : memref<1024xf32, #tpu.memory_space<vmem>>) target(%dma_start3A_1126 : memref<1024xf32, #tpu.memory_space<hbm>>) target_semaphore(%arg14 : memref<!tpu.dma_semaphore, #tpu.memory_space<semaphore_mem>>)
        %add3A_1129 = arith.constant 3 : i32
        %add3A_1130 = arith.addi %mul3A_2, %add3A_1129 : i32
        %dma_start3A_1131 = arith.constant 2 : i32
        %dma_start3A_1132 = arith.constant 14336 : i32
        %dma_start3A_1133 = tpu.memref_slice %arg10[%dma_start3A_1132] : memref<16384xf32, #tpu.memory_space<vmem>> -> memref<1024xf32, #tpu.memory_space<vmem>>
        %dma_start3A_1134 = arith.constant 0 : i32
        %dma_start3A_1135 = tpu.memref_slice %arg4[%sub3A_946, %dma_start3A_1131, %add3A_1130, %dma_start3A_1134] : memref<50x4x128x1024xf32, #tpu.memory_space<hbm>> -> memref<1x1x1x1024xf32, #tpu.memory_space<hbm>>
        %dma_start3A_1136 = tpu.memref_squeeze %dma_start3A_1135 : memref<1x1x1x1024xf32, #tpu.memory_space<hbm>> -> memref<1024xf32, #tpu.memory_space<hbm>>
        %dma_start3A_1137 = arith.constant 0 : i32
        %dma_start3A_1138 = tpu.memref_slice %arg4[%sub3A_946, %dma_start3A_1131, %add3A_1130, %dma_start3A_1137] : memref<50x4x128x1024xf32, #tpu.memory_space<hbm>> -> memref<1x1x1x1024xf32, #tpu.memory_space<hbm>>
        %dma_start3A_1139 = tpu.memref_squeeze %dma_start3A_1138 : memref<1x1x1x1024xf32, #tpu.memory_space<hbm>> -> memref<1024xf32, #tpu.memory_space<hbm>>
        %dma_start3A_1140 = arith.constant 14336 : i32
        %dma_start3A_1141 = tpu.memref_slice %arg10[%dma_start3A_1140] : memref<16384xf32, #tpu.memory_space<vmem>> -> memref<1024xf32, #tpu.memory_space<vmem>>
        tpu.enqueue_dma source(%dma_start3A_1141 : memref<1024xf32, #tpu.memory_space<vmem>>) target(%dma_start3A_1139 : memref<1024xf32, #tpu.memory_space<hbm>>) target_semaphore(%arg14 : memref<!tpu.dma_semaphore, #tpu.memory_space<semaphore_mem>>)
        %add3A_1142 = arith.constant 3 : i32
        %add3A_1143 = arith.addi %mul3A_2, %add3A_1142 : i32
        %dma_start3A_1144 = arith.constant 3 : i32
        %dma_start3A_1145 = arith.constant 15360 : i32
        %dma_start3A_1146 = tpu.memref_slice %arg10[%dma_start3A_1145] : memref<16384xf32, #tpu.memory_space<vmem>> -> memref<1024xf32, #tpu.memory_space<vmem>>
        %dma_start3A_1147 = arith.constant 0 : i32
        %dma_start3A_1148 = tpu.memref_slice %arg4[%sub3A_946, %dma_start3A_1144, %add3A_1143, %dma_start3A_1147] : memref<50x4x128x1024xf32, #tpu.memory_space<hbm>> -> memref<1x1x1x1024xf32, #tpu.memory_space<hbm>>
        %dma_start3A_1149 = tpu.memref_squeeze %dma_start3A_1148 : memref<1x1x1x1024xf32, #tpu.memory_space<hbm>> -> memref<1024xf32, #tpu.memory_space<hbm>>
        %dma_start3A_1150 = arith.constant 0 : i32
        %dma_start3A_1151 = tpu.memref_slice %arg4[%sub3A_946, %dma_start3A_1144, %add3A_1143, %dma_start3A_1150] : memref<50x4x128x1024xf32, #tpu.memory_space<hbm>> -> memref<1x1x1x1024xf32, #tpu.memory_space<hbm>>
        %dma_start3A_1152 = tpu.memref_squeeze %dma_start3A_1151 : memref<1x1x1x1024xf32, #tpu.memory_space<hbm>> -> memref<1024xf32, #tpu.memory_space<hbm>>
        %dma_start3A_1153 = arith.constant 15360 : i32
        %dma_start3A_1154 = tpu.memref_slice %arg10[%dma_start3A_1153] : memref<16384xf32, #tpu.memory_space<vmem>> -> memref<1024xf32, #tpu.memory_space<vmem>>
        tpu.enqueue_dma source(%dma_start3A_1154 : memref<1024xf32, #tpu.memory_space<vmem>>) target(%dma_start3A_1152 : memref<1024xf32, #tpu.memory_space<hbm>>) target_semaphore(%arg14 : memref<!tpu.dma_semaphore, #tpu.memory_space<semaphore_mem>>)
      } else {
      }
      %mul3A_707 = arith.constant 2 : i32
      %mul3A_708 = arith.muli %mul3A_707, %scan3A_687 : i32
      %add3A_709 = arith.constant 1 : i32
      %add3A_710 = arith.addi %mul3A_708, %add3A_709 : i32
      %gt3A_711 = arith.constant 0 : i32
      %gt3A_712 = arith.cmpi sgt, %scan3A_687, %gt3A_711 : i32
      %convert_element_type3A_713 = arith.extui %gt3A_712 : i1 to i32
      %cond3A_714 = arith.constant 0 : i32
      %cond3A_715 = arith.cmpi ne, %convert_element_type3A_713, %cond3A_714 : i32
      scf.if %cond3A_715 {
        %dma_wait3A_939 = arith.constant 0 : i32
        %dma_wait3A_940 = arith.constant 0 : i32
        %dma_wait3A_941 = arith.constant 0 : i32
        %dma_wait3A_942 = arith.constant 0 : i32
        %dma_wait3A_943 = tpu.memref_slice %arg10[%dma_wait3A_942] : memref<16384xf32, #tpu.memory_space<vmem>> -> memref<1024xf32, #tpu.memory_space<vmem>>
        %dma_wait3A_944 = arith.constant 0 : i32
        %dma_wait3A_945 = tpu.memref_slice %arg4[%dma_wait3A_939, %dma_wait3A_940, %dma_wait3A_941, %dma_wait3A_944] : memref<50x4x128x1024xf32, #tpu.memory_space<hbm>> -> memref<1x1x1x1024xf32, #tpu.memory_space<hbm>>
        %dma_wait3A_946 = tpu.memref_squeeze %dma_wait3A_945 : memref<1x1x1x1024xf32, #tpu.memory_space<hbm>> -> memref<1024xf32, #tpu.memory_space<hbm>>
        %dma_wait3A_947 = arith.constant 0 : i32
        %dma_wait3A_948 = tpu.memref_slice %arg4[%dma_wait3A_939, %dma_wait3A_940, %dma_wait3A_941, %dma_wait3A_947] : memref<50x4x128x1024xf32, #tpu.memory_space<hbm>> -> memref<1x1x1x1024xf32, #tpu.memory_space<hbm>>
        %dma_wait3A_949 = tpu.memref_squeeze %dma_wait3A_948 : memref<1x1x1x1024xf32, #tpu.memory_space<hbm>> -> memref<1024xf32, #tpu.memory_space<hbm>>
        %dma_wait3A_950 = arith.constant 0 : i32
        %dma_wait3A_951 = tpu.memref_slice %arg10[%dma_wait3A_950] : memref<16384xf32, #tpu.memory_space<vmem>> -> memref<1024xf32, #tpu.memory_space<vmem>>
        tpu.wait_dma2 semaphore(%arg14 : memref<!tpu.dma_semaphore, #tpu.memory_space<semaphore_mem>>) src(%dma_wait3A_951 : memref<1024xf32, #tpu.memory_space<vmem>>) dst(%dma_wait3A_949 : memref<1024xf32, #tpu.memory_space<hbm>>)
        %dma_wait3A_952 = arith.constant 0 : i32
        %dma_wait3A_953 = arith.constant 0 : i32
        %dma_wait3A_954 = arith.constant 0 : i32
        %dma_wait3A_955 = arith.constant 0 : i32
        %dma_wait3A_956 = tpu.memref_slice %arg10[%dma_wait3A_955] : memref<16384xf32, #tpu.memory_space<vmem>> -> memref<1024xf32, #tpu.memory_space<vmem>>
        %dma_wait3A_957 = arith.constant 0 : i32
        %dma_wait3A_958 = tpu.memref_slice %arg4[%dma_wait3A_952, %dma_wait3A_953, %dma_wait3A_954, %dma_wait3A_957] : memref<50x4x128x1024xf32, #tpu.memory_space<hbm>> -> memref<1x1x1x1024xf32, #tpu.memory_space<hbm>>
        %dma_wait3A_959 = tpu.memref_squeeze %dma_wait3A_958 : memref<1x1x1x1024xf32, #tpu.memory_space<hbm>> -> memref<1024xf32, #tpu.memory_space<hbm>>
        %dma_wait3A_960 = arith.constant 0 : i32
        %dma_wait3A_961 = tpu.memref_slice %arg4[%dma_wait3A_952, %dma_wait3A_953, %dma_wait3A_954, %dma_wait3A_960] : memref<50x4x128x1024xf32, #tpu.memory_space<hbm>> -> memref<1x1x1x1024xf32, #tpu.memory_space<hbm>>
        %dma_wait3A_962 = tpu.memref_squeeze %dma_wait3A_961 : memref<1x1x1x1024xf32, #tpu.memory_space<hbm>> -> memref<1024xf32, #tpu.memory_space<hbm>>
        %dma_wait3A_963 = arith.constant 0 : i32
        %dma_wait3A_964 = tpu.memref_slice %arg10[%dma_wait3A_963] : memref<16384xf32, #tpu.memory_space<vmem>> -> memref<1024xf32, #tpu.memory_space<vmem>>
        tpu.wait_dma2 semaphore(%arg14 : memref<!tpu.dma_semaphore, #tpu.memory_space<semaphore_mem>>) src(%dma_wait3A_964 : memref<1024xf32, #tpu.memory_space<vmem>>) dst(%dma_wait3A_962 : memref<1024xf32, #tpu.memory_space<hbm>>)
        %dma_wait3A_965 = arith.constant 0 : i32
        %dma_wait3A_966 = arith.constant 0 : i32
        %dma_wait3A_967 = arith.constant 0 : i32
        %dma_wait3A_968 = arith.constant 0 : i32
        %dma_wait3A_969 = tpu.memref_slice %arg10[%dma_wait3A_968] : memref<16384xf32, #tpu.memory_space<vmem>> -> memref<1024xf32, #tpu.memory_space<vmem>>
        %dma_wait3A_970 = arith.constant 0 : i32
        %dma_wait3A_971 = tpu.memref_slice %arg4[%dma_wait3A_965, %dma_wait3A_966, %dma_wait3A_967, %dma_wait3A_970] : memref<50x4x128x1024xf32, #tpu.memory_space<hbm>> -> memref<1x1x1x1024xf32, #tpu.memory_space<hbm>>
        %dma_wait3A_972 = tpu.memref_squeeze %dma_wait3A_971 : memref<1x1x1x1024xf32, #tpu.memory_space<hbm>> -> memref<1024xf32, #tpu.memory_space<hbm>>
        %dma_wait3A_973 = arith.constant 0 : i32
        %dma_wait3A_974 = tpu.memref_slice %arg4[%dma_wait3A_965, %dma_wait3A_966, %dma_wait3A_967, %dma_wait3A_973] : memref<50x4x128x1024xf32, #tpu.memory_space<hbm>> -> memref<1x1x1x1024xf32, #tpu.memory_space<hbm>>
        %dma_wait3A_975 = tpu.memref_squeeze %dma_wait3A_974 : memref<1x1x1x1024xf32, #tpu.memory_space<hbm>> -> memref<1024xf32, #tpu.memory_space<hbm>>
        %dma_wait3A_976 = arith.constant 0 : i32
        %dma_wait3A_977 = tpu.memref_slice %arg10[%dma_wait3A_976] : memref<16384xf32, #tpu.memory_space<vmem>> -> memref<1024xf32, #tpu.memory_space<vmem>>
        tpu.wait_dma2 semaphore(%arg14 : memref<!tpu.dma_semaphore, #tpu.memory_space<semaphore_mem>>) src(%dma_wait3A_977 : memref<1024xf32, #tpu.memory_space<vmem>>) dst(%dma_wait3A_975 : memref<1024xf32, #tpu.memory_space<hbm>>)
        %dma_wait3A_978 = arith.constant 0 : i32
        %dma_wait3A_979 = arith.constant 0 : i32
        %dma_wait3A_980 = arith.constant 0 : i32
        %dma_wait3A_981 = arith.constant 0 : i32
        %dma_wait3A_982 = tpu.memref_slice %arg10[%dma_wait3A_981] : memref<16384xf32, #tpu.memory_space<vmem>> -> memref<1024xf32, #tpu.memory_space<vmem>>
        %dma_wait3A_983 = arith.constant 0 : i32
        %dma_wait3A_984 = tpu.memref_slice %arg4[%dma_wait3A_978, %dma_wait3A_979, %dma_wait3A_980, %dma_wait3A_983] : memref<50x4x128x1024xf32, #tpu.memory_space<hbm>> -> memref<1x1x1x1024xf32, #tpu.memory_space<hbm>>
        %dma_wait3A_985 = tpu.memref_squeeze %dma_wait3A_984 : memref<1x1x1x1024xf32, #tpu.memory_space<hbm>> -> memref<1024xf32, #tpu.memory_space<hbm>>
        %dma_wait3A_986 = arith.constant 0 : i32
        %dma_wait3A_987 = tpu.memref_slice %arg4[%dma_wait3A_978, %dma_wait3A_979, %dma_wait3A_980, %dma_wait3A_986] : memref<50x4x128x1024xf32, #tpu.memory_space<hbm>> -> memref<1x1x1x1024xf32, #tpu.memory_space<hbm>>
        %dma_wait3A_988 = tpu.memref_squeeze %dma_wait3A_987 : memref<1x1x1x1024xf32, #tpu.memory_space<hbm>> -> memref<1024xf32, #tpu.memory_space<hbm>>
        %dma_wait3A_989 = arith.constant 0 : i32
        %dma_wait3A_990 = tpu.memref_slice %arg10[%dma_wait3A_989] : memref<16384xf32, #tpu.memory_space<vmem>> -> memref<1024xf32, #tpu.memory_space<vmem>>
        tpu.wait_dma2 semaphore(%arg14 : memref<!tpu.dma_semaphore, #tpu.memory_space<semaphore_mem>>) src(%dma_wait3A_990 : memref<1024xf32, #tpu.memory_space<vmem>>) dst(%dma_wait3A_988 : memref<1024xf32, #tpu.memory_space<hbm>>)
        %dma_wait3A_991 = arith.constant 0 : i32
        %dma_wait3A_992 = arith.constant 0 : i32
        %dma_wait3A_993 = arith.constant 0 : i32
        %dma_wait3A_994 = arith.constant 0 : i32
        %dma_wait3A_995 = tpu.memref_slice %arg10[%dma_wait3A_994] : memref<16384xf32, #tpu.memory_space<vmem>> -> memref<1024xf32, #tpu.memory_space<vmem>>
        %dma_wait3A_996 = arith.constant 0 : i32
        %dma_wait3A_997 = tpu.memref_slice %arg4[%dma_wait3A_991, %dma_wait3A_992, %dma_wait3A_993, %dma_wait3A_996] : memref<50x4x128x1024xf32, #tpu.memory_space<hbm>> -> memref<1x1x1x1024xf32, #tpu.memory_space<hbm>>
        %dma_wait3A_998 = tpu.memref_squeeze %dma_wait3A_997 : memref<1x1x1x1024xf32, #tpu.memory_space<hbm>> -> memref<1024xf32, #tpu.memory_space<hbm>>
        %dma_wait3A_999 = arith.constant 0 : i32
        %dma_wait3A_1000 = tpu.memref_slice %arg4[%dma_wait3A_991, %dma_wait3A_992, %dma_wait3A_993, %dma_wait3A_999] : memref<50x4x128x1024xf32, #tpu.memory_space<hbm>> -> memref<1x1x1x1024xf32, #tpu.memory_space<hbm>>
        %dma_wait3A_1001 = tpu.memref_squeeze %dma_wait3A_1000 : memref<1x1x1x1024xf32, #tpu.memory_space<hbm>> -> memref<1024xf32, #tpu.memory_space<hbm>>
        %dma_wait3A_1002 = arith.constant 0 : i32
        %dma_wait3A_1003 = tpu.memref_slice %arg10[%dma_wait3A_1002] : memref<16384xf32, #tpu.memory_space<vmem>> -> memref<1024xf32, #tpu.memory_space<vmem>>
        tpu.wait_dma2 semaphore(%arg14 : memref<!tpu.dma_semaphore, #tpu.memory_space<semaphore_mem>>) src(%dma_wait3A_1003 : memref<1024xf32, #tpu.memory_space<vmem>>) dst(%dma_wait3A_1001 : memref<1024xf32, #tpu.memory_space<hbm>>)
        %dma_wait3A_1004 = arith.constant 0 : i32
        %dma_wait3A_1005 = arith.constant 0 : i32
        %dma_wait3A_1006 = arith.constant 0 : i32
        %dma_wait3A_1007 = arith.constant 0 : i32
        %dma_wait3A_1008 = tpu.memref_slice %arg10[%dma_wait3A_1007] : memref<16384xf32, #tpu.memory_space<vmem>> -> memref<1024xf32, #tpu.memory_space<vmem>>
        %dma_wait3A_1009 = arith.constant 0 : i32
        %dma_wait3A_1010 = tpu.memref_slice %arg4[%dma_wait3A_1004, %dma_wait3A_1005, %dma_wait3A_1006, %dma_wait3A_1009] : memref<50x4x128x1024xf32, #tpu.memory_space<hbm>> -> memref<1x1x1x1024xf32, #tpu.memory_space<hbm>>
        %dma_wait3A_1011 = tpu.memref_squeeze %dma_wait3A_1010 : memref<1x1x1x1024xf32, #tpu.memory_space<hbm>> -> memref<1024xf32, #tpu.memory_space<hbm>>
        %dma_wait3A_1012 = arith.constant 0 : i32
        %dma_wait3A_1013 = tpu.memref_slice %arg4[%dma_wait3A_1004, %dma_wait3A_1005, %dma_wait3A_1006, %dma_wait3A_1012] : memref<50x4x128x1024xf32, #tpu.memory_space<hbm>> -> memref<1x1x1x1024xf32, #tpu.memory_space<hbm>>
        %dma_wait3A_1014 = tpu.memref_squeeze %dma_wait3A_1013 : memref<1x1x1x1024xf32, #tpu.memory_space<hbm>> -> memref<1024xf32, #tpu.memory_space<hbm>>
        %dma_wait3A_1015 = arith.constant 0 : i32
        %dma_wait3A_1016 = tpu.memref_slice %arg10[%dma_wait3A_1015] : memref<16384xf32, #tpu.memory_space<vmem>> -> memref<1024xf32, #tpu.memory_space<vmem>>
        tpu.wait_dma2 semaphore(%arg14 : memref<!tpu.dma_semaphore, #tpu.memory_space<semaphore_mem>>) src(%dma_wait3A_1016 : memref<1024xf32, #tpu.memory_space<vmem>>) dst(%dma_wait3A_1014 : memref<1024xf32, #tpu.memory_space<hbm>>)
        %dma_wait3A_1017 = arith.constant 0 : i32
        %dma_wait3A_1018 = arith.constant 0 : i32
        %dma_wait3A_1019 = arith.constant 0 : i32
        %dma_wait3A_1020 = arith.constant 0 : i32
        %dma_wait3A_1021 = tpu.memref_slice %arg10[%dma_wait3A_1020] : memref<16384xf32, #tpu.memory_space<vmem>> -> memref<1024xf32, #tpu.memory_space<vmem>>
        %dma_wait3A_1022 = arith.constant 0 : i32
        %dma_wait3A_1023 = tpu.memref_slice %arg4[%dma_wait3A_1017, %dma_wait3A_1018, %dma_wait3A_1019, %dma_wait3A_1022] : memref<50x4x128x1024xf32, #tpu.memory_space<hbm>> -> memref<1x1x1x1024xf32, #tpu.memory_space<hbm>>
        %dma_wait3A_1024 = tpu.memref_squeeze %dma_wait3A_1023 : memref<1x1x1x1024xf32, #tpu.memory_space<hbm>> -> memref<1024xf32, #tpu.memory_space<hbm>>
        %dma_wait3A_1025 = arith.constant 0 : i32
        %dma_wait3A_1026 = tpu.memref_slice %arg4[%dma_wait3A_1017, %dma_wait3A_1018, %dma_wait3A_1019, %dma_wait3A_1025] : memref<50x4x128x1024xf32, #tpu.memory_space<hbm>> -> memref<1x1x1x1024xf32, #tpu.memory_space<hbm>>
        %dma_wait3A_1027 = tpu.memref_squeeze %dma_wait3A_1026 : memref<1x1x1x1024xf32, #tpu.memory_space<hbm>> -> memref<1024xf32, #tpu.memory_space<hbm>>
        %dma_wait3A_1028 = arith.constant 0 : i32
        %dma_wait3A_1029 = tpu.memref_slice %arg10[%dma_wait3A_1028] : memref<16384xf32, #tpu.memory_space<vmem>> -> memref<1024xf32, #tpu.memory_space<vmem>>
        tpu.wait_dma2 semaphore(%arg14 : memref<!tpu.dma_semaphore, #tpu.memory_space<semaphore_mem>>) src(%dma_wait3A_1029 : memref<1024xf32, #tpu.memory_space<vmem>>) dst(%dma_wait3A_1027 : memref<1024xf32, #tpu.memory_space<hbm>>)
        %dma_wait3A_1030 = arith.constant 0 : i32
        %dma_wait3A_1031 = arith.constant 0 : i32
        %dma_wait3A_1032 = arith.constant 0 : i32
        %dma_wait3A_1033 = arith.constant 0 : i32
        %dma_wait3A_1034 = tpu.memref_slice %arg10[%dma_wait3A_1033] : memref<16384xf32, #tpu.memory_space<vmem>> -> memref<1024xf32, #tpu.memory_space<vmem>>
        %dma_wait3A_1035 = arith.constant 0 : i32
        %dma_wait3A_1036 = tpu.memref_slice %arg4[%dma_wait3A_1030, %dma_wait3A_1031, %dma_wait3A_1032, %dma_wait3A_1035] : memref<50x4x128x1024xf32, #tpu.memory_space<hbm>> -> memref<1x1x1x1024xf32, #tpu.memory_space<hbm>>
        %dma_wait3A_1037 = tpu.memref_squeeze %dma_wait3A_1036 : memref<1x1x1x1024xf32, #tpu.memory_space<hbm>> -> memref<1024xf32, #tpu.memory_space<hbm>>
        %dma_wait3A_1038 = arith.constant 0 : i32
        %dma_wait3A_1039 = tpu.memref_slice %arg4[%dma_wait3A_1030, %dma_wait3A_1031, %dma_wait3A_1032, %dma_wait3A_1038] : memref<50x4x128x1024xf32, #tpu.memory_space<hbm>> -> memref<1x1x1x1024xf32, #tpu.memory_space<hbm>>
        %dma_wait3A_1040 = tpu.memref_squeeze %dma_wait3A_1039 : memref<1x1x1x1024xf32, #tpu.memory_space<hbm>> -> memref<1024xf32, #tpu.memory_space<hbm>>
        %dma_wait3A_1041 = arith.constant 0 : i32
        %dma_wait3A_1042 = tpu.memref_slice %arg10[%dma_wait3A_1041] : memref<16384xf32, #tpu.memory_space<vmem>> -> memref<1024xf32, #tpu.memory_space<vmem>>
        tpu.wait_dma2 semaphore(%arg14 : memref<!tpu.dma_semaphore, #tpu.memory_space<semaphore_mem>>) src(%dma_wait3A_1042 : memref<1024xf32, #tpu.memory_space<vmem>>) dst(%dma_wait3A_1040 : memref<1024xf32, #tpu.memory_space<hbm>>)
        %dma_wait3A_1043 = arith.constant 0 : i32
        %dma_wait3A_1044 = arith.constant 0 : i32
        %dma_wait3A_1045 = arith.constant 0 : i32
        %dma_wait3A_1046 = arith.constant 0 : i32
        %dma_wait3A_1047 = tpu.memref_slice %arg10[%dma_wait3A_1046] : memref<16384xf32, #tpu.memory_space<vmem>> -> memref<1024xf32, #tpu.memory_space<vmem>>
        %dma_wait3A_1048 = arith.constant 0 : i32
        %dma_wait3A_1049 = tpu.memref_slice %arg4[%dma_wait3A_1043, %dma_wait3A_1044, %dma_wait3A_1045, %dma_wait3A_1048] : memref<50x4x128x1024xf32, #tpu.memory_space<hbm>> -> memref<1x1x1x1024xf32, #tpu.memory_space<hbm>>
        %dma_wait3A_1050 = tpu.memref_squeeze %dma_wait3A_1049 : memref<1x1x1x1024xf32, #tpu.memory_space<hbm>> -> memref<1024xf32, #tpu.memory_space<hbm>>
        %dma_wait3A_1051 = arith.constant 0 : i32
        %dma_wait3A_1052 = tpu.memref_slice %arg4[%dma_wait3A_1043, %dma_wait3A_1044, %dma_wait3A_1045, %dma_wait3A_1051] : memref<50x4x128x1024xf32, #tpu.memory_space<hbm>> -> memref<1x1x1x1024xf32, #tpu.memory_space<hbm>>
        %dma_wait3A_1053 = tpu.memref_squeeze %dma_wait3A_1052 : memref<1x1x1x1024xf32, #tpu.memory_space<hbm>> -> memref<1024xf32, #tpu.memory_space<hbm>>
        %dma_wait3A_1054 = arith.constant 0 : i32
        %dma_wait3A_1055 = tpu.memref_slice %arg10[%dma_wait3A_1054] : memref<16384xf32, #tpu.memory_space<vmem>> -> memref<1024xf32, #tpu.memory_space<vmem>>
        tpu.wait_dma2 semaphore(%arg14 : memref<!tpu.dma_semaphore, #tpu.memory_space<semaphore_mem>>) src(%dma_wait3A_1055 : memref<1024xf32, #tpu.memory_space<vmem>>) dst(%dma_wait3A_1053 : memref<1024xf32, #tpu.memory_space<hbm>>)
        %dma_wait3A_1056 = arith.constant 0 : i32
        %dma_wait3A_1057 = arith.constant 0 : i32
        %dma_wait3A_1058 = arith.constant 0 : i32
        %dma_wait3A_1059 = arith.constant 0 : i32
        %dma_wait3A_1060 = tpu.memref_slice %arg10[%dma_wait3A_1059] : memref<16384xf32, #tpu.memory_space<vmem>> -> memref<1024xf32, #tpu.memory_space<vmem>>
        %dma_wait3A_1061 = arith.constant 0 : i32
        %dma_wait3A_1062 = tpu.memref_slice %arg4[%dma_wait3A_1056, %dma_wait3A_1057, %dma_wait3A_1058, %dma_wait3A_1061] : memref<50x4x128x1024xf32, #tpu.memory_space<hbm>> -> memref<1x1x1x1024xf32, #tpu.memory_space<hbm>>
        %dma_wait3A_1063 = tpu.memref_squeeze %dma_wait3A_1062 : memref<1x1x1x1024xf32, #tpu.memory_space<hbm>> -> memref<1024xf32, #tpu.memory_space<hbm>>
        %dma_wait3A_1064 = arith.constant 0 : i32
        %dma_wait3A_1065 = tpu.memref_slice %arg4[%dma_wait3A_1056, %dma_wait3A_1057, %dma_wait3A_1058, %dma_wait3A_1064] : memref<50x4x128x1024xf32, #tpu.memory_space<hbm>> -> memref<1x1x1x1024xf32, #tpu.memory_space<hbm>>
        %dma_wait3A_1066 = tpu.memref_squeeze %dma_wait3A_1065 : memref<1x1x1x1024xf32, #tpu.memory_space<hbm>> -> memref<1024xf32, #tpu.memory_space<hbm>>
        %dma_wait3A_1067 = arith.constant 0 : i32
        %dma_wait3A_1068 = tpu.memref_slice %arg10[%dma_wait3A_1067] : memref<16384xf32, #tpu.memory_space<vmem>> -> memref<1024xf32, #tpu.memory_space<vmem>>
        tpu.wait_dma2 semaphore(%arg14 : memref<!tpu.dma_semaphore, #tpu.memory_space<semaphore_mem>>) src(%dma_wait3A_1068 : memref<1024xf32, #tpu.memory_space<vmem>>) dst(%dma_wait3A_1066 : memref<1024xf32, #tpu.memory_space<hbm>>)
        %dma_wait3A_1069 = arith.constant 0 : i32
        %dma_wait3A_1070 = arith.constant 0 : i32
        %dma_wait3A_1071 = arith.constant 0 : i32
        %dma_wait3A_1072 = arith.constant 0 : i32
        %dma_wait3A_1073 = tpu.memref_slice %arg10[%dma_wait3A_1072] : memref<16384xf32, #tpu.memory_space<vmem>> -> memref<1024xf32, #tpu.memory_space<vmem>>
        %dma_wait3A_1074 = arith.constant 0 : i32
        %dma_wait3A_1075 = tpu.memref_slice %arg4[%dma_wait3A_1069, %dma_wait3A_1070, %dma_wait3A_1071, %dma_wait3A_1074] : memref<50x4x128x1024xf32, #tpu.memory_space<hbm>> -> memref<1x1x1x1024xf32, #tpu.memory_space<hbm>>
        %dma_wait3A_1076 = tpu.memref_squeeze %dma_wait3A_1075 : memref<1x1x1x1024xf32, #tpu.memory_space<hbm>> -> memref<1024xf32, #tpu.memory_space<hbm>>
        %dma_wait3A_1077 = arith.constant 0 : i32
        %dma_wait3A_1078 = tpu.memref_slice %arg4[%dma_wait3A_1069, %dma_wait3A_1070, %dma_wait3A_1071, %dma_wait3A_1077] : memref<50x4x128x1024xf32, #tpu.memory_space<hbm>> -> memref<1x1x1x1024xf32, #tpu.memory_space<hbm>>
        %dma_wait3A_1079 = tpu.memref_squeeze %dma_wait3A_1078 : memref<1x1x1x1024xf32, #tpu.memory_space<hbm>> -> memref<1024xf32, #tpu.memory_space<hbm>>
        %dma_wait3A_1080 = arith.constant 0 : i32
        %dma_wait3A_1081 = tpu.memref_slice %arg10[%dma_wait3A_1080] : memref<16384xf32, #tpu.memory_space<vmem>> -> memref<1024xf32, #tpu.memory_space<vmem>>
        tpu.wait_dma2 semaphore(%arg14 : memref<!tpu.dma_semaphore, #tpu.memory_space<semaphore_mem>>) src(%dma_wait3A_1081 : memref<1024xf32, #tpu.memory_space<vmem>>) dst(%dma_wait3A_1079 : memref<1024xf32, #tpu.memory_space<hbm>>)
        %dma_wait3A_1082 = arith.constant 0 : i32
        %dma_wait3A_1083 = arith.constant 0 : i32
        %dma_wait3A_1084 = arith.constant 0 : i32
        %dma_wait3A_1085 = arith.constant 0 : i32
        %dma_wait3A_1086 = tpu.memref_slice %arg10[%dma_wait3A_1085] : memref<16384xf32, #tpu.memory_space<vmem>> -> memref<1024xf32, #tpu.memory_space<vmem>>
        %dma_wait3A_1087 = arith.constant 0 : i32
        %dma_wait3A_1088 = tpu.memref_slice %arg4[%dma_wait3A_1082, %dma_wait3A_1083, %dma_wait3A_1084, %dma_wait3A_1087] : memref<50x4x128x1024xf32, #tpu.memory_space<hbm>> -> memref<1x1x1x1024xf32, #tpu.memory_space<hbm>>
        %dma_wait3A_1089 = tpu.memref_squeeze %dma_wait3A_1088 : memref<1x1x1x1024xf32, #tpu.memory_space<hbm>> -> memref<1024xf32, #tpu.memory_space<hbm>>
        %dma_wait3A_1090 = arith.constant 0 : i32
        %dma_wait3A_1091 = tpu.memref_slice %arg4[%dma_wait3A_1082, %dma_wait3A_1083, %dma_wait3A_1084, %dma_wait3A_1090] : memref<50x4x128x1024xf32, #tpu.memory_space<hbm>> -> memref<1x1x1x1024xf32, #tpu.memory_space<hbm>>
        %dma_wait3A_1092 = tpu.memref_squeeze %dma_wait3A_1091 : memref<1x1x1x1024xf32, #tpu.memory_space<hbm>> -> memref<1024xf32, #tpu.memory_space<hbm>>
        %dma_wait3A_1093 = arith.constant 0 : i32
        %dma_wait3A_1094 = tpu.memref_slice %arg10[%dma_wait3A_1093] : memref<16384xf32, #tpu.memory_space<vmem>> -> memref<1024xf32, #tpu.memory_space<vmem>>
        tpu.wait_dma2 semaphore(%arg14 : memref<!tpu.dma_semaphore, #tpu.memory_space<semaphore_mem>>) src(%dma_wait3A_1094 : memref<1024xf32, #tpu.memory_space<vmem>>) dst(%dma_wait3A_1092 : memref<1024xf32, #tpu.memory_space<hbm>>)
        %dma_wait3A_1095 = arith.constant 0 : i32
        %dma_wait3A_1096 = arith.constant 0 : i32
        %dma_wait3A_1097 = arith.constant 0 : i32
        %dma_wait3A_1098 = arith.constant 0 : i32
        %dma_wait3A_1099 = tpu.memref_slice %arg10[%dma_wait3A_1098] : memref<16384xf32, #tpu.memory_space<vmem>> -> memref<1024xf32, #tpu.memory_space<vmem>>
        %dma_wait3A_1100 = arith.constant 0 : i32
        %dma_wait3A_1101 = tpu.memref_slice %arg4[%dma_wait3A_1095, %dma_wait3A_1096, %dma_wait3A_1097, %dma_wait3A_1100] : memref<50x4x128x1024xf32, #tpu.memory_space<hbm>> -> memref<1x1x1x1024xf32, #tpu.memory_space<hbm>>
        %dma_wait3A_1102 = tpu.memref_squeeze %dma_wait3A_1101 : memref<1x1x1x1024xf32, #tpu.memory_space<hbm>> -> memref<1024xf32, #tpu.memory_space<hbm>>
        %dma_wait3A_1103 = arith.constant 0 : i32
        %dma_wait3A_1104 = tpu.memref_slice %arg4[%dma_wait3A_1095, %dma_wait3A_1096, %dma_wait3A_1097, %dma_wait3A_1103] : memref<50x4x128x1024xf32, #tpu.memory_space<hbm>> -> memref<1x1x1x1024xf32, #tpu.memory_space<hbm>>
        %dma_wait3A_1105 = tpu.memref_squeeze %dma_wait3A_1104 : memref<1x1x1x1024xf32, #tpu.memory_space<hbm>> -> memref<1024xf32, #tpu.memory_space<hbm>>
        %dma_wait3A_1106 = arith.constant 0 : i32
        %dma_wait3A_1107 = tpu.memref_slice %arg10[%dma_wait3A_1106] : memref<16384xf32, #tpu.memory_space<vmem>> -> memref<1024xf32, #tpu.memory_space<vmem>>
        tpu.wait_dma2 semaphore(%arg14 : memref<!tpu.dma_semaphore, #tpu.memory_space<semaphore_mem>>) src(%dma_wait3A_1107 : memref<1024xf32, #tpu.memory_space<vmem>>) dst(%dma_wait3A_1105 : memref<1024xf32, #tpu.memory_space<hbm>>)
        %dma_wait3A_1108 = arith.constant 0 : i32
        %dma_wait3A_1109 = arith.constant 0 : i32
        %dma_wait3A_1110 = arith.constant 0 : i32
        %dma_wait3A_1111 = arith.constant 0 : i32
        %dma_wait3A_1112 = tpu.memref_slice %arg10[%dma_wait3A_1111] : memref<16384xf32, #tpu.memory_space<vmem>> -> memref<1024xf32, #tpu.memory_space<vmem>>
        %dma_wait3A_1113 = arith.constant 0 : i32
        %dma_wait3A_1114 = tpu.memref_slice %arg4[%dma_wait3A_1108, %dma_wait3A_1109, %dma_wait3A_1110, %dma_wait3A_1113] : memref<50x4x128x1024xf32, #tpu.memory_space<hbm>> -> memref<1x1x1x1024xf32, #tpu.memory_space<hbm>>
        %dma_wait3A_1115 = tpu.memref_squeeze %dma_wait3A_1114 : memref<1x1x1x1024xf32, #tpu.memory_space<hbm>> -> memref<1024xf32, #tpu.memory_space<hbm>>
        %dma_wait3A_1116 = arith.constant 0 : i32
        %dma_wait3A_1117 = tpu.memref_slice %arg4[%dma_wait3A_1108, %dma_wait3A_1109, %dma_wait3A_1110, %dma_wait3A_1116] : memref<50x4x128x1024xf32, #tpu.memory_space<hbm>> -> memref<1x1x1x1024xf32, #tpu.memory_space<hbm>>
        %dma_wait3A_1118 = tpu.memref_squeeze %dma_wait3A_1117 : memref<1x1x1x1024xf32, #tpu.memory_space<hbm>> -> memref<1024xf32, #tpu.memory_space<hbm>>
        %dma_wait3A_1119 = arith.constant 0 : i32
        %dma_wait3A_1120 = tpu.memref_slice %arg10[%dma_wait3A_1119] : memref<16384xf32, #tpu.memory_space<vmem>> -> memref<1024xf32, #tpu.memory_space<vmem>>
        tpu.wait_dma2 semaphore(%arg14 : memref<!tpu.dma_semaphore, #tpu.memory_space<semaphore_mem>>) src(%dma_wait3A_1120 : memref<1024xf32, #tpu.memory_space<vmem>>) dst(%dma_wait3A_1118 : memref<1024xf32, #tpu.memory_space<hbm>>)
        %dma_wait3A_1121 = arith.constant 0 : i32
        %dma_wait3A_1122 = arith.constant 0 : i32
        %dma_wait3A_1123 = arith.constant 0 : i32
        %dma_wait3A_1124 = arith.constant 0 : i32
        %dma_wait3A_1125 = tpu.memref_slice %arg10[%dma_wait3A_1124] : memref<16384xf32, #tpu.memory_space<vmem>> -> memref<1024xf32, #tpu.memory_space<vmem>>
        %dma_wait3A_1126 = arith.constant 0 : i32
        %dma_wait3A_1127 = tpu.memref_slice %arg4[%dma_wait3A_1121, %dma_wait3A_1122, %dma_wait3A_1123, %dma_wait3A_1126] : memref<50x4x128x1024xf32, #tpu.memory_space<hbm>> -> memref<1x1x1x1024xf32, #tpu.memory_space<hbm>>
        %dma_wait3A_1128 = tpu.memref_squeeze %dma_wait3A_1127 : memref<1x1x1x1024xf32, #tpu.memory_space<hbm>> -> memref<1024xf32, #tpu.memory_space<hbm>>
        %dma_wait3A_1129 = arith.constant 0 : i32
        %dma_wait3A_1130 = tpu.memref_slice %arg4[%dma_wait3A_1121, %dma_wait3A_1122, %dma_wait3A_1123, %dma_wait3A_1129] : memref<50x4x128x1024xf32, #tpu.memory_space<hbm>> -> memref<1x1x1x1024xf32, #tpu.memory_space<hbm>>
        %dma_wait3A_1131 = tpu.memref_squeeze %dma_wait3A_1130 : memref<1x1x1x1024xf32, #tpu.memory_space<hbm>> -> memref<1024xf32, #tpu.memory_space<hbm>>
        %dma_wait3A_1132 = arith.constant 0 : i32
        %dma_wait3A_1133 = tpu.memref_slice %arg10[%dma_wait3A_1132] : memref<16384xf32, #tpu.memory_space<vmem>> -> memref<1024xf32, #tpu.memory_space<vmem>>
        tpu.wait_dma2 semaphore(%arg14 : memref<!tpu.dma_semaphore, #tpu.memory_space<semaphore_mem>>) src(%dma_wait3A_1133 : memref<1024xf32, #tpu.memory_space<vmem>>) dst(%dma_wait3A_1131 : memref<1024xf32, #tpu.memory_space<hbm>>)
        %dma_wait3A_1134 = arith.constant 0 : i32
        %dma_wait3A_1135 = arith.constant 0 : i32
        %dma_wait3A_1136 = arith.constant 0 : i32
        %dma_wait3A_1137 = arith.constant 0 : i32
        %dma_wait3A_1138 = tpu.memref_slice %arg10[%dma_wait3A_1137] : memref<16384xf32, #tpu.memory_space<vmem>> -> memref<1024xf32, #tpu.memory_space<vmem>>
        %dma_wait3A_1139 = arith.constant 0 : i32
        %dma_wait3A_1140 = tpu.memref_slice %arg4[%dma_wait3A_1134, %dma_wait3A_1135, %dma_wait3A_1136, %dma_wait3A_1139] : memref<50x4x128x1024xf32, #tpu.memory_space<hbm>> -> memref<1x1x1x1024xf32, #tpu.memory_space<hbm>>
        %dma_wait3A_1141 = tpu.memref_squeeze %dma_wait3A_1140 : memref<1x1x1x1024xf32, #tpu.memory_space<hbm>> -> memref<1024xf32, #tpu.memory_space<hbm>>
        %dma_wait3A_1142 = arith.constant 0 : i32
        %dma_wait3A_1143 = tpu.memref_slice %arg4[%dma_wait3A_1134, %dma_wait3A_1135, %dma_wait3A_1136, %dma_wait3A_1142] : memref<50x4x128x1024xf32, #tpu.memory_space<hbm>> -> memref<1x1x1x1024xf32, #tpu.memory_space<hbm>>
        %dma_wait3A_1144 = tpu.memref_squeeze %dma_wait3A_1143 : memref<1x1x1x1024xf32, #tpu.memory_space<hbm>> -> memref<1024xf32, #tpu.memory_space<hbm>>
        %dma_wait3A_1145 = arith.constant 0 : i32
        %dma_wait3A_1146 = tpu.memref_slice %arg10[%dma_wait3A_1145] : memref<16384xf32, #tpu.memory_space<vmem>> -> memref<1024xf32, #tpu.memory_space<vmem>>
        tpu.wait_dma2 semaphore(%arg14 : memref<!tpu.dma_semaphore, #tpu.memory_space<semaphore_mem>>) src(%dma_wait3A_1146 : memref<1024xf32, #tpu.memory_space<vmem>>) dst(%dma_wait3A_1144 : memref<1024xf32, #tpu.memory_space<hbm>>)
      } else {
      }
      %mul3A_716 = arith.constant 16384 : i32
      %mul3A_717 = arith.muli %add3A_710, %mul3A_716 : i32
      %mul3A_718 = arith.constant 128 : i32
      %mul3A_719 = arith.muli %mul3A_2, %mul3A_718 : i32
      %add3A_720 = arith.addi %mul3A_717, %mul3A_719 : i32
      "tpu.region"() ({
        %run_scoped3A = tpu.sem_alloc : memref<!tpu.dma_semaphore, #tpu.memory_space<semaphore_mem>>
        %dma_start3A_939 = tpu.memref_slice %arg2[%add3A_720] : memref<819200xi32, #tpu.memory_space<hbm>> -> memref<512xi32, #tpu.memory_space<hbm>>
        %dma_start3A_940 = tpu.memref_slice %arg2[%add3A_720] : memref<819200xi32, #tpu.memory_space<hbm>> -> memref<512xi32, #tpu.memory_space<hbm>>
        tpu.enqueue_dma source(%dma_start3A_940 : memref<512xi32, #tpu.memory_space<hbm>>) target(%arg6 : memref<512xi32, #tpu.memory_space<vmem>>) target_semaphore(%run_scoped3A : memref<!tpu.dma_semaphore, #tpu.memory_space<semaphore_mem>>)
        %dma_wait3A_941 = tpu.memref_slice %arg2[%add3A_720] : memref<819200xi32, #tpu.memory_space<hbm>> -> memref<512xi32, #tpu.memory_space<hbm>>
        %dma_wait3A_942 = tpu.memref_slice %arg2[%add3A_720] : memref<819200xi32, #tpu.memory_space<hbm>> -> memref<512xi32, #tpu.memory_space<hbm>>
        tpu.wait_dma2 semaphore(%run_scoped3A : memref<!tpu.dma_semaphore, #tpu.memory_space<semaphore_mem>>) src(%dma_wait3A_942 : memref<512xi32, #tpu.memory_space<hbm>>) dst(%arg6 : memref<512xi32, #tpu.memory_space<vmem>>)
        tpu.yield
      }) : () -> ()
      %dma_start3A_721 = arith.constant 0 : i32
      %dma_start3A_722 = arith.constant 0 : i32
      %dma_start3A_723 = tpu.memref_slice %arg3[%dma_start3A_721, %dma_start3A_722] : memref<1000000x32xf32, #tpu.memory_space<hbm>> -> memref<1000000x32xf32, #tpu.memory_space<hbm>>
      tpu.enqueue_indirect_dma source(%dma_start3A_723 : memref<1000000x32xf32, #tpu.memory_space<hbm>>) target(%arg8 : memref<512x32xf32, #tpu.memory_space<vmem>>) offsets(%arg6 : memref<512xi32, #tpu.memory_space<vmem>>) semaphore(%arg12 : memref<!tpu.dma_semaphore, #tpu.memory_space<semaphore_mem>>)
      %dma_wait3A_724 = arith.constant 0 : i32
      %dma_wait3A_725 = arith.constant 0 : i32
      %dma_wait3A_726 = tpu.memref_slice %arg3[%dma_wait3A_724, %dma_wait3A_725] : memref<1000000x32xf32, #tpu.memory_space<hbm>> -> memref<1000000x32xf32, #tpu.memory_space<hbm>>
      tpu.wait_indirect_dma semaphore(%arg11 : memref<!tpu.dma_semaphore, #tpu.memory_space<semaphore_mem>>) src(%dma_wait3A_726 : memref<1000000x32xf32, #tpu.memory_space<hbm>>) dst(%arg7 : memref<512x32xf32, #tpu.memory_space<vmem>>)
      %parallel_loop3A_727 = arith.constant 0 : i32
      %parallel_loop3A_728 = arith.constant 64 : i32
      %parallel_loop3A_729 = arith.constant 1 : i32
      scf.for %parallel_loop3A_939 = %parallel_loop3A_727 to %parallel_loop3A_728 step %parallel_loop3A_729  : i32 {
        %parallel_loop3A_940 = arith.constant 4 : i32
        %parallel_loop3A_941 = arith.shrsi %parallel_loop3A_939, %parallel_loop3A_940 : i32
        %parallel_loop3A_942 = arith.constant 1 : i32
        %parallel_loop3A_943 = arith.shrsi %parallel_loop3A_939, %parallel_loop3A_942 : i32
        %parallel_loop3A_944 = arith.constant 7 : i32
        %parallel_loop3A_945 = arith.andi %parallel_loop3A_943, %parallel_loop3A_944 : i32
        %parallel_loop3A_946 = arith.constant 1 : i32
        %parallel_loop3A_947 = arith.andi %parallel_loop3A_939, %parallel_loop3A_946 : i32
        %parallel_loop3A_948 = arith.constant 128 : i32
        %parallel_loop3A_949 = arith.muli %parallel_loop3A_941, %parallel_loop3A_948 : i32
        %parallel_loop3A_950 = arith.constant 16 : i32
        %parallel_loop3A_951 = arith.muli %parallel_loop3A_945, %parallel_loop3A_950 : i32
        %parallel_loop3A_952 = arith.addi %parallel_loop3A_949, %parallel_loop3A_951 : i32
        %parallel_loop3A_953 = arith.constant 0 : i32
        %parallel_loop3A_954 = arith.addi %parallel_loop3A_952, %parallel_loop3A_953 : i32
        %parallel_loop3A_955 = arith.constant 16 : i32
        %parallel_loop3A_956 = arith.muli %parallel_loop3A_947, %parallel_loop3A_955 : i32
        %parallel_loop3A_957 = arith.index_cast %parallel_loop3A_954 : i32 to index
        %parallel_loop3A_958 = arith.index_cast %parallel_loop3A_956 : i32 to index
        %parallel_loop3A_959 = tpu.vector_load %arg7[%parallel_loop3A_957, %parallel_loop3A_958] {strides = array<i32>} : memref<512x32xf32, #tpu.memory_space<vmem>>, vector<16xf32>,
        %parallel_loop3A_960 = arith.constant 1 : i32
        %parallel_loop3A_961 = arith.addi %parallel_loop3A_952, %parallel_loop3A_960 : i32
        %parallel_loop3A_962 = arith.constant 16 : i32
        %parallel_loop3A_963 = arith.muli %parallel_loop3A_947, %parallel_loop3A_962 : i32
        %parallel_loop3A_964 = arith.index_cast %parallel_loop3A_961 : i32 to index
        %parallel_loop3A_965 = arith.index_cast %parallel_loop3A_963 : i32 to index
        %parallel_loop3A_966 = tpu.vector_load %arg7[%parallel_loop3A_964, %parallel_loop3A_965] {strides = array<i32>} : memref<512x32xf32, #tpu.memory_space<vmem>>, vector<16xf32>,
        %parallel_loop3A_967 = arith.constant 2 : i32
        %parallel_loop3A_968 = arith.addi %parallel_loop3A_952, %parallel_loop3A_967 : i32
        %parallel_loop3A_969 = arith.constant 16 : i32
        %parallel_loop3A_970 = arith.muli %parallel_loop3A_947, %parallel_loop3A_969 : i32
        %parallel_loop3A_971 = arith.index_cast %parallel_loop3A_968 : i32 to index
        %parallel_loop3A_972 = arith.index_cast %parallel_loop3A_970 : i32 to index
        %parallel_loop3A_973 = tpu.vector_load %arg7[%parallel_loop3A_971, %parallel_loop3A_972] {strides = array<i32>} : memref<512x32xf32, #tpu.memory_space<vmem>>, vector<16xf32>,
        %parallel_loop3A_974 = arith.constant 3 : i32
        %parallel_loop3A_975 = arith.addi %parallel_loop3A_952, %parallel_loop3A_974 : i32
        %parallel_loop3A_976 = arith.constant 16 : i32
        %parallel_loop3A_977 = arith.muli %parallel_loop3A_947, %parallel_loop3A_976 : i32
        %parallel_loop3A_978 = arith.index_cast %parallel_loop3A_975 : i32 to index
        %parallel_loop3A_979 = arith.index_cast %parallel_loop3A_977 : i32 to index
        %parallel_loop3A_980 = tpu.vector_load %arg7[%parallel_loop3A_978, %parallel_loop3A_979] {strides = array<i32>} : memref<512x32xf32, #tpu.memory_space<vmem>>, vector<16xf32>,
        %parallel_loop3A_981 = arith.constant 4 : i32
        %parallel_loop3A_982 = arith.addi %parallel_loop3A_952, %parallel_loop3A_981 : i32
        %parallel_loop3A_983 = arith.constant 16 : i32
        %parallel_loop3A_984 = arith.muli %parallel_loop3A_947, %parallel_loop3A_983 : i32
        %parallel_loop3A_985 = arith.index_cast %parallel_loop3A_982 : i32 to index
        %parallel_loop3A_986 = arith.index_cast %parallel_loop3A_984 : i32 to index
        %parallel_loop3A_987 = tpu.vector_load %arg7[%parallel_loop3A_985, %parallel_loop3A_986] {strides = array<i32>} : memref<512x32xf32, #tpu.memory_space<vmem>>, vector<16xf32>,
        %parallel_loop3A_988 = arith.constant 5 : i32
        %parallel_loop3A_989 = arith.addi %parallel_loop3A_952, %parallel_loop3A_988 : i32
        %parallel_loop3A_990 = arith.constant 16 : i32
        %parallel_loop3A_991 = arith.muli %parallel_loop3A_947, %parallel_loop3A_990 : i32
        %parallel_loop3A_992 = arith.index_cast %parallel_loop3A_989 : i32 to index
        %parallel_loop3A_993 = arith.index_cast %parallel_loop3A_991 : i32 to index
        %parallel_loop3A_994 = tpu.vector_load %arg7[%parallel_loop3A_992, %parallel_loop3A_993] {strides = array<i32>} : memref<512x32xf32, #tpu.memory_space<vmem>>, vector<16xf32>,
        %parallel_loop3A_995 = arith.constant 6 : i32
        %parallel_loop3A_996 = arith.addi %parallel_loop3A_952, %parallel_loop3A_995 : i32
        %parallel_loop3A_997 = arith.constant 16 : i32
        %parallel_loop3A_998 = arith.muli %parallel_loop3A_947, %parallel_loop3A_997 : i32
        %parallel_loop3A_999 = arith.index_cast %parallel_loop3A_996 : i32 to index
        %parallel_loop3A_1000 = arith.index_cast %parallel_loop3A_998 : i32 to index
        %parallel_loop3A_1001 = tpu.vector_load %arg7[%parallel_loop3A_999, %parallel_loop3A_1000] {strides = array<i32>} : memref<512x32xf32, #tpu.memory_space<vmem>>, vector<16xf32>,
        %parallel_loop3A_1002 = arith.constant 7 : i32
        %parallel_loop3A_1003 = arith.addi %parallel_loop3A_952, %parallel_loop3A_1002 : i32
        %parallel_loop3A_1004 = arith.constant 16 : i32
        %parallel_loop3A_1005 = arith.muli %parallel_loop3A_947, %parallel_loop3A_1004 : i32
        %parallel_loop3A_1006 = arith.index_cast %parallel_loop3A_1003 : i32 to index
        %parallel_loop3A_1007 = arith.index_cast %parallel_loop3A_1005 : i32 to index
        %parallel_loop3A_1008 = tpu.vector_load %arg7[%parallel_loop3A_1006, %parallel_loop3A_1007] {strides = array<i32>} : memref<512x32xf32, #tpu.memory_space<vmem>>, vector<16xf32>,
        %parallel_loop3A_1009 = arith.constant 8 : i32
        %parallel_loop3A_1010 = arith.addi %parallel_loop3A_952, %parallel_loop3A_1009 : i32
        %parallel_loop3A_1011 = arith.constant 16 : i32
        %parallel_loop3A_1012 = arith.muli %parallel_loop3A_947, %parallel_loop3A_1011 : i32
        %parallel_loop3A_1013 = arith.index_cast %parallel_loop3A_1010 : i32 to index
        %parallel_loop3A_1014 = arith.index_cast %parallel_loop3A_1012 : i32 to index
        %parallel_loop3A_1015 = tpu.vector_load %arg7[%parallel_loop3A_1013, %parallel_loop3A_1014] {strides = array<i32>} : memref<512x32xf32, #tpu.memory_space<vmem>>, vector<16xf32>,
        %parallel_loop3A_1016 = arith.constant 9 : i32
        %parallel_loop3A_1017 = arith.addi %parallel_loop3A_952, %parallel_loop3A_1016 : i32
        %parallel_loop3A_1018 = arith.constant 16 : i32
        %parallel_loop3A_1019 = arith.muli %parallel_loop3A_947, %parallel_loop3A_1018 : i32
        %parallel_loop3A_1020 = arith.index_cast %parallel_loop3A_1017 : i32 to index
        %parallel_loop3A_1021 = arith.index_cast %parallel_loop3A_1019 : i32 to index
        %parallel_loop3A_1022 = tpu.vector_load %arg7[%parallel_loop3A_1020, %parallel_loop3A_1021] {strides = array<i32>} : memref<512x32xf32, #tpu.memory_space<vmem>>, vector<16xf32>,
        %parallel_loop3A_1023 = arith.constant 10 : i32
        %parallel_loop3A_1024 = arith.addi %parallel_loop3A_952, %parallel_loop3A_1023 : i32
        %parallel_loop3A_1025 = arith.constant 16 : i32
        %parallel_loop3A_1026 = arith.muli %parallel_loop3A_947, %parallel_loop3A_1025 : i32
        %parallel_loop3A_1027 = arith.index_cast %parallel_loop3A_1024 : i32 to index
        %parallel_loop3A_1028 = arith.index_cast %parallel_loop3A_1026 : i32 to index
        %parallel_loop3A_1029 = tpu.vector_load %arg7[%parallel_loop3A_1027, %parallel_loop3A_1028] {strides = array<i32>} : memref<512x32xf32, #tpu.memory_space<vmem>>, vector<16xf32>,
        %parallel_loop3A_1030 = arith.constant 11 : i32
        %parallel_loop3A_1031 = arith.addi %parallel_loop3A_952, %parallel_loop3A_1030 : i32
        %parallel_loop3A_1032 = arith.constant 16 : i32
        %parallel_loop3A_1033 = arith.muli %parallel_loop3A_947, %parallel_loop3A_1032 : i32
        %parallel_loop3A_1034 = arith.index_cast %parallel_loop3A_1031 : i32 to index
        %parallel_loop3A_1035 = arith.index_cast %parallel_loop3A_1033 : i32 to index
        %parallel_loop3A_1036 = tpu.vector_load %arg7[%parallel_loop3A_1034, %parallel_loop3A_1035] {strides = array<i32>} : memref<512x32xf32, #tpu.memory_space<vmem>>, vector<16xf32>,
        %parallel_loop3A_1037 = arith.constant 12 : i32
        %parallel_loop3A_1038 = arith.addi %parallel_loop3A_952, %parallel_loop3A_1037 : i32
        %parallel_loop3A_1039 = arith.constant 16 : i32
        %parallel_loop3A_1040 = arith.muli %parallel_loop3A_947, %parallel_loop3A_1039 : i32
        %parallel_loop3A_1041 = arith.index_cast %parallel_loop3A_1038 : i32 to index
        %parallel_loop3A_1042 = arith.index_cast %parallel_loop3A_1040 : i32 to index
        %parallel_loop3A_1043 = tpu.vector_load %arg7[%parallel_loop3A_1041, %parallel_loop3A_1042] {strides = array<i32>} : memref<512x32xf32, #tpu.memory_space<vmem>>, vector<16xf32>,
        %parallel_loop3A_1044 = arith.constant 13 : i32
        %parallel_loop3A_1045 = arith.addi %parallel_loop3A_952, %parallel_loop3A_1044 : i32
        %parallel_loop3A_1046 = arith.constant 16 : i32
        %parallel_loop3A_1047 = arith.muli %parallel_loop3A_947, %parallel_loop3A_1046 : i32
        %parallel_loop3A_1048 = arith.index_cast %parallel_loop3A_1045 : i32 to index
        %parallel_loop3A_1049 = arith.index_cast %parallel_loop3A_1047 : i32 to index
        %parallel_loop3A_1050 = tpu.vector_load %arg7[%parallel_loop3A_1048, %parallel_loop3A_1049] {strides = array<i32>} : memref<512x32xf32, #tpu.memory_space<vmem>>, vector<16xf32>,
        %parallel_loop3A_1051 = arith.constant 14 : i32
        %parallel_loop3A_1052 = arith.addi %parallel_loop3A_952, %parallel_loop3A_1051 : i32
        %parallel_loop3A_1053 = arith.constant 16 : i32
        %parallel_loop3A_1054 = arith.muli %parallel_loop3A_947, %parallel_loop3A_1053 : i32
        %parallel_loop3A_1055 = arith.index_cast %parallel_loop3A_1052 : i32 to index
        %parallel_loop3A_1056 = arith.index_cast %parallel_loop3A_1054 : i32 to index
        %parallel_loop3A_1057 = tpu.vector_load %arg7[%parallel_loop3A_1055, %parallel_loop3A_1056] {strides = array<i32>} : memref<512x32xf32, #tpu.memory_space<vmem>>, vector<16xf32>,
        %parallel_loop3A_1058 = arith.constant 15 : i32
        %parallel_loop3A_1059 = arith.addi %parallel_loop3A_952, %parallel_loop3A_1058 : i32
        %parallel_loop3A_1060 = arith.constant 16 : i32
        %parallel_loop3A_1061 = arith.muli %parallel_loop3A_947, %parallel_loop3A_1060 : i32
        %parallel_loop3A_1062 = arith.index_cast %parallel_loop3A_1059 : i32 to index
        %parallel_loop3A_1063 = arith.index_cast %parallel_loop3A_1061 : i32 to index
        %parallel_loop3A_1064 = tpu.vector_load %arg7[%parallel_loop3A_1062, %parallel_loop3A_1063] {strides = array<i32>} : memref<512x32xf32, #tpu.memory_space<vmem>>, vector<16xf32>,
        %parallel_loop3A_1065 = vector.shape_cast %broadcast_in_dim3A : vector<16x1xi32> to vector<16xi32>
        %parallel_loop3A_1066 = tpu.dynamic_gather %parallel_loop3A_966[%parallel_loop3A_1065] in [0] : vector<16xf32>, vector<16xi32> -> vector<16xf32>
        %parallel_loop3A_1067 = arith.select %eq3A_20, %parallel_loop3A_959, %parallel_loop3A_1066 : vector<16xi1>, vector<16xf32>
        %parallel_loop3A_1068 = vector.shape_cast %broadcast_in_dim3A : vector<16x1xi32> to vector<16xi32>
        %parallel_loop3A_1069 = tpu.dynamic_gather %parallel_loop3A_959[%parallel_loop3A_1068] in [0] : vector<16xf32>, vector<16xi32> -> vector<16xf32>
        %parallel_loop3A_1070 = arith.select %eq3A_20, %parallel_loop3A_1069, %parallel_loop3A_966 : vector<16xi1>, vector<16xf32>
        %parallel_loop3A_1071 = vector.shape_cast %broadcast_in_dim3A : vector<16x1xi32> to vector<16xi32>
        %parallel_loop3A_1072 = tpu.dynamic_gather %parallel_loop3A_980[%parallel_loop3A_1071] in [0] : vector<16xf32>, vector<16xi32> -> vector<16xf32>
        %parallel_loop3A_1073 = arith.select %eq3A_20, %parallel_loop3A_973, %parallel_loop3A_1072 : vector<16xi1>, vector<16xf32>
        %parallel_loop3A_1074 = vector.shape_cast %broadcast_in_dim3A : vector<16x1xi32> to vector<16xi32>
        %parallel_loop3A_1075 = tpu.dynamic_gather %parallel_loop3A_973[%parallel_loop3A_1074] in [0] : vector<16xf32>, vector<16xi32> -> vector<16xf32>
        %parallel_loop3A_1076 = arith.select %eq3A_20, %parallel_loop3A_1075, %parallel_loop3A_980 : vector<16xi1>, vector<16xf32>
        %parallel_loop3A_1077 = vector.shape_cast %broadcast_in_dim3A : vector<16x1xi32> to vector<16xi32>
        %parallel_loop3A_1078 = tpu.dynamic_gather %parallel_loop3A_994[%parallel_loop3A_1077] in [0] : vector<16xf32>, vector<16xi32> -> vector<16xf32>
        %parallel_loop3A_1079 = arith.select %eq3A_20, %parallel_loop3A_987, %parallel_loop3A_1078 : vector<16xi1>, vector<16xf32>
        %parallel_loop3A_1080 = vector.shape_cast %broadcast_in_dim3A : vector<16x1xi32> to vector<16xi32>
        %parallel_loop3A_1081 = tpu.dynamic_gather %parallel_loop3A_987[%parallel_loop3A_1080] in [0] : vector<16xf32>, vector<16xi32> -> vector<16xf32>
        %parallel_loop3A_1082 = arith.select %eq3A_20, %parallel_loop3A_1081, %parallel_loop3A_994 : vector<16xi1>, vector<16xf32>
        %parallel_loop3A_1083 = vector.shape_cast %broadcast_in_dim3A : vector<16x1xi32> to vector<16xi32>
        %parallel_loop3A_1084 = tpu.dynamic_gather %parallel_loop3A_1008[%parallel_loop3A_1083] in [0] : vector<16xf32>, vector<16xi32> -> vector<16xf32>
        %parallel_loop3A_1085 = arith.select %eq3A_20, %parallel_loop3A_1001, %parallel_loop3A_1084 : vector<16xi1>, vector<16xf32>
        %parallel_loop3A_1086 = vector.shape_cast %broadcast_in_dim3A : vector<16x1xi32> to vector<16xi32>
        %parallel_loop3A_1087 = tpu.dynamic_gather %parallel_loop3A_1001[%parallel_loop3A_1086] in [0] : vector<16xf32>, vector<16xi32> -> vector<16xf32>
        %parallel_loop3A_1088 = arith.select %eq3A_20, %parallel_loop3A_1087, %parallel_loop3A_1008 : vector<16xi1>, vector<16xf32>
        %parallel_loop3A_1089 = vector.shape_cast %broadcast_in_dim3A : vector<16x1xi32> to vector<16xi32>
        %parallel_loop3A_1090 = tpu.dynamic_gather %parallel_loop3A_1022[%parallel_loop3A_1089] in [0] : vector<16xf32>, vector<16xi32> -> vector<16xf32>
        %parallel_loop3A_1091 = arith.select %eq3A_20, %parallel_loop3A_1015, %parallel_loop3A_1090 : vector<16xi1>, vector<16xf32>
        %parallel_loop3A_1092 = vector.shape_cast %broadcast_in_dim3A : vector<16x1xi32> to vector<16xi32>
        %parallel_loop3A_1093 = tpu.dynamic_gather %parallel_loop3A_1015[%parallel_loop3A_1092] in [0] : vector<16xf32>, vector<16xi32> -> vector<16xf32>
        %parallel_loop3A_1094 = arith.select %eq3A_20, %parallel_loop3A_1093, %parallel_loop3A_1022 : vector<16xi1>, vector<16xf32>
        %parallel_loop3A_1095 = vector.shape_cast %broadcast_in_dim3A : vector<16x1xi32> to vector<16xi32>
        %parallel_loop3A_1096 = tpu.dynamic_gather %parallel_loop3A_1036[%parallel_loop3A_1095] in [0] : vector<16xf32>, vector<16xi32> -> vector<16xf32>
        %parallel_loop3A_1097 = arith.select %eq3A_20, %parallel_loop3A_1029, %parallel_loop3A_1096 : vector<16xi1>, vector<16xf32>
        %parallel_loop3A_1098 = vector.shape_cast %broadcast_in_dim3A : vector<16x1xi32> to vector<16xi32>
        %parallel_loop3A_1099 = tpu.dynamic_gather %parallel_loop3A_1029[%parallel_loop3A_1098] in [0] : vector<16xf32>, vector<16xi32> -> vector<16xf32>
        %parallel_loop3A_1100 = arith.select %eq3A_20, %parallel_loop3A_1099, %parallel_loop3A_1036 : vector<16xi1>, vector<16xf32>
        %parallel_loop3A_1101 = vector.shape_cast %broadcast_in_dim3A : vector<16x1xi32> to vector<16xi32>
        %parallel_loop3A_1102 = tpu.dynamic_gather %parallel_loop3A_1050[%parallel_loop3A_1101] in [0] : vector<16xf32>, vector<16xi32> -> vector<16xf32>
        %parallel_loop3A_1103 = arith.select %eq3A_20, %parallel_loop3A_1043, %parallel_loop3A_1102 : vector<16xi1>, vector<16xf32>
        %parallel_loop3A_1104 = vector.shape_cast %broadcast_in_dim3A : vector<16x1xi32> to vector<16xi32>
        %parallel_loop3A_1105 = tpu.dynamic_gather %parallel_loop3A_1043[%parallel_loop3A_1104] in [0] : vector<16xf32>, vector<16xi32> -> vector<16xf32>
        %parallel_loop3A_1106 = arith.select %eq3A_20, %parallel_loop3A_1105, %parallel_loop3A_1050 : vector<16xi1>, vector<16xf32>
        %parallel_loop3A_1107 = vector.shape_cast %broadcast_in_dim3A : vector<16x1xi32> to vector<16xi32>
        %parallel_loop3A_1108 = tpu.dynamic_gather %parallel_loop3A_1064[%parallel_loop3A_1107] in [0] : vector<16xf32>, vector<16xi32> -> vector<16xf32>
        %parallel_loop3A_1109 = arith.select %eq3A_20, %parallel_loop3A_1057, %parallel_loop3A_1108 : vector<16xi1>, vector<16xf32>
        %parallel_loop3A_1110 = vector.shape_cast %broadcast_in_dim3A : vector<16x1xi32> to vector<16xi32>
        %parallel_loop3A_1111 = tpu.dynamic_gather %parallel_loop3A_1057[%parallel_loop3A_1110] in [0] : vector<16xf32>, vector<16xi32> -> vector<16xf32>
        %parallel_loop3A_1112 = arith.select %eq3A_20, %parallel_loop3A_1111, %parallel_loop3A_1064 : vector<16xi1>, vector<16xf32>
        %parallel_loop3A_1113 = vector.shape_cast %broadcast_in_dim3A_8 : vector<16x1xi32> to vector<16xi32>
        %parallel_loop3A_1114 = tpu.dynamic_gather %parallel_loop3A_1073[%parallel_loop3A_1113] in [0] : vector<16xf32>, vector<16xi32> -> vector<16xf32>
        %parallel_loop3A_1115 = arith.select %eq3A_26, %parallel_loop3A_1067, %parallel_loop3A_1114 : vector<16xi1>, vector<16xf32>
        %parallel_loop3A_1116 = vector.shape_cast %broadcast_in_dim3A_8 : vector<16x1xi32> to vector<16xi32>
        %parallel_loop3A_1117 = tpu.dynamic_gather %parallel_loop3A_1067[%parallel_loop3A_1116] in [0] : vector<16xf32>, vector<16xi32> -> vector<16xf32>
        %parallel_loop3A_1118 = arith.select %eq3A_26, %parallel_loop3A_1117, %parallel_loop3A_1073 : vector<16xi1>, vector<16xf32>
        %parallel_loop3A_1119 = vector.shape_cast %broadcast_in_dim3A_8 : vector<16x1xi32> to vector<16xi32>
        %parallel_loop3A_1120 = tpu.dynamic_gather %parallel_loop3A_1076[%parallel_loop3A_1119] in [0] : vector<16xf32>, vector<16xi32> -> vector<16xf32>
        %parallel_loop3A_1121 = arith.select %eq3A_26, %parallel_loop3A_1070, %parallel_loop3A_1120 : vector<16xi1>, vector<16xf32>
        %parallel_loop3A_1122 = vector.shape_cast %broadcast_in_dim3A_8 : vector<16x1xi32> to vector<16xi32>
        %parallel_loop3A_1123 = tpu.dynamic_gather %parallel_loop3A_1070[%parallel_loop3A_1122] in [0] : vector<16xf32>, vector<16xi32> -> vector<16xf32>
        %parallel_loop3A_1124 = arith.select %eq3A_26, %parallel_loop3A_1123, %parallel_loop3A_1076 : vector<16xi1>, vector<16xf32>
        %parallel_loop3A_1125 = vector.shape_cast %broadcast_in_dim3A_8 : vector<16x1xi32> to vector<16xi32>
        %parallel_loop3A_1126 = tpu.dynamic_gather %parallel_loop3A_1085[%parallel_loop3A_1125] in [0] : vector<16xf32>, vector<16xi32> -> vector<16xf32>
        %parallel_loop3A_1127 = arith.select %eq3A_26, %parallel_loop3A_1079, %parallel_loop3A_1126 : vector<16xi1>, vector<16xf32>
        %parallel_loop3A_1128 = vector.shape_cast %broadcast_in_dim3A_8 : vector<16x1xi32> to vector<16xi32>
        %parallel_loop3A_1129 = tpu.dynamic_gather %parallel_loop3A_1079[%parallel_loop3A_1128] in [0] : vector<16xf32>, vector<16xi32> -> vector<16xf32>
        %parallel_loop3A_1130 = arith.select %eq3A_26, %parallel_loop3A_1129, %parallel_loop3A_1085 : vector<16xi1>, vector<16xf32>
        %parallel_loop3A_1131 = vector.shape_cast %broadcast_in_dim3A_8 : vector<16x1xi32> to vector<16xi32>
        %parallel_loop3A_1132 = tpu.dynamic_gather %parallel_loop3A_1088[%parallel_loop3A_1131] in [0] : vector<16xf32>, vector<16xi32> -> vector<16xf32>
        %parallel_loop3A_1133 = arith.select %eq3A_26, %parallel_loop3A_1082, %parallel_loop3A_1132 : vector<16xi1>, vector<16xf32>
        %parallel_loop3A_1134 = vector.shape_cast %broadcast_in_dim3A_8 : vector<16x1xi32> to vector<16xi32>
        %parallel_loop3A_1135 = tpu.dynamic_gather %parallel_loop3A_1082[%parallel_loop3A_1134] in [0] : vector<16xf32>, vector<16xi32> -> vector<16xf32>
        %parallel_loop3A_1136 = arith.select %eq3A_26, %parallel_loop3A_1135, %parallel_loop3A_1088 : vector<16xi1>, vector<16xf32>
        %parallel_loop3A_1137 = vector.shape_cast %broadcast_in_dim3A_8 : vector<16x1xi32> to vector<16xi32>
        %parallel_loop3A_1138 = tpu.dynamic_gather %parallel_loop3A_1097[%parallel_loop3A_1137] in [0] : vector<16xf32>, vector<16xi32> -> vector<16xf32>
        %parallel_loop3A_1139 = arith.select %eq3A_26, %parallel_loop3A_1091, %parallel_loop3A_1138 : vector<16xi1>, vector<16xf32>
        %parallel_loop3A_1140 = vector.shape_cast %broadcast_in_dim3A_8 : vector<16x1xi32> to vector<16xi32>
        %parallel_loop3A_1141 = tpu.dynamic_gather %parallel_loop3A_1091[%parallel_loop3A_1140] in [0] : vector<16xf32>, vector<16xi32> -> vector<16xf32>
        %parallel_loop3A_1142 = arith.select %eq3A_26, %parallel_loop3A_1141, %parallel_loop3A_1097 : vector<16xi1>, vector<16xf32>
        %parallel_loop3A_1143 = vector.shape_cast %broadcast_in_dim3A_8 : vector<16x1xi32> to vector<16xi32>
        %parallel_loop3A_1144 = tpu.dynamic_gather %parallel_loop3A_1100[%parallel_loop3A_1143] in [0] : vector<16xf32>, vector<16xi32> -> vector<16xf32>
        %parallel_loop3A_1145 = arith.select %eq3A_26, %parallel_loop3A_1094, %parallel_loop3A_1144 : vector<16xi1>, vector<16xf32>
        %parallel_loop3A_1146 = vector.shape_cast %broadcast_in_dim3A_8 : vector<16x1xi32> to vector<16xi32>
        %parallel_loop3A_1147 = tpu.dynamic_gather %parallel_loop3A_1094[%parallel_loop3A_1146] in [0] : vector<16xf32>, vector<16xi32> -> vector<16xf32>
        %parallel_loop3A_1148 = arith.select %eq3A_26, %parallel_loop3A_1147, %parallel_loop3A_1100 : vector<16xi1>, vector<16xf32>
        %parallel_loop3A_1149 = vector.shape_cast %broadcast_in_dim3A_8 : vector<16x1xi32> to vector<16xi32>
        %parallel_loop3A_1150 = tpu.dynamic_gather %parallel_loop3A_1109[%parallel_loop3A_1149] in [0] : vector<16xf32>, vector<16xi32> -> vector<16xf32>
        %parallel_loop3A_1151 = arith.select %eq3A_26, %parallel_loop3A_1103, %parallel_loop3A_1150 : vector<16xi1>, vector<16xf32>
        %parallel_loop3A_1152 = vector.shape_cast %broadcast_in_dim3A_8 : vector<16x1xi32> to vector<16xi32>
        %parallel_loop3A_1153 = tpu.dynamic_gather %parallel_loop3A_1103[%parallel_loop3A_1152] in [0] : vector<16xf32>, vector<16xi32> -> vector<16xf32>
        %parallel_loop3A_1154 = arith.select %eq3A_26, %parallel_loop3A_1153, %parallel_loop3A_1109 : vector<16xi1>, vector<16xf32>
        %parallel_loop3A_1155 = vector.shape_cast %broadcast_in_dim3A_8 : vector<16x1xi32> to vector<16xi32>
        %parallel_loop3A_1156 = tpu.dynamic_gather %parallel_loop3A_1112[%parallel_loop3A_1155] in [0] : vector<16xf32>, vector<16xi32> -> vector<16xf32>
        %parallel_loop3A_1157 = arith.select %eq3A_26, %parallel_loop3A_1106, %parallel_loop3A_1156 : vector<16xi1>, vector<16xf32>
        %parallel_loop3A_1158 = vector.shape_cast %broadcast_in_dim3A_8 : vector<16x1xi32> to vector<16xi32>
        %parallel_loop3A_1159 = tpu.dynamic_gather %parallel_loop3A_1106[%parallel_loop3A_1158] in [0] : vector<16xf32>, vector<16xi32> -> vector<16xf32>
        %parallel_loop3A_1160 = arith.select %eq3A_26, %parallel_loop3A_1159, %parallel_loop3A_1112 : vector<16xi1>, vector<16xf32>
        %parallel_loop3A_1161 = vector.shape_cast %broadcast_in_dim3A_12 : vector<16x1xi32> to vector<16xi32>
        %parallel_loop3A_1162 = tpu.dynamic_gather %parallel_loop3A_1127[%parallel_loop3A_1161] in [0] : vector<16xf32>, vector<16xi32> -> vector<16xf32>
        %parallel_loop3A_1163 = arith.select %eq3A_32, %parallel_loop3A_1115, %parallel_loop3A_1162 : vector<16xi1>, vector<16xf32>
        %parallel_loop3A_1164 = vector.shape_cast %broadcast_in_dim3A_12 : vector<16x1xi32> to vector<16xi32>
        %parallel_loop3A_1165 = tpu.dynamic_gather %parallel_loop3A_1115[%parallel_loop3A_1164] in [0] : vector<16xf32>, vector<16xi32> -> vector<16xf32>
        %parallel_loop3A_1166 = arith.select %eq3A_32, %parallel_loop3A_1165, %parallel_loop3A_1127 : vector<16xi1>, vector<16xf32>
        %parallel_loop3A_1167 = vector.shape_cast %broadcast_in_dim3A_12 : vector<16x1xi32> to vector<16xi32>
        %parallel_loop3A_1168 = tpu.dynamic_gather %parallel_loop3A_1133[%parallel_loop3A_1167] in [0] : vector<16xf32>, vector<16xi32> -> vector<16xf32>
        %parallel_loop3A_1169 = arith.select %eq3A_32, %parallel_loop3A_1121, %parallel_loop3A_1168 : vector<16xi1>, vector<16xf32>
        %parallel_loop3A_1170 = vector.shape_cast %broadcast_in_dim3A_12 : vector<16x1xi32> to vector<16xi32>
        %parallel_loop3A_1171 = tpu.dynamic_gather %parallel_loop3A_1121[%parallel_loop3A_1170] in [0] : vector<16xf32>, vector<16xi32> -> vector<16xf32>
        %parallel_loop3A_1172 = arith.select %eq3A_32, %parallel_loop3A_1171, %parallel_loop3A_1133 : vector<16xi1>, vector<16xf32>
        %parallel_loop3A_1173 = vector.shape_cast %broadcast_in_dim3A_12 : vector<16x1xi32> to vector<16xi32>
        %parallel_loop3A_1174 = tpu.dynamic_gather %parallel_loop3A_1130[%parallel_loop3A_1173] in [0] : vector<16xf32>, vector<16xi32> -> vector<16xf32>
        %parallel_loop3A_1175 = arith.select %eq3A_32, %parallel_loop3A_1118, %parallel_loop3A_1174 : vector<16xi1>, vector<16xf32>
        %parallel_loop3A_1176 = vector.shape_cast %broadcast_in_dim3A_12 : vector<16x1xi32> to vector<16xi32>
        %parallel_loop3A_1177 = tpu.dynamic_gather %parallel_loop3A_1118[%parallel_loop3A_1176] in [0] : vector<16xf32>, vector<16xi32> -> vector<16xf32>
        %parallel_loop3A_1178 = arith.select %eq3A_32, %parallel_loop3A_1177, %parallel_loop3A_1130 : vector<16xi1>, vector<16xf32>
        %parallel_loop3A_1179 = vector.shape_cast %broadcast_in_dim3A_12 : vector<16x1xi32> to vector<16xi32>
        %parallel_loop3A_1180 = tpu.dynamic_gather %parallel_loop3A_1136[%parallel_loop3A_1179] in [0] : vector<16xf32>, vector<16xi32> -> vector<16xf32>
        %parallel_loop3A_1181 = arith.select %eq3A_32, %parallel_loop3A_1124, %parallel_loop3A_1180 : vector<16xi1>, vector<16xf32>
        %parallel_loop3A_1182 = vector.shape_cast %broadcast_in_dim3A_12 : vector<16x1xi32> to vector<16xi32>
        %parallel_loop3A_1183 = tpu.dynamic_gather %parallel_loop3A_1124[%parallel_loop3A_1182] in [0] : vector<16xf32>, vector<16xi32> -> vector<16xf32>
        %parallel_loop3A_1184 = arith.select %eq3A_32, %parallel_loop3A_1183, %parallel_loop3A_1136 : vector<16xi1>, vector<16xf32>
        %parallel_loop3A_1185 = vector.shape_cast %broadcast_in_dim3A_12 : vector<16x1xi32> to vector<16xi32>
        %parallel_loop3A_1186 = tpu.dynamic_gather %parallel_loop3A_1151[%parallel_loop3A_1185] in [0] : vector<16xf32>, vector<16xi32> -> vector<16xf32>
        %parallel_loop3A_1187 = arith.select %eq3A_32, %parallel_loop3A_1139, %parallel_loop3A_1186 : vector<16xi1>, vector<16xf32>
        %parallel_loop3A_1188 = vector.shape_cast %broadcast_in_dim3A_12 : vector<16x1xi32> to vector<16xi32>
        %parallel_loop3A_1189 = tpu.dynamic_gather %parallel_loop3A_1139[%parallel_loop3A_1188] in [0] : vector<16xf32>, vector<16xi32> -> vector<16xf32>
        %parallel_loop3A_1190 = arith.select %eq3A_32, %parallel_loop3A_1189, %parallel_loop3A_1151 : vector<16xi1>, vector<16xf32>
        %parallel_loop3A_1191 = vector.shape_cast %broadcast_in_dim3A_12 : vector<16x1xi32> to vector<16xi32>
        %parallel_loop3A_1192 = tpu.dynamic_gather %parallel_loop3A_1157[%parallel_loop3A_1191] in [0] : vector<16xf32>, vector<16xi32> -> vector<16xf32>
        %parallel_loop3A_1193 = arith.select %eq3A_32, %parallel_loop3A_1145, %parallel_loop3A_1192 : vector<16xi1>, vector<16xf32>
        %parallel_loop3A_1194 = vector.shape_cast %broadcast_in_dim3A_12 : vector<16x1xi32> to vector<16xi32>
        %parallel_loop3A_1195 = tpu.dynamic_gather %parallel_loop3A_1145[%parallel_loop3A_1194] in [0] : vector<16xf32>, vector<16xi32> -> vector<16xf32>
        %parallel_loop3A_1196 = arith.select %eq3A_32, %parallel_loop3A_1195, %parallel_loop3A_1157 : vector<16xi1>, vector<16xf32>
        %parallel_loop3A_1197 = vector.shape_cast %broadcast_in_dim3A_12 : vector<16x1xi32> to vector<16xi32>
        %parallel_loop3A_1198 = tpu.dynamic_gather %parallel_loop3A_1154[%parallel_loop3A_1197] in [0] : vector<16xf32>, vector<16xi32> -> vector<16xf32>
        %parallel_loop3A_1199 = arith.select %eq3A_32, %parallel_loop3A_1142, %parallel_loop3A_1198 : vector<16xi1>, vector<16xf32>
        %parallel_loop3A_1200 = vector.shape_cast %broadcast_in_dim3A_12 : vector<16x1xi32> to vector<16xi32>
        %parallel_loop3A_1201 = tpu.dynamic_gather %parallel_loop3A_1142[%parallel_loop3A_1200] in [0] : vector<16xf32>, vector<16xi32> -> vector<16xf32>
        %parallel_loop3A_1202 = arith.select %eq3A_32, %parallel_loop3A_1201, %parallel_loop3A_1154 : vector<16xi1>, vector<16xf32>
        %parallel_loop3A_1203 = vector.shape_cast %broadcast_in_dim3A_12 : vector<16x1xi32> to vector<16xi32>
        %parallel_loop3A_1204 = tpu.dynamic_gather %parallel_loop3A_1160[%parallel_loop3A_1203] in [0] : vector<16xf32>, vector<16xi32> -> vector<16xf32>
        %parallel_loop3A_1205 = arith.select %eq3A_32, %parallel_loop3A_1148, %parallel_loop3A_1204 : vector<16xi1>, vector<16xf32>
        %parallel_loop3A_1206 = vector.shape_cast %broadcast_in_dim3A_12 : vector<16x1xi32> to vector<16xi32>
        %parallel_loop3A_1207 = tpu.dynamic_gather %parallel_loop3A_1148[%parallel_loop3A_1206] in [0] : vector<16xf32>, vector<16xi32> -> vector<16xf32>
        %parallel_loop3A_1208 = arith.select %eq3A_32, %parallel_loop3A_1207, %parallel_loop3A_1160 : vector<16xi1>, vector<16xf32>
        %parallel_loop3A_1209 = vector.shape_cast %broadcast_in_dim3A_16 : vector<16x1xi32> to vector<16xi32>
        %parallel_loop3A_1210 = tpu.dynamic_gather %parallel_loop3A_1187[%parallel_loop3A_1209] in [0] : vector<16xf32>, vector<16xi32> -> vector<16xf32>
        %parallel_loop3A_1211 = arith.select %eq3A_38, %parallel_loop3A_1163, %parallel_loop3A_1210 : vector<16xi1>, vector<16xf32>
        %parallel_loop3A_1212 = vector.shape_cast %broadcast_in_dim3A_16 : vector<16x1xi32> to vector<16xi32>
        %parallel_loop3A_1213 = tpu.dynamic_gather %parallel_loop3A_1163[%parallel_loop3A_1212] in [0] : vector<16xf32>, vector<16xi32> -> vector<16xf32>
        %parallel_loop3A_1214 = arith.select %eq3A_38, %parallel_loop3A_1213, %parallel_loop3A_1187 : vector<16xi1>, vector<16xf32>
        %parallel_loop3A_1215 = vector.shape_cast %broadcast_in_dim3A_16 : vector<16x1xi32> to vector<16xi32>
        %parallel_loop3A_1216 = tpu.dynamic_gather %parallel_loop3A_1193[%parallel_loop3A_1215] in [0] : vector<16xf32>, vector<16xi32> -> vector<16xf32>
        %parallel_loop3A_1217 = arith.select %eq3A_38, %parallel_loop3A_1169, %parallel_loop3A_1216 : vector<16xi1>, vector<16xf32>
        %parallel_loop3A_1218 = vector.shape_cast %broadcast_in_dim3A_16 : vector<16x1xi32> to vector<16xi32>
        %parallel_loop3A_1219 = tpu.dynamic_gather %parallel_loop3A_1169[%parallel_loop3A_1218] in [0] : vector<16xf32>, vector<16xi32> -> vector<16xf32>
        %parallel_loop3A_1220 = arith.select %eq3A_38, %parallel_loop3A_1219, %parallel_loop3A_1193 : vector<16xi1>, vector<16xf32>
        %parallel_loop3A_1221 = vector.shape_cast %broadcast_in_dim3A_16 : vector<16x1xi32> to vector<16xi32>
        %parallel_loop3A_1222 = tpu.dynamic_gather %parallel_loop3A_1199[%parallel_loop3A_1221] in [0] : vector<16xf32>, vector<16xi32> -> vector<16xf32>
        %parallel_loop3A_1223 = arith.select %eq3A_38, %parallel_loop3A_1175, %parallel_loop3A_1222 : vector<16xi1>, vector<16xf32>
        %parallel_loop3A_1224 = vector.shape_cast %broadcast_in_dim3A_16 : vector<16x1xi32> to vector<16xi32>
        %parallel_loop3A_1225 = tpu.dynamic_gather %parallel_loop3A_1175[%parallel_loop3A_1224] in [0] : vector<16xf32>, vector<16xi32> -> vector<16xf32>
        %parallel_loop3A_1226 = arith.select %eq3A_38, %parallel_loop3A_1225, %parallel_loop3A_1199 : vector<16xi1>, vector<16xf32>
        %parallel_loop3A_1227 = vector.shape_cast %broadcast_in_dim3A_16 : vector<16x1xi32> to vector<16xi32>
        %parallel_loop3A_1228 = tpu.dynamic_gather %parallel_loop3A_1205[%parallel_loop3A_1227] in [0] : vector<16xf32>, vector<16xi32> -> vector<16xf32>
        %parallel_loop3A_1229 = arith.select %eq3A_38, %parallel_loop3A_1181, %parallel_loop3A_1228 : vector<16xi1>, vector<16xf32>
        %parallel_loop3A_1230 = vector.shape_cast %broadcast_in_dim3A_16 : vector<16x1xi32> to vector<16xi32>
        %parallel_loop3A_1231 = tpu.dynamic_gather %parallel_loop3A_1181[%parallel_loop3A_1230] in [0] : vector<16xf32>, vector<16xi32> -> vector<16xf32>
        %parallel_loop3A_1232 = arith.select %eq3A_38, %parallel_loop3A_1231, %parallel_loop3A_1205 : vector<16xi1>, vector<16xf32>
        %parallel_loop3A_1233 = vector.shape_cast %broadcast_in_dim3A_16 : vector<16x1xi32> to vector<16xi32>
        %parallel_loop3A_1234 = tpu.dynamic_gather %parallel_loop3A_1190[%parallel_loop3A_1233] in [0] : vector<16xf32>, vector<16xi32> -> vector<16xf32>
        %parallel_loop3A_1235 = arith.select %eq3A_38, %parallel_loop3A_1166, %parallel_loop3A_1234 : vector<16xi1>, vector<16xf32>
        %parallel_loop3A_1236 = vector.shape_cast %broadcast_in_dim3A_16 : vector<16x1xi32> to vector<16xi32>
        %parallel_loop3A_1237 = tpu.dynamic_gather %parallel_loop3A_1166[%parallel_loop3A_1236] in [0] : vector<16xf32>, vector<16xi32> -> vector<16xf32>
        %parallel_loop3A_1238 = arith.select %eq3A_38, %parallel_loop3A_1237, %parallel_loop3A_1190 : vector<16xi1>, vector<16xf32>
        %parallel_loop3A_1239 = vector.shape_cast %broadcast_in_dim3A_16 : vector<16x1xi32> to vector<16xi32>
        %parallel_loop3A_1240 = tpu.dynamic_gather %parallel_loop3A_1196[%parallel_loop3A_1239] in [0] : vector<16xf32>, vector<16xi32> -> vector<16xf32>
        %parallel_loop3A_1241 = arith.select %eq3A_38, %parallel_loop3A_1172, %parallel_loop3A_1240 : vector<16xi1>, vector<16xf32>
        %parallel_loop3A_1242 = vector.shape_cast %broadcast_in_dim3A_16 : vector<16x1xi32> to vector<16xi32>
        %parallel_loop3A_1243 = tpu.dynamic_gather %parallel_loop3A_1172[%parallel_loop3A_1242] in [0] : vector<16xf32>, vector<16xi32> -> vector<16xf32>
        %parallel_loop3A_1244 = arith.select %eq3A_38, %parallel_loop3A_1243, %parallel_loop3A_1196 : vector<16xi1>, vector<16xf32>
        %parallel_loop3A_1245 = vector.shape_cast %broadcast_in_dim3A_16 : vector<16x1xi32> to vector<16xi32>
        %parallel_loop3A_1246 = tpu.dynamic_gather %parallel_loop3A_1202[%parallel_loop3A_1245] in [0] : vector<16xf32>, vector<16xi32> -> vector<16xf32>
        %parallel_loop3A_1247 = arith.select %eq3A_38, %parallel_loop3A_1178, %parallel_loop3A_1246 : vector<16xi1>, vector<16xf32>
        %parallel_loop3A_1248 = vector.shape_cast %broadcast_in_dim3A_16 : vector<16x1xi32> to vector<16xi32>
        %parallel_loop3A_1249 = tpu.dynamic_gather %parallel_loop3A_1178[%parallel_loop3A_1248] in [0] : vector<16xf32>, vector<16xi32> -> vector<16xf32>
        %parallel_loop3A_1250 = arith.select %eq3A_38, %parallel_loop3A_1249, %parallel_loop3A_1202 : vector<16xi1>, vector<16xf32>
        %parallel_loop3A_1251 = vector.shape_cast %broadcast_in_dim3A_16 : vector<16x1xi32> to vector<16xi32>
        %parallel_loop3A_1252 = tpu.dynamic_gather %parallel_loop3A_1208[%parallel_loop3A_1251] in [0] : vector<16xf32>, vector<16xi32> -> vector<16xf32>
        %parallel_loop3A_1253 = arith.select %eq3A_38, %parallel_loop3A_1184, %parallel_loop3A_1252 : vector<16xi1>, vector<16xf32>
        %parallel_loop3A_1254 = vector.shape_cast %broadcast_in_dim3A_16 : vector<16x1xi32> to vector<16xi32>
        %parallel_loop3A_1255 = tpu.dynamic_gather %parallel_loop3A_1184[%parallel_loop3A_1254] in [0] : vector<16xf32>, vector<16xi32> -> vector<16xf32>
        %parallel_loop3A_1256 = arith.select %eq3A_38, %parallel_loop3A_1255, %parallel_loop3A_1208 : vector<16xi1>, vector<16xf32>
        %parallel_loop3A_1257 = arith.constant 4096 : i32
        %parallel_loop3A_1258 = arith.muli %parallel_loop3A_941, %parallel_loop3A_1257 : i32
        %parallel_loop3A_1259 = arith.constant 16 : i32
        %parallel_loop3A_1260 = arith.muli %parallel_loop3A_945, %parallel_loop3A_1259 : i32
        %parallel_loop3A_1261 = arith.addi %parallel_loop3A_1258, %parallel_loop3A_1260 : i32
        %parallel_loop3A_1262 = arith.constant 16 : i32
        %parallel_loop3A_1263 = arith.muli %parallel_loop3A_947, %parallel_loop3A_1262 : i32
        %parallel_loop3A_1264 = arith.constant 0 : i32
        %parallel_loop3A_1265 = arith.addi %parallel_loop3A_1263, %parallel_loop3A_1264 : i32
        %parallel_loop3A_1266 = arith.constant 3 : i32
        %parallel_loop3A_1267 = arith.shrsi %parallel_loop3A_1265, %parallel_loop3A_1266 : i32
        %parallel_loop3A_1268 = arith.constant 1024 : i32
        %parallel_loop3A_1269 = arith.muli %parallel_loop3A_1267, %parallel_loop3A_1268 : i32
        %parallel_loop3A_1270 = arith.constant 7 : i32
        %parallel_loop3A_1271 = arith.andi %parallel_loop3A_1265, %parallel_loop3A_1270 : i32
        %parallel_loop3A_1272 = arith.constant 128 : i32
        %parallel_loop3A_1273 = arith.muli %parallel_loop3A_1271, %parallel_loop3A_1272 : i32
        %parallel_loop3A_1274 = arith.addi %parallel_loop3A_1269, %parallel_loop3A_1273 : i32
        %parallel_loop3A_1275 = arith.addi %parallel_loop3A_1274, %parallel_loop3A_1261 : i32
        %parallel_loop3A_1276 = arith.index_cast %parallel_loop3A_1275 : i32 to index
        %parallel_loop3A_1277 = tpu.vector_load %arg9[%parallel_loop3A_1276] {strides = array<i32>} : memref<16384xf32, #tpu.memory_space<vmem>>, vector<16xf32>,
        tpu.vector_store %arg9[%parallel_loop3A_1276], %parallel_loop3A_1211 {strides = array<i32>} : memref<16384xf32, #tpu.memory_space<vmem>>, vector<16xf32>,
        %parallel_loop3A_1278 = arith.constant 16 : i32
        %parallel_loop3A_1279 = arith.muli %parallel_loop3A_947, %parallel_loop3A_1278 : i32
        %parallel_loop3A_1280 = arith.constant 1 : i32
        %parallel_loop3A_1281 = arith.addi %parallel_loop3A_1279, %parallel_loop3A_1280 : i32
        %parallel_loop3A_1282 = arith.constant 3 : i32
        %parallel_loop3A_1283 = arith.shrsi %parallel_loop3A_1281, %parallel_loop3A_1282 : i32
        %parallel_loop3A_1284 = arith.constant 1024 : i32
        %parallel_loop3A_1285 = arith.muli %parallel_loop3A_1283, %parallel_loop3A_1284 : i32
        %parallel_loop3A_1286 = arith.constant 7 : i32
        %parallel_loop3A_1287 = arith.andi %parallel_loop3A_1281, %parallel_loop3A_1286 : i32
        %parallel_loop3A_1288 = arith.constant 128 : i32
        %parallel_loop3A_1289 = arith.muli %parallel_loop3A_1287, %parallel_loop3A_1288 : i32
        %parallel_loop3A_1290 = arith.addi %parallel_loop3A_1285, %parallel_loop3A_1289 : i32
        %parallel_loop3A_1291 = arith.addi %parallel_loop3A_1290, %parallel_loop3A_1261 : i32
        %parallel_loop3A_1292 = arith.index_cast %parallel_loop3A_1291 : i32 to index
        %parallel_loop3A_1293 = tpu.vector_load %arg9[%parallel_loop3A_1292] {strides = array<i32>} : memref<16384xf32, #tpu.memory_space<vmem>>, vector<16xf32>,
        tpu.vector_store %arg9[%parallel_loop3A_1292], %parallel_loop3A_1217 {strides = array<i32>} : memref<16384xf32, #tpu.memory_space<vmem>>, vector<16xf32>,
        %parallel_loop3A_1294 = arith.constant 16 : i32
        %parallel_loop3A_1295 = arith.muli %parallel_loop3A_947, %parallel_loop3A_1294 : i32
        %parallel_loop3A_1296 = arith.constant 2 : i32
        %parallel_loop3A_1297 = arith.addi %parallel_loop3A_1295, %parallel_loop3A_1296 : i32
        %parallel_loop3A_1298 = arith.constant 3 : i32
        %parallel_loop3A_1299 = arith.shrsi %parallel_loop3A_1297, %parallel_loop3A_1298 : i32
        %parallel_loop3A_1300 = arith.constant 1024 : i32
        %parallel_loop3A_1301 = arith.muli %parallel_loop3A_1299, %parallel_loop3A_1300 : i32
        %parallel_loop3A_1302 = arith.constant 7 : i32
        %parallel_loop3A_1303 = arith.andi %parallel_loop3A_1297, %parallel_loop3A_1302 : i32
        %parallel_loop3A_1304 = arith.constant 128 : i32
        %parallel_loop3A_1305 = arith.muli %parallel_loop3A_1303, %parallel_loop3A_1304 : i32
        %parallel_loop3A_1306 = arith.addi %parallel_loop3A_1301, %parallel_loop3A_1305 : i32
        %parallel_loop3A_1307 = arith.addi %parallel_loop3A_1306, %parallel_loop3A_1261 : i32
        %parallel_loop3A_1308 = arith.index_cast %parallel_loop3A_1307 : i32 to index
        %parallel_loop3A_1309 = tpu.vector_load %arg9[%parallel_loop3A_1308] {strides = array<i32>} : memref<16384xf32, #tpu.memory_space<vmem>>, vector<16xf32>,
        tpu.vector_store %arg9[%parallel_loop3A_1308], %parallel_loop3A_1223 {strides = array<i32>} : memref<16384xf32, #tpu.memory_space<vmem>>, vector<16xf32>,
        %parallel_loop3A_1310 = arith.constant 16 : i32
        %parallel_loop3A_1311 = arith.muli %parallel_loop3A_947, %parallel_loop3A_1310 : i32
        %parallel_loop3A_1312 = arith.constant 3 : i32
        %parallel_loop3A_1313 = arith.addi %parallel_loop3A_1311, %parallel_loop3A_1312 : i32
        %parallel_loop3A_1314 = arith.constant 3 : i32
        %parallel_loop3A_1315 = arith.shrsi %parallel_loop3A_1313, %parallel_loop3A_1314 : i32
        %parallel_loop3A_1316 = arith.constant 1024 : i32
        %parallel_loop3A_1317 = arith.muli %parallel_loop3A_1315, %parallel_loop3A_1316 : i32
        %parallel_loop3A_1318 = arith.constant 7 : i32
        %parallel_loop3A_1319 = arith.andi %parallel_loop3A_1313, %parallel_loop3A_1318 : i32
        %parallel_loop3A_1320 = arith.constant 128 : i32
        %parallel_loop3A_1321 = arith.muli %parallel_loop3A_1319, %parallel_loop3A_1320 : i32
        %parallel_loop3A_1322 = arith.addi %parallel_loop3A_1317, %parallel_loop3A_1321 : i32
        %parallel_loop3A_1323 = arith.addi %parallel_loop3A_1322, %parallel_loop3A_1261 : i32
        %parallel_loop3A_1324 = arith.index_cast %parallel_loop3A_1323 : i32 to index
        %parallel_loop3A_1325 = tpu.vector_load %arg9[%parallel_loop3A_1324] {strides = array<i32>} : memref<16384xf32, #tpu.memory_space<vmem>>, vector<16xf32>,
        tpu.vector_store %arg9[%parallel_loop3A_1324], %parallel_loop3A_1229 {strides = array<i32>} : memref<16384xf32, #tpu.memory_space<vmem>>, vector<16xf32>,
        %parallel_loop3A_1326 = arith.constant 16 : i32
        %parallel_loop3A_1327 = arith.muli %parallel_loop3A_947, %parallel_loop3A_1326 : i32
        %parallel_loop3A_1328 = arith.constant 4 : i32
        %parallel_loop3A_1329 = arith.addi %parallel_loop3A_1327, %parallel_loop3A_1328 : i32
        %parallel_loop3A_1330 = arith.constant 3 : i32
        %parallel_loop3A_1331 = arith.shrsi %parallel_loop3A_1329, %parallel_loop3A_1330 : i32
        %parallel_loop3A_1332 = arith.constant 1024 : i32
        %parallel_loop3A_1333 = arith.muli %parallel_loop3A_1331, %parallel_loop3A_1332 : i32
        %parallel_loop3A_1334 = arith.constant 7 : i32
        %parallel_loop3A_1335 = arith.andi %parallel_loop3A_1329, %parallel_loop3A_1334 : i32
        %parallel_loop3A_1336 = arith.constant 128 : i32
        %parallel_loop3A_1337 = arith.muli %parallel_loop3A_1335, %parallel_loop3A_1336 : i32
        %parallel_loop3A_1338 = arith.addi %parallel_loop3A_1333, %parallel_loop3A_1337 : i32
        %parallel_loop3A_1339 = arith.addi %parallel_loop3A_1338, %parallel_loop3A_1261 : i32
        %parallel_loop3A_1340 = arith.index_cast %parallel_loop3A_1339 : i32 to index
        %parallel_loop3A_1341 = tpu.vector_load %arg9[%parallel_loop3A_1340] {strides = array<i32>} : memref<16384xf32, #tpu.memory_space<vmem>>, vector<16xf32>,
        tpu.vector_store %arg9[%parallel_loop3A_1340], %parallel_loop3A_1235 {strides = array<i32>} : memref<16384xf32, #tpu.memory_space<vmem>>, vector<16xf32>,
        %parallel_loop3A_1342 = arith.constant 16 : i32
        %parallel_loop3A_1343 = arith.muli %parallel_loop3A_947, %parallel_loop3A_1342 : i32
        %parallel_loop3A_1344 = arith.constant 5 : i32
        %parallel_loop3A_1345 = arith.addi %parallel_loop3A_1343, %parallel_loop3A_1344 : i32
        %parallel_loop3A_1346 = arith.constant 3 : i32
        %parallel_loop3A_1347 = arith.shrsi %parallel_loop3A_1345, %parallel_loop3A_1346 : i32
        %parallel_loop3A_1348 = arith.constant 1024 : i32
        %parallel_loop3A_1349 = arith.muli %parallel_loop3A_1347, %parallel_loop3A_1348 : i32
        %parallel_loop3A_1350 = arith.constant 7 : i32
        %parallel_loop3A_1351 = arith.andi %parallel_loop3A_1345, %parallel_loop3A_1350 : i32
        %parallel_loop3A_1352 = arith.constant 128 : i32
        %parallel_loop3A_1353 = arith.muli %parallel_loop3A_1351, %parallel_loop3A_1352 : i32
        %parallel_loop3A_1354 = arith.addi %parallel_loop3A_1349, %parallel_loop3A_1353 : i32
        %parallel_loop3A_1355 = arith.addi %parallel_loop3A_1354, %parallel_loop3A_1261 : i32
        %parallel_loop3A_1356 = arith.index_cast %parallel_loop3A_1355 : i32 to index
        %parallel_loop3A_1357 = tpu.vector_load %arg9[%parallel_loop3A_1356] {strides = array<i32>} : memref<16384xf32, #tpu.memory_space<vmem>>, vector<16xf32>,
        tpu.vector_store %arg9[%parallel_loop3A_1356], %parallel_loop3A_1241 {strides = array<i32>} : memref<16384xf32, #tpu.memory_space<vmem>>, vector<16xf32>,
        %parallel_loop3A_1358 = arith.constant 16 : i32
        %parallel_loop3A_1359 = arith.muli %parallel_loop3A_947, %parallel_loop3A_1358 : i32
        %parallel_loop3A_1360 = arith.constant 6 : i32
        %parallel_loop3A_1361 = arith.addi %parallel_loop3A_1359, %parallel_loop3A_1360 : i32
        %parallel_loop3A_1362 = arith.constant 3 : i32
        %parallel_loop3A_1363 = arith.shrsi %parallel_loop3A_1361, %parallel_loop3A_1362 : i32
        %parallel_loop3A_1364 = arith.constant 1024 : i32
        %parallel_loop3A_1365 = arith.muli %parallel_loop3A_1363, %parallel_loop3A_1364 : i32
        %parallel_loop3A_1366 = arith.constant 7 : i32
        %parallel_loop3A_1367 = arith.andi %parallel_loop3A_1361, %parallel_loop3A_1366 : i32
        %parallel_loop3A_1368 = arith.constant 128 : i32
        %parallel_loop3A_1369 = arith.muli %parallel_loop3A_1367, %parallel_loop3A_1368 : i32
        %parallel_loop3A_1370 = arith.addi %parallel_loop3A_1365, %parallel_loop3A_1369 : i32
        %parallel_loop3A_1371 = arith.addi %parallel_loop3A_1370, %parallel_loop3A_1261 : i32
        %parallel_loop3A_1372 = arith.index_cast %parallel_loop3A_1371 : i32 to index
        %parallel_loop3A_1373 = tpu.vector_load %arg9[%parallel_loop3A_1372] {strides = array<i32>} : memref<16384xf32, #tpu.memory_space<vmem>>, vector<16xf32>,
        tpu.vector_store %arg9[%parallel_loop3A_1372], %parallel_loop3A_1247 {strides = array<i32>} : memref<16384xf32, #tpu.memory_space<vmem>>, vector<16xf32>,
        %parallel_loop3A_1374 = arith.constant 16 : i32
        %parallel_loop3A_1375 = arith.muli %parallel_loop3A_947, %parallel_loop3A_1374 : i32
        %parallel_loop3A_1376 = arith.constant 7 : i32
        %parallel_loop3A_1377 = arith.addi %parallel_loop3A_1375, %parallel_loop3A_1376 : i32
        %parallel_loop3A_1378 = arith.constant 3 : i32
        %parallel_loop3A_1379 = arith.shrsi %parallel_loop3A_1377, %parallel_loop3A_1378 : i32
        %parallel_loop3A_1380 = arith.constant 1024 : i32
        %parallel_loop3A_1381 = arith.muli %parallel_loop3A_1379, %parallel_loop3A_1380 : i32
        %parallel_loop3A_1382 = arith.constant 7 : i32
        %parallel_loop3A_1383 = arith.andi %parallel_loop3A_1377, %parallel_loop3A_1382 : i32
        %parallel_loop3A_1384 = arith.constant 128 : i32
        %parallel_loop3A_1385 = arith.muli %parallel_loop3A_1383, %parallel_loop3A_1384 : i32
        %parallel_loop3A_1386 = arith.addi %parallel_loop3A_1381, %parallel_loop3A_1385 : i32
        %parallel_loop3A_1387 = arith.addi %parallel_loop3A_1386, %parallel_loop3A_1261 : i32
        %parallel_loop3A_1388 = arith.index_cast %parallel_loop3A_1387 : i32 to index
        %parallel_loop3A_1389 = tpu.vector_load %arg9[%parallel_loop3A_1388] {strides = array<i32>} : memref<16384xf32, #tpu.memory_space<vmem>>, vector<16xf32>,
        tpu.vector_store %arg9[%parallel_loop3A_1388], %parallel_loop3A_1253 {strides = array<i32>} : memref<16384xf32, #tpu.memory_space<vmem>>, vector<16xf32>,
        %parallel_loop3A_1390 = arith.constant 16 : i32
        %parallel_loop3A_1391 = arith.muli %parallel_loop3A_947, %parallel_loop3A_1390 : i32
        %parallel_loop3A_1392 = arith.constant 8 : i32
        %parallel_loop3A_1393 = arith.addi %parallel_loop3A_1391, %parallel_loop3A_1392 : i32
        %parallel_loop3A_1394 = arith.constant 3 : i32
        %parallel_loop3A_1395 = arith.shrsi %parallel_loop3A_1393, %parallel_loop3A_1394 : i32
        %parallel_loop3A_1396 = arith.constant 1024 : i32
        %parallel_loop3A_1397 = arith.muli %parallel_loop3A_1395, %parallel_loop3A_1396 : i32
        %parallel_loop3A_1398 = arith.constant 7 : i32
        %parallel_loop3A_1399 = arith.andi %parallel_loop3A_1393, %parallel_loop3A_1398 : i32
        %parallel_loop3A_1400 = arith.constant 128 : i32
        %parallel_loop3A_1401 = arith.muli %parallel_loop3A_1399, %parallel_loop3A_1400 : i32
        %parallel_loop3A_1402 = arith.addi %parallel_loop3A_1397, %parallel_loop3A_1401 : i32
        %parallel_loop3A_1403 = arith.addi %parallel_loop3A_1402, %parallel_loop3A_1261 : i32
        %parallel_loop3A_1404 = arith.index_cast %parallel_loop3A_1403 : i32 to index
        %parallel_loop3A_1405 = tpu.vector_load %arg9[%parallel_loop3A_1404] {strides = array<i32>} : memref<16384xf32, #tpu.memory_space<vmem>>, vector<16xf32>,
        tpu.vector_store %arg9[%parallel_loop3A_1404], %parallel_loop3A_1214 {strides = array<i32>} : memref<16384xf32, #tpu.memory_space<vmem>>, vector<16xf32>,
        %parallel_loop3A_1406 = arith.constant 16 : i32
        %parallel_loop3A_1407 = arith.muli %parallel_loop3A_947, %parallel_loop3A_1406 : i32
        %parallel_loop3A_1408 = arith.constant 9 : i32
        %parallel_loop3A_1409 = arith.addi %parallel_loop3A_1407, %parallel_loop3A_1408 : i32
        %parallel_loop3A_1410 = arith.constant 3 : i32
        %parallel_loop3A_1411 = arith.shrsi %parallel_loop3A_1409, %parallel_loop3A_1410 : i32
        %parallel_loop3A_1412 = arith.constant 1024 : i32
        %parallel_loop3A_1413 = arith.muli %parallel_loop3A_1411, %parallel_loop3A_1412 : i32
        %parallel_loop3A_1414 = arith.constant 7 : i32
        %parallel_loop3A_1415 = arith.andi %parallel_loop3A_1409, %parallel_loop3A_1414 : i32
        %parallel_loop3A_1416 = arith.constant 128 : i32
        %parallel_loop3A_1417 = arith.muli %parallel_loop3A_1415, %parallel_loop3A_1416 : i32
        %parallel_loop3A_1418 = arith.addi %parallel_loop3A_1413, %parallel_loop3A_1417 : i32
        %parallel_loop3A_1419 = arith.addi %parallel_loop3A_1418, %parallel_loop3A_1261 : i32
        %parallel_loop3A_1420 = arith.index_cast %parallel_loop3A_1419 : i32 to index
        %parallel_loop3A_1421 = tpu.vector_load %arg9[%parallel_loop3A_1420] {strides = array<i32>} : memref<16384xf32, #tpu.memory_space<vmem>>, vector<16xf32>,
        tpu.vector_store %arg9[%parallel_loop3A_1420], %parallel_loop3A_1220 {strides = array<i32>} : memref<16384xf32, #tpu.memory_space<vmem>>, vector<16xf32>,
        %parallel_loop3A_1422 = arith.constant 16 : i32
        %parallel_loop3A_1423 = arith.muli %parallel_loop3A_947, %parallel_loop3A_1422 : i32
        %parallel_loop3A_1424 = arith.constant 10 : i32
        %parallel_loop3A_1425 = arith.addi %parallel_loop3A_1423, %parallel_loop3A_1424 : i32
        %parallel_loop3A_1426 = arith.constant 3 : i32
        %parallel_loop3A_1427 = arith.shrsi %parallel_loop3A_1425, %parallel_loop3A_1426 : i32
        %parallel_loop3A_1428 = arith.constant 1024 : i32
        %parallel_loop3A_1429 = arith.muli %parallel_loop3A_1427, %parallel_loop3A_1428 : i32
        %parallel_loop3A_1430 = arith.constant 7 : i32
        %parallel_loop3A_1431 = arith.andi %parallel_loop3A_1425, %parallel_loop3A_1430 : i32
        %parallel_loop3A_1432 = arith.constant 128 : i32
        %parallel_loop3A_1433 = arith.muli %parallel_loop3A_1431, %parallel_loop3A_1432 : i32
        %parallel_loop3A_1434 = arith.addi %parallel_loop3A_1429, %parallel_loop3A_1433 : i32
        %parallel_loop3A_1435 = arith.addi %parallel_loop3A_1434, %parallel_loop3A_1261 : i32
        %parallel_loop3A_1436 = arith.index_cast %parallel_loop3A_1435 : i32 to index
        %parallel_loop3A_1437 = tpu.vector_load %arg9[%parallel_loop3A_1436] {strides = array<i32>} : memref<16384xf32, #tpu.memory_space<vmem>>, vector<16xf32>,
        tpu.vector_store %arg9[%parallel_loop3A_1436], %parallel_loop3A_1226 {strides = array<i32>} : memref<16384xf32, #tpu.memory_space<vmem>>, vector<16xf32>,
        %parallel_loop3A_1438 = arith.constant 16 : i32
        %parallel_loop3A_1439 = arith.muli %parallel_loop3A_947, %parallel_loop3A_1438 : i32
        %parallel_loop3A_1440 = arith.constant 11 : i32
        %parallel_loop3A_1441 = arith.addi %parallel_loop3A_1439, %parallel_loop3A_1440 : i32
        %parallel_loop3A_1442 = arith.constant 3 : i32
        %parallel_loop3A_1443 = arith.shrsi %parallel_loop3A_1441, %parallel_loop3A_1442 : i32
        %parallel_loop3A_1444 = arith.constant 1024 : i32
        %parallel_loop3A_1445 = arith.muli %parallel_loop3A_1443, %parallel_loop3A_1444 : i32
        %parallel_loop3A_1446 = arith.constant 7 : i32
        %parallel_loop3A_1447 = arith.andi %parallel_loop3A_1441, %parallel_loop3A_1446 : i32
        %parallel_loop3A_1448 = arith.constant 128 : i32
        %parallel_loop3A_1449 = arith.muli %parallel_loop3A_1447, %parallel_loop3A_1448 : i32
        %parallel_loop3A_1450 = arith.addi %parallel_loop3A_1445, %parallel_loop3A_1449 : i32
        %parallel_loop3A_1451 = arith.addi %parallel_loop3A_1450, %parallel_loop3A_1261 : i32
        %parallel_loop3A_1452 = arith.index_cast %parallel_loop3A_1451 : i32 to index
        %parallel_loop3A_1453 = tpu.vector_load %arg9[%parallel_loop3A_1452] {strides = array<i32>} : memref<16384xf32, #tpu.memory_space<vmem>>, vector<16xf32>,
        tpu.vector_store %arg9[%parallel_loop3A_1452], %parallel_loop3A_1232 {strides = array<i32>} : memref<16384xf32, #tpu.memory_space<vmem>>, vector<16xf32>,
        %parallel_loop3A_1454 = arith.constant 16 : i32
        %parallel_loop3A_1455 = arith.muli %parallel_loop3A_947, %parallel_loop3A_1454 : i32
        %parallel_loop3A_1456 = arith.constant 12 : i32
        %parallel_loop3A_1457 = arith.addi %parallel_loop3A_1455, %parallel_loop3A_1456 : i32
        %parallel_loop3A_1458 = arith.constant 3 : i32
        %parallel_loop3A_1459 = arith.shrsi %parallel_loop3A_1457, %parallel_loop3A_1458 : i32
        %parallel_loop3A_1460 = arith.constant 1024 : i32
        %parallel_loop3A_1461 = arith.muli %parallel_loop3A_1459, %parallel_loop3A_1460 : i32
        %parallel_loop3A_1462 = arith.constant 7 : i32
        %parallel_loop3A_1463 = arith.andi %parallel_loop3A_1457, %parallel_loop3A_1462 : i32
        %parallel_loop3A_1464 = arith.constant 128 : i32
        %parallel_loop3A_1465 = arith.muli %parallel_loop3A_1463, %parallel_loop3A_1464 : i32
        %parallel_loop3A_1466 = arith.addi %parallel_loop3A_1461, %parallel_loop3A_1465 : i32
        %parallel_loop3A_1467 = arith.addi %parallel_loop3A_1466, %parallel_loop3A_1261 : i32
        %parallel_loop3A_1468 = arith.index_cast %parallel_loop3A_1467 : i32 to index
        %parallel_loop3A_1469 = tpu.vector_load %arg9[%parallel_loop3A_1468] {strides = array<i32>} : memref<16384xf32, #tpu.memory_space<vmem>>, vector<16xf32>,
        tpu.vector_store %arg9[%parallel_loop3A_1468], %parallel_loop3A_1238 {strides = array<i32>} : memref<16384xf32, #tpu.memory_space<vmem>>, vector<16xf32>,
        %parallel_loop3A_1470 = arith.constant 16 : i32
        %parallel_loop3A_1471 = arith.muli %parallel_loop3A_947, %parallel_loop3A_1470 : i32
        %parallel_loop3A_1472 = arith.constant 13 : i32
        %parallel_loop3A_1473 = arith.addi %parallel_loop3A_1471, %parallel_loop3A_1472 : i32
        %parallel_loop3A_1474 = arith.constant 3 : i32
        %parallel_loop3A_1475 = arith.shrsi %parallel_loop3A_1473, %parallel_loop3A_1474 : i32
        %parallel_loop3A_1476 = arith.constant 1024 : i32
        %parallel_loop3A_1477 = arith.muli %parallel_loop3A_1475, %parallel_loop3A_1476 : i32
        %parallel_loop3A_1478 = arith.constant 7 : i32
        %parallel_loop3A_1479 = arith.andi %parallel_loop3A_1473, %parallel_loop3A_1478 : i32
        %parallel_loop3A_1480 = arith.constant 128 : i32
        %parallel_loop3A_1481 = arith.muli %parallel_loop3A_1479, %parallel_loop3A_1480 : i32
        %parallel_loop3A_1482 = arith.addi %parallel_loop3A_1477, %parallel_loop3A_1481 : i32
        %parallel_loop3A_1483 = arith.addi %parallel_loop3A_1482, %parallel_loop3A_1261 : i32
        %parallel_loop3A_1484 = arith.index_cast %parallel_loop3A_1483 : i32 to index
        %parallel_loop3A_1485 = tpu.vector_load %arg9[%parallel_loop3A_1484] {strides = array<i32>} : memref<16384xf32, #tpu.memory_space<vmem>>, vector<16xf32>,
        tpu.vector_store %arg9[%parallel_loop3A_1484], %parallel_loop3A_1244 {strides = array<i32>} : memref<16384xf32, #tpu.memory_space<vmem>>, vector<16xf32>,
        %parallel_loop3A_1486 = arith.constant 16 : i32
        %parallel_loop3A_1487 = arith.muli %parallel_loop3A_947, %parallel_loop3A_1486 : i32
        %parallel_loop3A_1488 = arith.constant 14 : i32
        %parallel_loop3A_1489 = arith.addi %parallel_loop3A_1487, %parallel_loop3A_1488 : i32
        %parallel_loop3A_1490 = arith.constant 3 : i32
        %parallel_loop3A_1491 = arith.shrsi %parallel_loop3A_1489, %parallel_loop3A_1490 : i32
        %parallel_loop3A_1492 = arith.constant 1024 : i32
        %parallel_loop3A_1493 = arith.muli %parallel_loop3A_1491, %parallel_loop3A_1492 : i32
        %parallel_loop3A_1494 = arith.constant 7 : i32
        %parallel_loop3A_1495 = arith.andi %parallel_loop3A_1489, %parallel_loop3A_1494 : i32
        %parallel_loop3A_1496 = arith.constant 128 : i32
        %parallel_loop3A_1497 = arith.muli %parallel_loop3A_1495, %parallel_loop3A_1496 : i32
        %parallel_loop3A_1498 = arith.addi %parallel_loop3A_1493, %parallel_loop3A_1497 : i32
        %parallel_loop3A_1499 = arith.addi %parallel_loop3A_1498, %parallel_loop3A_1261 : i32
        %parallel_loop3A_1500 = arith.index_cast %parallel_loop3A_1499 : i32 to index
        %parallel_loop3A_1501 = tpu.vector_load %arg9[%parallel_loop3A_1500] {strides = array<i32>} : memref<16384xf32, #tpu.memory_space<vmem>>, vector<16xf32>,
        tpu.vector_store %arg9[%parallel_loop3A_1500], %parallel_loop3A_1250 {strides = array<i32>} : memref<16384xf32, #tpu.memory_space<vmem>>, vector<16xf32>,
        %parallel_loop3A_1502 = arith.constant 16 : i32
        %parallel_loop3A_1503 = arith.muli %parallel_loop3A_947, %parallel_loop3A_1502 : i32
        %parallel_loop3A_1504 = arith.constant 15 : i32
        %parallel_loop3A_1505 = arith.addi %parallel_loop3A_1503, %parallel_loop3A_1504 : i32
        %parallel_loop3A_1506 = arith.constant 3 : i32
        %parallel_loop3A_1507 = arith.shrsi %parallel_loop3A_1505, %parallel_loop3A_1506 : i32
        %parallel_loop3A_1508 = arith.constant 1024 : i32
        %parallel_loop3A_1509 = arith.muli %parallel_loop3A_1507, %parallel_loop3A_1508 : i32
        %parallel_loop3A_1510 = arith.constant 7 : i32
        %parallel_loop3A_1511 = arith.andi %parallel_loop3A_1505, %parallel_loop3A_1510 : i32
        %parallel_loop3A_1512 = arith.constant 128 : i32
        %parallel_loop3A_1513 = arith.muli %parallel_loop3A_1511, %parallel_loop3A_1512 : i32
        %parallel_loop3A_1514 = arith.addi %parallel_loop3A_1509, %parallel_loop3A_1513 : i32
        %parallel_loop3A_1515 = arith.addi %parallel_loop3A_1514, %parallel_loop3A_1261 : i32
        %parallel_loop3A_1516 = arith.index_cast %parallel_loop3A_1515 : i32 to index
        %parallel_loop3A_1517 = tpu.vector_load %arg9[%parallel_loop3A_1516] {strides = array<i32>} : memref<16384xf32, #tpu.memory_space<vmem>>, vector<16xf32>,
        tpu.vector_store %arg9[%parallel_loop3A_1516], %parallel_loop3A_1256 {strides = array<i32>} : memref<16384xf32, #tpu.memory_space<vmem>>, vector<16xf32>,
      } {sc.loop_unroll_factor = 2 : i64, sc.parallel_access}
      %sub3A = arith.constant 1 : i32
      %sub3A_730 = arith.subi %add3A_710, %sub3A : i32
      %add3A_731 = arith.constant 0 : i32
      %add3A_732 = arith.addi %mul3A_2, %add3A_731 : i32
      %dma_start3A_733 = arith.constant 0 : i32
      %dma_start3A_734 = arith.constant 0 : i32
      %dma_start3A_735 = tpu.memref_slice %arg9[%dma_start3A_734] : memref<16384xf32, #tpu.memory_space<vmem>> -> memref<1024xf32, #tpu.memory_space<vmem>>
      %dma_start3A_736 = arith.constant 0 : i32
      %dma_start3A_737 = tpu.memref_slice %arg4[%sub3A_730, %dma_start3A_733, %add3A_732, %dma_start3A_736] : memref<50x4x128x1024xf32, #tpu.memory_space<hbm>> -> memref<1x1x1x1024xf32, #tpu.memory_space<hbm>>
      %dma_start3A_738 = tpu.memref_squeeze %dma_start3A_737 : memref<1x1x1x1024xf32, #tpu.memory_space<hbm>> -> memref<1024xf32, #tpu.memory_space<hbm>>
      %dma_start3A_739 = arith.constant 0 : i32
      %dma_start3A_740 = tpu.memref_slice %arg4[%sub3A_730, %dma_start3A_733, %add3A_732, %dma_start3A_739] : memref<50x4x128x1024xf32, #tpu.memory_space<hbm>> -> memref<1x1x1x1024xf32, #tpu.memory_space<hbm>>
      %dma_start3A_741 = tpu.memref_squeeze %dma_start3A_740 : memref<1x1x1x1024xf32, #tpu.memory_space<hbm>> -> memref<1024xf32, #tpu.memory_space<hbm>>
      %dma_start3A_742 = arith.constant 0 : i32
      %dma_start3A_743 = tpu.memref_slice %arg9[%dma_start3A_742] : memref<16384xf32, #tpu.memory_space<vmem>> -> memref<1024xf32, #tpu.memory_space<vmem>>
      tpu.enqueue_dma source(%dma_start3A_743 : memref<1024xf32, #tpu.memory_space<vmem>>) target(%dma_start3A_741 : memref<1024xf32, #tpu.memory_space<hbm>>) target_semaphore(%arg13 : memref<!tpu.dma_semaphore, #tpu.memory_space<semaphore_mem>>)
      %add3A_744 = arith.constant 0 : i32
      %add3A_745 = arith.addi %mul3A_2, %add3A_744 : i32
      %dma_start3A_746 = arith.constant 1 : i32
      %dma_start3A_747 = arith.constant 1024 : i32
      %dma_start3A_748 = tpu.memref_slice %arg9[%dma_start3A_747] : memref<16384xf32, #tpu.memory_space<vmem>> -> memref<1024xf32, #tpu.memory_space<vmem>>
      %dma_start3A_749 = arith.constant 0 : i32
      %dma_start3A_750 = tpu.memref_slice %arg4[%sub3A_730, %dma_start3A_746, %add3A_745, %dma_start3A_749] : memref<50x4x128x1024xf32, #tpu.memory_space<hbm>> -> memref<1x1x1x1024xf32, #tpu.memory_space<hbm>>
      %dma_start3A_751 = tpu.memref_squeeze %dma_start3A_750 : memref<1x1x1x1024xf32, #tpu.memory_space<hbm>> -> memref<1024xf32, #tpu.memory_space<hbm>>
      %dma_start3A_752 = arith.constant 0 : i32
      %dma_start3A_753 = tpu.memref_slice %arg4[%sub3A_730, %dma_start3A_746, %add3A_745, %dma_start3A_752] : memref<50x4x128x1024xf32, #tpu.memory_space<hbm>> -> memref<1x1x1x1024xf32, #tpu.memory_space<hbm>>
      %dma_start3A_754 = tpu.memref_squeeze %dma_start3A_753 : memref<1x1x1x1024xf32, #tpu.memory_space<hbm>> -> memref<1024xf32, #tpu.memory_space<hbm>>
      %dma_start3A_755 = arith.constant 1024 : i32
      %dma_start3A_756 = tpu.memref_slice %arg9[%dma_start3A_755] : memref<16384xf32, #tpu.memory_space<vmem>> -> memref<1024xf32, #tpu.memory_space<vmem>>
      tpu.enqueue_dma source(%dma_start3A_756 : memref<1024xf32, #tpu.memory_space<vmem>>) target(%dma_start3A_754 : memref<1024xf32, #tpu.memory_space<hbm>>) target_semaphore(%arg13 : memref<!tpu.dma_semaphore, #tpu.memory_space<semaphore_mem>>)
      %add3A_757 = arith.constant 0 : i32
      %add3A_758 = arith.addi %mul3A_2, %add3A_757 : i32
      %dma_start3A_759 = arith.constant 2 : i32
      %dma_start3A_760 = arith.constant 2048 : i32
      %dma_start3A_761 = tpu.memref_slice %arg9[%dma_start3A_760] : memref<16384xf32, #tpu.memory_space<vmem>> -> memref<1024xf32, #tpu.memory_space<vmem>>
      %dma_start3A_762 = arith.constant 0 : i32
      %dma_start3A_763 = tpu.memref_slice %arg4[%sub3A_730, %dma_start3A_759, %add3A_758, %dma_start3A_762] : memref<50x4x128x1024xf32, #tpu.memory_space<hbm>> -> memref<1x1x1x1024xf32, #tpu.memory_space<hbm>>
      %dma_start3A_764 = tpu.memref_squeeze %dma_start3A_763 : memref<1x1x1x1024xf32, #tpu.memory_space<hbm>> -> memref<1024xf32, #tpu.memory_space<hbm>>
      %dma_start3A_765 = arith.constant 0 : i32
      %dma_start3A_766 = tpu.memref_slice %arg4[%sub3A_730, %dma_start3A_759, %add3A_758, %dma_start3A_765] : memref<50x4x128x1024xf32, #tpu.memory_space<hbm>> -> memref<1x1x1x1024xf32, #tpu.memory_space<hbm>>
      %dma_start3A_767 = tpu.memref_squeeze %dma_start3A_766 : memref<1x1x1x1024xf32, #tpu.memory_space<hbm>> -> memref<1024xf32, #tpu.memory_space<hbm>>
      %dma_start3A_768 = arith.constant 2048 : i32
      %dma_start3A_769 = tpu.memref_slice %arg9[%dma_start3A_768] : memref<16384xf32, #tpu.memory_space<vmem>> -> memref<1024xf32, #tpu.memory_space<vmem>>
      tpu.enqueue_dma source(%dma_start3A_769 : memref<1024xf32, #tpu.memory_space<vmem>>) target(%dma_start3A_767 : memref<1024xf32, #tpu.memory_space<hbm>>) target_semaphore(%arg13 : memref<!tpu.dma_semaphore, #tpu.memory_space<semaphore_mem>>)
      %add3A_770 = arith.constant 0 : i32
      %add3A_771 = arith.addi %mul3A_2, %add3A_770 : i32
      %dma_start3A_772 = arith.constant 3 : i32
      %dma_start3A_773 = arith.constant 3072 : i32
      %dma_start3A_774 = tpu.memref_slice %arg9[%dma_start3A_773] : memref<16384xf32, #tpu.memory_space<vmem>> -> memref<1024xf32, #tpu.memory_space<vmem>>
      %dma_start3A_775 = arith.constant 0 : i32
      %dma_start3A_776 = tpu.memref_slice %arg4[%sub3A_730, %dma_start3A_772, %add3A_771, %dma_start3A_775] : memref<50x4x128x1024xf32, #tpu.memory_space<hbm>> -> memref<1x1x1x1024xf32, #tpu.memory_space<hbm>>
      %dma_start3A_777 = tpu.memref_squeeze %dma_start3A_776 : memref<1x1x1x1024xf32, #tpu.memory_space<hbm>> -> memref<1024xf32, #tpu.memory_space<hbm>>
      %dma_start3A_778 = arith.constant 0 : i32
      %dma_start3A_779 = tpu.memref_slice %arg4[%sub3A_730, %dma_start3A_772, %add3A_771, %dma_start3A_778] : memref<50x4x128x1024xf32, #tpu.memory_space<hbm>> -> memref<1x1x1x1024xf32, #tpu.memory_space<hbm>>
      %dma_start3A_780 = tpu.memref_squeeze %dma_start3A_779 : memref<1x1x1x1024xf32, #tpu.memory_space<hbm>> -> memref<1024xf32, #tpu.memory_space<hbm>>
      %dma_start3A_781 = arith.constant 3072 : i32
      %dma_start3A_782 = tpu.memref_slice %arg9[%dma_start3A_781] : memref<16384xf32, #tpu.memory_space<vmem>> -> memref<1024xf32, #tpu.memory_space<vmem>>
      tpu.enqueue_dma source(%dma_start3A_782 : memref<1024xf32, #tpu.memory_space<vmem>>) target(%dma_start3A_780 : memref<1024xf32, #tpu.memory_space<hbm>>) target_semaphore(%arg13 : memref<!tpu.dma_semaphore, #tpu.memory_space<semaphore_mem>>)
      %add3A_783 = arith.constant 1 : i32
      %add3A_784 = arith.addi %mul3A_2, %add3A_783 : i32
      %dma_start3A_785 = arith.constant 0 : i32
      %dma_start3A_786 = arith.constant 4096 : i32
      %dma_start3A_787 = tpu.memref_slice %arg9[%dma_start3A_786] : memref<16384xf32, #tpu.memory_space<vmem>> -> memref<1024xf32, #tpu.memory_space<vmem>>
      %dma_start3A_788 = arith.constant 0 : i32
      %dma_start3A_789 = tpu.memref_slice %arg4[%sub3A_730, %dma_start3A_785, %add3A_784, %dma_start3A_788] : memref<50x4x128x1024xf32, #tpu.memory_space<hbm>> -> memref<1x1x1x1024xf32, #tpu.memory_space<hbm>>
      %dma_start3A_790 = tpu.memref_squeeze %dma_start3A_789 : memref<1x1x1x1024xf32, #tpu.memory_space<hbm>> -> memref<1024xf32, #tpu.memory_space<hbm>>
      %dma_start3A_791 = arith.constant 0 : i32
      %dma_start3A_792 = tpu.memref_slice %arg4[%sub3A_730, %dma_start3A_785, %add3A_784, %dma_start3A_791] : memref<50x4x128x1024xf32, #tpu.memory_space<hbm>> -> memref<1x1x1x1024xf32, #tpu.memory_space<hbm>>
      %dma_start3A_793 = tpu.memref_squeeze %dma_start3A_792 : memref<1x1x1x1024xf32, #tpu.memory_space<hbm>> -> memref<1024xf32, #tpu.memory_space<hbm>>
      %dma_start3A_794 = arith.constant 4096 : i32
      %dma_start3A_795 = tpu.memref_slice %arg9[%dma_start3A_794] : memref<16384xf32, #tpu.memory_space<vmem>> -> memref<1024xf32, #tpu.memory_space<vmem>>
      tpu.enqueue_dma source(%dma_start3A_795 : memref<1024xf32, #tpu.memory_space<vmem>>) target(%dma_start3A_793 : memref<1024xf32, #tpu.memory_space<hbm>>) target_semaphore(%arg13 : memref<!tpu.dma_semaphore, #tpu.memory_space<semaphore_mem>>)
      %add3A_796 = arith.constant 1 : i32
      %add3A_797 = arith.addi %mul3A_2, %add3A_796 : i32
      %dma_start3A_798 = arith.constant 1 : i32
      %dma_start3A_799 = arith.constant 5120 : i32
      %dma_start3A_800 = tpu.memref_slice %arg9[%dma_start3A_799] : memref<16384xf32, #tpu.memory_space<vmem>> -> memref<1024xf32, #tpu.memory_space<vmem>>
      %dma_start3A_801 = arith.constant 0 : i32
      %dma_start3A_802 = tpu.memref_slice %arg4[%sub3A_730, %dma_start3A_798, %add3A_797, %dma_start3A_801] : memref<50x4x128x1024xf32, #tpu.memory_space<hbm>> -> memref<1x1x1x1024xf32, #tpu.memory_space<hbm>>
      %dma_start3A_803 = tpu.memref_squeeze %dma_start3A_802 : memref<1x1x1x1024xf32, #tpu.memory_space<hbm>> -> memref<1024xf32, #tpu.memory_space<hbm>>
      %dma_start3A_804 = arith.constant 0 : i32
      %dma_start3A_805 = tpu.memref_slice %arg4[%sub3A_730, %dma_start3A_798, %add3A_797, %dma_start3A_804] : memref<50x4x128x1024xf32, #tpu.memory_space<hbm>> -> memref<1x1x1x1024xf32, #tpu.memory_space<hbm>>
      %dma_start3A_806 = tpu.memref_squeeze %dma_start3A_805 : memref<1x1x1x1024xf32, #tpu.memory_space<hbm>> -> memref<1024xf32, #tpu.memory_space<hbm>>
      %dma_start3A_807 = arith.constant 5120 : i32
      %dma_start3A_808 = tpu.memref_slice %arg9[%dma_start3A_807] : memref<16384xf32, #tpu.memory_space<vmem>> -> memref<1024xf32, #tpu.memory_space<vmem>>
      tpu.enqueue_dma source(%dma_start3A_808 : memref<1024xf32, #tpu.memory_space<vmem>>) target(%dma_start3A_806 : memref<1024xf32, #tpu.memory_space<hbm>>) target_semaphore(%arg13 : memref<!tpu.dma_semaphore, #tpu.memory_space<semaphore_mem>>)
      %add3A_809 = arith.constant 1 : i32
      %add3A_810 = arith.addi %mul3A_2, %add3A_809 : i32
      %dma_start3A_811 = arith.constant 2 : i32
      %dma_start3A_812 = arith.constant 6144 : i32
      %dma_start3A_813 = tpu.memref_slice %arg9[%dma_start3A_812] : memref<16384xf32, #tpu.memory_space<vmem>> -> memref<1024xf32, #tpu.memory_space<vmem>>
      %dma_start3A_814 = arith.constant 0 : i32
      %dma_start3A_815 = tpu.memref_slice %arg4[%sub3A_730, %dma_start3A_811, %add3A_810, %dma_start3A_814] : memref<50x4x128x1024xf32, #tpu.memory_space<hbm>> -> memref<1x1x1x1024xf32, #tpu.memory_space<hbm>>
      %dma_start3A_816 = tpu.memref_squeeze %dma_start3A_815 : memref<1x1x1x1024xf32, #tpu.memory_space<hbm>> -> memref<1024xf32, #tpu.memory_space<hbm>>
      %dma_start3A_817 = arith.constant 0 : i32
      %dma_start3A_818 = tpu.memref_slice %arg4[%sub3A_730, %dma_start3A_811, %add3A_810, %dma_start3A_817] : memref<50x4x128x1024xf32, #tpu.memory_space<hbm>> -> memref<1x1x1x1024xf32, #tpu.memory_space<hbm>>
      %dma_start3A_819 = tpu.memref_squeeze %dma_start3A_818 : memref<1x1x1x1024xf32, #tpu.memory_space<hbm>> -> memref<1024xf32, #tpu.memory_space<hbm>>
      %dma_start3A_820 = arith.constant 6144 : i32
      %dma_start3A_821 = tpu.memref_slice %arg9[%dma_start3A_820] : memref<16384xf32, #tpu.memory_space<vmem>> -> memref<1024xf32, #tpu.memory_space<vmem>>
      tpu.enqueue_dma source(%dma_start3A_821 : memref<1024xf32, #tpu.memory_space<vmem>>) target(%dma_start3A_819 : memref<1024xf32, #tpu.memory_space<hbm>>) target_semaphore(%arg13 : memref<!tpu.dma_semaphore, #tpu.memory_space<semaphore_mem>>)
      %add3A_822 = arith.constant 1 : i32
      %add3A_823 = arith.addi %mul3A_2, %add3A_822 : i32
      %dma_start3A_824 = arith.constant 3 : i32
      %dma_start3A_825 = arith.constant 7168 : i32
      %dma_start3A_826 = tpu.memref_slice %arg9[%dma_start3A_825] : memref<16384xf32, #tpu.memory_space<vmem>> -> memref<1024xf32, #tpu.memory_space<vmem>>
      %dma_start3A_827 = arith.constant 0 : i32
      %dma_start3A_828 = tpu.memref_slice %arg4[%sub3A_730, %dma_start3A_824, %add3A_823, %dma_start3A_827] : memref<50x4x128x1024xf32, #tpu.memory_space<hbm>> -> memref<1x1x1x1024xf32, #tpu.memory_space<hbm>>
      %dma_start3A_829 = tpu.memref_squeeze %dma_start3A_828 : memref<1x1x1x1024xf32, #tpu.memory_space<hbm>> -> memref<1024xf32, #tpu.memory_space<hbm>>
      %dma_start3A_830 = arith.constant 0 : i32
      %dma_start3A_831 = tpu.memref_slice %arg4[%sub3A_730, %dma_start3A_824, %add3A_823, %dma_start3A_830] : memref<50x4x128x1024xf32, #tpu.memory_space<hbm>> -> memref<1x1x1x1024xf32, #tpu.memory_space<hbm>>
      %dma_start3A_832 = tpu.memref_squeeze %dma_start3A_831 : memref<1x1x1x1024xf32, #tpu.memory_space<hbm>> -> memref<1024xf32, #tpu.memory_space<hbm>>
      %dma_start3A_833 = arith.constant 7168 : i32
      %dma_start3A_834 = tpu.memref_slice %arg9[%dma_start3A_833] : memref<16384xf32, #tpu.memory_space<vmem>> -> memref<1024xf32, #tpu.memory_space<vmem>>
      tpu.enqueue_dma source(%dma_start3A_834 : memref<1024xf32, #tpu.memory_space<vmem>>) target(%dma_start3A_832 : memref<1024xf32, #tpu.memory_space<hbm>>) target_semaphore(%arg13 : memref<!tpu.dma_semaphore, #tpu.memory_space<semaphore_mem>>)
      %add3A_835 = arith.constant 2 : i32
      %add3A_836 = arith.addi %mul3A_2, %add3A_835 : i32
      %dma_start3A_837 = arith.constant 0 : i32
      %dma_start3A_838 = arith.constant 8192 : i32
      %dma_start3A_839 = tpu.memref_slice %arg9[%dma_start3A_838] : memref<16384xf32, #tpu.memory_space<vmem>> -> memref<1024xf32, #tpu.memory_space<vmem>>
      %dma_start3A_840 = arith.constant 0 : i32
      %dma_start3A_841 = tpu.memref_slice %arg4[%sub3A_730, %dma_start3A_837, %add3A_836, %dma_start3A_840] : memref<50x4x128x1024xf32, #tpu.memory_space<hbm>> -> memref<1x1x1x1024xf32, #tpu.memory_space<hbm>>
      %dma_start3A_842 = tpu.memref_squeeze %dma_start3A_841 : memref<1x1x1x1024xf32, #tpu.memory_space<hbm>> -> memref<1024xf32, #tpu.memory_space<hbm>>
      %dma_start3A_843 = arith.constant 0 : i32
      %dma_start3A_844 = tpu.memref_slice %arg4[%sub3A_730, %dma_start3A_837, %add3A_836, %dma_start3A_843] : memref<50x4x128x1024xf32, #tpu.memory_space<hbm>> -> memref<1x1x1x1024xf32, #tpu.memory_space<hbm>>
      %dma_start3A_845 = tpu.memref_squeeze %dma_start3A_844 : memref<1x1x1x1024xf32, #tpu.memory_space<hbm>> -> memref<1024xf32, #tpu.memory_space<hbm>>
      %dma_start3A_846 = arith.constant 8192 : i32
      %dma_start3A_847 = tpu.memref_slice %arg9[%dma_start3A_846] : memref<16384xf32, #tpu.memory_space<vmem>> -> memref<1024xf32, #tpu.memory_space<vmem>>
      tpu.enqueue_dma source(%dma_start3A_847 : memref<1024xf32, #tpu.memory_space<vmem>>) target(%dma_start3A_845 : memref<1024xf32, #tpu.memory_space<hbm>>) target_semaphore(%arg13 : memref<!tpu.dma_semaphore, #tpu.memory_space<semaphore_mem>>)
      %add3A_848 = arith.constant 2 : i32
      %add3A_849 = arith.addi %mul3A_2, %add3A_848 : i32
      %dma_start3A_850 = arith.constant 1 : i32
      %dma_start3A_851 = arith.constant 9216 : i32
      %dma_start3A_852 = tpu.memref_slice %arg9[%dma_start3A_851] : memref<16384xf32, #tpu.memory_space<vmem>> -> memref<1024xf32, #tpu.memory_space<vmem>>
      %dma_start3A_853 = arith.constant 0 : i32
      %dma_start3A_854 = tpu.memref_slice %arg4[%sub3A_730, %dma_start3A_850, %add3A_849, %dma_start3A_853] : memref<50x4x128x1024xf32, #tpu.memory_space<hbm>> -> memref<1x1x1x1024xf32, #tpu.memory_space<hbm>>
      %dma_start3A_855 = tpu.memref_squeeze %dma_start3A_854 : memref<1x1x1x1024xf32, #tpu.memory_space<hbm>> -> memref<1024xf32, #tpu.memory_space<hbm>>
      %dma_start3A_856 = arith.constant 0 : i32
      %dma_start3A_857 = tpu.memref_slice %arg4[%sub3A_730, %dma_start3A_850, %add3A_849, %dma_start3A_856] : memref<50x4x128x1024xf32, #tpu.memory_space<hbm>> -> memref<1x1x1x1024xf32, #tpu.memory_space<hbm>>
      %dma_start3A_858 = tpu.memref_squeeze %dma_start3A_857 : memref<1x1x1x1024xf32, #tpu.memory_space<hbm>> -> memref<1024xf32, #tpu.memory_space<hbm>>
      %dma_start3A_859 = arith.constant 9216 : i32
      %dma_start3A_860 = tpu.memref_slice %arg9[%dma_start3A_859] : memref<16384xf32, #tpu.memory_space<vmem>> -> memref<1024xf32, #tpu.memory_space<vmem>>
      tpu.enqueue_dma source(%dma_start3A_860 : memref<1024xf32, #tpu.memory_space<vmem>>) target(%dma_start3A_858 : memref<1024xf32, #tpu.memory_space<hbm>>) target_semaphore(%arg13 : memref<!tpu.dma_semaphore, #tpu.memory_space<semaphore_mem>>)
      %add3A_861 = arith.constant 2 : i32
      %add3A_862 = arith.addi %mul3A_2, %add3A_861 : i32
      %dma_start3A_863 = arith.constant 2 : i32
      %dma_start3A_864 = arith.constant 10240 : i32
      %dma_start3A_865 = tpu.memref_slice %arg9[%dma_start3A_864] : memref<16384xf32, #tpu.memory_space<vmem>> -> memref<1024xf32, #tpu.memory_space<vmem>>
      %dma_start3A_866 = arith.constant 0 : i32
      %dma_start3A_867 = tpu.memref_slice %arg4[%sub3A_730, %dma_start3A_863, %add3A_862, %dma_start3A_866] : memref<50x4x128x1024xf32, #tpu.memory_space<hbm>> -> memref<1x1x1x1024xf32, #tpu.memory_space<hbm>>
      %dma_start3A_868 = tpu.memref_squeeze %dma_start3A_867 : memref<1x1x1x1024xf32, #tpu.memory_space<hbm>> -> memref<1024xf32, #tpu.memory_space<hbm>>
      %dma_start3A_869 = arith.constant 0 : i32
      %dma_start3A_870 = tpu.memref_slice %arg4[%sub3A_730, %dma_start3A_863, %add3A_862, %dma_start3A_869] : memref<50x4x128x1024xf32, #tpu.memory_space<hbm>> -> memref<1x1x1x1024xf32, #tpu.memory_space<hbm>>
      %dma_start3A_871 = tpu.memref_squeeze %dma_start3A_870 : memref<1x1x1x1024xf32, #tpu.memory_space<hbm>> -> memref<1024xf32, #tpu.memory_space<hbm>>
      %dma_start3A_872 = arith.constant 10240 : i32
      %dma_start3A_873 = tpu.memref_slice %arg9[%dma_start3A_872] : memref<16384xf32, #tpu.memory_space<vmem>> -> memref<1024xf32, #tpu.memory_space<vmem>>
      tpu.enqueue_dma source(%dma_start3A_873 : memref<1024xf32, #tpu.memory_space<vmem>>) target(%dma_start3A_871 : memref<1024xf32, #tpu.memory_space<hbm>>) target_semaphore(%arg13 : memref<!tpu.dma_semaphore, #tpu.memory_space<semaphore_mem>>)
      %add3A_874 = arith.constant 2 : i32
      %add3A_875 = arith.addi %mul3A_2, %add3A_874 : i32
      %dma_start3A_876 = arith.constant 3 : i32
      %dma_start3A_877 = arith.constant 11264 : i32
      %dma_start3A_878 = tpu.memref_slice %arg9[%dma_start3A_877] : memref<16384xf32, #tpu.memory_space<vmem>> -> memref<1024xf32, #tpu.memory_space<vmem>>
      %dma_start3A_879 = arith.constant 0 : i32
      %dma_start3A_880 = tpu.memref_slice %arg4[%sub3A_730, %dma_start3A_876, %add3A_875, %dma_start3A_879] : memref<50x4x128x1024xf32, #tpu.memory_space<hbm>> -> memref<1x1x1x1024xf32, #tpu.memory_space<hbm>>
      %dma_start3A_881 = tpu.memref_squeeze %dma_start3A_880 : memref<1x1x1x1024xf32, #tpu.memory_space<hbm>> -> memref<1024xf32, #tpu.memory_space<hbm>>
      %dma_start3A_882 = arith.constant 0 : i32
      %dma_start3A_883 = tpu.memref_slice %arg4[%sub3A_730, %dma_start3A_876, %add3A_875, %dma_start3A_882] : memref<50x4x128x1024xf32, #tpu.memory_space<hbm>> -> memref<1x1x1x1024xf32, #tpu.memory_space<hbm>>
      %dma_start3A_884 = tpu.memref_squeeze %dma_start3A_883 : memref<1x1x1x1024xf32, #tpu.memory_space<hbm>> -> memref<1024xf32, #tpu.memory_space<hbm>>
      %dma_start3A_885 = arith.constant 11264 : i32
      %dma_start3A_886 = tpu.memref_slice %arg9[%dma_start3A_885] : memref<16384xf32, #tpu.memory_space<vmem>> -> memref<1024xf32, #tpu.memory_space<vmem>>
      tpu.enqueue_dma source(%dma_start3A_886 : memref<1024xf32, #tpu.memory_space<vmem>>) target(%dma_start3A_884 : memref<1024xf32, #tpu.memory_space<hbm>>) target_semaphore(%arg13 : memref<!tpu.dma_semaphore, #tpu.memory_space<semaphore_mem>>)
      %add3A_887 = arith.constant 3 : i32
      %add3A_888 = arith.addi %mul3A_2, %add3A_887 : i32
      %dma_start3A_889 = arith.constant 0 : i32
      %dma_start3A_890 = arith.constant 12288 : i32
      %dma_start3A_891 = tpu.memref_slice %arg9[%dma_start3A_890] : memref<16384xf32, #tpu.memory_space<vmem>> -> memref<1024xf32, #tpu.memory_space<vmem>>
      %dma_start3A_892 = arith.constant 0 : i32
      %dma_start3A_893 = tpu.memref_slice %arg4[%sub3A_730, %dma_start3A_889, %add3A_888, %dma_start3A_892] : memref<50x4x128x1024xf32, #tpu.memory_space<hbm>> -> memref<1x1x1x1024xf32, #tpu.memory_space<hbm>>
      %dma_start3A_894 = tpu.memref_squeeze %dma_start3A_893 : memref<1x1x1x1024xf32, #tpu.memory_space<hbm>> -> memref<1024xf32, #tpu.memory_space<hbm>>
      %dma_start3A_895 = arith.constant 0 : i32
      %dma_start3A_896 = tpu.memref_slice %arg4[%sub3A_730, %dma_start3A_889, %add3A_888, %dma_start3A_895] : memref<50x4x128x1024xf32, #tpu.memory_space<hbm>> -> memref<1x1x1x1024xf32, #tpu.memory_space<hbm>>
      %dma_start3A_897 = tpu.memref_squeeze %dma_start3A_896 : memref<1x1x1x1024xf32, #tpu.memory_space<hbm>> -> memref<1024xf32, #tpu.memory_space<hbm>>
      %dma_start3A_898 = arith.constant 12288 : i32
      %dma_start3A_899 = tpu.memref_slice %arg9[%dma_start3A_898] : memref<16384xf32, #tpu.memory_space<vmem>> -> memref<1024xf32, #tpu.memory_space<vmem>>
      tpu.enqueue_dma source(%dma_start3A_899 : memref<1024xf32, #tpu.memory_space<vmem>>) target(%dma_start3A_897 : memref<1024xf32, #tpu.memory_space<hbm>>) target_semaphore(%arg13 : memref<!tpu.dma_semaphore, #tpu.memory_space<semaphore_mem>>)
      %add3A_900 = arith.constant 3 : i32
      %add3A_901 = arith.addi %mul3A_2, %add3A_900 : i32
      %dma_start3A_902 = arith.constant 1 : i32
      %dma_start3A_903 = arith.constant 13312 : i32
      %dma_start3A_904 = tpu.memref_slice %arg9[%dma_start3A_903] : memref<16384xf32, #tpu.memory_space<vmem>> -> memref<1024xf32, #tpu.memory_space<vmem>>
      %dma_start3A_905 = arith.constant 0 : i32
      %dma_start3A_906 = tpu.memref_slice %arg4[%sub3A_730, %dma_start3A_902, %add3A_901, %dma_start3A_905] : memref<50x4x128x1024xf32, #tpu.memory_space<hbm>> -> memref<1x1x1x1024xf32, #tpu.memory_space<hbm>>
      %dma_start3A_907 = tpu.memref_squeeze %dma_start3A_906 : memref<1x1x1x1024xf32, #tpu.memory_space<hbm>> -> memref<1024xf32, #tpu.memory_space<hbm>>
      %dma_start3A_908 = arith.constant 0 : i32
      %dma_start3A_909 = tpu.memref_slice %arg4[%sub3A_730, %dma_start3A_902, %add3A_901, %dma_start3A_908] : memref<50x4x128x1024xf32, #tpu.memory_space<hbm>> -> memref<1x1x1x1024xf32, #tpu.memory_space<hbm>>
      %dma_start3A_910 = tpu.memref_squeeze %dma_start3A_909 : memref<1x1x1x1024xf32, #tpu.memory_space<hbm>> -> memref<1024xf32, #tpu.memory_space<hbm>>
      %dma_start3A_911 = arith.constant 13312 : i32
      %dma_start3A_912 = tpu.memref_slice %arg9[%dma_start3A_911] : memref<16384xf32, #tpu.memory_space<vmem>> -> memref<1024xf32, #tpu.memory_space<vmem>>
      tpu.enqueue_dma source(%dma_start3A_912 : memref<1024xf32, #tpu.memory_space<vmem>>) target(%dma_start3A_910 : memref<1024xf32, #tpu.memory_space<hbm>>) target_semaphore(%arg13 : memref<!tpu.dma_semaphore, #tpu.memory_space<semaphore_mem>>)
      %add3A_913 = arith.constant 3 : i32
      %add3A_914 = arith.addi %mul3A_2, %add3A_913 : i32
      %dma_start3A_915 = arith.constant 2 : i32
      %dma_start3A_916 = arith.constant 14336 : i32
      %dma_start3A_917 = tpu.memref_slice %arg9[%dma_start3A_916] : memref<16384xf32, #tpu.memory_space<vmem>> -> memref<1024xf32, #tpu.memory_space<vmem>>
      %dma_start3A_918 = arith.constant 0 : i32
      %dma_start3A_919 = tpu.memref_slice %arg4[%sub3A_730, %dma_start3A_915, %add3A_914, %dma_start3A_918] : memref<50x4x128x1024xf32, #tpu.memory_space<hbm>> -> memref<1x1x1x1024xf32, #tpu.memory_space<hbm>>
      %dma_start3A_920 = tpu.memref_squeeze %dma_start3A_919 : memref<1x1x1x1024xf32, #tpu.memory_space<hbm>> -> memref<1024xf32, #tpu.memory_space<hbm>>
      %dma_start3A_921 = arith.constant 0 : i32
      %dma_start3A_922 = tpu.memref_slice %arg4[%sub3A_730, %dma_start3A_915, %add3A_914, %dma_start3A_921] : memref<50x4x128x1024xf32, #tpu.memory_space<hbm>> -> memref<1x1x1x1024xf32, #tpu.memory_space<hbm>>
      %dma_start3A_923 = tpu.memref_squeeze %dma_start3A_922 : memref<1x1x1x1024xf32, #tpu.memory_space<hbm>> -> memref<1024xf32, #tpu.memory_space<hbm>>
      %dma_start3A_924 = arith.constant 14336 : i32
      %dma_start3A_925 = tpu.memref_slice %arg9[%dma_start3A_924] : memref<16384xf32, #tpu.memory_space<vmem>> -> memref<1024xf32, #tpu.memory_space<vmem>>
      tpu.enqueue_dma source(%dma_start3A_925 : memref<1024xf32, #tpu.memory_space<vmem>>) target(%dma_start3A_923 : memref<1024xf32, #tpu.memory_space<hbm>>) target_semaphore(%arg13 : memref<!tpu.dma_semaphore, #tpu.memory_space<semaphore_mem>>)
      %add3A_926 = arith.constant 3 : i32
      %add3A_927 = arith.addi %mul3A_2, %add3A_926 : i32
      %dma_start3A_928 = arith.constant 3 : i32
      %dma_start3A_929 = arith.constant 15360 : i32
      %dma_start3A_930 = tpu.memref_slice %arg9[%dma_start3A_929] : memref<16384xf32, #tpu.memory_space<vmem>> -> memref<1024xf32, #tpu.memory_space<vmem>>
      %dma_start3A_931 = arith.constant 0 : i32
      %dma_start3A_932 = tpu.memref_slice %arg4[%sub3A_730, %dma_start3A_928, %add3A_927, %dma_start3A_931] : memref<50x4x128x1024xf32, #tpu.memory_space<hbm>> -> memref<1x1x1x1024xf32, #tpu.memory_space<hbm>>
      %dma_start3A_933 = tpu.memref_squeeze %dma_start3A_932 : memref<1x1x1x1024xf32, #tpu.memory_space<hbm>> -> memref<1024xf32, #tpu.memory_space<hbm>>
      %dma_start3A_934 = arith.constant 0 : i32
      %dma_start3A_935 = tpu.memref_slice %arg4[%sub3A_730, %dma_start3A_928, %add3A_927, %dma_start3A_934] : memref<50x4x128x1024xf32, #tpu.memory_space<hbm>> -> memref<1x1x1x1024xf32, #tpu.memory_space<hbm>>
      %dma_start3A_936 = tpu.memref_squeeze %dma_start3A_935 : memref<1x1x1x1024xf32, #tpu.memory_space<hbm>> -> memref<1024xf32, #tpu.memory_space<hbm>>
      %dma_start3A_937 = arith.constant 15360 : i32
      %dma_start3A_938 = tpu.memref_slice %arg9[%dma_start3A_937] : memref<16384xf32, #tpu.memory_space<vmem>> -> memref<1024xf32, #tpu.memory_space<vmem>>
      tpu.enqueue_dma source(%dma_start3A_938 : memref<1024xf32, #tpu.memory_space<vmem>>) target(%dma_start3A_936 : memref<1024xf32, #tpu.memory_space<hbm>>) target_semaphore(%arg13 : memref<!tpu.dma_semaphore, #tpu.memory_space<semaphore_mem>>)
    }
    %scan3A_43 = arith.constant 25 : i32
    %dma_wait3A = arith.constant 0 : i32
    %dma_wait3A_44 = arith.constant 0 : i32
    %dma_wait3A_45 = tpu.memref_slice %arg3[%dma_wait3A, %dma_wait3A_44] : memref<1000000x32xf32, #tpu.memory_space<hbm>> -> memref<1000000x32xf32, #tpu.memory_space<hbm>>
    tpu.wait_indirect_dma semaphore(%arg12 : memref<!tpu.dma_semaphore, #tpu.memory_space<semaphore_mem>>) src(%dma_wait3A_45 : memref<1000000x32xf32, #tpu.memory_space<hbm>>) dst(%arg8 : memref<512x32xf32, #tpu.memory_space<vmem>>)
    %parallel_loop3A = arith.constant 0 : i32
    %parallel_loop3A_46 = arith.constant 64 : i32
    %parallel_loop3A_47 = arith.constant 1 : i32
    scf.for %parallel_loop3A_687 = %parallel_loop3A to %parallel_loop3A_46 step %parallel_loop3A_47  : i32 {
      %parallel_loop3A_688 = arith.constant 4 : i32
      %parallel_loop3A_689 = arith.shrsi %parallel_loop3A_687, %parallel_loop3A_688 : i32
      %parallel_loop3A_690 = arith.constant 1 : i32
      %parallel_loop3A_691 = arith.shrsi %parallel_loop3A_687, %parallel_loop3A_690 : i32
      %parallel_loop3A_692 = arith.constant 7 : i32
      %parallel_loop3A_693 = arith.andi %parallel_loop3A_691, %parallel_loop3A_692 : i32
      %parallel_loop3A_694 = arith.constant 1 : i32
      %parallel_loop3A_695 = arith.andi %parallel_loop3A_687, %parallel_loop3A_694 : i32
      %parallel_loop3A_696 = arith.constant 128 : i32
      %parallel_loop3A_697 = arith.muli %parallel_loop3A_689, %parallel_loop3A_696 : i32
      %parallel_loop3A_698 = arith.constant 16 : i32
      %parallel_loop3A_699 = arith.muli %parallel_loop3A_693, %parallel_loop3A_698 : i32
      %parallel_loop3A_700 = arith.addi %parallel_loop3A_697, %parallel_loop3A_699 : i32
      %parallel_loop3A_701 = arith.constant 0 : i32
      %parallel_loop3A_702 = arith.addi %parallel_loop3A_700, %parallel_loop3A_701 : i32
      %parallel_loop3A_703 = arith.constant 16 : i32
      %parallel_loop3A_704 = arith.muli %parallel_loop3A_695, %parallel_loop3A_703 : i32
      %parallel_loop3A_705 = arith.index_cast %parallel_loop3A_702 : i32 to index
      %parallel_loop3A_706 = arith.index_cast %parallel_loop3A_704 : i32 to index
      %parallel_loop3A_707 = tpu.vector_load %arg8[%parallel_loop3A_705, %parallel_loop3A_706] {strides = array<i32>} : memref<512x32xf32, #tpu.memory_space<vmem>>, vector<16xf32>,
      %parallel_loop3A_708 = arith.constant 1 : i32
      %parallel_loop3A_709 = arith.addi %parallel_loop3A_700, %parallel_loop3A_708 : i32
      %parallel_loop3A_710 = arith.constant 16 : i32
      %parallel_loop3A_711 = arith.muli %parallel_loop3A_695, %parallel_loop3A_710 : i32
      %parallel_loop3A_712 = arith.index_cast %parallel_loop3A_709 : i32 to index
      %parallel_loop3A_713 = arith.index_cast %parallel_loop3A_711 : i32 to index
      %parallel_loop3A_714 = tpu.vector_load %arg8[%parallel_loop3A_712, %parallel_loop3A_713] {strides = array<i32>} : memref<512x32xf32, #tpu.memory_space<vmem>>, vector<16xf32>,
      %parallel_loop3A_715 = arith.constant 2 : i32
      %parallel_loop3A_716 = arith.addi %parallel_loop3A_700, %parallel_loop3A_715 : i32
      %parallel_loop3A_717 = arith.constant 16 : i32
      %parallel_loop3A_718 = arith.muli %parallel_loop3A_695, %parallel_loop3A_717 : i32
      %parallel_loop3A_719 = arith.index_cast %parallel_loop3A_716 : i32 to index
      %parallel_loop3A_720 = arith.index_cast %parallel_loop3A_718 : i32 to index
      %parallel_loop3A_721 = tpu.vector_load %arg8[%parallel_loop3A_719, %parallel_loop3A_720] {strides = array<i32>} : memref<512x32xf32, #tpu.memory_space<vmem>>, vector<16xf32>,
      %parallel_loop3A_722 = arith.constant 3 : i32
      %parallel_loop3A_723 = arith.addi %parallel_loop3A_700, %parallel_loop3A_722 : i32
      %parallel_loop3A_724 = arith.constant 16 : i32
      %parallel_loop3A_725 = arith.muli %parallel_loop3A_695, %parallel_loop3A_724 : i32
      %parallel_loop3A_726 = arith.index_cast %parallel_loop3A_723 : i32 to index
      %parallel_loop3A_727 = arith.index_cast %parallel_loop3A_725 : i32 to index
      %parallel_loop3A_728 = tpu.vector_load %arg8[%parallel_loop3A_726, %parallel_loop3A_727] {strides = array<i32>} : memref<512x32xf32, #tpu.memory_space<vmem>>, vector<16xf32>,
      %parallel_loop3A_729 = arith.constant 4 : i32
      %parallel_loop3A_730 = arith.addi %parallel_loop3A_700, %parallel_loop3A_729 : i32
      %parallel_loop3A_731 = arith.constant 16 : i32
      %parallel_loop3A_732 = arith.muli %parallel_loop3A_695, %parallel_loop3A_731 : i32
      %parallel_loop3A_733 = arith.index_cast %parallel_loop3A_730 : i32 to index
      %parallel_loop3A_734 = arith.index_cast %parallel_loop3A_732 : i32 to index
      %parallel_loop3A_735 = tpu.vector_load %arg8[%parallel_loop3A_733, %parallel_loop3A_734] {strides = array<i32>} : memref<512x32xf32, #tpu.memory_space<vmem>>, vector<16xf32>,
      %parallel_loop3A_736 = arith.constant 5 : i32
      %parallel_loop3A_737 = arith.addi %parallel_loop3A_700, %parallel_loop3A_736 : i32
      %parallel_loop3A_738 = arith.constant 16 : i32
      %parallel_loop3A_739 = arith.muli %parallel_loop3A_695, %parallel_loop3A_738 : i32
      %parallel_loop3A_740 = arith.index_cast %parallel_loop3A_737 : i32 to index
      %parallel_loop3A_741 = arith.index_cast %parallel_loop3A_739 : i32 to index
      %parallel_loop3A_742 = tpu.vector_load %arg8[%parallel_loop3A_740, %parallel_loop3A_741] {strides = array<i32>} : memref<512x32xf32, #tpu.memory_space<vmem>>, vector<16xf32>,
      %parallel_loop3A_743 = arith.constant 6 : i32
      %parallel_loop3A_744 = arith.addi %parallel_loop3A_700, %parallel_loop3A_743 : i32
      %parallel_loop3A_745 = arith.constant 16 : i32
      %parallel_loop3A_746 = arith.muli %parallel_loop3A_695, %parallel_loop3A_745 : i32
      %parallel_loop3A_747 = arith.index_cast %parallel_loop3A_744 : i32 to index
      %parallel_loop3A_748 = arith.index_cast %parallel_loop3A_746 : i32 to index
      %parallel_loop3A_749 = tpu.vector_load %arg8[%parallel_loop3A_747, %parallel_loop3A_748] {strides = array<i32>} : memref<512x32xf32, #tpu.memory_space<vmem>>, vector<16xf32>,
      %parallel_loop3A_750 = arith.constant 7 : i32
      %parallel_loop3A_751 = arith.addi %parallel_loop3A_700, %parallel_loop3A_750 : i32
      %parallel_loop3A_752 = arith.constant 16 : i32
      %parallel_loop3A_753 = arith.muli %parallel_loop3A_695, %parallel_loop3A_752 : i32
      %parallel_loop3A_754 = arith.index_cast %parallel_loop3A_751 : i32 to index
      %parallel_loop3A_755 = arith.index_cast %parallel_loop3A_753 : i32 to index
      %parallel_loop3A_756 = tpu.vector_load %arg8[%parallel_loop3A_754, %parallel_loop3A_755] {strides = array<i32>} : memref<512x32xf32, #tpu.memory_space<vmem>>, vector<16xf32>,
      %parallel_loop3A_757 = arith.constant 8 : i32
      %parallel_loop3A_758 = arith.addi %parallel_loop3A_700, %parallel_loop3A_757 : i32
      %parallel_loop3A_759 = arith.constant 16 : i32
      %parallel_loop3A_760 = arith.muli %parallel_loop3A_695, %parallel_loop3A_759 : i32
      %parallel_loop3A_761 = arith.index_cast %parallel_loop3A_758 : i32 to index
      %parallel_loop3A_762 = arith.index_cast %parallel_loop3A_760 : i32 to index
      %parallel_loop3A_763 = tpu.vector_load %arg8[%parallel_loop3A_761, %parallel_loop3A_762] {strides = array<i32>} : memref<512x32xf32, #tpu.memory_space<vmem>>, vector<16xf32>,
      %parallel_loop3A_764 = arith.constant 9 : i32
      %parallel_loop3A_765 = arith.addi %parallel_loop3A_700, %parallel_loop3A_764 : i32
      %parallel_loop3A_766 = arith.constant 16 : i32
      %parallel_loop3A_767 = arith.muli %parallel_loop3A_695, %parallel_loop3A_766 : i32
      %parallel_loop3A_768 = arith.index_cast %parallel_loop3A_765 : i32 to index
      %parallel_loop3A_769 = arith.index_cast %parallel_loop3A_767 : i32 to index
      %parallel_loop3A_770 = tpu.vector_load %arg8[%parallel_loop3A_768, %parallel_loop3A_769] {strides = array<i32>} : memref<512x32xf32, #tpu.memory_space<vmem>>, vector<16xf32>,
      %parallel_loop3A_771 = arith.constant 10 : i32
      %parallel_loop3A_772 = arith.addi %parallel_loop3A_700, %parallel_loop3A_771 : i32
      %parallel_loop3A_773 = arith.constant 16 : i32
      %parallel_loop3A_774 = arith.muli %parallel_loop3A_695, %parallel_loop3A_773 : i32
      %parallel_loop3A_775 = arith.index_cast %parallel_loop3A_772 : i32 to index
      %parallel_loop3A_776 = arith.index_cast %parallel_loop3A_774 : i32 to index
      %parallel_loop3A_777 = tpu.vector_load %arg8[%parallel_loop3A_775, %parallel_loop3A_776] {strides = array<i32>} : memref<512x32xf32, #tpu.memory_space<vmem>>, vector<16xf32>,
      %parallel_loop3A_778 = arith.constant 11 : i32
      %parallel_loop3A_779 = arith.addi %parallel_loop3A_700, %parallel_loop3A_778 : i32
      %parallel_loop3A_780 = arith.constant 16 : i32
      %parallel_loop3A_781 = arith.muli %parallel_loop3A_695, %parallel_loop3A_780 : i32
      %parallel_loop3A_782 = arith.index_cast %parallel_loop3A_779 : i32 to index
      %parallel_loop3A_783 = arith.index_cast %parallel_loop3A_781 : i32 to index
      %parallel_loop3A_784 = tpu.vector_load %arg8[%parallel_loop3A_782, %parallel_loop3A_783] {strides = array<i32>} : memref<512x32xf32, #tpu.memory_space<vmem>>, vector<16xf32>,
      %parallel_loop3A_785 = arith.constant 12 : i32
      %parallel_loop3A_786 = arith.addi %parallel_loop3A_700, %parallel_loop3A_785 : i32
      %parallel_loop3A_787 = arith.constant 16 : i32
      %parallel_loop3A_788 = arith.muli %parallel_loop3A_695, %parallel_loop3A_787 : i32
      %parallel_loop3A_789 = arith.index_cast %parallel_loop3A_786 : i32 to index
      %parallel_loop3A_790 = arith.index_cast %parallel_loop3A_788 : i32 to index
      %parallel_loop3A_791 = tpu.vector_load %arg8[%parallel_loop3A_789, %parallel_loop3A_790] {strides = array<i32>} : memref<512x32xf32, #tpu.memory_space<vmem>>, vector<16xf32>,
      %parallel_loop3A_792 = arith.constant 13 : i32
      %parallel_loop3A_793 = arith.addi %parallel_loop3A_700, %parallel_loop3A_792 : i32
      %parallel_loop3A_794 = arith.constant 16 : i32
      %parallel_loop3A_795 = arith.muli %parallel_loop3A_695, %parallel_loop3A_794 : i32
      %parallel_loop3A_796 = arith.index_cast %parallel_loop3A_793 : i32 to index
      %parallel_loop3A_797 = arith.index_cast %parallel_loop3A_795 : i32 to index
      %parallel_loop3A_798 = tpu.vector_load %arg8[%parallel_loop3A_796, %parallel_loop3A_797] {strides = array<i32>} : memref<512x32xf32, #tpu.memory_space<vmem>>, vector<16xf32>,
      %parallel_loop3A_799 = arith.constant 14 : i32
      %parallel_loop3A_800 = arith.addi %parallel_loop3A_700, %parallel_loop3A_799 : i32
      %parallel_loop3A_801 = arith.constant 16 : i32
      %parallel_loop3A_802 = arith.muli %parallel_loop3A_695, %parallel_loop3A_801 : i32
      %parallel_loop3A_803 = arith.index_cast %parallel_loop3A_800 : i32 to index
      %parallel_loop3A_804 = arith.index_cast %parallel_loop3A_802 : i32 to index
      %parallel_loop3A_805 = tpu.vector_load %arg8[%parallel_loop3A_803, %parallel_loop3A_804] {strides = array<i32>} : memref<512x32xf32, #tpu.memory_space<vmem>>, vector<16xf32>,
      %parallel_loop3A_806 = arith.constant 15 : i32
      %parallel_loop3A_807 = arith.addi %parallel_loop3A_700, %parallel_loop3A_806 : i32
      %parallel_loop3A_808 = arith.constant 16 : i32
      %parallel_loop3A_809 = arith.muli %parallel_loop3A_695, %parallel_loop3A_808 : i32
      %parallel_loop3A_810 = arith.index_cast %parallel_loop3A_807 : i32 to index
      %parallel_loop3A_811 = arith.index_cast %parallel_loop3A_809 : i32 to index
      %parallel_loop3A_812 = tpu.vector_load %arg8[%parallel_loop3A_810, %parallel_loop3A_811] {strides = array<i32>} : memref<512x32xf32, #tpu.memory_space<vmem>>, vector<16xf32>,
      %parallel_loop3A_813 = vector.shape_cast %broadcast_in_dim3A : vector<16x1xi32> to vector<16xi32>
      %parallel_loop3A_814 = tpu.dynamic_gather %parallel_loop3A_714[%parallel_loop3A_813] in [0] : vector<16xf32>, vector<16xi32> -> vector<16xf32>
      %parallel_loop3A_815 = arith.select %eq3A_20, %parallel_loop3A_707, %parallel_loop3A_814 : vector<16xi1>, vector<16xf32>
      %parallel_loop3A_816 = vector.shape_cast %broadcast_in_dim3A : vector<16x1xi32> to vector<16xi32>
      %parallel_loop3A_817 = tpu.dynamic_gather %parallel_loop3A_707[%parallel_loop3A_816] in [0] : vector<16xf32>, vector<16xi32> -> vector<16xf32>
      %parallel_loop3A_818 = arith.select %eq3A_20, %parallel_loop3A_817, %parallel_loop3A_714 : vector<16xi1>, vector<16xf32>
      %parallel_loop3A_819 = vector.shape_cast %broadcast_in_dim3A : vector<16x1xi32> to vector<16xi32>
      %parallel_loop3A_820 = tpu.dynamic_gather %parallel_loop3A_728[%parallel_loop3A_819] in [0] : vector<16xf32>, vector<16xi32> -> vector<16xf32>
      %parallel_loop3A_821 = arith.select %eq3A_20, %parallel_loop3A_721, %parallel_loop3A_820 : vector<16xi1>, vector<16xf32>
      %parallel_loop3A_822 = vector.shape_cast %broadcast_in_dim3A : vector<16x1xi32> to vector<16xi32>
      %parallel_loop3A_823 = tpu.dynamic_gather %parallel_loop3A_721[%parallel_loop3A_822] in [0] : vector<16xf32>, vector<16xi32> -> vector<16xf32>
      %parallel_loop3A_824 = arith.select %eq3A_20, %parallel_loop3A_823, %parallel_loop3A_728 : vector<16xi1>, vector<16xf32>
      %parallel_loop3A_825 = vector.shape_cast %broadcast_in_dim3A : vector<16x1xi32> to vector<16xi32>
      %parallel_loop3A_826 = tpu.dynamic_gather %parallel_loop3A_742[%parallel_loop3A_825] in [0] : vector<16xf32>, vector<16xi32> -> vector<16xf32>
      %parallel_loop3A_827 = arith.select %eq3A_20, %parallel_loop3A_735, %parallel_loop3A_826 : vector<16xi1>, vector<16xf32>
      %parallel_loop3A_828 = vector.shape_cast %broadcast_in_dim3A : vector<16x1xi32> to vector<16xi32>
      %parallel_loop3A_829 = tpu.dynamic_gather %parallel_loop3A_735[%parallel_loop3A_828] in [0] : vector<16xf32>, vector<16xi32> -> vector<16xf32>
      %parallel_loop3A_830 = arith.select %eq3A_20, %parallel_loop3A_829, %parallel_loop3A_742 : vector<16xi1>, vector<16xf32>
      %parallel_loop3A_831 = vector.shape_cast %broadcast_in_dim3A : vector<16x1xi32> to vector<16xi32>
      %parallel_loop3A_832 = tpu.dynamic_gather %parallel_loop3A_756[%parallel_loop3A_831] in [0] : vector<16xf32>, vector<16xi32> -> vector<16xf32>
      %parallel_loop3A_833 = arith.select %eq3A_20, %parallel_loop3A_749, %parallel_loop3A_832 : vector<16xi1>, vector<16xf32>
      %parallel_loop3A_834 = vector.shape_cast %broadcast_in_dim3A : vector<16x1xi32> to vector<16xi32>
      %parallel_loop3A_835 = tpu.dynamic_gather %parallel_loop3A_749[%parallel_loop3A_834] in [0] : vector<16xf32>, vector<16xi32> -> vector<16xf32>
      %parallel_loop3A_836 = arith.select %eq3A_20, %parallel_loop3A_835, %parallel_loop3A_756 : vector<16xi1>, vector<16xf32>
      %parallel_loop3A_837 = vector.shape_cast %broadcast_in_dim3A : vector<16x1xi32> to vector<16xi32>
      %parallel_loop3A_838 = tpu.dynamic_gather %parallel_loop3A_770[%parallel_loop3A_837] in [0] : vector<16xf32>, vector<16xi32> -> vector<16xf32>
      %parallel_loop3A_839 = arith.select %eq3A_20, %parallel_loop3A_763, %parallel_loop3A_838 : vector<16xi1>, vector<16xf32>
      %parallel_loop3A_840 = vector.shape_cast %broadcast_in_dim3A : vector<16x1xi32> to vector<16xi32>
      %parallel_loop3A_841 = tpu.dynamic_gather %parallel_loop3A_763[%parallel_loop3A_840] in [0] : vector<16xf32>, vector<16xi32> -> vector<16xf32>
      %parallel_loop3A_842 = arith.select %eq3A_20, %parallel_loop3A_841, %parallel_loop3A_770 : vector<16xi1>, vector<16xf32>
      %parallel_loop3A_843 = vector.shape_cast %broadcast_in_dim3A : vector<16x1xi32> to vector<16xi32>
      %parallel_loop3A_844 = tpu.dynamic_gather %parallel_loop3A_784[%parallel_loop3A_843] in [0] : vector<16xf32>, vector<16xi32> -> vector<16xf32>
      %parallel_loop3A_845 = arith.select %eq3A_20, %parallel_loop3A_777, %parallel_loop3A_844 : vector<16xi1>, vector<16xf32>
      %parallel_loop3A_846 = vector.shape_cast %broadcast_in_dim3A : vector<16x1xi32> to vector<16xi32>
      %parallel_loop3A_847 = tpu.dynamic_gather %parallel_loop3A_777[%parallel_loop3A_846] in [0] : vector<16xf32>, vector<16xi32> -> vector<16xf32>
      %parallel_loop3A_848 = arith.select %eq3A_20, %parallel_loop3A_847, %parallel_loop3A_784 : vector<16xi1>, vector<16xf32>
      %parallel_loop3A_849 = vector.shape_cast %broadcast_in_dim3A : vector<16x1xi32> to vector<16xi32>
      %parallel_loop3A_850 = tpu.dynamic_gather %parallel_loop3A_798[%parallel_loop3A_849] in [0] : vector<16xf32>, vector<16xi32> -> vector<16xf32>
      %parallel_loop3A_851 = arith.select %eq3A_20, %parallel_loop3A_791, %parallel_loop3A_850 : vector<16xi1>, vector<16xf32>
      %parallel_loop3A_852 = vector.shape_cast %broadcast_in_dim3A : vector<16x1xi32> to vector<16xi32>
      %parallel_loop3A_853 = tpu.dynamic_gather %parallel_loop3A_791[%parallel_loop3A_852] in [0] : vector<16xf32>, vector<16xi32> -> vector<16xf32>
      %parallel_loop3A_854 = arith.select %eq3A_20, %parallel_loop3A_853, %parallel_loop3A_798 : vector<16xi1>, vector<16xf32>
      %parallel_loop3A_855 = vector.shape_cast %broadcast_in_dim3A : vector<16x1xi32> to vector<16xi32>
      %parallel_loop3A_856 = tpu.dynamic_gather %parallel_loop3A_812[%parallel_loop3A_855] in [0] : vector<16xf32>, vector<16xi32> -> vector<16xf32>
      %parallel_loop3A_857 = arith.select %eq3A_20, %parallel_loop3A_805, %parallel_loop3A_856 : vector<16xi1>, vector<16xf32>
      %parallel_loop3A_858 = vector.shape_cast %broadcast_in_dim3A : vector<16x1xi32> to vector<16xi32>
      %parallel_loop3A_859 = tpu.dynamic_gather %parallel_loop3A_805[%parallel_loop3A_858] in [0] : vector<16xf32>, vector<16xi32> -> vector<16xf32>
      %parallel_loop3A_860 = arith.select %eq3A_20, %parallel_loop3A_859, %parallel_loop3A_812 : vector<16xi1>, vector<16xf32>
      %parallel_loop3A_861 = vector.shape_cast %broadcast_in_dim3A_8 : vector<16x1xi32> to vector<16xi32>
      %parallel_loop3A_862 = tpu.dynamic_gather %parallel_loop3A_821[%parallel_loop3A_861] in [0] : vector<16xf32>, vector<16xi32> -> vector<16xf32>
      %parallel_loop3A_863 = arith.select %eq3A_26, %parallel_loop3A_815, %parallel_loop3A_862 : vector<16xi1>, vector<16xf32>
      %parallel_loop3A_864 = vector.shape_cast %broadcast_in_dim3A_8 : vector<16x1xi32> to vector<16xi32>
      %parallel_loop3A_865 = tpu.dynamic_gather %parallel_loop3A_815[%parallel_loop3A_864] in [0] : vector<16xf32>, vector<16xi32> -> vector<16xf32>
      %parallel_loop3A_866 = arith.select %eq3A_26, %parallel_loop3A_865, %parallel_loop3A_821 : vector<16xi1>, vector<16xf32>
      %parallel_loop3A_867 = vector.shape_cast %broadcast_in_dim3A_8 : vector<16x1xi32> to vector<16xi32>
      %parallel_loop3A_868 = tpu.dynamic_gather %parallel_loop3A_824[%parallel_loop3A_867] in [0] : vector<16xf32>, vector<16xi32> -> vector<16xf32>
      %parallel_loop3A_869 = arith.select %eq3A_26, %parallel_loop3A_818, %parallel_loop3A_868 : vector<16xi1>, vector<16xf32>
      %parallel_loop3A_870 = vector.shape_cast %broadcast_in_dim3A_8 : vector<16x1xi32> to vector<16xi32>
      %parallel_loop3A_871 = tpu.dynamic_gather %parallel_loop3A_818[%parallel_loop3A_870] in [0] : vector<16xf32>, vector<16xi32> -> vector<16xf32>
      %parallel_loop3A_872 = arith.select %eq3A_26, %parallel_loop3A_871, %parallel_loop3A_824 : vector<16xi1>, vector<16xf32>
      %parallel_loop3A_873 = vector.shape_cast %broadcast_in_dim3A_8 : vector<16x1xi32> to vector<16xi32>
      %parallel_loop3A_874 = tpu.dynamic_gather %parallel_loop3A_833[%parallel_loop3A_873] in [0] : vector<16xf32>, vector<16xi32> -> vector<16xf32>
      %parallel_loop3A_875 = arith.select %eq3A_26, %parallel_loop3A_827, %parallel_loop3A_874 : vector<16xi1>, vector<16xf32>
      %parallel_loop3A_876 = vector.shape_cast %broadcast_in_dim3A_8 : vector<16x1xi32> to vector<16xi32>
      %parallel_loop3A_877 = tpu.dynamic_gather %parallel_loop3A_827[%parallel_loop3A_876] in [0] : vector<16xf32>, vector<16xi32> -> vector<16xf32>
      %parallel_loop3A_878 = arith.select %eq3A_26, %parallel_loop3A_877, %parallel_loop3A_833 : vector<16xi1>, vector<16xf32>
      %parallel_loop3A_879 = vector.shape_cast %broadcast_in_dim3A_8 : vector<16x1xi32> to vector<16xi32>
      %parallel_loop3A_880 = tpu.dynamic_gather %parallel_loop3A_836[%parallel_loop3A_879] in [0] : vector<16xf32>, vector<16xi32> -> vector<16xf32>
      %parallel_loop3A_881 = arith.select %eq3A_26, %parallel_loop3A_830, %parallel_loop3A_880 : vector<16xi1>, vector<16xf32>
      %parallel_loop3A_882 = vector.shape_cast %broadcast_in_dim3A_8 : vector<16x1xi32> to vector<16xi32>
      %parallel_loop3A_883 = tpu.dynamic_gather %parallel_loop3A_830[%parallel_loop3A_882] in [0] : vector<16xf32>, vector<16xi32> -> vector<16xf32>
      %parallel_loop3A_884 = arith.select %eq3A_26, %parallel_loop3A_883, %parallel_loop3A_836 : vector<16xi1>, vector<16xf32>
      %parallel_loop3A_885 = vector.shape_cast %broadcast_in_dim3A_8 : vector<16x1xi32> to vector<16xi32>
      %parallel_loop3A_886 = tpu.dynamic_gather %parallel_loop3A_845[%parallel_loop3A_885] in [0] : vector<16xf32>, vector<16xi32> -> vector<16xf32>
      %parallel_loop3A_887 = arith.select %eq3A_26, %parallel_loop3A_839, %parallel_loop3A_886 : vector<16xi1>, vector<16xf32>
      %parallel_loop3A_888 = vector.shape_cast %broadcast_in_dim3A_8 : vector<16x1xi32> to vector<16xi32>
      %parallel_loop3A_889 = tpu.dynamic_gather %parallel_loop3A_839[%parallel_loop3A_888] in [0] : vector<16xf32>, vector<16xi32> -> vector<16xf32>
      %parallel_loop3A_890 = arith.select %eq3A_26, %parallel_loop3A_889, %parallel_loop3A_845 : vector<16xi1>, vector<16xf32>
      %parallel_loop3A_891 = vector.shape_cast %broadcast_in_dim3A_8 : vector<16x1xi32> to vector<16xi32>
      %parallel_loop3A_892 = tpu.dynamic_gather %parallel_loop3A_848[%parallel_loop3A_891] in [0] : vector<16xf32>, vector<16xi32> -> vector<16xf32>
      %parallel_loop3A_893 = arith.select %eq3A_26, %parallel_loop3A_842, %parallel_loop3A_892 : vector<16xi1>, vector<16xf32>
      %parallel_loop3A_894 = vector.shape_cast %broadcast_in_dim3A_8 : vector<16x1xi32> to vector<16xi32>
      %parallel_loop3A_895 = tpu.dynamic_gather %parallel_loop3A_842[%parallel_loop3A_894] in [0] : vector<16xf32>, vector<16xi32> -> vector<16xf32>
      %parallel_loop3A_896 = arith.select %eq3A_26, %parallel_loop3A_895, %parallel_loop3A_848 : vector<16xi1>, vector<16xf32>
      %parallel_loop3A_897 = vector.shape_cast %broadcast_in_dim3A_8 : vector<16x1xi32> to vector<16xi32>
      %parallel_loop3A_898 = tpu.dynamic_gather %parallel_loop3A_857[%parallel_loop3A_897] in [0] : vector<16xf32>, vector<16xi32> -> vector<16xf32>
      %parallel_loop3A_899 = arith.select %eq3A_26, %parallel_loop3A_851, %parallel_loop3A_898 : vector<16xi1>, vector<16xf32>
      %parallel_loop3A_900 = vector.shape_cast %broadcast_in_dim3A_8 : vector<16x1xi32> to vector<16xi32>
      %parallel_loop3A_901 = tpu.dynamic_gather %parallel_loop3A_851[%parallel_loop3A_900] in [0] : vector<16xf32>, vector<16xi32> -> vector<16xf32>
      %parallel_loop3A_902 = arith.select %eq3A_26, %parallel_loop3A_901, %parallel_loop3A_857 : vector<16xi1>, vector<16xf32>
      %parallel_loop3A_903 = vector.shape_cast %broadcast_in_dim3A_8 : vector<16x1xi32> to vector<16xi32>
      %parallel_loop3A_904 = tpu.dynamic_gather %parallel_loop3A_860[%parallel_loop3A_903] in [0] : vector<16xf32>, vector<16xi32> -> vector<16xf32>
      %parallel_loop3A_905 = arith.select %eq3A_26, %parallel_loop3A_854, %parallel_loop3A_904 : vector<16xi1>, vector<16xf32>
      %parallel_loop3A_906 = vector.shape_cast %broadcast_in_dim3A_8 : vector<16x1xi32> to vector<16xi32>
      %parallel_loop3A_907 = tpu.dynamic_gather %parallel_loop3A_854[%parallel_loop3A_906] in [0] : vector<16xf32>, vector<16xi32> -> vector<16xf32>
      %parallel_loop3A_908 = arith.select %eq3A_26, %parallel_loop3A_907, %parallel_loop3A_860 : vector<16xi1>, vector<16xf32>
      %parallel_loop3A_909 = vector.shape_cast %broadcast_in_dim3A_12 : vector<16x1xi32> to vector<16xi32>
      %parallel_loop3A_910 = tpu.dynamic_gather %parallel_loop3A_875[%parallel_loop3A_909] in [0] : vector<16xf32>, vector<16xi32> -> vector<16xf32>
      %parallel_loop3A_911 = arith.select %eq3A_32, %parallel_loop3A_863, %parallel_loop3A_910 : vector<16xi1>, vector<16xf32>
      %parallel_loop3A_912 = vector.shape_cast %broadcast_in_dim3A_12 : vector<16x1xi32> to vector<16xi32>
      %parallel_loop3A_913 = tpu.dynamic_gather %parallel_loop3A_863[%parallel_loop3A_912] in [0] : vector<16xf32>, vector<16xi32> -> vector<16xf32>
      %parallel_loop3A_914 = arith.select %eq3A_32, %parallel_loop3A_913, %parallel_loop3A_875 : vector<16xi1>, vector<16xf32>
      %parallel_loop3A_915 = vector.shape_cast %broadcast_in_dim3A_12 : vector<16x1xi32> to vector<16xi32>
      %parallel_loop3A_916 = tpu.dynamic_gather %parallel_loop3A_881[%parallel_loop3A_915] in [0] : vector<16xf32>, vector<16xi32> -> vector<16xf32>
      %parallel_loop3A_917 = arith.select %eq3A_32, %parallel_loop3A_869, %parallel_loop3A_916 : vector<16xi1>, vector<16xf32>
      %parallel_loop3A_918 = vector.shape_cast %broadcast_in_dim3A_12 : vector<16x1xi32> to vector<16xi32>
      %parallel_loop3A_919 = tpu.dynamic_gather %parallel_loop3A_869[%parallel_loop3A_918] in [0] : vector<16xf32>, vector<16xi32> -> vector<16xf32>
      %parallel_loop3A_920 = arith.select %eq3A_32, %parallel_loop3A_919, %parallel_loop3A_881 : vector<16xi1>, vector<16xf32>
      %parallel_loop3A_921 = vector.shape_cast %broadcast_in_dim3A_12 : vector<16x1xi32> to vector<16xi32>
      %parallel_loop3A_922 = tpu.dynamic_gather %parallel_loop3A_878[%parallel_loop3A_921] in [0] : vector<16xf32>, vector<16xi32> -> vector<16xf32>
      %parallel_loop3A_923 = arith.select %eq3A_32, %parallel_loop3A_866, %parallel_loop3A_922 : vector<16xi1>, vector<16xf32>
      %parallel_loop3A_924 = vector.shape_cast %broadcast_in_dim3A_12 : vector<16x1xi32> to vector<16xi32>
      %parallel_loop3A_925 = tpu.dynamic_gather %parallel_loop3A_866[%parallel_loop3A_924] in [0] : vector<16xf32>, vector<16xi32> -> vector<16xf32>
      %parallel_loop3A_926 = arith.select %eq3A_32, %parallel_loop3A_925, %parallel_loop3A_878 : vector<16xi1>, vector<16xf32>
      %parallel_loop3A_927 = vector.shape_cast %broadcast_in_dim3A_12 : vector<16x1xi32> to vector<16xi32>
      %parallel_loop3A_928 = tpu.dynamic_gather %parallel_loop3A_884[%parallel_loop3A_927] in [0] : vector<16xf32>, vector<16xi32> -> vector<16xf32>
      %parallel_loop3A_929 = arith.select %eq3A_32, %parallel_loop3A_872, %parallel_loop3A_928 : vector<16xi1>, vector<16xf32>
      %parallel_loop3A_930 = vector.shape_cast %broadcast_in_dim3A_12 : vector<16x1xi32> to vector<16xi32>
      %parallel_loop3A_931 = tpu.dynamic_gather %parallel_loop3A_872[%parallel_loop3A_930] in [0] : vector<16xf32>, vector<16xi32> -> vector<16xf32>
      %parallel_loop3A_932 = arith.select %eq3A_32, %parallel_loop3A_931, %parallel_loop3A_884 : vector<16xi1>, vector<16xf32>
      %parallel_loop3A_933 = vector.shape_cast %broadcast_in_dim3A_12 : vector<16x1xi32> to vector<16xi32>
      %parallel_loop3A_934 = tpu.dynamic_gather %parallel_loop3A_899[%parallel_loop3A_933] in [0] : vector<16xf32>, vector<16xi32> -> vector<16xf32>
      %parallel_loop3A_935 = arith.select %eq3A_32, %parallel_loop3A_887, %parallel_loop3A_934 : vector<16xi1>, vector<16xf32>
      %parallel_loop3A_936 = vector.shape_cast %broadcast_in_dim3A_12 : vector<16x1xi32> to vector<16xi32>
      %parallel_loop3A_937 = tpu.dynamic_gather %parallel_loop3A_887[%parallel_loop3A_936] in [0] : vector<16xf32>, vector<16xi32> -> vector<16xf32>
      %parallel_loop3A_938 = arith.select %eq3A_32, %parallel_loop3A_937, %parallel_loop3A_899 : vector<16xi1>, vector<16xf32>
      %parallel_loop3A_939 = vector.shape_cast %broadcast_in_dim3A_12 : vector<16x1xi32> to vector<16xi32>
      %parallel_loop3A_940 = tpu.dynamic_gather %parallel_loop3A_905[%parallel_loop3A_939] in [0] : vector<16xf32>, vector<16xi32> -> vector<16xf32>
      %parallel_loop3A_941 = arith.select %eq3A_32, %parallel_loop3A_893, %parallel_loop3A_940 : vector<16xi1>, vector<16xf32>
      %parallel_loop3A_942 = vector.shape_cast %broadcast_in_dim3A_12 : vector<16x1xi32> to vector<16xi32>
      %parallel_loop3A_943 = tpu.dynamic_gather %parallel_loop3A_893[%parallel_loop3A_942] in [0] : vector<16xf32>, vector<16xi32> -> vector<16xf32>
      %parallel_loop3A_944 = arith.select %eq3A_32, %parallel_loop3A_943, %parallel_loop3A_905 : vector<16xi1>, vector<16xf32>
      %parallel_loop3A_945 = vector.shape_cast %broadcast_in_dim3A_12 : vector<16x1xi32> to vector<16xi32>
      %parallel_loop3A_946 = tpu.dynamic_gather %parallel_loop3A_902[%parallel_loop3A_945] in [0] : vector<16xf32>, vector<16xi32> -> vector<16xf32>
      %parallel_loop3A_947 = arith.select %eq3A_32, %parallel_loop3A_890, %parallel_loop3A_946 : vector<16xi1>, vector<16xf32>
      %parallel_loop3A_948 = vector.shape_cast %broadcast_in_dim3A_12 : vector<16x1xi32> to vector<16xi32>
      %parallel_loop3A_949 = tpu.dynamic_gather %parallel_loop3A_890[%parallel_loop3A_948] in [0] : vector<16xf32>, vector<16xi32> -> vector<16xf32>
      %parallel_loop3A_950 = arith.select %eq3A_32, %parallel_loop3A_949, %parallel_loop3A_902 : vector<16xi1>, vector<16xf32>
      %parallel_loop3A_951 = vector.shape_cast %broadcast_in_dim3A_12 : vector<16x1xi32> to vector<16xi32>
      %parallel_loop3A_952 = tpu.dynamic_gather %parallel_loop3A_908[%parallel_loop3A_951] in [0] : vector<16xf32>, vector<16xi32> -> vector<16xf32>
      %parallel_loop3A_953 = arith.select %eq3A_32, %parallel_loop3A_896, %parallel_loop3A_952 : vector<16xi1>, vector<16xf32>
      %parallel_loop3A_954 = vector.shape_cast %broadcast_in_dim3A_12 : vector<16x1xi32> to vector<16xi32>
      %parallel_loop3A_955 = tpu.dynamic_gather %parallel_loop3A_896[%parallel_loop3A_954] in [0] : vector<16xf32>, vector<16xi32> -> vector<16xf32>
      %parallel_loop3A_956 = arith.select %eq3A_32, %parallel_loop3A_955, %parallel_loop3A_908 : vector<16xi1>, vector<16xf32>
      %parallel_loop3A_957 = vector.shape_cast %broadcast_in_dim3A_16 : vector<16x1xi32> to vector<16xi32>
      %parallel_loop3A_958 = tpu.dynamic_gather %parallel_loop3A_935[%parallel_loop3A_957] in [0] : vector<16xf32>, vector<16xi32> -> vector<16xf32>
      %parallel_loop3A_959 = arith.select %eq3A_38, %parallel_loop3A_911, %parallel_loop3A_958 : vector<16xi1>, vector<16xf32>
      %parallel_loop3A_960 = vector.shape_cast %broadcast_in_dim3A_16 : vector<16x1xi32> to vector<16xi32>
      %parallel_loop3A_961 = tpu.dynamic_gather %parallel_loop3A_911[%parallel_loop3A_960] in [0] : vector<16xf32>, vector<16xi32> -> vector<16xf32>
      %parallel_loop3A_962 = arith.select %eq3A_38, %parallel_loop3A_961, %parallel_loop3A_935 : vector<16xi1>, vector<16xf32>
      %parallel_loop3A_963 = vector.shape_cast %broadcast_in_dim3A_16 : vector<16x1xi32> to vector<16xi32>
      %parallel_loop3A_964 = tpu.dynamic_gather %parallel_loop3A_941[%parallel_loop3A_963] in [0] : vector<16xf32>, vector<16xi32> -> vector<16xf32>
      %parallel_loop3A_965 = arith.select %eq3A_38, %parallel_loop3A_917, %parallel_loop3A_964 : vector<16xi1>, vector<16xf32>
      %parallel_loop3A_966 = vector.shape_cast %broadcast_in_dim3A_16 : vector<16x1xi32> to vector<16xi32>
      %parallel_loop3A_967 = tpu.dynamic_gather %parallel_loop3A_917[%parallel_loop3A_966] in [0] : vector<16xf32>, vector<16xi32> -> vector<16xf32>
      %parallel_loop3A_968 = arith.select %eq3A_38, %parallel_loop3A_967, %parallel_loop3A_941 : vector<16xi1>, vector<16xf32>
      %parallel_loop3A_969 = vector.shape_cast %broadcast_in_dim3A_16 : vector<16x1xi32> to vector<16xi32>
      %parallel_loop3A_970 = tpu.dynamic_gather %parallel_loop3A_947[%parallel_loop3A_969] in [0] : vector<16xf32>, vector<16xi32> -> vector<16xf32>
      %parallel_loop3A_971 = arith.select %eq3A_38, %parallel_loop3A_923, %parallel_loop3A_970 : vector<16xi1>, vector<16xf32>
      %parallel_loop3A_972 = vector.shape_cast %broadcast_in_dim3A_16 : vector<16x1xi32> to vector<16xi32>
      %parallel_loop3A_973 = tpu.dynamic_gather %parallel_loop3A_923[%parallel_loop3A_972] in [0] : vector<16xf32>, vector<16xi32> -> vector<16xf32>
      %parallel_loop3A_974 = arith.select %eq3A_38, %parallel_loop3A_973, %parallel_loop3A_947 : vector<16xi1>, vector<16xf32>
      %parallel_loop3A_975 = vector.shape_cast %broadcast_in_dim3A_16 : vector<16x1xi32> to vector<16xi32>
      %parallel_loop3A_976 = tpu.dynamic_gather %parallel_loop3A_953[%parallel_loop3A_975] in [0] : vector<16xf32>, vector<16xi32> -> vector<16xf32>
      %parallel_loop3A_977 = arith.select %eq3A_38, %parallel_loop3A_929, %parallel_loop3A_976 : vector<16xi1>, vector<16xf32>
      %parallel_loop3A_978 = vector.shape_cast %broadcast_in_dim3A_16 : vector<16x1xi32> to vector<16xi32>
      %parallel_loop3A_979 = tpu.dynamic_gather %parallel_loop3A_929[%parallel_loop3A_978] in [0] : vector<16xf32>, vector<16xi32> -> vector<16xf32>
      %parallel_loop3A_980 = arith.select %eq3A_38, %parallel_loop3A_979, %parallel_loop3A_953 : vector<16xi1>, vector<16xf32>
      %parallel_loop3A_981 = vector.shape_cast %broadcast_in_dim3A_16 : vector<16x1xi32> to vector<16xi32>
      %parallel_loop3A_982 = tpu.dynamic_gather %parallel_loop3A_938[%parallel_loop3A_981] in [0] : vector<16xf32>, vector<16xi32> -> vector<16xf32>
      %parallel_loop3A_983 = arith.select %eq3A_38, %parallel_loop3A_914, %parallel_loop3A_982 : vector<16xi1>, vector<16xf32>
      %parallel_loop3A_984 = vector.shape_cast %broadcast_in_dim3A_16 : vector<16x1xi32> to vector<16xi32>
      %parallel_loop3A_985 = tpu.dynamic_gather %parallel_loop3A_914[%parallel_loop3A_984] in [0] : vector<16xf32>, vector<16xi32> -> vector<16xf32>
      %parallel_loop3A_986 = arith.select %eq3A_38, %parallel_loop3A_985, %parallel_loop3A_938 : vector<16xi1>, vector<16xf32>
      %parallel_loop3A_987 = vector.shape_cast %broadcast_in_dim3A_16 : vector<16x1xi32> to vector<16xi32>
      %parallel_loop3A_988 = tpu.dynamic_gather %parallel_loop3A_944[%parallel_loop3A_987] in [0] : vector<16xf32>, vector<16xi32> -> vector<16xf32>
      %parallel_loop3A_989 = arith.select %eq3A_38, %parallel_loop3A_920, %parallel_loop3A_988 : vector<16xi1>, vector<16xf32>
      %parallel_loop3A_990 = vector.shape_cast %broadcast_in_dim3A_16 : vector<16x1xi32> to vector<16xi32>
      %parallel_loop3A_991 = tpu.dynamic_gather %parallel_loop3A_920[%parallel_loop3A_990] in [0] : vector<16xf32>, vector<16xi32> -> vector<16xf32>
      %parallel_loop3A_992 = arith.select %eq3A_38, %parallel_loop3A_991, %parallel_loop3A_944 : vector<16xi1>, vector<16xf32>
      %parallel_loop3A_993 = vector.shape_cast %broadcast_in_dim3A_16 : vector<16x1xi32> to vector<16xi32>
      %parallel_loop3A_994 = tpu.dynamic_gather %parallel_loop3A_950[%parallel_loop3A_993] in [0] : vector<16xf32>, vector<16xi32> -> vector<16xf32>
      %parallel_loop3A_995 = arith.select %eq3A_38, %parallel_loop3A_926, %parallel_loop3A_994 : vector<16xi1>, vector<16xf32>
      %parallel_loop3A_996 = vector.shape_cast %broadcast_in_dim3A_16 : vector<16x1xi32> to vector<16xi32>
      %parallel_loop3A_997 = tpu.dynamic_gather %parallel_loop3A_926[%parallel_loop3A_996] in [0] : vector<16xf32>, vector<16xi32> -> vector<16xf32>
      %parallel_loop3A_998 = arith.select %eq3A_38, %parallel_loop3A_997, %parallel_loop3A_950 : vector<16xi1>, vector<16xf32>
      %parallel_loop3A_999 = vector.shape_cast %broadcast_in_dim3A_16 : vector<16x1xi32> to vector<16xi32>
      %parallel_loop3A_1000 = tpu.dynamic_gather %parallel_loop3A_956[%parallel_loop3A_999] in [0] : vector<16xf32>, vector<16xi32> -> vector<16xf32>
      %parallel_loop3A_1001 = arith.select %eq3A_38, %parallel_loop3A_932, %parallel_loop3A_1000 : vector<16xi1>, vector<16xf32>
      %parallel_loop3A_1002 = vector.shape_cast %broadcast_in_dim3A_16 : vector<16x1xi32> to vector<16xi32>
      %parallel_loop3A_1003 = tpu.dynamic_gather %parallel_loop3A_932[%parallel_loop3A_1002] in [0] : vector<16xf32>, vector<16xi32> -> vector<16xf32>
      %parallel_loop3A_1004 = arith.select %eq3A_38, %parallel_loop3A_1003, %parallel_loop3A_956 : vector<16xi1>, vector<16xf32>
      %parallel_loop3A_1005 = arith.constant 4096 : i32
      %parallel_loop3A_1006 = arith.muli %parallel_loop3A_689, %parallel_loop3A_1005 : i32
      %parallel_loop3A_1007 = arith.constant 16 : i32
      %parallel_loop3A_1008 = arith.muli %parallel_loop3A_693, %parallel_loop3A_1007 : i32
      %parallel_loop3A_1009 = arith.addi %parallel_loop3A_1006, %parallel_loop3A_1008 : i32
      %parallel_loop3A_1010 = arith.constant 16 : i32
      %parallel_loop3A_1011 = arith.muli %parallel_loop3A_695, %parallel_loop3A_1010 : i32
      %parallel_loop3A_1012 = arith.constant 0 : i32
      %parallel_loop3A_1013 = arith.addi %parallel_loop3A_1011, %parallel_loop3A_1012 : i32
      %parallel_loop3A_1014 = arith.constant 3 : i32
      %parallel_loop3A_1015 = arith.shrsi %parallel_loop3A_1013, %parallel_loop3A_1014 : i32
      %parallel_loop3A_1016 = arith.constant 1024 : i32
      %parallel_loop3A_1017 = arith.muli %parallel_loop3A_1015, %parallel_loop3A_1016 : i32
      %parallel_loop3A_1018 = arith.constant 7 : i32
      %parallel_loop3A_1019 = arith.andi %parallel_loop3A_1013, %parallel_loop3A_1018 : i32
      %parallel_loop3A_1020 = arith.constant 128 : i32
      %parallel_loop3A_1021 = arith.muli %parallel_loop3A_1019, %parallel_loop3A_1020 : i32
      %parallel_loop3A_1022 = arith.addi %parallel_loop3A_1017, %parallel_loop3A_1021 : i32
      %parallel_loop3A_1023 = arith.addi %parallel_loop3A_1022, %parallel_loop3A_1009 : i32
      %parallel_loop3A_1024 = arith.index_cast %parallel_loop3A_1023 : i32 to index
      %parallel_loop3A_1025 = tpu.vector_load %arg10[%parallel_loop3A_1024] {strides = array<i32>} : memref<16384xf32, #tpu.memory_space<vmem>>, vector<16xf32>,
      tpu.vector_store %arg10[%parallel_loop3A_1024], %parallel_loop3A_959 {strides = array<i32>} : memref<16384xf32, #tpu.memory_space<vmem>>, vector<16xf32>,
      %parallel_loop3A_1026 = arith.constant 16 : i32
      %parallel_loop3A_1027 = arith.muli %parallel_loop3A_695, %parallel_loop3A_1026 : i32
      %parallel_loop3A_1028 = arith.constant 1 : i32
      %parallel_loop3A_1029 = arith.addi %parallel_loop3A_1027, %parallel_loop3A_1028 : i32
      %parallel_loop3A_1030 = arith.constant 3 : i32
      %parallel_loop3A_1031 = arith.shrsi %parallel_loop3A_1029, %parallel_loop3A_1030 : i32
      %parallel_loop3A_1032 = arith.constant 1024 : i32
      %parallel_loop3A_1033 = arith.muli %parallel_loop3A_1031, %parallel_loop3A_1032 : i32
      %parallel_loop3A_1034 = arith.constant 7 : i32
      %parallel_loop3A_1035 = arith.andi %parallel_loop3A_1029, %parallel_loop3A_1034 : i32
      %parallel_loop3A_1036 = arith.constant 128 : i32
      %parallel_loop3A_1037 = arith.muli %parallel_loop3A_1035, %parallel_loop3A_1036 : i32
      %parallel_loop3A_1038 = arith.addi %parallel_loop3A_1033, %parallel_loop3A_1037 : i32
      %parallel_loop3A_1039 = arith.addi %parallel_loop3A_1038, %parallel_loop3A_1009 : i32
      %parallel_loop3A_1040 = arith.index_cast %parallel_loop3A_1039 : i32 to index
      %parallel_loop3A_1041 = tpu.vector_load %arg10[%parallel_loop3A_1040] {strides = array<i32>} : memref<16384xf32, #tpu.memory_space<vmem>>, vector<16xf32>,
      tpu.vector_store %arg10[%parallel_loop3A_1040], %parallel_loop3A_965 {strides = array<i32>} : memref<16384xf32, #tpu.memory_space<vmem>>, vector<16xf32>,
      %parallel_loop3A_1042 = arith.constant 16 : i32
      %parallel_loop3A_1043 = arith.muli %parallel_loop3A_695, %parallel_loop3A_1042 : i32
      %parallel_loop3A_1044 = arith.constant 2 : i32
      %parallel_loop3A_1045 = arith.addi %parallel_loop3A_1043, %parallel_loop3A_1044 : i32
      %parallel_loop3A_1046 = arith.constant 3 : i32
      %parallel_loop3A_1047 = arith.shrsi %parallel_loop3A_1045, %parallel_loop3A_1046 : i32
      %parallel_loop3A_1048 = arith.constant 1024 : i32
      %parallel_loop3A_1049 = arith.muli %parallel_loop3A_1047, %parallel_loop3A_1048 : i32
      %parallel_loop3A_1050 = arith.constant 7 : i32
      %parallel_loop3A_1051 = arith.andi %parallel_loop3A_1045, %parallel_loop3A_1050 : i32
      %parallel_loop3A_1052 = arith.constant 128 : i32
      %parallel_loop3A_1053 = arith.muli %parallel_loop3A_1051, %parallel_loop3A_1052 : i32
      %parallel_loop3A_1054 = arith.addi %parallel_loop3A_1049, %parallel_loop3A_1053 : i32
      %parallel_loop3A_1055 = arith.addi %parallel_loop3A_1054, %parallel_loop3A_1009 : i32
      %parallel_loop3A_1056 = arith.index_cast %parallel_loop3A_1055 : i32 to index
      %parallel_loop3A_1057 = tpu.vector_load %arg10[%parallel_loop3A_1056] {strides = array<i32>} : memref<16384xf32, #tpu.memory_space<vmem>>, vector<16xf32>,
      tpu.vector_store %arg10[%parallel_loop3A_1056], %parallel_loop3A_971 {strides = array<i32>} : memref<16384xf32, #tpu.memory_space<vmem>>, vector<16xf32>,
      %parallel_loop3A_1058 = arith.constant 16 : i32
      %parallel_loop3A_1059 = arith.muli %parallel_loop3A_695, %parallel_loop3A_1058 : i32
      %parallel_loop3A_1060 = arith.constant 3 : i32
      %parallel_loop3A_1061 = arith.addi %parallel_loop3A_1059, %parallel_loop3A_1060 : i32
      %parallel_loop3A_1062 = arith.constant 3 : i32
      %parallel_loop3A_1063 = arith.shrsi %parallel_loop3A_1061, %parallel_loop3A_1062 : i32
      %parallel_loop3A_1064 = arith.constant 1024 : i32
      %parallel_loop3A_1065 = arith.muli %parallel_loop3A_1063, %parallel_loop3A_1064 : i32
      %parallel_loop3A_1066 = arith.constant 7 : i32
      %parallel_loop3A_1067 = arith.andi %parallel_loop3A_1061, %parallel_loop3A_1066 : i32
      %parallel_loop3A_1068 = arith.constant 128 : i32
      %parallel_loop3A_1069 = arith.muli %parallel_loop3A_1067, %parallel_loop3A_1068 : i32
      %parallel_loop3A_1070 = arith.addi %parallel_loop3A_1065, %parallel_loop3A_1069 : i32
      %parallel_loop3A_1071 = arith.addi %parallel_loop3A_1070, %parallel_loop3A_1009 : i32
      %parallel_loop3A_1072 = arith.index_cast %parallel_loop3A_1071 : i32 to index
      %parallel_loop3A_1073 = tpu.vector_load %arg10[%parallel_loop3A_1072] {strides = array<i32>} : memref<16384xf32, #tpu.memory_space<vmem>>, vector<16xf32>,
      tpu.vector_store %arg10[%parallel_loop3A_1072], %parallel_loop3A_977 {strides = array<i32>} : memref<16384xf32, #tpu.memory_space<vmem>>, vector<16xf32>,
      %parallel_loop3A_1074 = arith.constant 16 : i32
      %parallel_loop3A_1075 = arith.muli %parallel_loop3A_695, %parallel_loop3A_1074 : i32
      %parallel_loop3A_1076 = arith.constant 4 : i32
      %parallel_loop3A_1077 = arith.addi %parallel_loop3A_1075, %parallel_loop3A_1076 : i32
      %parallel_loop3A_1078 = arith.constant 3 : i32
      %parallel_loop3A_1079 = arith.shrsi %parallel_loop3A_1077, %parallel_loop3A_1078 : i32
      %parallel_loop3A_1080 = arith.constant 1024 : i32
      %parallel_loop3A_1081 = arith.muli %parallel_loop3A_1079, %parallel_loop3A_1080 : i32
      %parallel_loop3A_1082 = arith.constant 7 : i32
      %parallel_loop3A_1083 = arith.andi %parallel_loop3A_1077, %parallel_loop3A_1082 : i32
      %parallel_loop3A_1084 = arith.constant 128 : i32
      %parallel_loop3A_1085 = arith.muli %parallel_loop3A_1083, %parallel_loop3A_1084 : i32
      %parallel_loop3A_1086 = arith.addi %parallel_loop3A_1081, %parallel_loop3A_1085 : i32
      %parallel_loop3A_1087 = arith.addi %parallel_loop3A_1086, %parallel_loop3A_1009 : i32
      %parallel_loop3A_1088 = arith.index_cast %parallel_loop3A_1087 : i32 to index
      %parallel_loop3A_1089 = tpu.vector_load %arg10[%parallel_loop3A_1088] {strides = array<i32>} : memref<16384xf32, #tpu.memory_space<vmem>>, vector<16xf32>,
      tpu.vector_store %arg10[%parallel_loop3A_1088], %parallel_loop3A_983 {strides = array<i32>} : memref<16384xf32, #tpu.memory_space<vmem>>, vector<16xf32>,
      %parallel_loop3A_1090 = arith.constant 16 : i32
      %parallel_loop3A_1091 = arith.muli %parallel_loop3A_695, %parallel_loop3A_1090 : i32
      %parallel_loop3A_1092 = arith.constant 5 : i32
      %parallel_loop3A_1093 = arith.addi %parallel_loop3A_1091, %parallel_loop3A_1092 : i32
      %parallel_loop3A_1094 = arith.constant 3 : i32
      %parallel_loop3A_1095 = arith.shrsi %parallel_loop3A_1093, %parallel_loop3A_1094 : i32
      %parallel_loop3A_1096 = arith.constant 1024 : i32
      %parallel_loop3A_1097 = arith.muli %parallel_loop3A_1095, %parallel_loop3A_1096 : i32
      %parallel_loop3A_1098 = arith.constant 7 : i32
      %parallel_loop3A_1099 = arith.andi %parallel_loop3A_1093, %parallel_loop3A_1098 : i32
      %parallel_loop3A_1100 = arith.constant 128 : i32
      %parallel_loop3A_1101 = arith.muli %parallel_loop3A_1099, %parallel_loop3A_1100 : i32
      %parallel_loop3A_1102 = arith.addi %parallel_loop3A_1097, %parallel_loop3A_1101 : i32
      %parallel_loop3A_1103 = arith.addi %parallel_loop3A_1102, %parallel_loop3A_1009 : i32
      %parallel_loop3A_1104 = arith.index_cast %parallel_loop3A_1103 : i32 to index
      %parallel_loop3A_1105 = tpu.vector_load %arg10[%parallel_loop3A_1104] {strides = array<i32>} : memref<16384xf32, #tpu.memory_space<vmem>>, vector<16xf32>,
      tpu.vector_store %arg10[%parallel_loop3A_1104], %parallel_loop3A_989 {strides = array<i32>} : memref<16384xf32, #tpu.memory_space<vmem>>, vector<16xf32>,
      %parallel_loop3A_1106 = arith.constant 16 : i32
      %parallel_loop3A_1107 = arith.muli %parallel_loop3A_695, %parallel_loop3A_1106 : i32
      %parallel_loop3A_1108 = arith.constant 6 : i32
      %parallel_loop3A_1109 = arith.addi %parallel_loop3A_1107, %parallel_loop3A_1108 : i32
      %parallel_loop3A_1110 = arith.constant 3 : i32
      %parallel_loop3A_1111 = arith.shrsi %parallel_loop3A_1109, %parallel_loop3A_1110 : i32
      %parallel_loop3A_1112 = arith.constant 1024 : i32
      %parallel_loop3A_1113 = arith.muli %parallel_loop3A_1111, %parallel_loop3A_1112 : i32
      %parallel_loop3A_1114 = arith.constant 7 : i32
      %parallel_loop3A_1115 = arith.andi %parallel_loop3A_1109, %parallel_loop3A_1114 : i32
      %parallel_loop3A_1116 = arith.constant 128 : i32
      %parallel_loop3A_1117 = arith.muli %parallel_loop3A_1115, %parallel_loop3A_1116 : i32
      %parallel_loop3A_1118 = arith.addi %parallel_loop3A_1113, %parallel_loop3A_1117 : i32
      %parallel_loop3A_1119 = arith.addi %parallel_loop3A_1118, %parallel_loop3A_1009 : i32
      %parallel_loop3A_1120 = arith.index_cast %parallel_loop3A_1119 : i32 to index
      %parallel_loop3A_1121 = tpu.vector_load %arg10[%parallel_loop3A_1120] {strides = array<i32>} : memref<16384xf32, #tpu.memory_space<vmem>>, vector<16xf32>,
      tpu.vector_store %arg10[%parallel_loop3A_1120], %parallel_loop3A_995 {strides = array<i32>} : memref<16384xf32, #tpu.memory_space<vmem>>, vector<16xf32>,
      %parallel_loop3A_1122 = arith.constant 16 : i32
      %parallel_loop3A_1123 = arith.muli %parallel_loop3A_695, %parallel_loop3A_1122 : i32
      %parallel_loop3A_1124 = arith.constant 7 : i32
      %parallel_loop3A_1125 = arith.addi %parallel_loop3A_1123, %parallel_loop3A_1124 : i32
      %parallel_loop3A_1126 = arith.constant 3 : i32
      %parallel_loop3A_1127 = arith.shrsi %parallel_loop3A_1125, %parallel_loop3A_1126 : i32
      %parallel_loop3A_1128 = arith.constant 1024 : i32
      %parallel_loop3A_1129 = arith.muli %parallel_loop3A_1127, %parallel_loop3A_1128 : i32
      %parallel_loop3A_1130 = arith.constant 7 : i32
      %parallel_loop3A_1131 = arith.andi %parallel_loop3A_1125, %parallel_loop3A_1130 : i32
      %parallel_loop3A_1132 = arith.constant 128 : i32
      %parallel_loop3A_1133 = arith.muli %parallel_loop3A_1131, %parallel_loop3A_1132 : i32
      %parallel_loop3A_1134 = arith.addi %parallel_loop3A_1129, %parallel_loop3A_1133 : i32
      %parallel_loop3A_1135 = arith.addi %parallel_loop3A_1134, %parallel_loop3A_1009 : i32
      %parallel_loop3A_1136 = arith.index_cast %parallel_loop3A_1135 : i32 to index
      %parallel_loop3A_1137 = tpu.vector_load %arg10[%parallel_loop3A_1136] {strides = array<i32>} : memref<16384xf32, #tpu.memory_space<vmem>>, vector<16xf32>,
      tpu.vector_store %arg10[%parallel_loop3A_1136], %parallel_loop3A_1001 {strides = array<i32>} : memref<16384xf32, #tpu.memory_space<vmem>>, vector<16xf32>,
      %parallel_loop3A_1138 = arith.constant 16 : i32
      %parallel_loop3A_1139 = arith.muli %parallel_loop3A_695, %parallel_loop3A_1138 : i32
      %parallel_loop3A_1140 = arith.constant 8 : i32
      %parallel_loop3A_1141 = arith.addi %parallel_loop3A_1139, %parallel_loop3A_1140 : i32
      %parallel_loop3A_1142 = arith.constant 3 : i32
      %parallel_loop3A_1143 = arith.shrsi %parallel_loop3A_1141, %parallel_loop3A_1142 : i32
      %parallel_loop3A_1144 = arith.constant 1024 : i32
      %parallel_loop3A_1145 = arith.muli %parallel_loop3A_1143, %parallel_loop3A_1144 : i32
      %parallel_loop3A_1146 = arith.constant 7 : i32
      %parallel_loop3A_1147 = arith.andi %parallel_loop3A_1141, %parallel_loop3A_1146 : i32
      %parallel_loop3A_1148 = arith.constant 128 : i32
      %parallel_loop3A_1149 = arith.muli %parallel_loop3A_1147, %parallel_loop3A_1148 : i32
      %parallel_loop3A_1150 = arith.addi %parallel_loop3A_1145, %parallel_loop3A_1149 : i32
      %parallel_loop3A_1151 = arith.addi %parallel_loop3A_1150, %parallel_loop3A_1009 : i32
      %parallel_loop3A_1152 = arith.index_cast %parallel_loop3A_1151 : i32 to index
      %parallel_loop3A_1153 = tpu.vector_load %arg10[%parallel_loop3A_1152] {strides = array<i32>} : memref<16384xf32, #tpu.memory_space<vmem>>, vector<16xf32>,
      tpu.vector_store %arg10[%parallel_loop3A_1152], %parallel_loop3A_962 {strides = array<i32>} : memref<16384xf32, #tpu.memory_space<vmem>>, vector<16xf32>,
      %parallel_loop3A_1154 = arith.constant 16 : i32
      %parallel_loop3A_1155 = arith.muli %parallel_loop3A_695, %parallel_loop3A_1154 : i32
      %parallel_loop3A_1156 = arith.constant 9 : i32
      %parallel_loop3A_1157 = arith.addi %parallel_loop3A_1155, %parallel_loop3A_1156 : i32
      %parallel_loop3A_1158 = arith.constant 3 : i32
      %parallel_loop3A_1159 = arith.shrsi %parallel_loop3A_1157, %parallel_loop3A_1158 : i32
      %parallel_loop3A_1160 = arith.constant 1024 : i32
      %parallel_loop3A_1161 = arith.muli %parallel_loop3A_1159, %parallel_loop3A_1160 : i32
      %parallel_loop3A_1162 = arith.constant 7 : i32
      %parallel_loop3A_1163 = arith.andi %parallel_loop3A_1157, %parallel_loop3A_1162 : i32
      %parallel_loop3A_1164 = arith.constant 128 : i32
      %parallel_loop3A_1165 = arith.muli %parallel_loop3A_1163, %parallel_loop3A_1164 : i32
      %parallel_loop3A_1166 = arith.addi %parallel_loop3A_1161, %parallel_loop3A_1165 : i32
      %parallel_loop3A_1167 = arith.addi %parallel_loop3A_1166, %parallel_loop3A_1009 : i32
      %parallel_loop3A_1168 = arith.index_cast %parallel_loop3A_1167 : i32 to index
      %parallel_loop3A_1169 = tpu.vector_load %arg10[%parallel_loop3A_1168] {strides = array<i32>} : memref<16384xf32, #tpu.memory_space<vmem>>, vector<16xf32>,
      tpu.vector_store %arg10[%parallel_loop3A_1168], %parallel_loop3A_968 {strides = array<i32>} : memref<16384xf32, #tpu.memory_space<vmem>>, vector<16xf32>,
      %parallel_loop3A_1170 = arith.constant 16 : i32
      %parallel_loop3A_1171 = arith.muli %parallel_loop3A_695, %parallel_loop3A_1170 : i32
      %parallel_loop3A_1172 = arith.constant 10 : i32
      %parallel_loop3A_1173 = arith.addi %parallel_loop3A_1171, %parallel_loop3A_1172 : i32
      %parallel_loop3A_1174 = arith.constant 3 : i32
      %parallel_loop3A_1175 = arith.shrsi %parallel_loop3A_1173, %parallel_loop3A_1174 : i32
      %parallel_loop3A_1176 = arith.constant 1024 : i32
      %parallel_loop3A_1177 = arith.muli %parallel_loop3A_1175, %parallel_loop3A_1176 : i32
      %parallel_loop3A_1178 = arith.constant 7 : i32
      %parallel_loop3A_1179 = arith.andi %parallel_loop3A_1173, %parallel_loop3A_1178 : i32
      %parallel_loop3A_1180 = arith.constant 128 : i32
      %parallel_loop3A_1181 = arith.muli %parallel_loop3A_1179, %parallel_loop3A_1180 : i32
      %parallel_loop3A_1182 = arith.addi %parallel_loop3A_1177, %parallel_loop3A_1181 : i32
      %parallel_loop3A_1183 = arith.addi %parallel_loop3A_1182, %parallel_loop3A_1009 : i32
      %parallel_loop3A_1184 = arith.index_cast %parallel_loop3A_1183 : i32 to index
      %parallel_loop3A_1185 = tpu.vector_load %arg10[%parallel_loop3A_1184] {strides = array<i32>} : memref<16384xf32, #tpu.memory_space<vmem>>, vector<16xf32>,
      tpu.vector_store %arg10[%parallel_loop3A_1184], %parallel_loop3A_974 {strides = array<i32>} : memref<16384xf32, #tpu.memory_space<vmem>>, vector<16xf32>,
      %parallel_loop3A_1186 = arith.constant 16 : i32
      %parallel_loop3A_1187 = arith.muli %parallel_loop3A_695, %parallel_loop3A_1186 : i32
      %parallel_loop3A_1188 = arith.constant 11 : i32
      %parallel_loop3A_1189 = arith.addi %parallel_loop3A_1187, %parallel_loop3A_1188 : i32
      %parallel_loop3A_1190 = arith.constant 3 : i32
      %parallel_loop3A_1191 = arith.shrsi %parallel_loop3A_1189, %parallel_loop3A_1190 : i32
      %parallel_loop3A_1192 = arith.constant 1024 : i32
      %parallel_loop3A_1193 = arith.muli %parallel_loop3A_1191, %parallel_loop3A_1192 : i32
      %parallel_loop3A_1194 = arith.constant 7 : i32
      %parallel_loop3A_1195 = arith.andi %parallel_loop3A_1189, %parallel_loop3A_1194 : i32
      %parallel_loop3A_1196 = arith.constant 128 : i32
      %parallel_loop3A_1197 = arith.muli %parallel_loop3A_1195, %parallel_loop3A_1196 : i32
      %parallel_loop3A_1198 = arith.addi %parallel_loop3A_1193, %parallel_loop3A_1197 : i32
      %parallel_loop3A_1199 = arith.addi %parallel_loop3A_1198, %parallel_loop3A_1009 : i32
      %parallel_loop3A_1200 = arith.index_cast %parallel_loop3A_1199 : i32 to index
      %parallel_loop3A_1201 = tpu.vector_load %arg10[%parallel_loop3A_1200] {strides = array<i32>} : memref<16384xf32, #tpu.memory_space<vmem>>, vector<16xf32>,
      tpu.vector_store %arg10[%parallel_loop3A_1200], %parallel_loop3A_980 {strides = array<i32>} : memref<16384xf32, #tpu.memory_space<vmem>>, vector<16xf32>,
      %parallel_loop3A_1202 = arith.constant 16 : i32
      %parallel_loop3A_1203 = arith.muli %parallel_loop3A_695, %parallel_loop3A_1202 : i32
      %parallel_loop3A_1204 = arith.constant 12 : i32
      %parallel_loop3A_1205 = arith.addi %parallel_loop3A_1203, %parallel_loop3A_1204 : i32
      %parallel_loop3A_1206 = arith.constant 3 : i32
      %parallel_loop3A_1207 = arith.shrsi %parallel_loop3A_1205, %parallel_loop3A_1206 : i32
      %parallel_loop3A_1208 = arith.constant 1024 : i32
      %parallel_loop3A_1209 = arith.muli %parallel_loop3A_1207, %parallel_loop3A_1208 : i32
      %parallel_loop3A_1210 = arith.constant 7 : i32
      %parallel_loop3A_1211 = arith.andi %parallel_loop3A_1205, %parallel_loop3A_1210 : i32
      %parallel_loop3A_1212 = arith.constant 128 : i32
      %parallel_loop3A_1213 = arith.muli %parallel_loop3A_1211, %parallel_loop3A_1212 : i32
      %parallel_loop3A_1214 = arith.addi %parallel_loop3A_1209, %parallel_loop3A_1213 : i32
      %parallel_loop3A_1215 = arith.addi %parallel_loop3A_1214, %parallel_loop3A_1009 : i32
      %parallel_loop3A_1216 = arith.index_cast %parallel_loop3A_1215 : i32 to index
      %parallel_loop3A_1217 = tpu.vector_load %arg10[%parallel_loop3A_1216] {strides = array<i32>} : memref<16384xf32, #tpu.memory_space<vmem>>, vector<16xf32>,
      tpu.vector_store %arg10[%parallel_loop3A_1216], %parallel_loop3A_986 {strides = array<i32>} : memref<16384xf32, #tpu.memory_space<vmem>>, vector<16xf32>,
      %parallel_loop3A_1218 = arith.constant 16 : i32
      %parallel_loop3A_1219 = arith.muli %parallel_loop3A_695, %parallel_loop3A_1218 : i32
      %parallel_loop3A_1220 = arith.constant 13 : i32
      %parallel_loop3A_1221 = arith.addi %parallel_loop3A_1219, %parallel_loop3A_1220 : i32
      %parallel_loop3A_1222 = arith.constant 3 : i32
      %parallel_loop3A_1223 = arith.shrsi %parallel_loop3A_1221, %parallel_loop3A_1222 : i32
      %parallel_loop3A_1224 = arith.constant 1024 : i32
      %parallel_loop3A_1225 = arith.muli %parallel_loop3A_1223, %parallel_loop3A_1224 : i32
      %parallel_loop3A_1226 = arith.constant 7 : i32
      %parallel_loop3A_1227 = arith.andi %parallel_loop3A_1221, %parallel_loop3A_1226 : i32
      %parallel_loop3A_1228 = arith.constant 128 : i32
      %parallel_loop3A_1229 = arith.muli %parallel_loop3A_1227, %parallel_loop3A_1228 : i32
      %parallel_loop3A_1230 = arith.addi %parallel_loop3A_1225, %parallel_loop3A_1229 : i32
      %parallel_loop3A_1231 = arith.addi %parallel_loop3A_1230, %parallel_loop3A_1009 : i32
      %parallel_loop3A_1232 = arith.index_cast %parallel_loop3A_1231 : i32 to index
      %parallel_loop3A_1233 = tpu.vector_load %arg10[%parallel_loop3A_1232] {strides = array<i32>} : memref<16384xf32, #tpu.memory_space<vmem>>, vector<16xf32>,
      tpu.vector_store %arg10[%parallel_loop3A_1232], %parallel_loop3A_992 {strides = array<i32>} : memref<16384xf32, #tpu.memory_space<vmem>>, vector<16xf32>,
      %parallel_loop3A_1234 = arith.constant 16 : i32
      %parallel_loop3A_1235 = arith.muli %parallel_loop3A_695, %parallel_loop3A_1234 : i32
      %parallel_loop3A_1236 = arith.constant 14 : i32
      %parallel_loop3A_1237 = arith.addi %parallel_loop3A_1235, %parallel_loop3A_1236 : i32
      %parallel_loop3A_1238 = arith.constant 3 : i32
      %parallel_loop3A_1239 = arith.shrsi %parallel_loop3A_1237, %parallel_loop3A_1238 : i32
      %parallel_loop3A_1240 = arith.constant 1024 : i32
      %parallel_loop3A_1241 = arith.muli %parallel_loop3A_1239, %parallel_loop3A_1240 : i32
      %parallel_loop3A_1242 = arith.constant 7 : i32
      %parallel_loop3A_1243 = arith.andi %parallel_loop3A_1237, %parallel_loop3A_1242 : i32
      %parallel_loop3A_1244 = arith.constant 128 : i32
      %parallel_loop3A_1245 = arith.muli %parallel_loop3A_1243, %parallel_loop3A_1244 : i32
      %parallel_loop3A_1246 = arith.addi %parallel_loop3A_1241, %parallel_loop3A_1245 : i32
      %parallel_loop3A_1247 = arith.addi %parallel_loop3A_1246, %parallel_loop3A_1009 : i32
      %parallel_loop3A_1248 = arith.index_cast %parallel_loop3A_1247 : i32 to index
      %parallel_loop3A_1249 = tpu.vector_load %arg10[%parallel_loop3A_1248] {strides = array<i32>} : memref<16384xf32, #tpu.memory_space<vmem>>, vector<16xf32>,
      tpu.vector_store %arg10[%parallel_loop3A_1248], %parallel_loop3A_998 {strides = array<i32>} : memref<16384xf32, #tpu.memory_space<vmem>>, vector<16xf32>,
      %parallel_loop3A_1250 = arith.constant 16 : i32
      %parallel_loop3A_1251 = arith.muli %parallel_loop3A_695, %parallel_loop3A_1250 : i32
      %parallel_loop3A_1252 = arith.constant 15 : i32
      %parallel_loop3A_1253 = arith.addi %parallel_loop3A_1251, %parallel_loop3A_1252 : i32
      %parallel_loop3A_1254 = arith.constant 3 : i32
      %parallel_loop3A_1255 = arith.shrsi %parallel_loop3A_1253, %parallel_loop3A_1254 : i32
      %parallel_loop3A_1256 = arith.constant 1024 : i32
      %parallel_loop3A_1257 = arith.muli %parallel_loop3A_1255, %parallel_loop3A_1256 : i32
      %parallel_loop3A_1258 = arith.constant 7 : i32
      %parallel_loop3A_1259 = arith.andi %parallel_loop3A_1253, %parallel_loop3A_1258 : i32
      %parallel_loop3A_1260 = arith.constant 128 : i32
      %parallel_loop3A_1261 = arith.muli %parallel_loop3A_1259, %parallel_loop3A_1260 : i32
      %parallel_loop3A_1262 = arith.addi %parallel_loop3A_1257, %parallel_loop3A_1261 : i32
      %parallel_loop3A_1263 = arith.addi %parallel_loop3A_1262, %parallel_loop3A_1009 : i32
      %parallel_loop3A_1264 = arith.index_cast %parallel_loop3A_1263 : i32 to index
      %parallel_loop3A_1265 = tpu.vector_load %arg10[%parallel_loop3A_1264] {strides = array<i32>} : memref<16384xf32, #tpu.memory_space<vmem>>, vector<16xf32>,
      tpu.vector_store %arg10[%parallel_loop3A_1264], %parallel_loop3A_1004 {strides = array<i32>} : memref<16384xf32, #tpu.memory_space<vmem>>, vector<16xf32>,
    } {sc.loop_unroll_factor = 2 : i64, sc.parallel_access}
    %add3A_48 = arith.constant 0 : i32
    %add3A_49 = arith.addi %mul3A_2, %add3A_48 : i32
    %dma_start3A = arith.constant 49 : i32
    %dma_start3A_50 = arith.constant 0 : i32
    %dma_start3A_51 = arith.constant 0 : i32
    %dma_start3A_52 = tpu.memref_slice %arg10[%dma_start3A_51] : memref<16384xf32, #tpu.memory_space<vmem>> -> memref<1024xf32, #tpu.memory_space<vmem>>
    %dma_start3A_53 = arith.constant 0 : i32
    %dma_start3A_54 = tpu.memref_slice %arg4[%dma_start3A, %dma_start3A_50, %add3A_49, %dma_start3A_53] : memref<50x4x128x1024xf32, #tpu.memory_space<hbm>> -> memref<1x1x1x1024xf32, #tpu.memory_space<hbm>>
    %dma_start3A_55 = tpu.memref_squeeze %dma_start3A_54 : memref<1x1x1x1024xf32, #tpu.memory_space<hbm>> -> memref<1024xf32, #tpu.memory_space<hbm>>
    %dma_start3A_56 = arith.constant 0 : i32
    %dma_start3A_57 = tpu.memref_slice %arg4[%dma_start3A, %dma_start3A_50, %add3A_49, %dma_start3A_56] : memref<50x4x128x1024xf32, #tpu.memory_space<hbm>> -> memref<1x1x1x1024xf32, #tpu.memory_space<hbm>>
    %dma_start3A_58 = tpu.memref_squeeze %dma_start3A_57 : memref<1x1x1x1024xf32, #tpu.memory_space<hbm>> -> memref<1024xf32, #tpu.memory_space<hbm>>
    %dma_start3A_59 = arith.constant 0 : i32
    %dma_start3A_60 = tpu.memref_slice %arg10[%dma_start3A_59] : memref<16384xf32, #tpu.memory_space<vmem>> -> memref<1024xf32, #tpu.memory_space<vmem>>
    tpu.enqueue_dma source(%dma_start3A_60 : memref<1024xf32, #tpu.memory_space<vmem>>) target(%dma_start3A_58 : memref<1024xf32, #tpu.memory_space<hbm>>) target_semaphore(%arg14 : memref<!tpu.dma_semaphore, #tpu.memory_space<semaphore_mem>>)
    %add3A_61 = arith.constant 0 : i32
    %add3A_62 = arith.addi %mul3A_2, %add3A_61 : i32
    %dma_start3A_63 = arith.constant 49 : i32
    %dma_start3A_64 = arith.constant 1 : i32
    %dma_start3A_65 = arith.constant 1024 : i32
    %dma_start3A_66 = tpu.memref_slice %arg10[%dma_start3A_65] : memref<16384xf32, #tpu.memory_space<vmem>> -> memref<1024xf32, #tpu.memory_space<vmem>>
    %dma_start3A_67 = arith.constant 0 : i32
    %dma_start3A_68 = tpu.memref_slice %arg4[%dma_start3A_63, %dma_start3A_64, %add3A_62, %dma_start3A_67] : memref<50x4x128x1024xf32, #tpu.memory_space<hbm>> -> memref<1x1x1x1024xf32, #tpu.memory_space<hbm>>
    %dma_start3A_69 = tpu.memref_squeeze %dma_start3A_68 : memref<1x1x1x1024xf32, #tpu.memory_space<hbm>> -> memref<1024xf32, #tpu.memory_space<hbm>>
    %dma_start3A_70 = arith.constant 0 : i32
    %dma_start3A_71 = tpu.memref_slice %arg4[%dma_start3A_63, %dma_start3A_64, %add3A_62, %dma_start3A_70] : memref<50x4x128x1024xf32, #tpu.memory_space<hbm>> -> memref<1x1x1x1024xf32, #tpu.memory_space<hbm>>
    %dma_start3A_72 = tpu.memref_squeeze %dma_start3A_71 : memref<1x1x1x1024xf32, #tpu.memory_space<hbm>> -> memref<1024xf32, #tpu.memory_space<hbm>>
    %dma_start3A_73 = arith.constant 1024 : i32
    %dma_start3A_74 = tpu.memref_slice %arg10[%dma_start3A_73] : memref<16384xf32, #tpu.memory_space<vmem>> -> memref<1024xf32, #tpu.memory_space<vmem>>
    tpu.enqueue_dma source(%dma_start3A_74 : memref<1024xf32, #tpu.memory_space<vmem>>) target(%dma_start3A_72 : memref<1024xf32, #tpu.memory_space<hbm>>) target_semaphore(%arg14 : memref<!tpu.dma_semaphore, #tpu.memory_space<semaphore_mem>>)
    %add3A_75 = arith.constant 0 : i32
    %add3A_76 = arith.addi %mul3A_2, %add3A_75 : i32
    %dma_start3A_77 = arith.constant 49 : i32
    %dma_start3A_78 = arith.constant 2 : i32
    %dma_start3A_79 = arith.constant 2048 : i32
    %dma_start3A_80 = tpu.memref_slice %arg10[%dma_start3A_79] : memref<16384xf32, #tpu.memory_space<vmem>> -> memref<1024xf32, #tpu.memory_space<vmem>>
    %dma_start3A_81 = arith.constant 0 : i32
    %dma_start3A_82 = tpu.memref_slice %arg4[%dma_start3A_77, %dma_start3A_78, %add3A_76, %dma_start3A_81] : memref<50x4x128x1024xf32, #tpu.memory_space<hbm>> -> memref<1x1x1x1024xf32, #tpu.memory_space<hbm>>
    %dma_start3A_83 = tpu.memref_squeeze %dma_start3A_82 : memref<1x1x1x1024xf32, #tpu.memory_space<hbm>> -> memref<1024xf32, #tpu.memory_space<hbm>>
    %dma_start3A_84 = arith.constant 0 : i32
    %dma_start3A_85 = tpu.memref_slice %arg4[%dma_start3A_77, %dma_start3A_78, %add3A_76, %dma_start3A_84] : memref<50x4x128x1024xf32, #tpu.memory_space<hbm>> -> memref<1x1x1x1024xf32, #tpu.memory_space<hbm>>
    %dma_start3A_86 = tpu.memref_squeeze %dma_start3A_85 : memref<1x1x1x1024xf32, #tpu.memory_space<hbm>> -> memref<1024xf32, #tpu.memory_space<hbm>>
    %dma_start3A_87 = arith.constant 2048 : i32
    %dma_start3A_88 = tpu.memref_slice %arg10[%dma_start3A_87] : memref<16384xf32, #tpu.memory_space<vmem>> -> memref<1024xf32, #tpu.memory_space<vmem>>
    tpu.enqueue_dma source(%dma_start3A_88 : memref<1024xf32, #tpu.memory_space<vmem>>) target(%dma_start3A_86 : memref<1024xf32, #tpu.memory_space<hbm>>) target_semaphore(%arg14 : memref<!tpu.dma_semaphore, #tpu.memory_space<semaphore_mem>>)
    %add3A_89 = arith.constant 0 : i32
    %add3A_90 = arith.addi %mul3A_2, %add3A_89 : i32
    %dma_start3A_91 = arith.constant 49 : i32
    %dma_start3A_92 = arith.constant 3 : i32
    %dma_start3A_93 = arith.constant 3072 : i32
    %dma_start3A_94 = tpu.memref_slice %arg10[%dma_start3A_93] : memref<16384xf32, #tpu.memory_space<vmem>> -> memref<1024xf32, #tpu.memory_space<vmem>>
    %dma_start3A_95 = arith.constant 0 : i32
    %dma_start3A_96 = tpu.memref_slice %arg4[%dma_start3A_91, %dma_start3A_92, %add3A_90, %dma_start3A_95] : memref<50x4x128x1024xf32, #tpu.memory_space<hbm>> -> memref<1x1x1x1024xf32, #tpu.memory_space<hbm>>
    %dma_start3A_97 = tpu.memref_squeeze %dma_start3A_96 : memref<1x1x1x1024xf32, #tpu.memory_space<hbm>> -> memref<1024xf32, #tpu.memory_space<hbm>>
    %dma_start3A_98 = arith.constant 0 : i32
    %dma_start3A_99 = tpu.memref_slice %arg4[%dma_start3A_91, %dma_start3A_92, %add3A_90, %dma_start3A_98] : memref<50x4x128x1024xf32, #tpu.memory_space<hbm>> -> memref<1x1x1x1024xf32, #tpu.memory_space<hbm>>
    %dma_start3A_100 = tpu.memref_squeeze %dma_start3A_99 : memref<1x1x1x1024xf32, #tpu.memory_space<hbm>> -> memref<1024xf32, #tpu.memory_space<hbm>>
    %dma_start3A_101 = arith.constant 3072 : i32
    %dma_start3A_102 = tpu.memref_slice %arg10[%dma_start3A_101] : memref<16384xf32, #tpu.memory_space<vmem>> -> memref<1024xf32, #tpu.memory_space<vmem>>
    tpu.enqueue_dma source(%dma_start3A_102 : memref<1024xf32, #tpu.memory_space<vmem>>) target(%dma_start3A_100 : memref<1024xf32, #tpu.memory_space<hbm>>) target_semaphore(%arg14 : memref<!tpu.dma_semaphore, #tpu.memory_space<semaphore_mem>>)
    %add3A_103 = arith.constant 1 : i32
    %add3A_104 = arith.addi %mul3A_2, %add3A_103 : i32
    %dma_start3A_105 = arith.constant 49 : i32
    %dma_start3A_106 = arith.constant 0 : i32
    %dma_start3A_107 = arith.constant 4096 : i32
    %dma_start3A_108 = tpu.memref_slice %arg10[%dma_start3A_107] : memref<16384xf32, #tpu.memory_space<vmem>> -> memref<1024xf32, #tpu.memory_space<vmem>>
    %dma_start3A_109 = arith.constant 0 : i32
    %dma_start3A_110 = tpu.memref_slice %arg4[%dma_start3A_105, %dma_start3A_106, %add3A_104, %dma_start3A_109] : memref<50x4x128x1024xf32, #tpu.memory_space<hbm>> -> memref<1x1x1x1024xf32, #tpu.memory_space<hbm>>
    %dma_start3A_111 = tpu.memref_squeeze %dma_start3A_110 : memref<1x1x1x1024xf32, #tpu.memory_space<hbm>> -> memref<1024xf32, #tpu.memory_space<hbm>>
    %dma_start3A_112 = arith.constant 0 : i32
    %dma_start3A_113 = tpu.memref_slice %arg4[%dma_start3A_105, %dma_start3A_106, %add3A_104, %dma_start3A_112] : memref<50x4x128x1024xf32, #tpu.memory_space<hbm>> -> memref<1x1x1x1024xf32, #tpu.memory_space<hbm>>
    %dma_start3A_114 = tpu.memref_squeeze %dma_start3A_113 : memref<1x1x1x1024xf32, #tpu.memory_space<hbm>> -> memref<1024xf32, #tpu.memory_space<hbm>>
    %dma_start3A_115 = arith.constant 4096 : i32
    %dma_start3A_116 = tpu.memref_slice %arg10[%dma_start3A_115] : memref<16384xf32, #tpu.memory_space<vmem>> -> memref<1024xf32, #tpu.memory_space<vmem>>
    tpu.enqueue_dma source(%dma_start3A_116 : memref<1024xf32, #tpu.memory_space<vmem>>) target(%dma_start3A_114 : memref<1024xf32, #tpu.memory_space<hbm>>) target_semaphore(%arg14 : memref<!tpu.dma_semaphore, #tpu.memory_space<semaphore_mem>>)
    %add3A_117 = arith.constant 1 : i32
    %add3A_118 = arith.addi %mul3A_2, %add3A_117 : i32
    %dma_start3A_119 = arith.constant 49 : i32
    %dma_start3A_120 = arith.constant 1 : i32
    %dma_start3A_121 = arith.constant 5120 : i32
    %dma_start3A_122 = tpu.memref_slice %arg10[%dma_start3A_121] : memref<16384xf32, #tpu.memory_space<vmem>> -> memref<1024xf32, #tpu.memory_space<vmem>>
    %dma_start3A_123 = arith.constant 0 : i32
    %dma_start3A_124 = tpu.memref_slice %arg4[%dma_start3A_119, %dma_start3A_120, %add3A_118, %dma_start3A_123] : memref<50x4x128x1024xf32, #tpu.memory_space<hbm>> -> memref<1x1x1x1024xf32, #tpu.memory_space<hbm>>
    %dma_start3A_125 = tpu.memref_squeeze %dma_start3A_124 : memref<1x1x1x1024xf32, #tpu.memory_space<hbm>> -> memref<1024xf32, #tpu.memory_space<hbm>>
    %dma_start3A_126 = arith.constant 0 : i32
    %dma_start3A_127 = tpu.memref_slice %arg4[%dma_start3A_119, %dma_start3A_120, %add3A_118, %dma_start3A_126] : memref<50x4x128x1024xf32, #tpu.memory_space<hbm>> -> memref<1x1x1x1024xf32, #tpu.memory_space<hbm>>
    %dma_start3A_128 = tpu.memref_squeeze %dma_start3A_127 : memref<1x1x1x1024xf32, #tpu.memory_space<hbm>> -> memref<1024xf32, #tpu.memory_space<hbm>>
    %dma_start3A_129 = arith.constant 5120 : i32
    %dma_start3A_130 = tpu.memref_slice %arg10[%dma_start3A_129] : memref<16384xf32, #tpu.memory_space<vmem>> -> memref<1024xf32, #tpu.memory_space<vmem>>
    tpu.enqueue_dma source(%dma_start3A_130 : memref<1024xf32, #tpu.memory_space<vmem>>) target(%dma_start3A_128 : memref<1024xf32, #tpu.memory_space<hbm>>) target_semaphore(%arg14 : memref<!tpu.dma_semaphore, #tpu.memory_space<semaphore_mem>>)
    %add3A_131 = arith.constant 1 : i32
    %add3A_132 = arith.addi %mul3A_2, %add3A_131 : i32
    %dma_start3A_133 = arith.constant 49 : i32
    %dma_start3A_134 = arith.constant 2 : i32
    %dma_start3A_135 = arith.constant 6144 : i32
    %dma_start3A_136 = tpu.memref_slice %arg10[%dma_start3A_135] : memref<16384xf32, #tpu.memory_space<vmem>> -> memref<1024xf32, #tpu.memory_space<vmem>>
    %dma_start3A_137 = arith.constant 0 : i32
    %dma_start3A_138 = tpu.memref_slice %arg4[%dma_start3A_133, %dma_start3A_134, %add3A_132, %dma_start3A_137] : memref<50x4x128x1024xf32, #tpu.memory_space<hbm>> -> memref<1x1x1x1024xf32, #tpu.memory_space<hbm>>
    %dma_start3A_139 = tpu.memref_squeeze %dma_start3A_138 : memref<1x1x1x1024xf32, #tpu.memory_space<hbm>> -> memref<1024xf32, #tpu.memory_space<hbm>>
    %dma_start3A_140 = arith.constant 0 : i32
    %dma_start3A_141 = tpu.memref_slice %arg4[%dma_start3A_133, %dma_start3A_134, %add3A_132, %dma_start3A_140] : memref<50x4x128x1024xf32, #tpu.memory_space<hbm>> -> memref<1x1x1x1024xf32, #tpu.memory_space<hbm>>
    %dma_start3A_142 = tpu.memref_squeeze %dma_start3A_141 : memref<1x1x1x1024xf32, #tpu.memory_space<hbm>> -> memref<1024xf32, #tpu.memory_space<hbm>>
    %dma_start3A_143 = arith.constant 6144 : i32
    %dma_start3A_144 = tpu.memref_slice %arg10[%dma_start3A_143] : memref<16384xf32, #tpu.memory_space<vmem>> -> memref<1024xf32, #tpu.memory_space<vmem>>
    tpu.enqueue_dma source(%dma_start3A_144 : memref<1024xf32, #tpu.memory_space<vmem>>) target(%dma_start3A_142 : memref<1024xf32, #tpu.memory_space<hbm>>) target_semaphore(%arg14 : memref<!tpu.dma_semaphore, #tpu.memory_space<semaphore_mem>>)
    %add3A_145 = arith.constant 1 : i32
    %add3A_146 = arith.addi %mul3A_2, %add3A_145 : i32
    %dma_start3A_147 = arith.constant 49 : i32
    %dma_start3A_148 = arith.constant 3 : i32
    %dma_start3A_149 = arith.constant 7168 : i32
    %dma_start3A_150 = tpu.memref_slice %arg10[%dma_start3A_149] : memref<16384xf32, #tpu.memory_space<vmem>> -> memref<1024xf32, #tpu.memory_space<vmem>>
    %dma_start3A_151 = arith.constant 0 : i32
    %dma_start3A_152 = tpu.memref_slice %arg4[%dma_start3A_147, %dma_start3A_148, %add3A_146, %dma_start3A_151] : memref<50x4x128x1024xf32, #tpu.memory_space<hbm>> -> memref<1x1x1x1024xf32, #tpu.memory_space<hbm>>
    %dma_start3A_153 = tpu.memref_squeeze %dma_start3A_152 : memref<1x1x1x1024xf32, #tpu.memory_space<hbm>> -> memref<1024xf32, #tpu.memory_space<hbm>>
    %dma_start3A_154 = arith.constant 0 : i32
    %dma_start3A_155 = tpu.memref_slice %arg4[%dma_start3A_147, %dma_start3A_148, %add3A_146, %dma_start3A_154] : memref<50x4x128x1024xf32, #tpu.memory_space<hbm>> -> memref<1x1x1x1024xf32, #tpu.memory_space<hbm>>
    %dma_start3A_156 = tpu.memref_squeeze %dma_start3A_155 : memref<1x1x1x1024xf32, #tpu.memory_space<hbm>> -> memref<1024xf32, #tpu.memory_space<hbm>>
    %dma_start3A_157 = arith.constant 7168 : i32
    %dma_start3A_158 = tpu.memref_slice %arg10[%dma_start3A_157] : memref<16384xf32, #tpu.memory_space<vmem>> -> memref<1024xf32, #tpu.memory_space<vmem>>
    tpu.enqueue_dma source(%dma_start3A_158 : memref<1024xf32, #tpu.memory_space<vmem>>) target(%dma_start3A_156 : memref<1024xf32, #tpu.memory_space<hbm>>) target_semaphore(%arg14 : memref<!tpu.dma_semaphore, #tpu.memory_space<semaphore_mem>>)
    %add3A_159 = arith.constant 2 : i32
    %add3A_160 = arith.addi %mul3A_2, %add3A_159 : i32
    %dma_start3A_161 = arith.constant 49 : i32
    %dma_start3A_162 = arith.constant 0 : i32
    %dma_start3A_163 = arith.constant 8192 : i32
    %dma_start3A_164 = tpu.memref_slice %arg10[%dma_start3A_163] : memref<16384xf32, #tpu.memory_space<vmem>> -> memref<1024xf32, #tpu.memory_space<vmem>>
    %dma_start3A_165 = arith.constant 0 : i32
    %dma_start3A_166 = tpu.memref_slice %arg4[%dma_start3A_161, %dma_start3A_162, %add3A_160, %dma_start3A_165] : memref<50x4x128x1024xf32, #tpu.memory_space<hbm>> -> memref<1x1x1x1024xf32, #tpu.memory_space<hbm>>
    %dma_start3A_167 = tpu.memref_squeeze %dma_start3A_166 : memref<1x1x1x1024xf32, #tpu.memory_space<hbm>> -> memref<1024xf32, #tpu.memory_space<hbm>>
    %dma_start3A_168 = arith.constant 0 : i32
    %dma_start3A_169 = tpu.memref_slice %arg4[%dma_start3A_161, %dma_start3A_162, %add3A_160, %dma_start3A_168] : memref<50x4x128x1024xf32, #tpu.memory_space<hbm>> -> memref<1x1x1x1024xf32, #tpu.memory_space<hbm>>
    %dma_start3A_170 = tpu.memref_squeeze %dma_start3A_169 : memref<1x1x1x1024xf32, #tpu.memory_space<hbm>> -> memref<1024xf32, #tpu.memory_space<hbm>>
    %dma_start3A_171 = arith.constant 8192 : i32
    %dma_start3A_172 = tpu.memref_slice %arg10[%dma_start3A_171] : memref<16384xf32, #tpu.memory_space<vmem>> -> memref<1024xf32, #tpu.memory_space<vmem>>
    tpu.enqueue_dma source(%dma_start3A_172 : memref<1024xf32, #tpu.memory_space<vmem>>) target(%dma_start3A_170 : memref<1024xf32, #tpu.memory_space<hbm>>) target_semaphore(%arg14 : memref<!tpu.dma_semaphore, #tpu.memory_space<semaphore_mem>>)
    %add3A_173 = arith.constant 2 : i32
    %add3A_174 = arith.addi %mul3A_2, %add3A_173 : i32
    %dma_start3A_175 = arith.constant 49 : i32
    %dma_start3A_176 = arith.constant 1 : i32
    %dma_start3A_177 = arith.constant 9216 : i32
    %dma_start3A_178 = tpu.memref_slice %arg10[%dma_start3A_177] : memref<16384xf32, #tpu.memory_space<vmem>> -> memref<1024xf32, #tpu.memory_space<vmem>>
    %dma_start3A_179 = arith.constant 0 : i32
    %dma_start3A_180 = tpu.memref_slice %arg4[%dma_start3A_175, %dma_start3A_176, %add3A_174, %dma_start3A_179] : memref<50x4x128x1024xf32, #tpu.memory_space<hbm>> -> memref<1x1x1x1024xf32, #tpu.memory_space<hbm>>
    %dma_start3A_181 = tpu.memref_squeeze %dma_start3A_180 : memref<1x1x1x1024xf32, #tpu.memory_space<hbm>> -> memref<1024xf32, #tpu.memory_space<hbm>>
    %dma_start3A_182 = arith.constant 0 : i32
    %dma_start3A_183 = tpu.memref_slice %arg4[%dma_start3A_175, %dma_start3A_176, %add3A_174, %dma_start3A_182] : memref<50x4x128x1024xf32, #tpu.memory_space<hbm>> -> memref<1x1x1x1024xf32, #tpu.memory_space<hbm>>
    %dma_start3A_184 = tpu.memref_squeeze %dma_start3A_183 : memref<1x1x1x1024xf32, #tpu.memory_space<hbm>> -> memref<1024xf32, #tpu.memory_space<hbm>>
    %dma_start3A_185 = arith.constant 9216 : i32
    %dma_start3A_186 = tpu.memref_slice %arg10[%dma_start3A_185] : memref<16384xf32, #tpu.memory_space<vmem>> -> memref<1024xf32, #tpu.memory_space<vmem>>
    tpu.enqueue_dma source(%dma_start3A_186 : memref<1024xf32, #tpu.memory_space<vmem>>) target(%dma_start3A_184 : memref<1024xf32, #tpu.memory_space<hbm>>) target_semaphore(%arg14 : memref<!tpu.dma_semaphore, #tpu.memory_space<semaphore_mem>>)
    %add3A_187 = arith.constant 2 : i32
    %add3A_188 = arith.addi %mul3A_2, %add3A_187 : i32
    %dma_start3A_189 = arith.constant 49 : i32
    %dma_start3A_190 = arith.constant 2 : i32
    %dma_start3A_191 = arith.constant 10240 : i32
    %dma_start3A_192 = tpu.memref_slice %arg10[%dma_start3A_191] : memref<16384xf32, #tpu.memory_space<vmem>> -> memref<1024xf32, #tpu.memory_space<vmem>>
    %dma_start3A_193 = arith.constant 0 : i32
    %dma_start3A_194 = tpu.memref_slice %arg4[%dma_start3A_189, %dma_start3A_190, %add3A_188, %dma_start3A_193] : memref<50x4x128x1024xf32, #tpu.memory_space<hbm>> -> memref<1x1x1x1024xf32, #tpu.memory_space<hbm>>
    %dma_start3A_195 = tpu.memref_squeeze %dma_start3A_194 : memref<1x1x1x1024xf32, #tpu.memory_space<hbm>> -> memref<1024xf32, #tpu.memory_space<hbm>>
    %dma_start3A_196 = arith.constant 0 : i32
    %dma_start3A_197 = tpu.memref_slice %arg4[%dma_start3A_189, %dma_start3A_190, %add3A_188, %dma_start3A_196] : memref<50x4x128x1024xf32, #tpu.memory_space<hbm>> -> memref<1x1x1x1024xf32, #tpu.memory_space<hbm>>
    %dma_start3A_198 = tpu.memref_squeeze %dma_start3A_197 : memref<1x1x1x1024xf32, #tpu.memory_space<hbm>> -> memref<1024xf32, #tpu.memory_space<hbm>>
    %dma_start3A_199 = arith.constant 10240 : i32
    %dma_start3A_200 = tpu.memref_slice %arg10[%dma_start3A_199] : memref<16384xf32, #tpu.memory_space<vmem>> -> memref<1024xf32, #tpu.memory_space<vmem>>
    tpu.enqueue_dma source(%dma_start3A_200 : memref<1024xf32, #tpu.memory_space<vmem>>) target(%dma_start3A_198 : memref<1024xf32, #tpu.memory_space<hbm>>) target_semaphore(%arg14 : memref<!tpu.dma_semaphore, #tpu.memory_space<semaphore_mem>>)
    %add3A_201 = arith.constant 2 : i32
    %add3A_202 = arith.addi %mul3A_2, %add3A_201 : i32
    %dma_start3A_203 = arith.constant 49 : i32
    %dma_start3A_204 = arith.constant 3 : i32
    %dma_start3A_205 = arith.constant 11264 : i32
    %dma_start3A_206 = tpu.memref_slice %arg10[%dma_start3A_205] : memref<16384xf32, #tpu.memory_space<vmem>> -> memref<1024xf32, #tpu.memory_space<vmem>>
    %dma_start3A_207 = arith.constant 0 : i32
    %dma_start3A_208 = tpu.memref_slice %arg4[%dma_start3A_203, %dma_start3A_204, %add3A_202, %dma_start3A_207] : memref<50x4x128x1024xf32, #tpu.memory_space<hbm>> -> memref<1x1x1x1024xf32, #tpu.memory_space<hbm>>
    %dma_start3A_209 = tpu.memref_squeeze %dma_start3A_208 : memref<1x1x1x1024xf32, #tpu.memory_space<hbm>> -> memref<1024xf32, #tpu.memory_space<hbm>>
    %dma_start3A_210 = arith.constant 0 : i32
    %dma_start3A_211 = tpu.memref_slice %arg4[%dma_start3A_203, %dma_start3A_204, %add3A_202, %dma_start3A_210] : memref<50x4x128x1024xf32, #tpu.memory_space<hbm>> -> memref<1x1x1x1024xf32, #tpu.memory_space<hbm>>
    %dma_start3A_212 = tpu.memref_squeeze %dma_start3A_211 : memref<1x1x1x1024xf32, #tpu.memory_space<hbm>> -> memref<1024xf32, #tpu.memory_space<hbm>>
    %dma_start3A_213 = arith.constant 11264 : i32
    %dma_start3A_214 = tpu.memref_slice %arg10[%dma_start3A_213] : memref<16384xf32, #tpu.memory_space<vmem>> -> memref<1024xf32, #tpu.memory_space<vmem>>
    tpu.enqueue_dma source(%dma_start3A_214 : memref<1024xf32, #tpu.memory_space<vmem>>) target(%dma_start3A_212 : memref<1024xf32, #tpu.memory_space<hbm>>) target_semaphore(%arg14 : memref<!tpu.dma_semaphore, #tpu.memory_space<semaphore_mem>>)
    %add3A_215 = arith.constant 3 : i32
    %add3A_216 = arith.addi %mul3A_2, %add3A_215 : i32
    %dma_start3A_217 = arith.constant 49 : i32
    %dma_start3A_218 = arith.constant 0 : i32
    %dma_start3A_219 = arith.constant 12288 : i32
    %dma_start3A_220 = tpu.memref_slice %arg10[%dma_start3A_219] : memref<16384xf32, #tpu.memory_space<vmem>> -> memref<1024xf32, #tpu.memory_space<vmem>>
    %dma_start3A_221 = arith.constant 0 : i32
    %dma_start3A_222 = tpu.memref_slice %arg4[%dma_start3A_217, %dma_start3A_218, %add3A_216, %dma_start3A_221] : memref<50x4x128x1024xf32, #tpu.memory_space<hbm>> -> memref<1x1x1x1024xf32, #tpu.memory_space<hbm>>
    %dma_start3A_223 = tpu.memref_squeeze %dma_start3A_222 : memref<1x1x1x1024xf32, #tpu.memory_space<hbm>> -> memref<1024xf32, #tpu.memory_space<hbm>>
    %dma_start3A_224 = arith.constant 0 : i32
    %dma_start3A_225 = tpu.memref_slice %arg4[%dma_start3A_217, %dma_start3A_218, %add3A_216, %dma_start3A_224] : memref<50x4x128x1024xf32, #tpu.memory_space<hbm>> -> memref<1x1x1x1024xf32, #tpu.memory_space<hbm>>
    %dma_start3A_226 = tpu.memref_squeeze %dma_start3A_225 : memref<1x1x1x1024xf32, #tpu.memory_space<hbm>> -> memref<1024xf32, #tpu.memory_space<hbm>>
    %dma_start3A_227 = arith.constant 12288 : i32
    %dma_start3A_228 = tpu.memref_slice %arg10[%dma_start3A_227] : memref<16384xf32, #tpu.memory_space<vmem>> -> memref<1024xf32, #tpu.memory_space<vmem>>
    tpu.enqueue_dma source(%dma_start3A_228 : memref<1024xf32, #tpu.memory_space<vmem>>) target(%dma_start3A_226 : memref<1024xf32, #tpu.memory_space<hbm>>) target_semaphore(%arg14 : memref<!tpu.dma_semaphore, #tpu.memory_space<semaphore_mem>>)
    %add3A_229 = arith.constant 3 : i32
    %add3A_230 = arith.addi %mul3A_2, %add3A_229 : i32
    %dma_start3A_231 = arith.constant 49 : i32
    %dma_start3A_232 = arith.constant 1 : i32
    %dma_start3A_233 = arith.constant 13312 : i32
    %dma_start3A_234 = tpu.memref_slice %arg10[%dma_start3A_233] : memref<16384xf32, #tpu.memory_space<vmem>> -> memref<1024xf32, #tpu.memory_space<vmem>>
    %dma_start3A_235 = arith.constant 0 : i32
    %dma_start3A_236 = tpu.memref_slice %arg4[%dma_start3A_231, %dma_start3A_232, %add3A_230, %dma_start3A_235] : memref<50x4x128x1024xf32, #tpu.memory_space<hbm>> -> memref<1x1x1x1024xf32, #tpu.memory_space<hbm>>
    %dma_start3A_237 = tpu.memref_squeeze %dma_start3A_236 : memref<1x1x1x1024xf32, #tpu.memory_space<hbm>> -> memref<1024xf32, #tpu.memory_space<hbm>>
    %dma_start3A_238 = arith.constant 0 : i32
    %dma_start3A_239 = tpu.memref_slice %arg4[%dma_start3A_231, %dma_start3A_232, %add3A_230, %dma_start3A_238] : memref<50x4x128x1024xf32, #tpu.memory_space<hbm>> -> memref<1x1x1x1024xf32, #tpu.memory_space<hbm>>
    %dma_start3A_240 = tpu.memref_squeeze %dma_start3A_239 : memref<1x1x1x1024xf32, #tpu.memory_space<hbm>> -> memref<1024xf32, #tpu.memory_space<hbm>>
    %dma_start3A_241 = arith.constant 13312 : i32
    %dma_start3A_242 = tpu.memref_slice %arg10[%dma_start3A_241] : memref<16384xf32, #tpu.memory_space<vmem>> -> memref<1024xf32, #tpu.memory_space<vmem>>
    tpu.enqueue_dma source(%dma_start3A_242 : memref<1024xf32, #tpu.memory_space<vmem>>) target(%dma_start3A_240 : memref<1024xf32, #tpu.memory_space<hbm>>) target_semaphore(%arg14 : memref<!tpu.dma_semaphore, #tpu.memory_space<semaphore_mem>>)
    %add3A_243 = arith.constant 3 : i32
    %add3A_244 = arith.addi %mul3A_2, %add3A_243 : i32
    %dma_start3A_245 = arith.constant 49 : i32
    %dma_start3A_246 = arith.constant 2 : i32
    %dma_start3A_247 = arith.constant 14336 : i32
    %dma_start3A_248 = tpu.memref_slice %arg10[%dma_start3A_247] : memref<16384xf32, #tpu.memory_space<vmem>> -> memref<1024xf32, #tpu.memory_space<vmem>>
    %dma_start3A_249 = arith.constant 0 : i32
    %dma_start3A_250 = tpu.memref_slice %arg4[%dma_start3A_245, %dma_start3A_246, %add3A_244, %dma_start3A_249] : memref<50x4x128x1024xf32, #tpu.memory_space<hbm>> -> memref<1x1x1x1024xf32, #tpu.memory_space<hbm>>
    %dma_start3A_251 = tpu.memref_squeeze %dma_start3A_250 : memref<1x1x1x1024xf32, #tpu.memory_space<hbm>> -> memref<1024xf32, #tpu.memory_space<hbm>>
    %dma_start3A_252 = arith.constant 0 : i32
    %dma_start3A_253 = tpu.memref_slice %arg4[%dma_start3A_245, %dma_start3A_246, %add3A_244, %dma_start3A_252] : memref<50x4x128x1024xf32, #tpu.memory_space<hbm>> -> memref<1x1x1x1024xf32, #tpu.memory_space<hbm>>
    %dma_start3A_254 = tpu.memref_squeeze %dma_start3A_253 : memref<1x1x1x1024xf32, #tpu.memory_space<hbm>> -> memref<1024xf32, #tpu.memory_space<hbm>>
    %dma_start3A_255 = arith.constant 14336 : i32
    %dma_start3A_256 = tpu.memref_slice %arg10[%dma_start3A_255] : memref<16384xf32, #tpu.memory_space<vmem>> -> memref<1024xf32, #tpu.memory_space<vmem>>
    tpu.enqueue_dma source(%dma_start3A_256 : memref<1024xf32, #tpu.memory_space<vmem>>) target(%dma_start3A_254 : memref<1024xf32, #tpu.memory_space<hbm>>) target_semaphore(%arg14 : memref<!tpu.dma_semaphore, #tpu.memory_space<semaphore_mem>>)
    %add3A_257 = arith.constant 3 : i32
    %add3A_258 = arith.addi %mul3A_2, %add3A_257 : i32
    %dma_start3A_259 = arith.constant 49 : i32
    %dma_start3A_260 = arith.constant 3 : i32
    %dma_start3A_261 = arith.constant 15360 : i32
    %dma_start3A_262 = tpu.memref_slice %arg10[%dma_start3A_261] : memref<16384xf32, #tpu.memory_space<vmem>> -> memref<1024xf32, #tpu.memory_space<vmem>>
    %dma_start3A_263 = arith.constant 0 : i32
    %dma_start3A_264 = tpu.memref_slice %arg4[%dma_start3A_259, %dma_start3A_260, %add3A_258, %dma_start3A_263] : memref<50x4x128x1024xf32, #tpu.memory_space<hbm>> -> memref<1x1x1x1024xf32, #tpu.memory_space<hbm>>
    %dma_start3A_265 = tpu.memref_squeeze %dma_start3A_264 : memref<1x1x1x1024xf32, #tpu.memory_space<hbm>> -> memref<1024xf32, #tpu.memory_space<hbm>>
    %dma_start3A_266 = arith.constant 0 : i32
    %dma_start3A_267 = tpu.memref_slice %arg4[%dma_start3A_259, %dma_start3A_260, %add3A_258, %dma_start3A_266] : memref<50x4x128x1024xf32, #tpu.memory_space<hbm>> -> memref<1x1x1x1024xf32, #tpu.memory_space<hbm>>
    %dma_start3A_268 = tpu.memref_squeeze %dma_start3A_267 : memref<1x1x1x1024xf32, #tpu.memory_space<hbm>> -> memref<1024xf32, #tpu.memory_space<hbm>>
    %dma_start3A_269 = arith.constant 15360 : i32
    %dma_start3A_270 = tpu.memref_slice %arg10[%dma_start3A_269] : memref<16384xf32, #tpu.memory_space<vmem>> -> memref<1024xf32, #tpu.memory_space<vmem>>
    tpu.enqueue_dma source(%dma_start3A_270 : memref<1024xf32, #tpu.memory_space<vmem>>) target(%dma_start3A_268 : memref<1024xf32, #tpu.memory_space<hbm>>) target_semaphore(%arg14 : memref<!tpu.dma_semaphore, #tpu.memory_space<semaphore_mem>>)
    %dma_wait3A_271 = arith.constant 0 : i32
    %dma_wait3A_272 = arith.constant 0 : i32
    %dma_wait3A_273 = arith.constant 0 : i32
    %dma_wait3A_274 = arith.constant 0 : i32
    %dma_wait3A_275 = tpu.memref_slice %arg9[%dma_wait3A_274] : memref<16384xf32, #tpu.memory_space<vmem>> -> memref<1024xf32, #tpu.memory_space<vmem>>
    %dma_wait3A_276 = arith.constant 0 : i32
    %dma_wait3A_277 = tpu.memref_slice %arg4[%dma_wait3A_271, %dma_wait3A_272, %dma_wait3A_273, %dma_wait3A_276] : memref<50x4x128x1024xf32, #tpu.memory_space<hbm>> -> memref<1x1x1x1024xf32, #tpu.memory_space<hbm>>
    %dma_wait3A_278 = tpu.memref_squeeze %dma_wait3A_277 : memref<1x1x1x1024xf32, #tpu.memory_space<hbm>> -> memref<1024xf32, #tpu.memory_space<hbm>>
    %dma_wait3A_279 = arith.constant 0 : i32
    %dma_wait3A_280 = tpu.memref_slice %arg4[%dma_wait3A_271, %dma_wait3A_272, %dma_wait3A_273, %dma_wait3A_279] : memref<50x4x128x1024xf32, #tpu.memory_space<hbm>> -> memref<1x1x1x1024xf32, #tpu.memory_space<hbm>>
    %dma_wait3A_281 = tpu.memref_squeeze %dma_wait3A_280 : memref<1x1x1x1024xf32, #tpu.memory_space<hbm>> -> memref<1024xf32, #tpu.memory_space<hbm>>
    %dma_wait3A_282 = arith.constant 0 : i32
    %dma_wait3A_283 = tpu.memref_slice %arg9[%dma_wait3A_282] : memref<16384xf32, #tpu.memory_space<vmem>> -> memref<1024xf32, #tpu.memory_space<vmem>>
    tpu.wait_dma2 semaphore(%arg13 : memref<!tpu.dma_semaphore, #tpu.memory_space<semaphore_mem>>) src(%dma_wait3A_283 : memref<1024xf32, #tpu.memory_space<vmem>>) dst(%dma_wait3A_281 : memref<1024xf32, #tpu.memory_space<hbm>>)
    %dma_wait3A_284 = arith.constant 0 : i32
    %dma_wait3A_285 = arith.constant 0 : i32
    %dma_wait3A_286 = arith.constant 0 : i32
    %dma_wait3A_287 = arith.constant 0 : i32
    %dma_wait3A_288 = tpu.memref_slice %arg9[%dma_wait3A_287] : memref<16384xf32, #tpu.memory_space<vmem>> -> memref<1024xf32, #tpu.memory_space<vmem>>
    %dma_wait3A_289 = arith.constant 0 : i32
    %dma_wait3A_290 = tpu.memref_slice %arg4[%dma_wait3A_284, %dma_wait3A_285, %dma_wait3A_286, %dma_wait3A_289] : memref<50x4x128x1024xf32, #tpu.memory_space<hbm>> -> memref<1x1x1x1024xf32, #tpu.memory_space<hbm>>
    %dma_wait3A_291 = tpu.memref_squeeze %dma_wait3A_290 : memref<1x1x1x1024xf32, #tpu.memory_space<hbm>> -> memref<1024xf32, #tpu.memory_space<hbm>>
    %dma_wait3A_292 = arith.constant 0 : i32
    %dma_wait3A_293 = tpu.memref_slice %arg4[%dma_wait3A_284, %dma_wait3A_285, %dma_wait3A_286, %dma_wait3A_292] : memref<50x4x128x1024xf32, #tpu.memory_space<hbm>> -> memref<1x1x1x1024xf32, #tpu.memory_space<hbm>>
    %dma_wait3A_294 = tpu.memref_squeeze %dma_wait3A_293 : memref<1x1x1x1024xf32, #tpu.memory_space<hbm>> -> memref<1024xf32, #tpu.memory_space<hbm>>
    %dma_wait3A_295 = arith.constant 0 : i32
    %dma_wait3A_296 = tpu.memref_slice %arg9[%dma_wait3A_295] : memref<16384xf32, #tpu.memory_space<vmem>> -> memref<1024xf32, #tpu.memory_space<vmem>>
    tpu.wait_dma2 semaphore(%arg13 : memref<!tpu.dma_semaphore, #tpu.memory_space<semaphore_mem>>) src(%dma_wait3A_296 : memref<1024xf32, #tpu.memory_space<vmem>>) dst(%dma_wait3A_294 : memref<1024xf32, #tpu.memory_space<hbm>>)
    %dma_wait3A_297 = arith.constant 0 : i32
    %dma_wait3A_298 = arith.constant 0 : i32
    %dma_wait3A_299 = arith.constant 0 : i32
    %dma_wait3A_300 = arith.constant 0 : i32
    %dma_wait3A_301 = tpu.memref_slice %arg9[%dma_wait3A_300] : memref<16384xf32, #tpu.memory_space<vmem>> -> memref<1024xf32, #tpu.memory_space<vmem>>
    %dma_wait3A_302 = arith.constant 0 : i32
    %dma_wait3A_303 = tpu.memref_slice %arg4[%dma_wait3A_297, %dma_wait3A_298, %dma_wait3A_299, %dma_wait3A_302] : memref<50x4x128x1024xf32, #tpu.memory_space<hbm>> -> memref<1x1x1x1024xf32, #tpu.memory_space<hbm>>
    %dma_wait3A_304 = tpu.memref_squeeze %dma_wait3A_303 : memref<1x1x1x1024xf32, #tpu.memory_space<hbm>> -> memref<1024xf32, #tpu.memory_space<hbm>>
    %dma_wait3A_305 = arith.constant 0 : i32
    %dma_wait3A_306 = tpu.memref_slice %arg4[%dma_wait3A_297, %dma_wait3A_298, %dma_wait3A_299, %dma_wait3A_305] : memref<50x4x128x1024xf32, #tpu.memory_space<hbm>> -> memref<1x1x1x1024xf32, #tpu.memory_space<hbm>>
    %dma_wait3A_307 = tpu.memref_squeeze %dma_wait3A_306 : memref<1x1x1x1024xf32, #tpu.memory_space<hbm>> -> memref<1024xf32, #tpu.memory_space<hbm>>
    %dma_wait3A_308 = arith.constant 0 : i32
    %dma_wait3A_309 = tpu.memref_slice %arg9[%dma_wait3A_308] : memref<16384xf32, #tpu.memory_space<vmem>> -> memref<1024xf32, #tpu.memory_space<vmem>>
    tpu.wait_dma2 semaphore(%arg13 : memref<!tpu.dma_semaphore, #tpu.memory_space<semaphore_mem>>) src(%dma_wait3A_309 : memref<1024xf32, #tpu.memory_space<vmem>>) dst(%dma_wait3A_307 : memref<1024xf32, #tpu.memory_space<hbm>>)
    %dma_wait3A_310 = arith.constant 0 : i32
    %dma_wait3A_311 = arith.constant 0 : i32
    %dma_wait3A_312 = arith.constant 0 : i32
    %dma_wait3A_313 = arith.constant 0 : i32
    %dma_wait3A_314 = tpu.memref_slice %arg9[%dma_wait3A_313] : memref<16384xf32, #tpu.memory_space<vmem>> -> memref<1024xf32, #tpu.memory_space<vmem>>
    %dma_wait3A_315 = arith.constant 0 : i32
    %dma_wait3A_316 = tpu.memref_slice %arg4[%dma_wait3A_310, %dma_wait3A_311, %dma_wait3A_312, %dma_wait3A_315] : memref<50x4x128x1024xf32, #tpu.memory_space<hbm>> -> memref<1x1x1x1024xf32, #tpu.memory_space<hbm>>
    %dma_wait3A_317 = tpu.memref_squeeze %dma_wait3A_316 : memref<1x1x1x1024xf32, #tpu.memory_space<hbm>> -> memref<1024xf32, #tpu.memory_space<hbm>>
    %dma_wait3A_318 = arith.constant 0 : i32
    %dma_wait3A_319 = tpu.memref_slice %arg4[%dma_wait3A_310, %dma_wait3A_311, %dma_wait3A_312, %dma_wait3A_318] : memref<50x4x128x1024xf32, #tpu.memory_space<hbm>> -> memref<1x1x1x1024xf32, #tpu.memory_space<hbm>>
    %dma_wait3A_320 = tpu.memref_squeeze %dma_wait3A_319 : memref<1x1x1x1024xf32, #tpu.memory_space<hbm>> -> memref<1024xf32, #tpu.memory_space<hbm>>
    %dma_wait3A_321 = arith.constant 0 : i32
    %dma_wait3A_322 = tpu.memref_slice %arg9[%dma_wait3A_321] : memref<16384xf32, #tpu.memory_space<vmem>> -> memref<1024xf32, #tpu.memory_space<vmem>>
    tpu.wait_dma2 semaphore(%arg13 : memref<!tpu.dma_semaphore, #tpu.memory_space<semaphore_mem>>) src(%dma_wait3A_322 : memref<1024xf32, #tpu.memory_space<vmem>>) dst(%dma_wait3A_320 : memref<1024xf32, #tpu.memory_space<hbm>>)
    %dma_wait3A_323 = arith.constant 0 : i32
    %dma_wait3A_324 = arith.constant 0 : i32
    %dma_wait3A_325 = arith.constant 0 : i32
    %dma_wait3A_326 = arith.constant 0 : i32
    %dma_wait3A_327 = tpu.memref_slice %arg9[%dma_wait3A_326] : memref<16384xf32, #tpu.memory_space<vmem>> -> memref<1024xf32, #tpu.memory_space<vmem>>
    %dma_wait3A_328 = arith.constant 0 : i32
    %dma_wait3A_329 = tpu.memref_slice %arg4[%dma_wait3A_323, %dma_wait3A_324, %dma_wait3A_325, %dma_wait3A_328] : memref<50x4x128x1024xf32, #tpu.memory_space<hbm>> -> memref<1x1x1x1024xf32, #tpu.memory_space<hbm>>
    %dma_wait3A_330 = tpu.memref_squeeze %dma_wait3A_329 : memref<1x1x1x1024xf32, #tpu.memory_space<hbm>> -> memref<1024xf32, #tpu.memory_space<hbm>>
    %dma_wait3A_331 = arith.constant 0 : i32
    %dma_wait3A_332 = tpu.memref_slice %arg4[%dma_wait3A_323, %dma_wait3A_324, %dma_wait3A_325, %dma_wait3A_331] : memref<50x4x128x1024xf32, #tpu.memory_space<hbm>> -> memref<1x1x1x1024xf32, #tpu.memory_space<hbm>>
    %dma_wait3A_333 = tpu.memref_squeeze %dma_wait3A_332 : memref<1x1x1x1024xf32, #tpu.memory_space<hbm>> -> memref<1024xf32, #tpu.memory_space<hbm>>
    %dma_wait3A_334 = arith.constant 0 : i32
    %dma_wait3A_335 = tpu.memref_slice %arg9[%dma_wait3A_334] : memref<16384xf32, #tpu.memory_space<vmem>> -> memref<1024xf32, #tpu.memory_space<vmem>>
    tpu.wait_dma2 semaphore(%arg13 : memref<!tpu.dma_semaphore, #tpu.memory_space<semaphore_mem>>) src(%dma_wait3A_335 : memref<1024xf32, #tpu.memory_space<vmem>>) dst(%dma_wait3A_333 : memref<1024xf32, #tpu.memory_space<hbm>>)
    %dma_wait3A_336 = arith.constant 0 : i32
    %dma_wait3A_337 = arith.constant 0 : i32
    %dma_wait3A_338 = arith.constant 0 : i32
    %dma_wait3A_339 = arith.constant 0 : i32
    %dma_wait3A_340 = tpu.memref_slice %arg9[%dma_wait3A_339] : memref<16384xf32, #tpu.memory_space<vmem>> -> memref<1024xf32, #tpu.memory_space<vmem>>
    %dma_wait3A_341 = arith.constant 0 : i32
    %dma_wait3A_342 = tpu.memref_slice %arg4[%dma_wait3A_336, %dma_wait3A_337, %dma_wait3A_338, %dma_wait3A_341] : memref<50x4x128x1024xf32, #tpu.memory_space<hbm>> -> memref<1x1x1x1024xf32, #tpu.memory_space<hbm>>
    %dma_wait3A_343 = tpu.memref_squeeze %dma_wait3A_342 : memref<1x1x1x1024xf32, #tpu.memory_space<hbm>> -> memref<1024xf32, #tpu.memory_space<hbm>>
    %dma_wait3A_344 = arith.constant 0 : i32
    %dma_wait3A_345 = tpu.memref_slice %arg4[%dma_wait3A_336, %dma_wait3A_337, %dma_wait3A_338, %dma_wait3A_344] : memref<50x4x128x1024xf32, #tpu.memory_space<hbm>> -> memref<1x1x1x1024xf32, #tpu.memory_space<hbm>>
    %dma_wait3A_346 = tpu.memref_squeeze %dma_wait3A_345 : memref<1x1x1x1024xf32, #tpu.memory_space<hbm>> -> memref<1024xf32, #tpu.memory_space<hbm>>
    %dma_wait3A_347 = arith.constant 0 : i32
    %dma_wait3A_348 = tpu.memref_slice %arg9[%dma_wait3A_347] : memref<16384xf32, #tpu.memory_space<vmem>> -> memref<1024xf32, #tpu.memory_space<vmem>>
    tpu.wait_dma2 semaphore(%arg13 : memref<!tpu.dma_semaphore, #tpu.memory_space<semaphore_mem>>) src(%dma_wait3A_348 : memref<1024xf32, #tpu.memory_space<vmem>>) dst(%dma_wait3A_346 : memref<1024xf32, #tpu.memory_space<hbm>>)
    %dma_wait3A_349 = arith.constant 0 : i32
    %dma_wait3A_350 = arith.constant 0 : i32
    %dma_wait3A_351 = arith.constant 0 : i32
    %dma_wait3A_352 = arith.constant 0 : i32
    %dma_wait3A_353 = tpu.memref_slice %arg9[%dma_wait3A_352] : memref<16384xf32, #tpu.memory_space<vmem>> -> memref<1024xf32, #tpu.memory_space<vmem>>
    %dma_wait3A_354 = arith.constant 0 : i32
    %dma_wait3A_355 = tpu.memref_slice %arg4[%dma_wait3A_349, %dma_wait3A_350, %dma_wait3A_351, %dma_wait3A_354] : memref<50x4x128x1024xf32, #tpu.memory_space<hbm>> -> memref<1x1x1x1024xf32, #tpu.memory_space<hbm>>
    %dma_wait3A_356 = tpu.memref_squeeze %dma_wait3A_355 : memref<1x1x1x1024xf32, #tpu.memory_space<hbm>> -> memref<1024xf32, #tpu.memory_space<hbm>>
    %dma_wait3A_357 = arith.constant 0 : i32
    %dma_wait3A_358 = tpu.memref_slice %arg4[%dma_wait3A_349, %dma_wait3A_350, %dma_wait3A_351, %dma_wait3A_357] : memref<50x4x128x1024xf32, #tpu.memory_space<hbm>> -> memref<1x1x1x1024xf32, #tpu.memory_space<hbm>>
    %dma_wait3A_359 = tpu.memref_squeeze %dma_wait3A_358 : memref<1x1x1x1024xf32, #tpu.memory_space<hbm>> -> memref<1024xf32, #tpu.memory_space<hbm>>
    %dma_wait3A_360 = arith.constant 0 : i32
    %dma_wait3A_361 = tpu.memref_slice %arg9[%dma_wait3A_360] : memref<16384xf32, #tpu.memory_space<vmem>> -> memref<1024xf32, #tpu.memory_space<vmem>>
    tpu.wait_dma2 semaphore(%arg13 : memref<!tpu.dma_semaphore, #tpu.memory_space<semaphore_mem>>) src(%dma_wait3A_361 : memref<1024xf32, #tpu.memory_space<vmem>>) dst(%dma_wait3A_359 : memref<1024xf32, #tpu.memory_space<hbm>>)
    %dma_wait3A_362 = arith.constant 0 : i32
    %dma_wait3A_363 = arith.constant 0 : i32
    %dma_wait3A_364 = arith.constant 0 : i32
    %dma_wait3A_365 = arith.constant 0 : i32
    %dma_wait3A_366 = tpu.memref_slice %arg9[%dma_wait3A_365] : memref<16384xf32, #tpu.memory_space<vmem>> -> memref<1024xf32, #tpu.memory_space<vmem>>
    %dma_wait3A_367 = arith.constant 0 : i32
    %dma_wait3A_368 = tpu.memref_slice %arg4[%dma_wait3A_362, %dma_wait3A_363, %dma_wait3A_364, %dma_wait3A_367] : memref<50x4x128x1024xf32, #tpu.memory_space<hbm>> -> memref<1x1x1x1024xf32, #tpu.memory_space<hbm>>
    %dma_wait3A_369 = tpu.memref_squeeze %dma_wait3A_368 : memref<1x1x1x1024xf32, #tpu.memory_space<hbm>> -> memref<1024xf32, #tpu.memory_space<hbm>>
    %dma_wait3A_370 = arith.constant 0 : i32
    %dma_wait3A_371 = tpu.memref_slice %arg4[%dma_wait3A_362, %dma_wait3A_363, %dma_wait3A_364, %dma_wait3A_370] : memref<50x4x128x1024xf32, #tpu.memory_space<hbm>> -> memref<1x1x1x1024xf32, #tpu.memory_space<hbm>>
    %dma_wait3A_372 = tpu.memref_squeeze %dma_wait3A_371 : memref<1x1x1x1024xf32, #tpu.memory_space<hbm>> -> memref<1024xf32, #tpu.memory_space<hbm>>
    %dma_wait3A_373 = arith.constant 0 : i32
    %dma_wait3A_374 = tpu.memref_slice %arg9[%dma_wait3A_373] : memref<16384xf32, #tpu.memory_space<vmem>> -> memref<1024xf32, #tpu.memory_space<vmem>>
    tpu.wait_dma2 semaphore(%arg13 : memref<!tpu.dma_semaphore, #tpu.memory_space<semaphore_mem>>) src(%dma_wait3A_374 : memref<1024xf32, #tpu.memory_space<vmem>>) dst(%dma_wait3A_372 : memref<1024xf32, #tpu.memory_space<hbm>>)
    %dma_wait3A_375 = arith.constant 0 : i32
    %dma_wait3A_376 = arith.constant 0 : i32
    %dma_wait3A_377 = arith.constant 0 : i32
    %dma_wait3A_378 = arith.constant 0 : i32
    %dma_wait3A_379 = tpu.memref_slice %arg9[%dma_wait3A_378] : memref<16384xf32, #tpu.memory_space<vmem>> -> memref<1024xf32, #tpu.memory_space<vmem>>
    %dma_wait3A_380 = arith.constant 0 : i32
    %dma_wait3A_381 = tpu.memref_slice %arg4[%dma_wait3A_375, %dma_wait3A_376, %dma_wait3A_377, %dma_wait3A_380] : memref<50x4x128x1024xf32, #tpu.memory_space<hbm>> -> memref<1x1x1x1024xf32, #tpu.memory_space<hbm>>
    %dma_wait3A_382 = tpu.memref_squeeze %dma_wait3A_381 : memref<1x1x1x1024xf32, #tpu.memory_space<hbm>> -> memref<1024xf32, #tpu.memory_space<hbm>>
    %dma_wait3A_383 = arith.constant 0 : i32
    %dma_wait3A_384 = tpu.memref_slice %arg4[%dma_wait3A_375, %dma_wait3A_376, %dma_wait3A_377, %dma_wait3A_383] : memref<50x4x128x1024xf32, #tpu.memory_space<hbm>> -> memref<1x1x1x1024xf32, #tpu.memory_space<hbm>>
    %dma_wait3A_385 = tpu.memref_squeeze %dma_wait3A_384 : memref<1x1x1x1024xf32, #tpu.memory_space<hbm>> -> memref<1024xf32, #tpu.memory_space<hbm>>
    %dma_wait3A_386 = arith.constant 0 : i32
    %dma_wait3A_387 = tpu.memref_slice %arg9[%dma_wait3A_386] : memref<16384xf32, #tpu.memory_space<vmem>> -> memref<1024xf32, #tpu.memory_space<vmem>>
    tpu.wait_dma2 semaphore(%arg13 : memref<!tpu.dma_semaphore, #tpu.memory_space<semaphore_mem>>) src(%dma_wait3A_387 : memref<1024xf32, #tpu.memory_space<vmem>>) dst(%dma_wait3A_385 : memref<1024xf32, #tpu.memory_space<hbm>>)
    %dma_wait3A_388 = arith.constant 0 : i32
    %dma_wait3A_389 = arith.constant 0 : i32
    %dma_wait3A_390 = arith.constant 0 : i32
    %dma_wait3A_391 = arith.constant 0 : i32
    %dma_wait3A_392 = tpu.memref_slice %arg9[%dma_wait3A_391] : memref<16384xf32, #tpu.memory_space<vmem>> -> memref<1024xf32, #tpu.memory_space<vmem>>
    %dma_wait3A_393 = arith.constant 0 : i32
    %dma_wait3A_394 = tpu.memref_slice %arg4[%dma_wait3A_388, %dma_wait3A_389, %dma_wait3A_390, %dma_wait3A_393] : memref<50x4x128x1024xf32, #tpu.memory_space<hbm>> -> memref<1x1x1x1024xf32, #tpu.memory_space<hbm>>
    %dma_wait3A_395 = tpu.memref_squeeze %dma_wait3A_394 : memref<1x1x1x1024xf32, #tpu.memory_space<hbm>> -> memref<1024xf32, #tpu.memory_space<hbm>>
    %dma_wait3A_396 = arith.constant 0 : i32
    %dma_wait3A_397 = tpu.memref_slice %arg4[%dma_wait3A_388, %dma_wait3A_389, %dma_wait3A_390, %dma_wait3A_396] : memref<50x4x128x1024xf32, #tpu.memory_space<hbm>> -> memref<1x1x1x1024xf32, #tpu.memory_space<hbm>>
    %dma_wait3A_398 = tpu.memref_squeeze %dma_wait3A_397 : memref<1x1x1x1024xf32, #tpu.memory_space<hbm>> -> memref<1024xf32, #tpu.memory_space<hbm>>
    %dma_wait3A_399 = arith.constant 0 : i32
    %dma_wait3A_400 = tpu.memref_slice %arg9[%dma_wait3A_399] : memref<16384xf32, #tpu.memory_space<vmem>> -> memref<1024xf32, #tpu.memory_space<vmem>>
    tpu.wait_dma2 semaphore(%arg13 : memref<!tpu.dma_semaphore, #tpu.memory_space<semaphore_mem>>) src(%dma_wait3A_400 : memref<1024xf32, #tpu.memory_space<vmem>>) dst(%dma_wait3A_398 : memref<1024xf32, #tpu.memory_space<hbm>>)
    %dma_wait3A_401 = arith.constant 0 : i32
    %dma_wait3A_402 = arith.constant 0 : i32
    %dma_wait3A_403 = arith.constant 0 : i32
    %dma_wait3A_404 = arith.constant 0 : i32
    %dma_wait3A_405 = tpu.memref_slice %arg9[%dma_wait3A_404] : memref<16384xf32, #tpu.memory_space<vmem>> -> memref<1024xf32, #tpu.memory_space<vmem>>
    %dma_wait3A_406 = arith.constant 0 : i32
    %dma_wait3A_407 = tpu.memref_slice %arg4[%dma_wait3A_401, %dma_wait3A_402, %dma_wait3A_403, %dma_wait3A_406] : memref<50x4x128x1024xf32, #tpu.memory_space<hbm>> -> memref<1x1x1x1024xf32, #tpu.memory_space<hbm>>
    %dma_wait3A_408 = tpu.memref_squeeze %dma_wait3A_407 : memref<1x1x1x1024xf32, #tpu.memory_space<hbm>> -> memref<1024xf32, #tpu.memory_space<hbm>>
    %dma_wait3A_409 = arith.constant 0 : i32
    %dma_wait3A_410 = tpu.memref_slice %arg4[%dma_wait3A_401, %dma_wait3A_402, %dma_wait3A_403, %dma_wait3A_409] : memref<50x4x128x1024xf32, #tpu.memory_space<hbm>> -> memref<1x1x1x1024xf32, #tpu.memory_space<hbm>>
    %dma_wait3A_411 = tpu.memref_squeeze %dma_wait3A_410 : memref<1x1x1x1024xf32, #tpu.memory_space<hbm>> -> memref<1024xf32, #tpu.memory_space<hbm>>
    %dma_wait3A_412 = arith.constant 0 : i32
    %dma_wait3A_413 = tpu.memref_slice %arg9[%dma_wait3A_412] : memref<16384xf32, #tpu.memory_space<vmem>> -> memref<1024xf32, #tpu.memory_space<vmem>>
    tpu.wait_dma2 semaphore(%arg13 : memref<!tpu.dma_semaphore, #tpu.memory_space<semaphore_mem>>) src(%dma_wait3A_413 : memref<1024xf32, #tpu.memory_space<vmem>>) dst(%dma_wait3A_411 : memref<1024xf32, #tpu.memory_space<hbm>>)
    %dma_wait3A_414 = arith.constant 0 : i32
    %dma_wait3A_415 = arith.constant 0 : i32
    %dma_wait3A_416 = arith.constant 0 : i32
    %dma_wait3A_417 = arith.constant 0 : i32
    %dma_wait3A_418 = tpu.memref_slice %arg9[%dma_wait3A_417] : memref<16384xf32, #tpu.memory_space<vmem>> -> memref<1024xf32, #tpu.memory_space<vmem>>
    %dma_wait3A_419 = arith.constant 0 : i32
    %dma_wait3A_420 = tpu.memref_slice %arg4[%dma_wait3A_414, %dma_wait3A_415, %dma_wait3A_416, %dma_wait3A_419] : memref<50x4x128x1024xf32, #tpu.memory_space<hbm>> -> memref<1x1x1x1024xf32, #tpu.memory_space<hbm>>
    %dma_wait3A_421 = tpu.memref_squeeze %dma_wait3A_420 : memref<1x1x1x1024xf32, #tpu.memory_space<hbm>> -> memref<1024xf32, #tpu.memory_space<hbm>>
    %dma_wait3A_422 = arith.constant 0 : i32
    %dma_wait3A_423 = tpu.memref_slice %arg4[%dma_wait3A_414, %dma_wait3A_415, %dma_wait3A_416, %dma_wait3A_422] : memref<50x4x128x1024xf32, #tpu.memory_space<hbm>> -> memref<1x1x1x1024xf32, #tpu.memory_space<hbm>>
    %dma_wait3A_424 = tpu.memref_squeeze %dma_wait3A_423 : memref<1x1x1x1024xf32, #tpu.memory_space<hbm>> -> memref<1024xf32, #tpu.memory_space<hbm>>
    %dma_wait3A_425 = arith.constant 0 : i32
    %dma_wait3A_426 = tpu.memref_slice %arg9[%dma_wait3A_425] : memref<16384xf32, #tpu.memory_space<vmem>> -> memref<1024xf32, #tpu.memory_space<vmem>>
    tpu.wait_dma2 semaphore(%arg13 : memref<!tpu.dma_semaphore, #tpu.memory_space<semaphore_mem>>) src(%dma_wait3A_426 : memref<1024xf32, #tpu.memory_space<vmem>>) dst(%dma_wait3A_424 : memref<1024xf32, #tpu.memory_space<hbm>>)
    %dma_wait3A_427 = arith.constant 0 : i32
    %dma_wait3A_428 = arith.constant 0 : i32
    %dma_wait3A_429 = arith.constant 0 : i32
    %dma_wait3A_430 = arith.constant 0 : i32
    %dma_wait3A_431 = tpu.memref_slice %arg9[%dma_wait3A_430] : memref<16384xf32, #tpu.memory_space<vmem>> -> memref<1024xf32, #tpu.memory_space<vmem>>
    %dma_wait3A_432 = arith.constant 0 : i32
    %dma_wait3A_433 = tpu.memref_slice %arg4[%dma_wait3A_427, %dma_wait3A_428, %dma_wait3A_429, %dma_wait3A_432] : memref<50x4x128x1024xf32, #tpu.memory_space<hbm>> -> memref<1x1x1x1024xf32, #tpu.memory_space<hbm>>
    %dma_wait3A_434 = tpu.memref_squeeze %dma_wait3A_433 : memref<1x1x1x1024xf32, #tpu.memory_space<hbm>> -> memref<1024xf32, #tpu.memory_space<hbm>>
    %dma_wait3A_435 = arith.constant 0 : i32
    %dma_wait3A_436 = tpu.memref_slice %arg4[%dma_wait3A_427, %dma_wait3A_428, %dma_wait3A_429, %dma_wait3A_435] : memref<50x4x128x1024xf32, #tpu.memory_space<hbm>> -> memref<1x1x1x1024xf32, #tpu.memory_space<hbm>>
    %dma_wait3A_437 = tpu.memref_squeeze %dma_wait3A_436 : memref<1x1x1x1024xf32, #tpu.memory_space<hbm>> -> memref<1024xf32, #tpu.memory_space<hbm>>
    %dma_wait3A_438 = arith.constant 0 : i32
    %dma_wait3A_439 = tpu.memref_slice %arg9[%dma_wait3A_438] : memref<16384xf32, #tpu.memory_space<vmem>> -> memref<1024xf32, #tpu.memory_space<vmem>>
    tpu.wait_dma2 semaphore(%arg13 : memref<!tpu.dma_semaphore, #tpu.memory_space<semaphore_mem>>) src(%dma_wait3A_439 : memref<1024xf32, #tpu.memory_space<vmem>>) dst(%dma_wait3A_437 : memref<1024xf32, #tpu.memory_space<hbm>>)
    %dma_wait3A_440 = arith.constant 0 : i32
    %dma_wait3A_441 = arith.constant 0 : i32
    %dma_wait3A_442 = arith.constant 0 : i32
    %dma_wait3A_443 = arith.constant 0 : i32
    %dma_wait3A_444 = tpu.memref_slice %arg9[%dma_wait3A_443] : memref<16384xf32, #tpu.memory_space<vmem>> -> memref<1024xf32, #tpu.memory_space<vmem>>
    %dma_wait3A_445 = arith.constant 0 : i32
    %dma_wait3A_446 = tpu.memref_slice %arg4[%dma_wait3A_440, %dma_wait3A_441, %dma_wait3A_442, %dma_wait3A_445] : memref<50x4x128x1024xf32, #tpu.memory_space<hbm>> -> memref<1x1x1x1024xf32, #tpu.memory_space<hbm>>
    %dma_wait3A_447 = tpu.memref_squeeze %dma_wait3A_446 : memref<1x1x1x1024xf32, #tpu.memory_space<hbm>> -> memref<1024xf32, #tpu.memory_space<hbm>>
    %dma_wait3A_448 = arith.constant 0 : i32
    %dma_wait3A_449 = tpu.memref_slice %arg4[%dma_wait3A_440, %dma_wait3A_441, %dma_wait3A_442, %dma_wait3A_448] : memref<50x4x128x1024xf32, #tpu.memory_space<hbm>> -> memref<1x1x1x1024xf32, #tpu.memory_space<hbm>>
    %dma_wait3A_450 = tpu.memref_squeeze %dma_wait3A_449 : memref<1x1x1x1024xf32, #tpu.memory_space<hbm>> -> memref<1024xf32, #tpu.memory_space<hbm>>
    %dma_wait3A_451 = arith.constant 0 : i32
    %dma_wait3A_452 = tpu.memref_slice %arg9[%dma_wait3A_451] : memref<16384xf32, #tpu.memory_space<vmem>> -> memref<1024xf32, #tpu.memory_space<vmem>>
    tpu.wait_dma2 semaphore(%arg13 : memref<!tpu.dma_semaphore, #tpu.memory_space<semaphore_mem>>) src(%dma_wait3A_452 : memref<1024xf32, #tpu.memory_space<vmem>>) dst(%dma_wait3A_450 : memref<1024xf32, #tpu.memory_space<hbm>>)
    %dma_wait3A_453 = arith.constant 0 : i32
    %dma_wait3A_454 = arith.constant 0 : i32
    %dma_wait3A_455 = arith.constant 0 : i32
    %dma_wait3A_456 = arith.constant 0 : i32
    %dma_wait3A_457 = tpu.memref_slice %arg9[%dma_wait3A_456] : memref<16384xf32, #tpu.memory_space<vmem>> -> memref<1024xf32, #tpu.memory_space<vmem>>
    %dma_wait3A_458 = arith.constant 0 : i32
    %dma_wait3A_459 = tpu.memref_slice %arg4[%dma_wait3A_453, %dma_wait3A_454, %dma_wait3A_455, %dma_wait3A_458] : memref<50x4x128x1024xf32, #tpu.memory_space<hbm>> -> memref<1x1x1x1024xf32, #tpu.memory_space<hbm>>
    %dma_wait3A_460 = tpu.memref_squeeze %dma_wait3A_459 : memref<1x1x1x1024xf32, #tpu.memory_space<hbm>> -> memref<1024xf32, #tpu.memory_space<hbm>>
    %dma_wait3A_461 = arith.constant 0 : i32
    %dma_wait3A_462 = tpu.memref_slice %arg4[%dma_wait3A_453, %dma_wait3A_454, %dma_wait3A_455, %dma_wait3A_461] : memref<50x4x128x1024xf32, #tpu.memory_space<hbm>> -> memref<1x1x1x1024xf32, #tpu.memory_space<hbm>>
    %dma_wait3A_463 = tpu.memref_squeeze %dma_wait3A_462 : memref<1x1x1x1024xf32, #tpu.memory_space<hbm>> -> memref<1024xf32, #tpu.memory_space<hbm>>
    %dma_wait3A_464 = arith.constant 0 : i32
    %dma_wait3A_465 = tpu.memref_slice %arg9[%dma_wait3A_464] : memref<16384xf32, #tpu.memory_space<vmem>> -> memref<1024xf32, #tpu.memory_space<vmem>>
    tpu.wait_dma2 semaphore(%arg13 : memref<!tpu.dma_semaphore, #tpu.memory_space<semaphore_mem>>) src(%dma_wait3A_465 : memref<1024xf32, #tpu.memory_space<vmem>>) dst(%dma_wait3A_463 : memref<1024xf32, #tpu.memory_space<hbm>>)
    %dma_wait3A_466 = arith.constant 0 : i32
    %dma_wait3A_467 = arith.constant 0 : i32
    %dma_wait3A_468 = arith.constant 0 : i32
    %dma_wait3A_469 = arith.constant 0 : i32
    %dma_wait3A_470 = tpu.memref_slice %arg9[%dma_wait3A_469] : memref<16384xf32, #tpu.memory_space<vmem>> -> memref<1024xf32, #tpu.memory_space<vmem>>
    %dma_wait3A_471 = arith.constant 0 : i32
    %dma_wait3A_472 = tpu.memref_slice %arg4[%dma_wait3A_466, %dma_wait3A_467, %dma_wait3A_468, %dma_wait3A_471] : memref<50x4x128x1024xf32, #tpu.memory_space<hbm>> -> memref<1x1x1x1024xf32, #tpu.memory_space<hbm>>
    %dma_wait3A_473 = tpu.memref_squeeze %dma_wait3A_472 : memref<1x1x1x1024xf32, #tpu.memory_space<hbm>> -> memref<1024xf32, #tpu.memory_space<hbm>>
    %dma_wait3A_474 = arith.constant 0 : i32
    %dma_wait3A_475 = tpu.memref_slice %arg4[%dma_wait3A_466, %dma_wait3A_467, %dma_wait3A_468, %dma_wait3A_474] : memref<50x4x128x1024xf32, #tpu.memory_space<hbm>> -> memref<1x1x1x1024xf32, #tpu.memory_space<hbm>>
    %dma_wait3A_476 = tpu.memref_squeeze %dma_wait3A_475 : memref<1x1x1x1024xf32, #tpu.memory_space<hbm>> -> memref<1024xf32, #tpu.memory_space<hbm>>
    %dma_wait3A_477 = arith.constant 0 : i32
    %dma_wait3A_478 = tpu.memref_slice %arg9[%dma_wait3A_477] : memref<16384xf32, #tpu.memory_space<vmem>> -> memref<1024xf32, #tpu.memory_space<vmem>>
    tpu.wait_dma2 semaphore(%arg13 : memref<!tpu.dma_semaphore, #tpu.memory_space<semaphore_mem>>) src(%dma_wait3A_478 : memref<1024xf32, #tpu.memory_space<vmem>>) dst(%dma_wait3A_476 : memref<1024xf32, #tpu.memory_space<hbm>>)
    %dma_wait3A_479 = arith.constant 0 : i32
    %dma_wait3A_480 = arith.constant 0 : i32
    %dma_wait3A_481 = arith.constant 0 : i32
    %dma_wait3A_482 = arith.constant 0 : i32
    %dma_wait3A_483 = tpu.memref_slice %arg10[%dma_wait3A_482] : memref<16384xf32, #tpu.memory_space<vmem>> -> memref<1024xf32, #tpu.memory_space<vmem>>
    %dma_wait3A_484 = arith.constant 0 : i32
    %dma_wait3A_485 = tpu.memref_slice %arg4[%dma_wait3A_479, %dma_wait3A_480, %dma_wait3A_481, %dma_wait3A_484] : memref<50x4x128x1024xf32, #tpu.memory_space<hbm>> -> memref<1x1x1x1024xf32, #tpu.memory_space<hbm>>
    %dma_wait3A_486 = tpu.memref_squeeze %dma_wait3A_485 : memref<1x1x1x1024xf32, #tpu.memory_space<hbm>> -> memref<1024xf32, #tpu.memory_space<hbm>>
    %dma_wait3A_487 = arith.constant 0 : i32
    %dma_wait3A_488 = tpu.memref_slice %arg4[%dma_wait3A_479, %dma_wait3A_480, %dma_wait3A_481, %dma_wait3A_487] : memref<50x4x128x1024xf32, #tpu.memory_space<hbm>> -> memref<1x1x1x1024xf32, #tpu.memory_space<hbm>>
    %dma_wait3A_489 = tpu.memref_squeeze %dma_wait3A_488 : memref<1x1x1x1024xf32, #tpu.memory_space<hbm>> -> memref<1024xf32, #tpu.memory_space<hbm>>
    %dma_wait3A_490 = arith.constant 0 : i32
    %dma_wait3A_491 = tpu.memref_slice %arg10[%dma_wait3A_490] : memref<16384xf32, #tpu.memory_space<vmem>> -> memref<1024xf32, #tpu.memory_space<vmem>>
    tpu.wait_dma2 semaphore(%arg14 : memref<!tpu.dma_semaphore, #tpu.memory_space<semaphore_mem>>) src(%dma_wait3A_491 : memref<1024xf32, #tpu.memory_space<vmem>>) dst(%dma_wait3A_489 : memref<1024xf32, #tpu.memory_space<hbm>>)
    %dma_wait3A_492 = arith.constant 0 : i32
    %dma_wait3A_493 = arith.constant 0 : i32
    %dma_wait3A_494 = arith.constant 0 : i32
    %dma_wait3A_495 = arith.constant 0 : i32
    %dma_wait3A_496 = tpu.memref_slice %arg10[%dma_wait3A_495] : memref<16384xf32, #tpu.memory_space<vmem>> -> memref<1024xf32, #tpu.memory_space<vmem>>
    %dma_wait3A_497 = arith.constant 0 : i32
    %dma_wait3A_498 = tpu.memref_slice %arg4[%dma_wait3A_492, %dma_wait3A_493, %dma_wait3A_494, %dma_wait3A_497] : memref<50x4x128x1024xf32, #tpu.memory_space<hbm>> -> memref<1x1x1x1024xf32, #tpu.memory_space<hbm>>
    %dma_wait3A_499 = tpu.memref_squeeze %dma_wait3A_498 : memref<1x1x1x1024xf32, #tpu.memory_space<hbm>> -> memref<1024xf32, #tpu.memory_space<hbm>>
    %dma_wait3A_500 = arith.constant 0 : i32
    %dma_wait3A_501 = tpu.memref_slice %arg4[%dma_wait3A_492, %dma_wait3A_493, %dma_wait3A_494, %dma_wait3A_500] : memref<50x4x128x1024xf32, #tpu.memory_space<hbm>> -> memref<1x1x1x1024xf32, #tpu.memory_space<hbm>>
    %dma_wait3A_502 = tpu.memref_squeeze %dma_wait3A_501 : memref<1x1x1x1024xf32, #tpu.memory_space<hbm>> -> memref<1024xf32, #tpu.memory_space<hbm>>
    %dma_wait3A_503 = arith.constant 0 : i32
    %dma_wait3A_504 = tpu.memref_slice %arg10[%dma_wait3A_503] : memref<16384xf32, #tpu.memory_space<vmem>> -> memref<1024xf32, #tpu.memory_space<vmem>>
    tpu.wait_dma2 semaphore(%arg14 : memref<!tpu.dma_semaphore, #tpu.memory_space<semaphore_mem>>) src(%dma_wait3A_504 : memref<1024xf32, #tpu.memory_space<vmem>>) dst(%dma_wait3A_502 : memref<1024xf32, #tpu.memory_space<hbm>>)
    %dma_wait3A_505 = arith.constant 0 : i32
    %dma_wait3A_506 = arith.constant 0 : i32
    %dma_wait3A_507 = arith.constant 0 : i32
    %dma_wait3A_508 = arith.constant 0 : i32
    %dma_wait3A_509 = tpu.memref_slice %arg10[%dma_wait3A_508] : memref<16384xf32, #tpu.memory_space<vmem>> -> memref<1024xf32, #tpu.memory_space<vmem>>
    %dma_wait3A_510 = arith.constant 0 : i32
    %dma_wait3A_511 = tpu.memref_slice %arg4[%dma_wait3A_505, %dma_wait3A_506, %dma_wait3A_507, %dma_wait3A_510] : memref<50x4x128x1024xf32, #tpu.memory_space<hbm>> -> memref<1x1x1x1024xf32, #tpu.memory_space<hbm>>
    %dma_wait3A_512 = tpu.memref_squeeze %dma_wait3A_511 : memref<1x1x1x1024xf32, #tpu.memory_space<hbm>> -> memref<1024xf32, #tpu.memory_space<hbm>>
    %dma_wait3A_513 = arith.constant 0 : i32
    %dma_wait3A_514 = tpu.memref_slice %arg4[%dma_wait3A_505, %dma_wait3A_506, %dma_wait3A_507, %dma_wait3A_513] : memref<50x4x128x1024xf32, #tpu.memory_space<hbm>> -> memref<1x1x1x1024xf32, #tpu.memory_space<hbm>>
    %dma_wait3A_515 = tpu.memref_squeeze %dma_wait3A_514 : memref<1x1x1x1024xf32, #tpu.memory_space<hbm>> -> memref<1024xf32, #tpu.memory_space<hbm>>
    %dma_wait3A_516 = arith.constant 0 : i32
    %dma_wait3A_517 = tpu.memref_slice %arg10[%dma_wait3A_516] : memref<16384xf32, #tpu.memory_space<vmem>> -> memref<1024xf32, #tpu.memory_space<vmem>>
    tpu.wait_dma2 semaphore(%arg14 : memref<!tpu.dma_semaphore, #tpu.memory_space<semaphore_mem>>) src(%dma_wait3A_517 : memref<1024xf32, #tpu.memory_space<vmem>>) dst(%dma_wait3A_515 : memref<1024xf32, #tpu.memory_space<hbm>>)
    %dma_wait3A_518 = arith.constant 0 : i32
    %dma_wait3A_519 = arith.constant 0 : i32
    %dma_wait3A_520 = arith.constant 0 : i32
    %dma_wait3A_521 = arith.constant 0 : i32
    %dma_wait3A_522 = tpu.memref_slice %arg10[%dma_wait3A_521] : memref<16384xf32, #tpu.memory_space<vmem>> -> memref<1024xf32, #tpu.memory_space<vmem>>
    %dma_wait3A_523 = arith.constant 0 : i32
    %dma_wait3A_524 = tpu.memref_slice %arg4[%dma_wait3A_518, %dma_wait3A_519, %dma_wait3A_520, %dma_wait3A_523] : memref<50x4x128x1024xf32, #tpu.memory_space<hbm>> -> memref<1x1x1x1024xf32, #tpu.memory_space<hbm>>
    %dma_wait3A_525 = tpu.memref_squeeze %dma_wait3A_524 : memref<1x1x1x1024xf32, #tpu.memory_space<hbm>> -> memref<1024xf32, #tpu.memory_space<hbm>>
    %dma_wait3A_526 = arith.constant 0 : i32
    %dma_wait3A_527 = tpu.memref_slice %arg4[%dma_wait3A_518, %dma_wait3A_519, %dma_wait3A_520, %dma_wait3A_526] : memref<50x4x128x1024xf32, #tpu.memory_space<hbm>> -> memref<1x1x1x1024xf32, #tpu.memory_space<hbm>>
    %dma_wait3A_528 = tpu.memref_squeeze %dma_wait3A_527 : memref<1x1x1x1024xf32, #tpu.memory_space<hbm>> -> memref<1024xf32, #tpu.memory_space<hbm>>
    %dma_wait3A_529 = arith.constant 0 : i32
    %dma_wait3A_530 = tpu.memref_slice %arg10[%dma_wait3A_529] : memref<16384xf32, #tpu.memory_space<vmem>> -> memref<1024xf32, #tpu.memory_space<vmem>>
    tpu.wait_dma2 semaphore(%arg14 : memref<!tpu.dma_semaphore, #tpu.memory_space<semaphore_mem>>) src(%dma_wait3A_530 : memref<1024xf32, #tpu.memory_space<vmem>>) dst(%dma_wait3A_528 : memref<1024xf32, #tpu.memory_space<hbm>>)
    %dma_wait3A_531 = arith.constant 0 : i32
    %dma_wait3A_532 = arith.constant 0 : i32
    %dma_wait3A_533 = arith.constant 0 : i32
    %dma_wait3A_534 = arith.constant 0 : i32
    %dma_wait3A_535 = tpu.memref_slice %arg10[%dma_wait3A_534] : memref<16384xf32, #tpu.memory_space<vmem>> -> memref<1024xf32, #tpu.memory_space<vmem>>
    %dma_wait3A_536 = arith.constant 0 : i32
    %dma_wait3A_537 = tpu.memref_slice %arg4[%dma_wait3A_531, %dma_wait3A_532, %dma_wait3A_533, %dma_wait3A_536] : memref<50x4x128x1024xf32, #tpu.memory_space<hbm>> -> memref<1x1x1x1024xf32, #tpu.memory_space<hbm>>
    %dma_wait3A_538 = tpu.memref_squeeze %dma_wait3A_537 : memref<1x1x1x1024xf32, #tpu.memory_space<hbm>> -> memref<1024xf32, #tpu.memory_space<hbm>>
    %dma_wait3A_539 = arith.constant 0 : i32
    %dma_wait3A_540 = tpu.memref_slice %arg4[%dma_wait3A_531, %dma_wait3A_532, %dma_wait3A_533, %dma_wait3A_539] : memref<50x4x128x1024xf32, #tpu.memory_space<hbm>> -> memref<1x1x1x1024xf32, #tpu.memory_space<hbm>>
    %dma_wait3A_541 = tpu.memref_squeeze %dma_wait3A_540 : memref<1x1x1x1024xf32, #tpu.memory_space<hbm>> -> memref<1024xf32, #tpu.memory_space<hbm>>
    %dma_wait3A_542 = arith.constant 0 : i32
    %dma_wait3A_543 = tpu.memref_slice %arg10[%dma_wait3A_542] : memref<16384xf32, #tpu.memory_space<vmem>> -> memref<1024xf32, #tpu.memory_space<vmem>>
    tpu.wait_dma2 semaphore(%arg14 : memref<!tpu.dma_semaphore, #tpu.memory_space<semaphore_mem>>) src(%dma_wait3A_543 : memref<1024xf32, #tpu.memory_space<vmem>>) dst(%dma_wait3A_541 : memref<1024xf32, #tpu.memory_space<hbm>>)
    %dma_wait3A_544 = arith.constant 0 : i32
    %dma_wait3A_545 = arith.constant 0 : i32
    %dma_wait3A_546 = arith.constant 0 : i32
    %dma_wait3A_547 = arith.constant 0 : i32
    %dma_wait3A_548 = tpu.memref_slice %arg10[%dma_wait3A_547] : memref<16384xf32, #tpu.memory_space<vmem>> -> memref<1024xf32, #tpu.memory_space<vmem>>
    %dma_wait3A_549 = arith.constant 0 : i32
    %dma_wait3A_550 = tpu.memref_slice %arg4[%dma_wait3A_544, %dma_wait3A_545, %dma_wait3A_546, %dma_wait3A_549] : memref<50x4x128x1024xf32, #tpu.memory_space<hbm>> -> memref<1x1x1x1024xf32, #tpu.memory_space<hbm>>
    %dma_wait3A_551 = tpu.memref_squeeze %dma_wait3A_550 : memref<1x1x1x1024xf32, #tpu.memory_space<hbm>> -> memref<1024xf32, #tpu.memory_space<hbm>>
    %dma_wait3A_552 = arith.constant 0 : i32
    %dma_wait3A_553 = tpu.memref_slice %arg4[%dma_wait3A_544, %dma_wait3A_545, %dma_wait3A_546, %dma_wait3A_552] : memref<50x4x128x1024xf32, #tpu.memory_space<hbm>> -> memref<1x1x1x1024xf32, #tpu.memory_space<hbm>>
    %dma_wait3A_554 = tpu.memref_squeeze %dma_wait3A_553 : memref<1x1x1x1024xf32, #tpu.memory_space<hbm>> -> memref<1024xf32, #tpu.memory_space<hbm>>
    %dma_wait3A_555 = arith.constant 0 : i32
    %dma_wait3A_556 = tpu.memref_slice %arg10[%dma_wait3A_555] : memref<16384xf32, #tpu.memory_space<vmem>> -> memref<1024xf32, #tpu.memory_space<vmem>>
    tpu.wait_dma2 semaphore(%arg14 : memref<!tpu.dma_semaphore, #tpu.memory_space<semaphore_mem>>) src(%dma_wait3A_556 : memref<1024xf32, #tpu.memory_space<vmem>>) dst(%dma_wait3A_554 : memref<1024xf32, #tpu.memory_space<hbm>>)
    %dma_wait3A_557 = arith.constant 0 : i32
    %dma_wait3A_558 = arith.constant 0 : i32
    %dma_wait3A_559 = arith.constant 0 : i32
    %dma_wait3A_560 = arith.constant 0 : i32
    %dma_wait3A_561 = tpu.memref_slice %arg10[%dma_wait3A_560] : memref<16384xf32, #tpu.memory_space<vmem>> -> memref<1024xf32, #tpu.memory_space<vmem>>
    %dma_wait3A_562 = arith.constant 0 : i32
    %dma_wait3A_563 = tpu.memref_slice %arg4[%dma_wait3A_557, %dma_wait3A_558, %dma_wait3A_559, %dma_wait3A_562] : memref<50x4x128x1024xf32, #tpu.memory_space<hbm>> -> memref<1x1x1x1024xf32, #tpu.memory_space<hbm>>
    %dma_wait3A_564 = tpu.memref_squeeze %dma_wait3A_563 : memref<1x1x1x1024xf32, #tpu.memory_space<hbm>> -> memref<1024xf32, #tpu.memory_space<hbm>>
    %dma_wait3A_565 = arith.constant 0 : i32
    %dma_wait3A_566 = tpu.memref_slice %arg4[%dma_wait3A_557, %dma_wait3A_558, %dma_wait3A_559, %dma_wait3A_565] : memref<50x4x128x1024xf32, #tpu.memory_space<hbm>> -> memref<1x1x1x1024xf32, #tpu.memory_space<hbm>>
    %dma_wait3A_567 = tpu.memref_squeeze %dma_wait3A_566 : memref<1x1x1x1024xf32, #tpu.memory_space<hbm>> -> memref<1024xf32, #tpu.memory_space<hbm>>
    %dma_wait3A_568 = arith.constant 0 : i32
    %dma_wait3A_569 = tpu.memref_slice %arg10[%dma_wait3A_568] : memref<16384xf32, #tpu.memory_space<vmem>> -> memref<1024xf32, #tpu.memory_space<vmem>>
    tpu.wait_dma2 semaphore(%arg14 : memref<!tpu.dma_semaphore, #tpu.memory_space<semaphore_mem>>) src(%dma_wait3A_569 : memref<1024xf32, #tpu.memory_space<vmem>>) dst(%dma_wait3A_567 : memref<1024xf32, #tpu.memory_space<hbm>>)
    %dma_wait3A_570 = arith.constant 0 : i32
    %dma_wait3A_571 = arith.constant 0 : i32
    %dma_wait3A_572 = arith.constant 0 : i32
    %dma_wait3A_573 = arith.constant 0 : i32
    %dma_wait3A_574 = tpu.memref_slice %arg10[%dma_wait3A_573] : memref<16384xf32, #tpu.memory_space<vmem>> -> memref<1024xf32, #tpu.memory_space<vmem>>
    %dma_wait3A_575 = arith.constant 0 : i32
    %dma_wait3A_576 = tpu.memref_slice %arg4[%dma_wait3A_570, %dma_wait3A_571, %dma_wait3A_572, %dma_wait3A_575] : memref<50x4x128x1024xf32, #tpu.memory_space<hbm>> -> memref<1x1x1x1024xf32, #tpu.memory_space<hbm>>
    %dma_wait3A_577 = tpu.memref_squeeze %dma_wait3A_576 : memref<1x1x1x1024xf32, #tpu.memory_space<hbm>> -> memref<1024xf32, #tpu.memory_space<hbm>>
    %dma_wait3A_578 = arith.constant 0 : i32
    %dma_wait3A_579 = tpu.memref_slice %arg4[%dma_wait3A_570, %dma_wait3A_571, %dma_wait3A_572, %dma_wait3A_578] : memref<50x4x128x1024xf32, #tpu.memory_space<hbm>> -> memref<1x1x1x1024xf32, #tpu.memory_space<hbm>>
    %dma_wait3A_580 = tpu.memref_squeeze %dma_wait3A_579 : memref<1x1x1x1024xf32, #tpu.memory_space<hbm>> -> memref<1024xf32, #tpu.memory_space<hbm>>
    %dma_wait3A_581 = arith.constant 0 : i32
    %dma_wait3A_582 = tpu.memref_slice %arg10[%dma_wait3A_581] : memref<16384xf32, #tpu.memory_space<vmem>> -> memref<1024xf32, #tpu.memory_space<vmem>>
    tpu.wait_dma2 semaphore(%arg14 : memref<!tpu.dma_semaphore, #tpu.memory_space<semaphore_mem>>) src(%dma_wait3A_582 : memref<1024xf32, #tpu.memory_space<vmem>>) dst(%dma_wait3A_580 : memref<1024xf32, #tpu.memory_space<hbm>>)
    %dma_wait3A_583 = arith.constant 0 : i32
    %dma_wait3A_584 = arith.constant 0 : i32
    %dma_wait3A_585 = arith.constant 0 : i32
    %dma_wait3A_586 = arith.constant 0 : i32
    %dma_wait3A_587 = tpu.memref_slice %arg10[%dma_wait3A_586] : memref<16384xf32, #tpu.memory_space<vmem>> -> memref<1024xf32, #tpu.memory_space<vmem>>
    %dma_wait3A_588 = arith.constant 0 : i32
    %dma_wait3A_589 = tpu.memref_slice %arg4[%dma_wait3A_583, %dma_wait3A_584, %dma_wait3A_585, %dma_wait3A_588] : memref<50x4x128x1024xf32, #tpu.memory_space<hbm>> -> memref<1x1x1x1024xf32, #tpu.memory_space<hbm>>
    %dma_wait3A_590 = tpu.memref_squeeze %dma_wait3A_589 : memref<1x1x1x1024xf32, #tpu.memory_space<hbm>> -> memref<1024xf32, #tpu.memory_space<hbm>>
    %dma_wait3A_591 = arith.constant 0 : i32
    %dma_wait3A_592 = tpu.memref_slice %arg4[%dma_wait3A_583, %dma_wait3A_584, %dma_wait3A_585, %dma_wait3A_591] : memref<50x4x128x1024xf32, #tpu.memory_space<hbm>> -> memref<1x1x1x1024xf32, #tpu.memory_space<hbm>>
    %dma_wait3A_593 = tpu.memref_squeeze %dma_wait3A_592 : memref<1x1x1x1024xf32, #tpu.memory_space<hbm>> -> memref<1024xf32, #tpu.memory_space<hbm>>
    %dma_wait3A_594 = arith.constant 0 : i32
    %dma_wait3A_595 = tpu.memref_slice %arg10[%dma_wait3A_594] : memref<16384xf32, #tpu.memory_space<vmem>> -> memref<1024xf32, #tpu.memory_space<vmem>>
    tpu.wait_dma2 semaphore(%arg14 : memref<!tpu.dma_semaphore, #tpu.memory_space<semaphore_mem>>) src(%dma_wait3A_595 : memref<1024xf32, #tpu.memory_space<vmem>>) dst(%dma_wait3A_593 : memref<1024xf32, #tpu.memory_space<hbm>>)
    %dma_wait3A_596 = arith.constant 0 : i32
    %dma_wait3A_597 = arith.constant 0 : i32
    %dma_wait3A_598 = arith.constant 0 : i32
    %dma_wait3A_599 = arith.constant 0 : i32
    %dma_wait3A_600 = tpu.memref_slice %arg10[%dma_wait3A_599] : memref<16384xf32, #tpu.memory_space<vmem>> -> memref<1024xf32, #tpu.memory_space<vmem>>
    %dma_wait3A_601 = arith.constant 0 : i32
    %dma_wait3A_602 = tpu.memref_slice %arg4[%dma_wait3A_596, %dma_wait3A_597, %dma_wait3A_598, %dma_wait3A_601] : memref<50x4x128x1024xf32, #tpu.memory_space<hbm>> -> memref<1x1x1x1024xf32, #tpu.memory_space<hbm>>
    %dma_wait3A_603 = tpu.memref_squeeze %dma_wait3A_602 : memref<1x1x1x1024xf32, #tpu.memory_space<hbm>> -> memref<1024xf32, #tpu.memory_space<hbm>>
    %dma_wait3A_604 = arith.constant 0 : i32
    %dma_wait3A_605 = tpu.memref_slice %arg4[%dma_wait3A_596, %dma_wait3A_597, %dma_wait3A_598, %dma_wait3A_604] : memref<50x4x128x1024xf32, #tpu.memory_space<hbm>> -> memref<1x1x1x1024xf32, #tpu.memory_space<hbm>>
    %dma_wait3A_606 = tpu.memref_squeeze %dma_wait3A_605 : memref<1x1x1x1024xf32, #tpu.memory_space<hbm>> -> memref<1024xf32, #tpu.memory_space<hbm>>
    %dma_wait3A_607 = arith.constant 0 : i32
    %dma_wait3A_608 = tpu.memref_slice %arg10[%dma_wait3A_607] : memref<16384xf32, #tpu.memory_space<vmem>> -> memref<1024xf32, #tpu.memory_space<vmem>>
    tpu.wait_dma2 semaphore(%arg14 : memref<!tpu.dma_semaphore, #tpu.memory_space<semaphore_mem>>) src(%dma_wait3A_608 : memref<1024xf32, #tpu.memory_space<vmem>>) dst(%dma_wait3A_606 : memref<1024xf32, #tpu.memory_space<hbm>>)
    %dma_wait3A_609 = arith.constant 0 : i32
    %dma_wait3A_610 = arith.constant 0 : i32
    %dma_wait3A_611 = arith.constant 0 : i32
    %dma_wait3A_612 = arith.constant 0 : i32
    %dma_wait3A_613 = tpu.memref_slice %arg10[%dma_wait3A_612] : memref<16384xf32, #tpu.memory_space<vmem>> -> memref<1024xf32, #tpu.memory_space<vmem>>
    %dma_wait3A_614 = arith.constant 0 : i32
    %dma_wait3A_615 = tpu.memref_slice %arg4[%dma_wait3A_609, %dma_wait3A_610, %dma_wait3A_611, %dma_wait3A_614] : memref<50x4x128x1024xf32, #tpu.memory_space<hbm>> -> memref<1x1x1x1024xf32, #tpu.memory_space<hbm>>
    %dma_wait3A_616 = tpu.memref_squeeze %dma_wait3A_615 : memref<1x1x1x1024xf32, #tpu.memory_space<hbm>> -> memref<1024xf32, #tpu.memory_space<hbm>>
    %dma_wait3A_617 = arith.constant 0 : i32
    %dma_wait3A_618 = tpu.memref_slice %arg4[%dma_wait3A_609, %dma_wait3A_610, %dma_wait3A_611, %dma_wait3A_617] : memref<50x4x128x1024xf32, #tpu.memory_space<hbm>> -> memref<1x1x1x1024xf32, #tpu.memory_space<hbm>>
    %dma_wait3A_619 = tpu.memref_squeeze %dma_wait3A_618 : memref<1x1x1x1024xf32, #tpu.memory_space<hbm>> -> memref<1024xf32, #tpu.memory_space<hbm>>
    %dma_wait3A_620 = arith.constant 0 : i32
    %dma_wait3A_621 = tpu.memref_slice %arg10[%dma_wait3A_620] : memref<16384xf32, #tpu.memory_space<vmem>> -> memref<1024xf32, #tpu.memory_space<vmem>>
    tpu.wait_dma2 semaphore(%arg14 : memref<!tpu.dma_semaphore, #tpu.memory_space<semaphore_mem>>) src(%dma_wait3A_621 : memref<1024xf32, #tpu.memory_space<vmem>>) dst(%dma_wait3A_619 : memref<1024xf32, #tpu.memory_space<hbm>>)
    %dma_wait3A_622 = arith.constant 0 : i32
    %dma_wait3A_623 = arith.constant 0 : i32
    %dma_wait3A_624 = arith.constant 0 : i32
    %dma_wait3A_625 = arith.constant 0 : i32
    %dma_wait3A_626 = tpu.memref_slice %arg10[%dma_wait3A_625] : memref<16384xf32, #tpu.memory_space<vmem>> -> memref<1024xf32, #tpu.memory_space<vmem>>
    %dma_wait3A_627 = arith.constant 0 : i32
    %dma_wait3A_628 = tpu.memref_slice %arg4[%dma_wait3A_622, %dma_wait3A_623, %dma_wait3A_624, %dma_wait3A_627] : memref<50x4x128x1024xf32, #tpu.memory_space<hbm>> -> memref<1x1x1x1024xf32, #tpu.memory_space<hbm>>
    %dma_wait3A_629 = tpu.memref_squeeze %dma_wait3A_628 : memref<1x1x1x1024xf32, #tpu.memory_space<hbm>> -> memref<1024xf32, #tpu.memory_space<hbm>>
    %dma_wait3A_630 = arith.constant 0 : i32
    %dma_wait3A_631 = tpu.memref_slice %arg4[%dma_wait3A_622, %dma_wait3A_623, %dma_wait3A_624, %dma_wait3A_630] : memref<50x4x128x1024xf32, #tpu.memory_space<hbm>> -> memref<1x1x1x1024xf32, #tpu.memory_space<hbm>>
    %dma_wait3A_632 = tpu.memref_squeeze %dma_wait3A_631 : memref<1x1x1x1024xf32, #tpu.memory_space<hbm>> -> memref<1024xf32, #tpu.memory_space<hbm>>
    %dma_wait3A_633 = arith.constant 0 : i32
    %dma_wait3A_634 = tpu.memref_slice %arg10[%dma_wait3A_633] : memref<16384xf32, #tpu.memory_space<vmem>> -> memref<1024xf32, #tpu.memory_space<vmem>>
    tpu.wait_dma2 semaphore(%arg14 : memref<!tpu.dma_semaphore, #tpu.memory_space<semaphore_mem>>) src(%dma_wait3A_634 : memref<1024xf32, #tpu.memory_space<vmem>>) dst(%dma_wait3A_632 : memref<1024xf32, #tpu.memory_space<hbm>>)
    %dma_wait3A_635 = arith.constant 0 : i32
    %dma_wait3A_636 = arith.constant 0 : i32
    %dma_wait3A_637 = arith.constant 0 : i32
    %dma_wait3A_638 = arith.constant 0 : i32
    %dma_wait3A_639 = tpu.memref_slice %arg10[%dma_wait3A_638] : memref<16384xf32, #tpu.memory_space<vmem>> -> memref<1024xf32, #tpu.memory_space<vmem>>
    %dma_wait3A_640 = arith.constant 0 : i32
    %dma_wait3A_641 = tpu.memref_slice %arg4[%dma_wait3A_635, %dma_wait3A_636, %dma_wait3A_637, %dma_wait3A_640] : memref<50x4x128x1024xf32, #tpu.memory_space<hbm>> -> memref<1x1x1x1024xf32, #tpu.memory_space<hbm>>
    %dma_wait3A_642 = tpu.memref_squeeze %dma_wait3A_641 : memref<1x1x1x1024xf32, #tpu.memory_space<hbm>> -> memref<1024xf32, #tpu.memory_space<hbm>>
    %dma_wait3A_643 = arith.constant 0 : i32
    %dma_wait3A_644 = tpu.memref_slice %arg4[%dma_wait3A_635, %dma_wait3A_636, %dma_wait3A_637, %dma_wait3A_643] : memref<50x4x128x1024xf32, #tpu.memory_space<hbm>> -> memref<1x1x1x1024xf32, #tpu.memory_space<hbm>>
    %dma_wait3A_645 = tpu.memref_squeeze %dma_wait3A_644 : memref<1x1x1x1024xf32, #tpu.memory_space<hbm>> -> memref<1024xf32, #tpu.memory_space<hbm>>
    %dma_wait3A_646 = arith.constant 0 : i32
    %dma_wait3A_647 = tpu.memref_slice %arg10[%dma_wait3A_646] : memref<16384xf32, #tpu.memory_space<vmem>> -> memref<1024xf32, #tpu.memory_space<vmem>>
    tpu.wait_dma2 semaphore(%arg14 : memref<!tpu.dma_semaphore, #tpu.memory_space<semaphore_mem>>) src(%dma_wait3A_647 : memref<1024xf32, #tpu.memory_space<vmem>>) dst(%dma_wait3A_645 : memref<1024xf32, #tpu.memory_space<hbm>>)
    %dma_wait3A_648 = arith.constant 0 : i32
    %dma_wait3A_649 = arith.constant 0 : i32
    %dma_wait3A_650 = arith.constant 0 : i32
    %dma_wait3A_651 = arith.constant 0 : i32
    %dma_wait3A_652 = tpu.memref_slice %arg10[%dma_wait3A_651] : memref<16384xf32, #tpu.memory_space<vmem>> -> memref<1024xf32, #tpu.memory_space<vmem>>
    %dma_wait3A_653 = arith.constant 0 : i32
    %dma_wait3A_654 = tpu.memref_slice %arg4[%dma_wait3A_648, %dma_wait3A_649, %dma_wait3A_650, %dma_wait3A_653] : memref<50x4x128x1024xf32, #tpu.memory_space<hbm>> -> memref<1x1x1x1024xf32, #tpu.memory_space<hbm>>
    %dma_wait3A_655 = tpu.memref_squeeze %dma_wait3A_654 : memref<1x1x1x1024xf32, #tpu.memory_space<hbm>> -> memref<1024xf32, #tpu.memory_space<hbm>>
    %dma_wait3A_656 = arith.constant 0 : i32
    %dma_wait3A_657 = tpu.memref_slice %arg4[%dma_wait3A_648, %dma_wait3A_649, %dma_wait3A_650, %dma_wait3A_656] : memref<50x4x128x1024xf32, #tpu.memory_space<hbm>> -> memref<1x1x1x1024xf32, #tpu.memory_space<hbm>>
    %dma_wait3A_658 = tpu.memref_squeeze %dma_wait3A_657 : memref<1x1x1x1024xf32, #tpu.memory_space<hbm>> -> memref<1024xf32, #tpu.memory_space<hbm>>
    %dma_wait3A_659 = arith.constant 0 : i32
    %dma_wait3A_660 = tpu.memref_slice %arg10[%dma_wait3A_659] : memref<16384xf32, #tpu.memory_space<vmem>> -> memref<1024xf32, #tpu.memory_space<vmem>>
    tpu.wait_dma2 semaphore(%arg14 : memref<!tpu.dma_semaphore, #tpu.memory_space<semaphore_mem>>) src(%dma_wait3A_660 : memref<1024xf32, #tpu.memory_space<vmem>>) dst(%dma_wait3A_658 : memref<1024xf32, #tpu.memory_space<hbm>>)
    %dma_wait3A_661 = arith.constant 0 : i32
    %dma_wait3A_662 = arith.constant 0 : i32
    %dma_wait3A_663 = arith.constant 0 : i32
    %dma_wait3A_664 = arith.constant 0 : i32
    %dma_wait3A_665 = tpu.memref_slice %arg10[%dma_wait3A_664] : memref<16384xf32, #tpu.memory_space<vmem>> -> memref<1024xf32, #tpu.memory_space<vmem>>
    %dma_wait3A_666 = arith.constant 0 : i32
    %dma_wait3A_667 = tpu.memref_slice %arg4[%dma_wait3A_661, %dma_wait3A_662, %dma_wait3A_663, %dma_wait3A_666] : memref<50x4x128x1024xf32, #tpu.memory_space<hbm>> -> memref<1x1x1x1024xf32, #tpu.memory_space<hbm>>
    %dma_wait3A_668 = tpu.memref_squeeze %dma_wait3A_667 : memref<1x1x1x1024xf32, #tpu.memory_space<hbm>> -> memref<1024xf32, #tpu.memory_space<hbm>>
    %dma_wait3A_669 = arith.constant 0 : i32
    %dma_wait3A_670 = tpu.memref_slice %arg4[%dma_wait3A_661, %dma_wait3A_662, %dma_wait3A_663, %dma_wait3A_669] : memref<50x4x128x1024xf32, #tpu.memory_space<hbm>> -> memref<1x1x1x1024xf32, #tpu.memory_space<hbm>>
    %dma_wait3A_671 = tpu.memref_squeeze %dma_wait3A_670 : memref<1x1x1x1024xf32, #tpu.memory_space<hbm>> -> memref<1024xf32, #tpu.memory_space<hbm>>
    %dma_wait3A_672 = arith.constant 0 : i32
    %dma_wait3A_673 = tpu.memref_slice %arg10[%dma_wait3A_672] : memref<16384xf32, #tpu.memory_space<vmem>> -> memref<1024xf32, #tpu.memory_space<vmem>>
    tpu.wait_dma2 semaphore(%arg14 : memref<!tpu.dma_semaphore, #tpu.memory_space<semaphore_mem>>) src(%dma_wait3A_673 : memref<1024xf32, #tpu.memory_space<vmem>>) dst(%dma_wait3A_671 : memref<1024xf32, #tpu.memory_space<hbm>>)
    %dma_wait3A_674 = arith.constant 0 : i32
    %dma_wait3A_675 = arith.constant 0 : i32
    %dma_wait3A_676 = arith.constant 0 : i32
    %dma_wait3A_677 = arith.constant 0 : i32
    %dma_wait3A_678 = tpu.memref_slice %arg10[%dma_wait3A_677] : memref<16384xf32, #tpu.memory_space<vmem>> -> memref<1024xf32, #tpu.memory_space<vmem>>
    %dma_wait3A_679 = arith.constant 0 : i32
    %dma_wait3A_680 = tpu.memref_slice %arg4[%dma_wait3A_674, %dma_wait3A_675, %dma_wait3A_676, %dma_wait3A_679] : memref<50x4x128x1024xf32, #tpu.memory_space<hbm>> -> memref<1x1x1x1024xf32, #tpu.memory_space<hbm>>
    %dma_wait3A_681 = tpu.memref_squeeze %dma_wait3A_680 : memref<1x1x1x1024xf32, #tpu.memory_space<hbm>> -> memref<1024xf32, #tpu.memory_space<hbm>>
    %dma_wait3A_682 = arith.constant 0 : i32
    %dma_wait3A_683 = tpu.memref_slice %arg4[%dma_wait3A_674, %dma_wait3A_675, %dma_wait3A_676, %dma_wait3A_682] : memref<50x4x128x1024xf32, #tpu.memory_space<hbm>> -> memref<1x1x1x1024xf32, #tpu.memory_space<hbm>>
    %dma_wait3A_684 = tpu.memref_squeeze %dma_wait3A_683 : memref<1x1x1x1024xf32, #tpu.memory_space<hbm>> -> memref<1024xf32, #tpu.memory_space<hbm>>
    %dma_wait3A_685 = arith.constant 0 : i32
    %dma_wait3A_686 = tpu.memref_slice %arg10[%dma_wait3A_685] : memref<16384xf32, #tpu.memory_space<vmem>> -> memref<1024xf32, #tpu.memory_space<vmem>>
    tpu.wait_dma2 semaphore(%arg14 : memref<!tpu.dma_semaphore, #tpu.memory_space<semaphore_mem>>) src(%dma_wait3A_686 : memref<1024xf32, #tpu.memory_space<vmem>>) dst(%dma_wait3A_684 : memref<1024xf32, #tpu.memory_space<hbm>>)
    return
  }
}

</mosaic_0001>

<sc_bundles>
// kernel: kernel.3.cloned.1.call-start
scs
__scs_entry_jumppad:
0x0: {  	(pc) =	sbr.rel $0x88, $3  }
0x1: {  	(tag) =	ssettag $0x0;
	lr =	simm.s32 $0x1  }
0x2: {  	[smem:$0x3F9F] =	sst lr;
	_ =	strace $0xD0000000  }
0x3: {  	_ = 	snop  }
0x4: {  	_ = 	snop  }
0x5: {  	_ = 	snop  }
0x6: {  	_ = 	snop  }
0x7: {  	_ = 	snop  }
__scs_overlays_trampoline_lowered:
0x8: {  	[smem:$0x3FAE] =	sst s0  }
0x9: {  	[smem:$0x3FAF] =	sst s1  }
0xa: {  	[smem:$0x3FB0] =	sst s2  }
0xb: {  	[smem:$0x3FB1] =	sst s3  }
0xc: {  	[smem:$0x3FB2] =	sst s4  }
0xd: {  	[smem:$0x3FB3] =	sst s5  }
0xe: {  	[smem:$0x3FB4] =	sst s6  }
0xf: {  	[smem:$0x3FB5] =	sst s7  }
0x10: {  	[smem:$0x3FB6] =	sst s8  }
0x11: {  	[smem:$0x3FB7] =	sst s9;
	s0 =	simm.s32 @!p0 $0x0  }
0x12: {  	s1 =	sld [smem:$0x3F9D];
	s0 =	simm.s32 @p0 $0x1  }
0x13: {  	[smem:$0x3FB8] =	sst s0;
	s0 =	simm.s32 @!p1 $0x0  }
0x14: {  	s2 =	sld [smem:$0x3F9C];
	s0 =	simm.s32 @p1 $0x1  }
0x15: {  	[smem:$0x3FB9] =	sst s0;
	s0 =	simm.s32 @!p2 $0x0  }
0x16: {  	s3 =	sld [smem:$0x3FDB];
	s0 =	simm.s32 @p2 $0x1  }
0x17: {  	s4 =	simm.s32 $0x1BF5;
	[smem:$0x3FBB] =	sst s0  }
0x18: {  	s0 =	sld [smem:$0x3F9E];
	_ =	swait.ge [sflag:s4], $0x0  }
0x19: {  	s7 =	sld [smem:$0x3F9F]  }
0x1a: {  	s8 =	sadd.s32 $0xFFFFE003, lr  }
0x1b: {  	s9 =	sadd.s32 $0xFFFFFEF7, lr;
	s5 =	simm.s32 $0xFFFFFFFF;
	p2 =	slt.u32 s8, $0xFFFFF086  }
0x1c: {  	p1 =	slt.u32 s9, $0xF7A;
	s5 =	simm.s32 @!p2 $0x0  }
0x1d: {  	s5 =	simm.s32 @p1 $0x1;
	p0 =	seq.s32 s7, s2  }
0x1e: {  	s7 =	smul.u32 @!p0 $0xF7A, s2;
	p2 =	seq.s32 @!p0 s5, $0x0  }
0x1f: {  	s9 =	smul.u32 $0xF7A, s1;
	s8 =	simm.s32 @!p0 $0x1BF5;
	p2 =	por !p2, p0  }
0x20: {  	[sflag:s8] =	ssyncset.s32 @!p0 $0xFFFFF086;
	s6 =	sadd.s32 @!p0 s3, s7;
	s7 =	simm.s32 @!p0 $0x108  }
0x21: {  	s3 =	sadd.s32 s3, s9;
	s6 =	sadd.s32 @!p0 $0x88, s6;
	s7 =	simm.s32 @p2 $0x1082  }
0x22: {  	[simem:s7], [sflag:s8] =	dma.local @!p0 [hbm:s6], $0xF7A  }
0x23: {  	s9 =	sor.u32 $0xD0000000, s2;
	s6 =	simm.s32 $0x108;
	_ =	swait.ge @!p0 [sflag:s8], $0x0  }
0x24: {  	s3 =	sadd.s32 $0x88, s3;
	s6 =	simm.s32 @!p1 $0x1082;
	[sflag:s4] =	ssyncset.s32 $0xFFFFF086  }
0x25: {  	[simem:s6], [sflag:s4] =	dma.local [hbm:s3], $0xF7A  }
0x26: {  	[smem:$0x3F9F] =	sst s1;
	(tag) =	ssettag s2;
	_ =	strace s9  }
0x27: {  	s1 =	sld [smem:$0x3FAF]  }
0x28: {  	s2 =	sld [smem:$0x3FB0]  }
0x29: {  	s4 =	sld [smem:$0x3FB2]  }
0x2a: {  	p0 =	seq.s32 s5, $0x0;
	s5 =	sld [smem:$0x3FB3]  }
0x2b: {  	s6 =	sld [smem:$0x3FB4]  }
0x2c: {  	s7 =	sld [smem:$0x3FB5]  }
0x2d: {  	s3 =	simm.s32 $0x108;
	s8 =	sld [smem:$0x3FB6]  }
0x2e: {  	s3 =	simm.s32 @!p0 $0x1082;
	s9 =	sld [smem:$0x3FB7]  }
0x2f: {  	lr =	sadd.s32 s0, s3;
	s0 =	sld [smem:$0x3FAE]  }
0x30: {  	s3 =	sld [smem:$0x3FB1]  }
0x31: {  	[smem:$0x3FBA] =	sst s10  }
0x32: {  	s10 =	sld [smem:$0x3FB8];
	_ =	sdelay $0x3  }
0x33: {  	p0 =	seq.s32 s10, $0x1;
	s10 =	sld [smem:$0x3FBA];
	_ =	sdelay $0x3  }
0x34: {  	[smem:$0x3FBA] =	sst s10  }
0x35: {  	s10 =	sld [smem:$0x3FB9];
	_ =	sdelay $0x3  }
0x36: {  	p1 =	seq.s32 s10, $0x1;
	s10 =	sld [smem:$0x3FBA];
	_ =	sdelay $0x3  }
0x37: {  	[smem:$0x3FBA] =	sst s10  }
0x38: {  	s10 =	sld [smem:$0x3FBB]  }
0x39: {  	_ = 	snop;
	(pc) =	sbr.ind lr, $3  }
0x3a: {  	_ = 	snop  }
0x3b: {  	_ = 	snop  }
0x3c: {  	p2 =	seq.s32 s10, $0x1;
	s10 =	sld [smem:$0x3FBA]  }
0x3d: {  	_ =	shalt  }
0x3e: {  	_ =	shalt  }
0x3f: {  	_ =	shalt  }
0x40: {  	_ =	shalt  }
0x41: {  	_ =	shalt  }
0x42: {  	_ =	shalt  }
0x43: {  	_ =	shalt  }
0x44: {  	_ =	shalt  }
0x45: {  	_ =	shalt  }
0x46: {  	_ =	shalt  }
0x47: {  	_ =	shalt  }
0x48: {  	_ =	shalt  }
0x49: {  	_ =	shalt  }
0x4a: {  	_ =	shalt  }
0x4b: {  	_ =	shalt  }
0x4c: {  	_ =	shalt  }
0x4d: {  	_ =	shalt  }
0x4e: {  	_ =	shalt  }
0x4f: {  	_ =	shalt  }
0x50: {  	_ =	shalt  }
0x51: {  	_ =	shalt  }
0x52: {  	_ =	shalt  }
0x53: {  	_ =	shalt  }
0x54: {  	_ =	shalt  }
0x55: {  	_ =	shalt  }
0x56: {  	_ =	shalt  }
0x57: {  	_ =	shalt  }
0x58: {  	_ =	shalt  }
0x59: {  	_ =	shalt  }
0x5a: {  	_ =	shalt  }
0x5b: {  	_ =	shalt  }
0x5c: {  	_ =	shalt  }
0x5d: {  	_ =	shalt  }
0x5e: {  	_ =	shalt  }
0x5f: {  	_ =	shalt  }
0x60: {  	_ =	shalt  }
0x61: {  	_ =	shalt  }
0x62: {  	_ =	shalt  }
0x63: {  	_ =	shalt  }
0x64: {  	_ =	shalt  }
0x65: {  	_ =	shalt  }
0x66: {  	_ =	shalt  }
0x67: {  	_ =	shalt  }
0x68: {  	_ =	shalt  }
0x69: {  	_ =	shalt  }
0x6a: {  	_ =	shalt  }
0x6b: {  	_ =	shalt  }
0x6c: {  	_ =	shalt  }
0x6d: {  	_ =	shalt  }
0x6e: {  	_ =	shalt  }
0x6f: {  	_ =	shalt  }
0x70: {  	_ =	shalt  }
0x71: {  	_ =	shalt  }
0x72: {  	_ =	shalt  }
0x73: {  	_ =	shalt  }
0x74: {  	_ =	shalt  }
0x75: {  	_ =	shalt  }
0x76: {  	_ =	shalt  }
0x77: {  	_ =	shalt  }
0x78: {  	_ =	shalt  }
0x79: {  	_ =	shalt  }
0x7a: {  	_ =	shalt  }
0x7b: {  	_ =	shalt  }
0x7c: {  	_ =	shalt  }
0x7d: {  	_ =	shalt  }
0x7e: {  	_ =	shalt  }
0x7f: {  	_ =	shalt  }
0x80: {  	_ =	shalt  }
0x81: {  	_ =	shalt  }
0x82: {  	_ =	shalt  }
0x83: {  	_ =	shalt  }
0x84: {  	_ =	shalt  }
0x85: {  	_ =	shalt  }
0x86: {  	_ =	shalt  }
0x87: {  	_ =	shalt  }
.Lfunc_end0:
.L_simem_size_0:
called_computation_lowered:
.L_overlay_start_0:
0x88: {  	s2 =	sld [smem:$0x3FD9]  }
0x89: {  	s3 =	sld [smem:$0x3FFE];
	_ =	sdelay $0x1  }
0x8a: {  	s1 =	srdreg.scid  }
0x8b: {  	s0 =	sand.u32 $0x1, s1  }
0x8c: {  	s17 =	sshll.u32 s0, $0xA;
	s2 =	sadd.s32 s3, s2  }
0x8d: {  	s2 =	sadd.s32 s2, s17  }
0x8e: {  	[smem:$0x3FC6] =	sst s2  }
0x8f: {  	_ = 	snop  }
0x90: {  	s2 =	sld [smem:$0x3FD0];
	(tm) =	ssettm $0x1  }
0x91: {  	s18 =	sld [smem:$0x3FFB];
	_ =	sdelay $0x3  }
0x92: {  	_ =	strace s18  }
0x93: {  	s3 =	sld [smem:$0x3FFC];
	_ =	sdelay $0x3  }
0x94: {  	_ =	strace s3  }
0x95: {  	s3 =	sld [smem:$0x3FFD];
	_ =	sdelay $0x3  }
0x96: {  	_ =	strace s3  }
0x97: {  	_ =	strace $0x8FFFFFFF  }
0x98: {  	s19 =	sld [smem:$0x3FDB];
	_ =	sdelay $0x1  }
0x99: {  	s4 =	simm.s32 $_scs_section_size  }
0x9a: {  	s5 =	simm.s32 $_size__tile_overlayer_lowered;
	s6 =	simm.s32 $_tile_overlayer_lowered  }
0x9b: {  	s22 =	simm.s32 $0x1BFF;
	s21 =	sshll.u32 s6, $0x1;
	s3 =	sadd.s32 s4, s19  }
0x9c: {  	s7 =	simm.s32 $0x0;
	s20 =	sshll.u32 s5, $0x1;
	s5 =	sadd.s32 s21, s3  }
0x9d: {  	[timem:s7], [sflag:s22] =	dma.local [hbm:s5], s20  }
0x9e: {  	_ =	swait.ge [sflag:s22], s20  }
0x9f: {  	s4 =	ssub.s32 $0x0, s20;
	[sflag:s22] =	ssyncset.done $0x0  }
0xa0: {  	[sflag:s22] =	ssyncadd.s32 s4;
	_ =	sdelay $0x1  }
0xa1: {  	s23 =	simm.s32 $0x1B8B  }
0xa2: {  	_ =	swait.ge [sflag:s23], $0x1  }
0xa3: {  	[sflag:s23] =	ssyncset.done $0x0  }
0xa4: {  	s25 =	simm.s32 $0x1B8E;
	s24 =	sld [smem:$0x3FFE];
	[sflag:s23] =	ssyncadd.s32 $0xFFFFFFFF  }
0xa5: {  	s26 =	simm.s32 $execute0_lowered;
	[smem:$0x3FD2] =	sst s25  }
0xa6: {  	s5 =	sshll.u32 s26, $0x1;
	_ =	strace $0x80000046;
	[dreg:$0x1] =	wrdreg $0xFFFFFFFF  }
0xa7: {  	s28 =	simm.s32 $_size_execute0_lowered;
	s3 =	sadd.s32 s3, s5;
	[dreg:$0x0] =	wrdreg $0x0  }
0xa8: {  	s5 =	sshll.u32 s28, $0x1;
	[dreg:$0x2] =	wrdreg s3  }
0xa9: {  	[dreg:$0x3] =	wrdreg s5  }
0xaa: {  	[dreg:$0x4] =	wrdreg $0xC0  }
0xab: {  	_ =	task [dreg:s7], $0x5FFFF  }
0xac: {  	[dreg:$0x1] =	wrdreg $0xFFFFFFFF  }
0xad: {  	[dreg:$0x0] =	wrdreg $0x60  }
0xae: {  	[dreg:$0x2] =	wrdreg s24  }
0xaf: {  	[dreg:$0x3] =	wrdreg s2  }
0xb0: {  	[dreg:$0x4] =	wrdreg $0x9  }
0xb1: {  	_ =	task.clear_ibuf [dreg:s7], $0x5FFFF;
	_ =	strace $0x90000046  }
0xb2: {  	s29 =	simm.s32 $0x9;
	_ =	strace $0x80000048  }
0xb3: {  	_ =	swait.ge [sflag:s29], $0x1  }
0xb4: {  	[sflag:s29] =	ssyncadd.s32 $0xFFFFFFFF  }
0xb5: {  	_ =	strace $0x90000048  }
0xb6: {  	_ =	sfence  }
0xb7: {  	s30 =	sld [smem:$0x0];
	_ =	sdelay $0x2  }
0xb8: {  	s31 =	sshll.u32 s1, $0xD;
	s1 =	sshrl.u32 s1, $0x2  }
0xb9: {  	s3 =	sand.u32 $0x4000, s31;
	s1 =	sadd.s32 s1, s30  }
0xba: {  	s0 =	sor.u32 s3, s0;
	s1 =	sshll.u32 s1, $0x11  }
0xbb: {  	s0 =	sor.u32 s1, s0  }
0xbc: {  	s0 =	sadd.s32 $0x8F2B, s0  }
0xbd: {  	[sflag:s0] =	ssyncadd.remote.s32 $0x1  }
0xbe: {  	_ =	sfence.sel $0xFFFF  }
0xbf: {  	[dreg:$0x0] =	wrdreg $0xFFFFFFFF;
	(pc) =	sbr.abs _section_cstart, $3  }
0xc0: {  	[dreg:$0x1] =	wrdreg $0xFFFFFFFF  }
0xc1: {  	_ =	task.clear_ibuf [dreg:s7], $0x2FFFF;
	_ =	strace $0x9FFFFFFF  }
0xc2: {  	(tm) =	ssettm $0x7FFFFFFF  }
0xc3: {  	_ =	shalt  }
tec
execute0_lowered:
.L_overlay_start_1:
0x0: {  	(tag) =	ssettag $0x1  }
0x1: {  	s1 =	srdreg.scid;
	s4 =	stileid.u32  }
0x2: {  	s1 =	sand.u32 $0x1, s1;
	s4 =	sshll.u32 s4, $0x1  }
0x3: {  	s8 =	sor.u32 s1, s4  }
0x4: {  	s2 =	rddreg [dreg:$0x1];
	s6 =	sshll.u32 s8, $0x9  }
0x5: {  	s0 =	rddreg [dreg:$0x0];
	s3 =	simm.s32 $0x0;
	vm0 =	vcmask $0xB08;
	s9 =	sadd.s32 s6, s2  }
0x6: {  	v0 =	vimm.s32 $0xEFCDAB89;
	v1 =	vimm.s32 $0x67452301;
	s30 =	simm.s32 $0x5;
	[smem:$0x7FF] =	sst s3;
	s10 =	sadd.s32 $0x310000, s9  }
0x7: {  	vm1 =	vcmask $0x300;
	v2 =	vimm.s32 $0xDCFE98BA;
	_ =	strace $0x80000047;
	s11 =	sadd.s32 $0x314000, s9;
	[dreg:$0x3] =	wrdreg s10  }
0x8: {  	v3 =	vimm.s32 $0x54761032;
	s31 =	simm.s32 $0x200;
	v4 =	vimm.s32 $0xFEDCBA98;
	s12 =	sadd.s32 $0x318000, s9;
	[dreg:$0x4] =	wrdreg s11  }
0x9: {  	vm2 =	vcmask $0x700;
	v5 =	vimm.s32 $0x76543210;
	s5 =	sadd.s32 $0xF42A00, s0;
	vm0 =	vmor vm1, vm0;
	s13 =	sadd.s32 $0x31C000, s9;
	[dreg:$0x5] =	wrdreg s12  }
0xa: {  	s7 =	sadd.s32 $0xE00, s0;
	vm1 =	vcmask $0x1310;
	v0 =	vunpack.c.l.s4.s8 v0;
	v1 =	vunpack.c.l.s4.s8 v1;
	s14 =	sadd.s32 $0x310080, s9;
	[dreg:$0x6] =	wrdreg s13  }
0xb: {  	s28 =	sadd.s32 $0x8000, s2;
	v2 =	vunpack.c.l.s4.s8 v2;
	vm0 =	vmor vm0, vm1;
	vm1 =	vcmask $0x1B18;
	s15 =	sadd.s32 $0x314080, s9;
	[dreg:$0x7] =	wrdreg s14  }
0xc: {  	v3 =	vunpack.c.l.s4.s8 v3;
	s29 =	sadd.s32 $0xC000, s2;
	vm0 =	vmor vm0, vm1;
	vm1 =	vcmask $0x2320;
	s16 =	sadd.s32 $0x318080, s9;
	[dreg:$0x8] =	wrdreg s15  }
0xd: {  	s4 =	sadd.s32 $0x600, s0;
	v0 =	vunpack.c.0.s8.s32 v0;
	v1 =	vunpack.c.0.s8.s32 v1;
	v2 =	vunpack.c.0.s8.s32 v2;
	s17 =	sadd.s32 $0x31C080, s9;
	[dreg:$0x9] =	wrdreg s16  }
0xe: {  	s20 =	ssub.s32 $0x2, s1;
	v3 =	vunpack.c.0.s8.s32 v3;
	vm0 =	vmor vm0, vm1;
	vm1 =	vcmask $0x2B28;
	s18 =	sadd.s32 $0x310100, s9;
	[dreg:$0xa] =	wrdreg s17  }
0xf: {  	vm3 =	vcmask $0xF00;
	v4 =	vunpack.c.l.s4.s8 v4;
	s1 =	simm.s32 $0x3;
	s19 =	sadd.s32 $0x314100, s9;
	vm0 =	vmor vm0, vm1;
	[dreg:$0xb] =	wrdreg s18  }
0x10: {  	s6 =	sshll.u32 s8, $0xC;
	s21 =	sadd.s32 $0x318100, s9;
	vm1 =	vcmask $0x3330;
	v0 =	vcombine.low v1, v0;
	v1 =	vcombine.low v3, v2;
	[dreg:$0xc] =	wrdreg s19  }
0x11: {  	s22 =	sshrl.u32 s20, $0x1;
	s23 =	sadd.s32 $0x310180, s9;
	v2 =	vimm.s32 $0xBA98FEDC;
	v3 =	vimm.s32 $0x32107654;
	[dreg:$0xd] =	wrdreg s21;
	vm0 =	vmor vm0, vm1  }
0x12: {  	s0 =	ssub.s32 s20, s22;
	s24 =	sadd.s32 $0x314180, s9;
	[dreg:$0xf] =	wrdreg s23;
	vm1 =	vcmask $0x3B38;
	v2 =	vunpack.c.l.s4.s8 v2;
	v3 =	vunpack.c.l.s4.s8 v3  }
0x13: {  	v5 =	vunpack.c.l.s4.s8 v5;
	v4 =	vunpack.c.0.s8.s32 v4;
	s22 =	sshll.u32 s8, $0x6;
	s25 =	sadd.s32 $0x318180, s9;
	[dreg:$0x10] =	wrdreg s24;
	vm0 =	vmor vm0, vm1  }
0x14: {  	s8 =	simm.s32 $0x1;
	s26 =	sadd.s32 $0x31C180, s9;
	[dreg:$0x11] =	wrdreg s25;
	vm1 =	vcmask $0x1710;
	v2 =	vunpack.c.0.s8.s32 v2;
	v3 =	vunpack.c.0.s8.s32 v3  }
0x15: {  	s20 =	simm.s32 $0xB000;
	s0 =	smax.u32 s0, $0x1;
	v4 =	vand.u32 $0xF, v4;
	[dreg:$0x12] =	wrdreg s26;
	v0 =	vand.u32 $0xF, v0;
	vm1 =	vmor vm2, vm1  }
0x16: {  	s10 =	sadd.s32 $0x31C100, s9;
	[dreg:$0x13] =	wrdreg s0;
	s26 =	sadd.s32 $0x4000, s2;
	vm2 =	vcmask $0x2720;
	v2 =	vcombine.low v3, v2;
	v3 =	vunpack.c.0.s8.s32 v5  }
0x17: {  	s19 =	simm.s32 $0xAC00;
	s21 =	simm.s32 $0xB400;
	s23 =	simm.s32 $0xB800;
	v1 =	vand.u32 $0xF, v1;
	vm1 =	vmor vm1, vm2;
	vm2 =	vcmask $0x3730  }
0x18: {  	s24 =	simm.s32 $0xBC00;
	s25 =	simm.s32 $0xC000;
	s0 =	simm.s32 $0x2;
	vm1 =	vmor vm1, vm2;
	vm2 =	vcmask $0x2F20;
	v3 =	vcombine.low v4, v3  }
0x19: {  	s9 =	simm.s32 $0x4;
	s11 =	simm.s32 $0x0;
	[dreg:$0xe] =	wrdreg s10;
	vm2 =	vmor vm3, vm2;
	vm3 =	vmmov $0xff;
	v2 =	vand.u32 $0xF, v2  }
.LBB2_1:
0x1a: {  	[dreg:$0x14] =	wrdreg s11;
	s10 =	simm.s32 $0x0  }
.LBB2_2:
0x1b: {  	p0 =	seq.s32 s10, $0x0  }
0x1c: {  	s12 =	simm.s32 @!p0 $0x3  }
0x1d: {  	_ =	swait.ge @!p0 [sflag:s12], $0x400  }
0x1e: {  	[sflag:s12] =	ssyncset.done @!p0 $0x0  }
0x1f: {  	[sflag:s12] =	ssyncadd.s32 @!p0 $0xFFFFFC00  }
0x20: {  	_ =	swait.ge @!p0 [sflag:s12], $0x400  }
0x21: {  	[sflag:s12] =	ssyncset.done @!p0 $0x0  }
0x22: {  	[sflag:s12] =	ssyncadd.s32 @!p0 $0xFFFFFC00  }
0x23: {  	_ =	swait.ge @!p0 [sflag:s12], $0x400  }
0x24: {  	[sflag:s12] =	ssyncset.done @!p0 $0x0  }
0x25: {  	[sflag:s12] =	ssyncadd.s32 @!p0 $0xFFFFFC00  }
0x26: {  	_ =	swait.ge @!p0 [sflag:s12], $0x400  }
0x27: {  	[sflag:s12] =	ssyncset.done @!p0 $0x0  }
0x28: {  	[sflag:s12] =	ssyncadd.s32 @!p0 $0xFFFFFC00  }
0x29: {  	_ =	swait.ge @!p0 [sflag:s12], $0x400  }
0x2a: {  	[sflag:s12] =	ssyncset.done @!p0 $0x0  }
0x2b: {  	[sflag:s12] =	ssyncadd.s32 @!p0 $0xFFFFFC00  }
0x2c: {  	_ =	swait.ge @!p0 [sflag:s12], $0x400  }
0x2d: {  	[sflag:s12] =	ssyncset.done @!p0 $0x0  }
0x2e: {  	[sflag:s12] =	ssyncadd.s32 @!p0 $0xFFFFFC00  }
0x2f: {  	_ =	swait.ge @!p0 [sflag:s12], $0x400  }
0x30: {  	[sflag:s12] =	ssyncset.done @!p0 $0x0  }
0x31: {  	[sflag:s12] =	ssyncadd.s32 @!p0 $0xFFFFFC00  }
0x32: {  	_ =	swait.ge @!p0 [sflag:s12], $0x400  }
0x33: {  	[sflag:s12] =	ssyncset.done @!p0 $0x0  }
0x34: {  	[sflag:s12] =	ssyncadd.s32 @!p0 $0xFFFFFC00  }
0x35: {  	_ =	swait.ge @!p0 [sflag:s12], $0x400  }
0x36: {  	[sflag:s12] =	ssyncset.done @!p0 $0x0  }
0x37: {  	[sflag:s12] =	ssyncadd.s32 @!p0 $0xFFFFFC00  }
0x38: {  	_ =	swait.ge @!p0 [sflag:s12], $0x400  }
0x39: {  	[sflag:s12] =	ssyncset.done @!p0 $0x0  }
0x3a: {  	[sflag:s12] =	ssyncadd.s32 @!p0 $0xFFFFFC00  }
0x3b: {  	_ =	swait.ge @!p0 [sflag:s12], $0x400  }
0x3c: {  	[sflag:s12] =	ssyncset.done @!p0 $0x0  }
0x3d: {  	[sflag:s12] =	ssyncadd.s32 @!p0 $0xFFFFFC00  }
0x3e: {  	_ =	swait.ge @!p0 [sflag:s12], $0x400  }
0x3f: {  	[sflag:s12] =	ssyncset.done @!p0 $0x0  }
0x40: {  	[sflag:s12] =	ssyncadd.s32 @!p0 $0xFFFFFC00  }
0x41: {  	_ =	swait.ge @!p0 [sflag:s12], $0x400  }
0x42: {  	[sflag:s12] =	ssyncset.done @!p0 $0x0  }
0x43: {  	[sflag:s12] =	ssyncadd.s32 @!p0 $0xFFFFFC00  }
0x44: {  	_ =	swait.ge @!p0 [sflag:s12], $0x400  }
0x45: {  	[sflag:s12] =	ssyncset.done @!p0 $0x0  }
0x46: {  	[sflag:s12] =	ssyncadd.s32 @!p0 $0xFFFFFC00  }
0x47: {  	_ =	swait.ge @!p0 [sflag:s12], $0x400  }
0x48: {  	[sflag:s12] =	ssyncset.done @!p0 $0x0  }
0x49: {  	[sflag:s12] =	ssyncadd.s32 @!p0 $0xFFFFFC00  }
0x4a: {  	s11 =	sshll.u32 s10, $0xC;
	_ =	swait.ge @!p0 [sflag:s12], $0x400  }
0x4b: {  	s11 =	sor.u32 s22, s11;
	[sflag:s12] =	ssyncset.done @!p0 $0x0  }
0x4c: {  	s17 =	sadd.s32 s4, s11;
	[sflag:s12] =	ssyncadd.s32 @!p0 $0xFFFFFC00  }
0x4d: {  	[tilespmem:s3], [sflag:$0x5] =	stream.linear.gather [hbm4b:s17+s3], $0x200, $0x38;
	[tilespmem:$0x10400] =	vst v63  }
.Ltmp0:
0x4e: {  	_ = 	snop;
	(pc) =	sbr.rel @p0 .LBB2_6-.Ltmp0, $4  }
0x4f: {  	_ =	swait.ge [sflag:s30], $0x200  }
0x50: {  	[sflag:s30] =	ssyncset.done $0x0  }
0x51: {  	s18 =	simm.s32 $0x400;
	[sflag:s30] =	ssyncadd.s32 $0xFFFFFE00  }
0x52: {  	[tilespmem:s18], [sflag:$0x1] =	stream.indirect.gather [hbm4b:s5+s31], $0x20, s3, s31, $0xb8;
	[tilespmem:$0x10400] =	vst v63  }
0x53: {  	s12 =	simm.s32 $0x0  }
0x54: {  	_ =	swait.ge [sflag:s0], $0x4000;
	s13 =	simm.s32 $0x0;
	s12 =	sand.u32 $0x70, s12  }
0x55: {  	[sflag:s0] =	ssyncset.done $0x0;
	s13 =	sand.u32 $0x1FFFF000, s13;
	s14 =	sshll.u32 s12, $0x5  }
0x56: {  	[sflag:s0] =	ssyncadd.s32 $0xFFFFC000;
	s14 =	sor.u32 s14, s13  }
0x57: {  	v4 =	vld [tilespmem:s14+$0x4410]  }
0x58: {  	v5 =	vld [tilespmem:s14+$0x4430]  }
0x59: {  	v7 =	vld [tilespmem:s14+$0x4450]  }
0x5a: {  	v9 =	vld [tilespmem:s14+$0x4470]  }
0x5b: {  	v11 =	vld [tilespmem:s14+$0x44B0]  }
0x5c: {  	v19 =	vld [tilespmem:s14+$0x45D0]  }
0x5d: {  	v24 =	vld [tilespmem:s14+$0x4400]  }
0x5e: {  	v29 =	vld [tilespmem:s14+$0x4420]  }
0x5f: {  	v31 =	vld [tilespmem:s14+$0x4440]  }
0x60: {  	v32 =	vld [tilespmem:s14+$0x4460]  }
0x61: {  	v35 =	vld [tilespmem:s14+$0x4480]  }
0x62: {  	v36 =	vld [tilespmem:s14+$0x44A0]  }
0x63: {  	v37 =	vld [tilespmem:s14+$0x44C0]  }
0x64: {  	v40 =	vld [tilespmem:s14+$0x44E0]  }
0x65: {  	v43 =	vld [tilespmem:s14+$0x4500]  }
0x66: {  	v55 =	vld [tilespmem:s14+$0x4520]  }
0x67: {  	v45 =	vld [tilespmem:s14+$0x4540];
	v6 =	vperm.xlane v5, v0;
	v18 =	vperm.xlane v11, v0  }
0x68: {  	v46 =	vld [tilespmem:s14+$0x4560];
	v23 =	vperm.xlane v7, v0;
	v27 =	vperm.xlane v19, v0  }
0x69: {  	v47 =	vld [tilespmem:s14+$0x4580];
	v38 =	vperm.xlane v29, v0;
	v41 =	vperm.xlane v24, v0  }
0x6a: {  	v60 =	vld [tilespmem:s14+$0x45A0];
	v42 =	vperm.xlane v31, v0;
	v44 =	vperm.xlane v32, v0  }
0x6b: {  	v62 =	vld [tilespmem:s14+$0x45C0];
	v56 =	vperm.xlane v35, v0;
	v57 =	vperm.xlane v36, v0  }
0x6c: {  	v26 =	vld [tilespmem:s14+$0x45F0];
	v58 =	vperm.xlane v37, v0;
	v59 =	vperm.xlane v40, v0  }
0x6d: {  	v61 =	vperm.xlane v43, v0;
	v63 =	vperm.xlane v55, v0  }
0x6e: {  	v48 =	vperm.xlane v45, v0;
	v49 =	vperm.xlane v46, v0  }
0x6f: {  	v50 =	vperm.xlane v47, v0;
	v51 =	vperm.xlane v60, v0  }
0x70: {  	v53 =	vperm.xlane v62, v0;
	v13 =	vsel vm0, v4, v6;
	v6 =	vperm.xlane v9, v0  }
0x71: {  	v4 =	vperm.xlane v4, v0;
	v23 =	vsel vm0, v23, v9;
	v27 =	vsel vm0, v27, v26  }
0x72: {  	v24 =	vsel vm0, v24, v38;
	v29 =	vsel vm0, v41, v29;
	v31 =	vsel vm0, v31, v44  }
0x73: {  	v16 =	vld [tilespmem:s14+$0x4550];
	v26 =	vperm.xlane v26, v0;
	v32 =	vsel vm0, v42, v32;
	v35 =	vsel vm0, v35, v57  }
0x74: {  	v17 =	vld [tilespmem:s14+$0x4590];
	v36 =	vsel vm0, v56, v36;
	v38 =	vsel vm0, v58, v40;
	v8 =	vperm.xlane v13, v1  }
0x75: {  	v10 =	vld [tilespmem:s14+$0x4490];
	v37 =	vsel vm0, v37, v59;
	v52 =	vperm.xlane v31, v1;
	v54 =	vperm.xlane v24, v1  }
0x76: {  	v14 =	vld [tilespmem:s14+$0x44F0];
	v40 =	vsel vm0, v50, v60;
	v56 =	vperm.xlane v32, v1;
	v57 =	vperm.xlane v29, v1  }
0x77: {  	v41 =	vsel vm0, v47, v51;
	v58 =	vperm.xlane v35, v1;
	v59 =	vperm.xlane v36, v1  }
0x78: {  	v6 =	vsel vm0, v7, v6;
	v25 =	vsel vm0, v4, v5;
	v4 =	vperm.xlane v16, v0  }
0x79: {  	v22 =	vld [tilespmem:s14+$0x4570];
	v5 =	vperm.xlane v17, v0;
	v19 =	vsel vm0, v19, v26;
	v26 =	vsel vm0, v45, v49  }
0x7a: {  	v12 =	vld [tilespmem:s14+$0x44D0];
	v49 =	vperm.xlane v38, v1;
	v20 =	vperm.xlane v6, v1;
	v6 =	vsel vm1, v8, v6  }
0x7b: {  	v15 =	vld [tilespmem:s14+$0x4510];
	v8 =	vsel vm0, v10, v18;
	v18 =	vperm.xlane v14, v0;
	v10 =	vperm.xlane v10, v0  }
0x7c: {  	v9 =	vperm.xlane v25, v1;
	v24 =	vsel vm1, v24, v52;
	v50 =	vperm.xlane v26, v1  }
0x7d: {  	v31 =	vsel vm1, v54, v31;
	v29 =	vsel vm1, v29, v56;
	v32 =	vsel vm1, v57, v32  }
0x7e: {  	v38 =	vsel vm1, v59, v38;
	v59 =	vperm.xlane v19, v1;
	v33 =	vsel vm0, v4, v22  }
0x7f: {  	v21 =	vld [tilespmem:s14+$0x4530];
	v22 =	vperm.xlane v22, v0;
	v54 =	vperm.xlane v8, v1;
	v7 =	vsel vm1, v13, v20  }
0x80: {  	v13 =	vsel vm0, v12, v18;
	v12 =	vperm.xlane v12, v0;
	v18 =	vperm.xlane v15, v0  }
0x81: {  	v30 =	vsel vm0, v10, v11;
	v9 =	vsel vm1, v9, v23;
	v23 =	vperm.xlane v23, v1  }
0x82: {  	v36 =	vsel vm1, v36, v49;
	v10 =	vperm.xlane v30, v1;
	v4 =	vperm.xlane v9, v2  }
0x83: {  	v20 =	vld [tilespmem:s14+$0x45B0];
	v16 =	vsel vm0, v16, v22;
	v22 =	vsel vm0, v43, v63;
	v63 =	vperm.xlane v13, v1  }
0x84: {  	v14 =	vsel vm0, v12, v14;
	v18 =	vsel vm0, v18, v21;
	v21 =	vperm.xlane v21, v0  }
0x85: {  	v45 =	vperm.xlane v22, v1;
	v57 =	vperm.xlane v16, v1;
	v22 =	vsel vm1, v22, v50  }
0x86: {  	v23 =	vsel vm1, v25, v23;
	v11 =	vperm.xlane v18, v1;
	v12 =	vsel vm1, v10, v14  }
0x87: {  	v14 =	vperm.xlane v14, v1;
	v25 =	vperm.xlane v22, v2;
	v4 =	vsel vm2, v4, v12  }
0x88: {  	v15 =	vsel vm0, v15, v21;
	v45 =	vsel vm1, v45, v26;
	v34 =	vsel vm0, v5, v20  }
0x89: {  	v10 =	vsel vm1, v11, v33;
	v39 =	vperm.xlane v4, v3;
	v20 =	vperm.xlane v20, v0  }
0x8a: {  	v33 =	vperm.xlane v33, v1;
	v30 =	vsel vm1, v30, v14;
	v14 =	vperm.xlane v24, v2  }
0x8b: {  	v5 =	vperm.xlane v34, v1;
	v28 =	vperm.xlane v10, v2;
	v17 =	vsel vm0, v17, v20  }
0x8c: {  	v20 =	vsel vm0, v48, v46;
	v48 =	vperm.xlane v37, v1;
	v37 =	vsel vm1, v58, v37  }
0x8d: {  	v21 =	vld [tilespmem:s14+$0x45E0];
	v58 =	vperm.xlane v15, v1;
	v46 =	vsel vm1, v15, v57;
	v15 =	vperm.xlane v36, v2  }
0x8e: {  	v33 =	vsel vm1, v18, v33;
	v18 =	vperm.xlane v31, v2;
	v51 =	vperm.xlane v20, v1  }
0x8f: {  	v11 =	vsel vm1, v5, v27;
	v26 =	vperm.xlane v17, v1;
	v27 =	vperm.xlane v27, v1  }
0x90: {  	v47 =	vsel vm1, v17, v59;
	v17 =	vperm.xlane v29, v2;
	v5 =	vsel vm2, v28, v11  }
0x91: {  	v35 =	vsel vm1, v35, v48;
	v43 =	vsel vm1, v58, v16;
	v59 =	vperm.xlane v11, v2  }
0x92: {  	v28 =	vsel vm3, v39, v5;
	v39 =	vsel vm0, v61, v55;
	v55 =	vperm.xlane v21, v0  }
0x93: {  	v21 =	vsel vm0, v53, v21;
	v61 =	vperm.xlane v41, v1;
	v48 =	vsel vm1, v26, v19  }
0x94: {  	v16 =	vsel vm2, v14, v35;
	v14 =	vperm.xlane v38, v2;
	v19 =	vperm.xlane v32, v2  }
0x95: {  	v34 =	vsel vm1, v34, v27;
	v58 =	vperm.xlane v43, v2;
	v60 =	vperm.xlane v39, v1  }
0x96: {  	v53 =	vperm.xlane v21, v1;
	v39 =	vsel vm1, v39, v51;
	v51 =	vperm.xlane v7, v2  }
0x97: {  	v56 =	vperm.xlane v34, v2;
	v57 =	vperm.xlane v48, v2  }
0x98: {  	v44 =	vsel vm0, v62, v55;
	v62 =	vperm.xlane v40, v1;
	v26 =	vperm.xlane v39, v2  }
0x99: {  	v50 =	vsel vm2, v32, v14;
	v14 =	vsel vm2, v19, v38;
	v19 =	vperm.xlane v30, v2  }
0x9a: {  	v13 =	vsel vm1, v54, v13;
	v38 =	vperm.xlane v23, v2;
	v55 =	vperm.xlane v46, v2  }
0x9b: {  	v52 =	vperm.xlane v44, v1;
	v20 =	vsel vm1, v60, v20;
	v42 =	vsel vm1, v61, v44  }
0x9c: {  	v44 =	vsel vm1, v8, v63;
	v8 =	vperm.xlane v35, v2;
	v35 =	vsel vm2, v29, v15  }
0x9d: {  	v15 =	vsel vm2, v17, v36;
	v36 =	vperm.xlane v45, v2;
	v60 =	vperm.xlane v6, v2  }
0x9e: {  	v40 =	vsel vm1, v40, v53;
	v61 =	vperm.xlane v12, v2;
	v63 =	vperm.xlane v33, v2  }
0x9f: {  	v10 =	vsel vm2, v10, v59;
	v17 =	vperm.xlane v40, v2;
	v29 =	vperm.xlane v42, v2  }
0xa0: {  	v21 =	vsel vm1, v62, v21;
	v32 =	vperm.xlane v44, v2;
	v62 =	vperm.xlane v47, v2  }
0xa1: {  	v26 =	vsel vm2, v26, v40;
	v12 =	vsel vm2, v51, v44;
	v19 =	vsel vm2, v23, v19  }
0xa2: {  	v11 =	vsel vm2, v38, v30;
	v38 =	vperm.xlane v50, v3;
	v41 =	vsel vm1, v41, v52  }
0xa3: {  	v49 =	vsel vm2, v24, v8;
	v8 =	vperm.xlane v37, v2;
	v24 =	vperm.xlane v41, v2  }
0xa4: {  	v27 =	vsel vm2, v25, v41;
	v39 =	vsel vm2, v39, v17;
	v45 =	vsel vm2, v45, v29  }
0xa5: {  	v25 =	vsel vm2, v36, v42;
	v17 =	vsel vm2, v9, v61;
	v59 =	vperm.xlane v49, v3  }
0xa6: {  	v9 =	vsel vm2, v63, v34;
	v36 =	vperm.xlane v16, v3;
	v34 =	vperm.xlane v15, v3  }
0xa7: {  	v31 =	vsel vm2, v31, v8;
	v8 =	vsel vm2, v18, v37;
	v18 =	vperm.xlane v21, v2  }
0xa8: {  	v23 =	vsel vm2, v46, v62;
	v37 =	vperm.xlane v20, v2;
	v61 =	vperm.xlane v45, v3  }
0xa9: {  	v52 =	vsel vm2, v22, v24;
	v22 =	vperm.xlane v13, v2;
	v62 =	vperm.xlane v31, v3  }
0xaa: {  	v29 =	vsel vm2, v20, v18;
	v24 =	vsel vm2, v37, v21;
	v21 =	vsel vm2, v7, v32  }
0xab: {  	s12 =	sor.u32 s12, s13;
	v20 =	vsel vm2, v43, v57;
	v30 =	vperm.xlane v52, v3;
	v7 =	vsel vm2, v58, v48  }
0xac: {  	[tilespmem:s12+$0xD380] =	vst v28;
	v32 =	vsel vm3, v59, v52;
	v37 =	vperm.xlane v27, v3;
	v31 =	vsel vm3, v31, v61  }
0xad: {  	v18 =	vsel vm2, v6, v22;
	v6 =	vsel vm2, v60, v13;
	v60 =	vperm.xlane v39, v3;
	[tilespmem:s12+$0xC800] =	vst v32  }
0xae: {  	v13 =	vsel vm2, v55, v47;
	[tilespmem:s12+$0xC500] =	vst v31;
	v28 =	vsel vm3, v49, v30;
	v30 =	vperm.xlane v35, v3  }
0xaf: {  	v22 =	vsel vm2, v33, v56;
	v63 =	vperm.xlane v29, v3;
	[tilespmem:s12+$0xC400] =	vst v28;
	v28 =	vsel vm3, v35, v60  }
0xb0: {  	v33 =	vperm.xlane v25, v3;
	v32 =	vperm.xlane v8, v3;
	v30 =	vsel vm3, v30, v39;
	[tilespmem:s12+$0xC480] =	vst v28  }
0xb1: {  	v31 =	vperm.xlane v14, v3;
	v35 =	vperm.xlane v26, v3;
	[tilespmem:s12+$0xC880] =	vst v30;
	v30 =	vsel vm3, v62, v45  }
0xb2: {  	s15 =	simm.s32 $0x10;
	s13 =	simm.s32 $0x0;
	s14 =	simm.s32 $0x800;
	v28 =	vperm.xlane v24, v3;
	v39 =	vsel vm3, v50, v63;
	[tilespmem:s12+$0xC900] =	vst v30;
	v30 =	vperm.xlane v23, v3  }
.LBB2_4:
0xb3: {  	s17 =	sand.u32 $0x70, s15;
	s16 =	sshrl.u32 s14, $0x2;
	v29 =	vsel vm3, v38, v29;
	[tilespmem:s12+$0xC580] =	vst v39;
	v38 =	vperm.xlane v21, v3;
	v39 =	vperm.xlane v22, v3  }
0xb4: {  	v16 =	vsel vm3, v16, v37;
	v37 =	vperm.xlane v20, v3;
	s18 =	sand.u32 $0x1FFFF000, s16;
	s16 =	sshll.u32 s17, $0x5;
	[tilespmem:s12+$0xC980] =	vst v29;
	v29 =	vperm.xlane v19, v3  }
0xb5: {  	v27 =	vsel vm3, v36, v27;
	v36 =	vperm.xlane v10, v3;
	s16 =	sor.u32 s16, s18;
	[tilespmem:s12+$0xC600] =	vst v16;
	v16 =	vperm.xlane v18, v3  }
0xb6: {  	v15 =	vsel vm3, v15, v35;
	v35 =	vperm.xlane v13, v3;
	v40 =	vld [tilespmem:s16+$0x4410];
	[tilespmem:s12+$0xCA00] =	vst v27;
	v27 =	vperm.xlane v17, v3  }
0xb7: {  	v26 =	vsel vm3, v34, v26;
	v34 =	vperm.xlane v9, v3;
	v41 =	vld [tilespmem:s16+$0x4430];
	[tilespmem:s12+$0xC680] =	vst v15;
	v15 =	vperm.xlane v12, v3  }
0xb8: {  	v8 =	vsel vm3, v8, v33;
	v33 =	vperm.xlane v7, v3;
	v42 =	vld [tilespmem:s16+$0x4450];
	[tilespmem:s12+$0xCA80] =	vst v26;
	v26 =	vperm.xlane v11, v3  }
0xb9: {  	v25 =	vsel vm3, v32, v25;
	v32 =	vperm.xlane v6, v3;
	v43 =	vld [tilespmem:s16+$0x4470];
	[tilespmem:s12+$0xC700] =	vst v8;
	v8 =	vperm.xlane v5, v3  }
0xba: {  	v14 =	vsel vm3, v14, v28;
	v24 =	vsel vm3, v31, v24;
	v21 =	vsel vm3, v21, v30;
	v5 =	vld [tilespmem:s16+$0x4490];
	[tilespmem:s12+$0xCB00] =	vst v25  }
0xbb: {  	s13 =	sadd.s32 $0x2, s13;
	v23 =	vsel vm3, v38, v23;
	v25 =	vld [tilespmem:s16+$0x44B0];
	[tilespmem:s12+$0xC780] =	vst v14;
	v14 =	vsel vm3, v19, v39;
	v19 =	vsel vm3, v29, v22  }
0xbc: {  	p0 =	slt.u32 s13, $0x3E;
	v18 =	vsel vm3, v18, v37;
	v16 =	vsel vm3, v16, v20;
	v22 =	vld [tilespmem:s16+$0x44D0];
	v28 =	vperm.xlane v41, v0;
	[tilespmem:s12+$0xCB80] =	vst v24  }
0xbd: {  	v17 =	vsel vm3, v17, v36;
	v12 =	vsel vm3, v12, v35;
	v10 =	vsel vm3, v27, v10;
	v24 =	vld [tilespmem:s16+$0x44F0];
	[tilespmem:s12+$0xCC00] =	vst v21  }
0xbe: {  	v27 =	vld [tilespmem:s16+$0x4510];
	v20 =	vsel vm0, v40, v28;
	v21 =	vperm.xlane v43, v0;
	v28 =	vsel vm3, v15, v13;
	[tilespmem:s12+$0xCC80] =	vst v14  }
0xbf: {  	v11 =	vsel vm3, v11, v34;
	v26 =	vsel vm3, v26, v9;
	v29 =	vld [tilespmem:s16+$0x4550];
	v13 =	vperm.xlane v20, v1;
	[tilespmem:s12+$0xCD00] =	vst v18  }
0xc0: {  	v15 =	vsel vm3, v6, v33;
	v30 =	vld [tilespmem:s16+$0x4590];
	v9 =	vsel vm0, v42, v21;
	v14 =	vperm.xlane v25, v0;
	[tilespmem:s12+$0xCD80] =	vst v17  }
0xc1: {  	v32 =	vsel vm3, v32, v7;
	v31 =	vld [tilespmem:s16+$0x45D0];
	v17 =	vperm.xlane v9, v1;
	v6 =	vsel vm1, v13, v9;
	[tilespmem:s12+$0xCE00] =	vst v12  }
0xc2: {  	v9 =	vperm.xlane v40, v0;
	v33 =	vld [tilespmem:s16+$0x4530];
	v13 =	vsel vm0, v5, v14;
	v12 =	vperm.xlane v24, v0;
	[tilespmem:s12+$0xCE80] =	vst v11  }
0xc3: {  	v11 =	vperm.xlane v42, v0;
	v5 =	vperm.xlane v5, v0;
	v34 =	vld [tilespmem:s16+$0x4570];
	v7 =	vsel vm1, v20, v17;
	[tilespmem:s12+$0xCF00] =	vst v15  }
0xc4: {  	v18 =	vperm.xlane v27, v0;
	v35 =	vld [tilespmem:s16+$0x45B0];
	v14 =	vsel vm0, v22, v12;
	v12 =	vperm.xlane v22, v0;
	[tilespmem:s12+$0xD000] =	vst v23  }
0xc5: {  	v15 =	vsel vm0, v9, v41;
	v23 =	vperm.xlane v29, v0;
	v22 =	vld [tilespmem:s16+$0x4400];
	v36 =	vperm.xlane v30, v0;
	[tilespmem:s12+$0xD080] =	vst v19  }
0xc6: {  	v20 =	vsel vm0, v11, v43;
	v9 =	vperm.xlane v15, v1;
	v37 =	vld [tilespmem:s16+$0x45F0];
	v11 =	vperm.xlane v31, v0;
	[tilespmem:s12+$0xD100] =	vst v16  }
0xc7: {  	v17 =	vsel vm0, v5, v25;
	v21 =	vsel vm0, v12, v24;
	v38 =	vld [tilespmem:s16+$0x4420];
	v16 =	vsel vm0, v18, v33;
	[tilespmem:s12+$0xD180] =	vst v10  }
0xc8: {  	v5 =	vperm.xlane v17, v1;
	v9 =	vsel vm1, v9, v20;
	v24 =	vld [tilespmem:s16+$0x4440];
	v10 =	vperm.xlane v16, v1;
	[tilespmem:s12+$0xD200] =	vst v28  }
0xc9: {  	v19 =	vperm.xlane v9, v2;
	v23 =	vsel vm0, v23, v34;
	v25 =	vld [tilespmem:s16+$0x4460];
	v18 =	vsel vm0, v36, v35;
	[tilespmem:s12+$0xD280] =	vst v26  }
0xca: {  	v12 =	vsel vm1, v5, v21;
	v26 =	vld [tilespmem:s16+$0x4480];
	v10 =	vsel vm1, v10, v23;
	v5 =	vperm.xlane v18, v1;
	[tilespmem:s12+$0xD300] =	vst v32  }
0xcb: {  	v19 =	vsel vm2, v19, v12;
	v28 =	vld [tilespmem:s16+$0x44A0];
	v32 =	vsel vm0, v11, v37;
	v36 =	vperm.xlane v10, v2  }
0xcc: {  	v41 =	vperm.xlane v19, v3;
	v39 =	vld [tilespmem:s16+$0x44C0];
	v40 =	vperm.xlane v38, v0;
	v11 =	vsel vm1, v5, v32  }
0xcd: {  	v43 =	vperm.xlane v22, v0;
	v42 =	vld [tilespmem:s16+$0x44E0];
	v44 =	vperm.xlane v24, v0;
	v5 =	vsel vm2, v36, v11  }
0xce: {  	s17 =	sor.u32 s17, s18;
	v33 =	vperm.xlane v33, v0;
	v36 =	vld [tilespmem:s16+$0x4500];
	v45 =	vperm.xlane v25, v0;
	v41 =	vsel vm3, v41, v5  }
0xcf: {  	v34 =	vperm.xlane v34, v0;
	v22 =	vsel vm0, v22, v40;
	v46 =	vld [tilespmem:s16+$0x4520];
	v40 =	vperm.xlane v26, v0;
	[tilespmem:s17+$0xD380] =	vst v41  }
0xd0: {  	v35 =	vperm.xlane v35, v0;
	v38 =	vsel vm0, v43, v38;
	v41 =	vld [tilespmem:s16+$0x4540];
	v43 =	vperm.xlane v28, v0  }
0xd1: {  	v37 =	vperm.xlane v37, v0;
	v24 =	vsel vm0, v24, v45;
	v47 =	vld [tilespmem:s16+$0x4560];
	v45 =	vperm.xlane v39, v0  }
0xd2: {  	v25 =	vsel vm0, v44, v25;
	v48 =	vld [tilespmem:s16+$0x4580];
	v26 =	vsel vm0, v26, v43;
	v43 =	vperm.xlane v42, v0  }
0xd3: {  	v28 =	vsel vm0, v40, v28;
	v44 =	vld [tilespmem:s16+$0x45A0];
	v40 =	vsel vm0, v45, v42;
	v42 =	vperm.xlane v36, v0  }
0xd4: {  	v27 =	vsel vm0, v27, v33;
	v45 =	vld [tilespmem:s16+$0x45C0];
	v39 =	vsel vm0, v39, v43;
	v43 =	vperm.xlane v46, v0  }
0xd5: {  	v29 =	vsel vm0, v29, v34;
	v33 =	vld [tilespmem:s16+$0x45E0];
	v42 =	vsel vm0, v42, v46;
	v46 =	vperm.xlane v41, v0  }
0xd6: {  	v30 =	vsel vm0, v30, v35;
	v34 =	vsel vm0, v36, v43;
	v36 =	vperm.xlane v47, v0  }
0xd7: {  	v31 =	vsel vm0, v31, v37;
	v35 =	vsel vm0, v46, v47;
	v43 =	vperm.xlane v48, v0  }
0xd8: {  	v36 =	vsel vm0, v41, v36;
	v37 =	vperm.xlane v44, v0;
	v41 =	vperm.xlane v24, v1  }
0xd9: {  	v46 =	vperm.xlane v22, v1;
	v43 =	vsel vm0, v43, v44;
	v44 =	vperm.xlane v45, v0  }
0xda: {  	v37 =	vsel vm0, v48, v37;
	v47 =	vperm.xlane v33, v0;
	v48 =	vperm.xlane v25, v1  }
0xdb: {  	v49 =	vperm.xlane v39, v1;
	v33 =	vsel vm0, v44, v33;
	v44 =	vperm.xlane v38, v1  }
0xdc: {  	v50 =	vperm.xlane v40, v1;
	v45 =	vsel vm0, v45, v47;
	v47 =	vperm.xlane v26, v1  }
0xdd: {  	v51 =	vperm.xlane v36, v1;
	v22 =	vsel vm1, v22, v41;
	v41 =	vperm.xlane v28, v1  }
0xde: {  	v52 =	vperm.xlane v35, v1;
	v24 =	vsel vm1, v46, v24;
	v46 =	vperm.xlane v34, v1  }
0xdf: {  	v38 =	vsel vm1, v38, v48;
	v48 =	vperm.xlane v42, v1;
	v53 =	vperm.xlane v45, v1  }
0xe0: {  	v54 =	vperm.xlane v33, v1;
	v25 =	vsel vm1, v44, v25;
	v44 =	vperm.xlane v37, v1  }
0xe1: {  	v20 =	vperm.xlane v20, v1;
	v26 =	vsel vm1, v26, v49;
	v49 =	vperm.xlane v43, v1  }
0xe2: {  	v55 =	vperm.xlane v13, v1;
	v39 =	vsel vm1, v47, v39;
	v47 =	vperm.xlane v14, v1  }
0xe3: {  	v21 =	vperm.xlane v21, v1;
	v28 =	vsel vm1, v28, v50;
	v50 =	vperm.xlane v29, v1  }
0xe4: {  	v23 =	vperm.xlane v23, v1;
	v40 =	vsel vm1, v41, v40;
	v41 =	vperm.xlane v27, v1  }
0xe5: {  	v56 =	vperm.xlane v30, v1;
	v34 =	vsel vm1, v34, v51;
	v51 =	vperm.xlane v31, v1  }
0xe6: {  	v32 =	vperm.xlane v32, v1;
	v36 =	vsel vm1, v46, v36;
	v42 =	vsel vm1, v42, v52  }
0xe7: {  	v35 =	vsel vm1, v48, v35;
	v37 =	vsel vm1, v37, v53;
	v44 =	vsel vm1, v44, v45  }
0xe8: {  	v20 =	vsel vm1, v15, v20;
	v43 =	vsel vm1, v43, v54;
	v33 =	vsel vm1, v49, v33  }
0xe9: {  	v17 =	vsel vm1, v17, v21;
	v45 =	vsel vm1, v55, v14;
	v13 =	vsel vm1, v13, v47  }
0xea: {  	v46 =	vsel vm1, v27, v50;
	v41 =	vsel vm1, v41, v29;
	v47 =	vsel vm1, v16, v23  }
0xeb: {  	v32 =	vsel vm1, v18, v32;
	v31 =	vsel vm1, v56, v31;
	v30 =	vsel vm1, v30, v51  }
0xec: {  	v8 =	vsel vm3, v4, v8;
	v4 =	vmovc v19;
	v15 =	vperm.xlane v22, v2;
	v14 =	vperm.xlane v26, v2  }
0xed: {  	v18 =	vperm.xlane v28, v2;
	v19 =	vperm.xlane v38, v2;
	[tilespmem:s12+$0xCF80] =	vst v8;
	s12 =	smov.u32 s17  }
0xee: {  	v48 =	vsel vm2, v22, v14;
	v14 =	vperm.xlane v24, v2;
	v8 =	vperm.xlane v39, v2  }
0xef: {  	v21 =	vperm.xlane v40, v2;
	v16 =	vsel vm2, v15, v26;
	v22 =	vperm.xlane v25, v2  }
0xf0: {  	v38 =	vsel vm2, v38, v18;
	v18 =	vperm.xlane v37, v2;
	v23 =	vperm.xlane v34, v2  }
0xf1: {  	v15 =	vsel vm2, v19, v28;
	v19 =	vperm.xlane v43, v2;
	v26 =	vperm.xlane v42, v2  }
0xf2: {  	v29 =	vperm.xlane v36, v2;
	v28 =	vsel vm2, v24, v8;
	v24 =	vperm.xlane v44, v2  }
0xf3: {  	v49 =	vperm.xlane v35, v2;
	v8 =	vsel vm2, v14, v39;
	v39 =	vperm.xlane v33, v2  }
0xf4: {  	v51 =	vperm.xlane v7, v2;
	v50 =	vsel vm2, v25, v21;
	v21 =	vperm.xlane v13, v2  }
0xf5: {  	v14 =	vsel vm2, v22, v40;
	v22 =	vperm.xlane v17, v2;
	v40 =	vperm.xlane v20, v2  }
0xf6: {  	v52 =	vperm.xlane v6, v2;
	v34 =	vsel vm2, v34, v18;
	v18 =	vperm.xlane v45, v2  }
0xf7: {  	v27 =	vsel vm2, v23, v37;
	v23 =	vperm.xlane v12, v2;
	v37 =	vperm.xlane v30, v2  }
0xf8: {  	v54 =	vperm.xlane v32, v2;
	v53 =	vperm.xlane v46, v2;
	v42 =	vsel vm2, v42, v19  }
0xf9: {  	v55 =	vperm.xlane v31, v2;
	v26 =	vsel vm2, v26, v43;
	v43 =	vperm.xlane v47, v2  }
0xfa: {  	v57 =	vperm.xlane v11, v2;
	v56 =	vsel vm2, v36, v24;
	v36 =	vperm.xlane v41, v2  }
0xfb: {  	v25 =	vsel vm2, v29, v44;
	v29 =	vsel vm2, v35, v39;
	v24 =	vsel vm2, v49, v33  }
0xfc: {  	v12 =	vsel vm2, v51, v13;
	v21 =	vsel vm2, v7, v21;
	v19 =	vsel vm2, v20, v22  }
0xfd: {  	v18 =	vsel vm2, v6, v18;
	v6 =	vsel vm2, v52, v45;
	v11 =	vsel vm2, v40, v17  }
0xfe: {  	v13 =	vsel vm2, v53, v30;
	v17 =	vsel vm2, v9, v23;
	v23 =	vsel vm2, v46, v37  }
0xff: {  	v22 =	vsel vm2, v47, v54;
	v9 =	vsel vm2, v43, v32;
	v20 =	vsel vm2, v41, v55  }
0x100: {  	v10 =	vsel vm2, v10, v57;
	v30 =	vperm.xlane v34, v3;
	v7 =	vsel vm2, v36, v31  }
0x101: {  	v32 =	vperm.xlane v42, v3;
	v31 =	vperm.xlane v48, v3  }
0x102: {  	v30 =	vsel vm3, v48, v30;
	v33 =	vperm.xlane v38, v3;
	v39 =	vperm.xlane v56, v3  }
0x103: {  	v40 =	vperm.xlane v28, v3;
	v41 =	vperm.xlane v29, v3;
	v31 =	vsel vm3, v31, v34;
	[tilespmem:s12+$0xC400] =	vst v30  }
.Ltmp1:
0x104: {  	v37 =	vperm.xlane v27, v3;
	v30 =	vsel vm3, v38, v32;
	v38 =	vperm.xlane v50, v3;
	[tilespmem:s12+$0xC800] =	vst v31;
	(pc) =	sbr.rel @p0 .LBB2_4-.Ltmp1, $4  }
0x105: {  	v35 =	vperm.xlane v26, v3;
	v36 =	vperm.xlane v16, v3;
	v31 =	vsel vm3, v33, v42;
	[tilespmem:s12+$0xC480] =	vst v30  }
0x106: {  	v34 =	vperm.xlane v15, v3;
	v33 =	vperm.xlane v25, v3;
	v30 =	vsel vm3, v28, v39;
	[tilespmem:s12+$0xC880] =	vst v31  }
0x107: {  	v40 =	vsel vm3, v40, v56;
	v32 =	vperm.xlane v8, v3;
	v28 =	vperm.xlane v24, v3;
	[tilespmem:s12+$0xC500] =	vst v30  }
0x108: {  	s14 =	sadd.s32 $0x800, s14;
	s15 =	sadd.s32 $0x10, s15;
	v39 =	vsel vm3, v50, v41;
	v31 =	vperm.xlane v14, v3;
	v30 =	vperm.xlane v23, v3;
	[tilespmem:s12+$0xC900] =	vst v40  }
0x109: {  	v29 =	vsel vm3, v38, v29;
	[tilespmem:s12+$0xC580] =	vst v39  }
0x10a: {  	v16 =	vsel vm3, v16, v37;
	[tilespmem:s12+$0xC980] =	vst v29  }
0x10b: {  	v27 =	vsel vm3, v36, v27;
	[tilespmem:s12+$0xC600] =	vst v16  }
0x10c: {  	v15 =	vsel vm3, v15, v35;
	[tilespmem:s12+$0xCA00] =	vst v27  }
0x10d: {  	v44 =	vsel vm3, v34, v26;
	[tilespmem:s12+$0xC680] =	vst v15  }
0x10e: {  	v8 =	vsel vm3, v8, v33;
	[tilespmem:s12+$0xCA80] =	vst v44  }
0x10f: {  	v45 =	vsel vm3, v32, v25;
	[tilespmem:s12+$0xC700] =	vst v8  }
0x110: {  	v46 =	vsel vm3, v14, v28;
	[tilespmem:s12+$0xCB00] =	vst v45  }
0x111: {  	v47 =	vperm.xlane v22, v3;
	v48 =	vsel vm3, v31, v24;
	[tilespmem:s12+$0xC780] =	vst v46  }
0x112: {  	v49 =	vperm.xlane v20, v3;
	v50 =	vsel vm3, v21, v30;
	[tilespmem:s12+$0xCB80] =	vst v48  }
0x113: {  	v51 =	vperm.xlane v10, v3;
	v14 =	vsel vm3, v19, v47;
	[tilespmem:s12+$0xCC00] =	vst v50  }
0x114: {  	v52 =	vperm.xlane v13, v3;
	v8 =	vsel vm3, v18, v49;
	[tilespmem:s12+$0xCC80] =	vst v14  }
0x115: {  	v59 =	vperm.xlane v12, v3;
	v15 =	vsel vm3, v17, v51;
	[tilespmem:s12+$0xCD00] =	vst v8  }
0x116: {  	v60 =	vperm.xlane v11, v3;
	v16 =	vsel vm3, v12, v52;
	[tilespmem:s12+$0xCD80] =	vst v15  }
0x117: {  	v5 =	vperm.xlane v5, v3;
	v62 =	vsel vm3, v59, v13;
	[tilespmem:s12+$0xCE00] =	vst v16  }
0x118: {  	v53 =	vperm.xlane v9, v3;
	v63 =	vsel vm3, v60, v9;
	[tilespmem:s12+$0xD200] =	vst v62  }
0x119: {  	v54 =	vperm.xlane v7, v3;
	v4 =	vsel vm3, v4, v5;
	[tilespmem:s12+$0xD280] =	vst v63  }
0x11a: {  	v55 =	vperm.xlane v21, v3;
	v14 =	vsel vm3, v11, v53;
	[tilespmem:s12+$0xCF80] =	vst v4  }
0x11b: {  	v56 =	vperm.xlane v19, v3;
	v8 =	vsel vm3, v6, v54;
	[tilespmem:s12+$0xCE80] =	vst v14  }
0x11c: {  	v61 =	vperm.xlane v6, v3;
	v15 =	vsel vm3, v55, v23;
	[tilespmem:s12+$0xCF00] =	vst v8  }
0x11d: {  	v57 =	vperm.xlane v18, v3;
	s13 =	sshll.u32 s10, $0x14;
	v16 =	vsel vm3, v56, v22;
	[tilespmem:s12+$0xD000] =	vst v15  }
0x11e: {  	v58 =	vperm.xlane v17, v3;
	s13 =	sor.u32 s6, s13;
	v6 =	vsel vm3, v61, v7;
	[tilespmem:s12+$0xD080] =	vst v16  }
0x11f: {  	s13 =	sadd.s32 $0xFFF80000, s13;
	v14 =	vsel vm3, v57, v20;
	[tilespmem:s12+$0xD300] =	vst v6  }
0x120: {  	s13 =	sshrl.u32 s13, $0x3;
	v8 =	vsel vm3, v58, v10;
	[tilespmem:s12+$0xD100] =	vst v14  }
0x121: {  	s14 =	simm.s32 $0xC400;
	[tilespmem:s12+$0xD180] =	vst v8;
	s12 =	sadd.s32 s2, s13  }
0x122: {  	[hbm4b:s12+s3] =	stream.linear.scatter [tilespmem:s14], [sflag:$0x4], $0x400, $0x38;
	[tilespmem:$0x10400] =	vst v63  }
0x123: {  	s15 =	simm.s32 $0xC800;
	s18 =	sadd.s32 s13, s26  }
0x124: {  	[hbm4b:s18+s3] =	stream.linear.scatter [tilespmem:s15], [sflag:$0x4], $0x400, $0x38;
	[tilespmem:$0x10400] =	vst v63  }
0x125: {  	s16 =	simm.s32 $0xCC00;
	s15 =	sadd.s32 s13, s28  }
0x126: {  	[hbm4b:s15+s3] =	stream.linear.scatter [tilespmem:s16], [sflag:$0x4], $0x400, $0x38;
	[tilespmem:$0x10400] =	vst v63  }
0x127: {  	s17 =	sadd.s32 s13, s29;
	s18 =	simm.s32 $0xD000  }
0x128: {  	[hbm4b:s17+s3] =	stream.linear.scatter [tilespmem:s18], [sflag:$0x4], $0x400, $0x38;
	[tilespmem:$0x10400] =	vst v63  }
0x129: {  	s15 =	sadd.s32 $0x80, s12;
	s16 =	simm.s32 $0xD400;
	s17 =	sor.u32 $0x4080, s13  }
0x12a: {  	[hbm4b:s15+s3] =	stream.linear.scatter [tilespmem:s16], [sflag:$0x4], $0x400, $0x38;
	[tilespmem:$0x10400] =	vst v63  }
0x12b: {  	s18 =	simm.s32 $0xD800;
	s14 =	sadd.s32 s2, s17;
	s15 =	sor.u32 $0x8080, s13  }
0x12c: {  	[hbm4b:s14+s3] =	stream.linear.scatter [tilespmem:s18], [sflag:$0x4], $0x400, $0x38;
	[tilespmem:$0x10400] =	vst v63  }
0x12d: {  	s17 =	sor.u32 $0xC080, s13;
	s16 =	simm.s32 $0xDC00;
	s14 =	sadd.s32 s2, s15  }
0x12e: {  	[hbm4b:s14+s3] =	stream.linear.scatter [tilespmem:s16], [sflag:$0x4], $0x400, $0x38;
	[tilespmem:$0x10400] =	vst v63  }
0x12f: {  	s18 =	simm.s32 $0xE000;
	s14 =	sadd.s32 s2, s17  }
0x130: {  	[hbm4b:s14+s3] =	stream.linear.scatter [tilespmem:s18], [sflag:$0x4], $0x400, $0x38;
	[tilespmem:$0x10400] =	vst v63  }
0x131: {  	s15 =	sadd.s32 $0x100, s12;
	s16 =	simm.s32 $0xE400;
	s17 =	sor.u32 $0x4100, s13  }
0x132: {  	[hbm4b:s15+s3] =	stream.linear.scatter [tilespmem:s16], [sflag:$0x4], $0x400, $0x38;
	[tilespmem:$0x10400] =	vst v63  }
0x133: {  	s14 =	sadd.s32 s2, s17;
	s18 =	simm.s32 $0xE800;
	s15 =	sor.u32 $0x8100, s13  }
0x134: {  	[hbm4b:s14+s3] =	stream.linear.scatter [tilespmem:s18], [sflag:$0x4], $0x400, $0x38;
	[tilespmem:$0x10400] =	vst v63  }
0x135: {  	s17 =	sor.u32 $0xC100, s13;
	s16 =	simm.s32 $0xEC00;
	s14 =	sadd.s32 s2, s15  }
0x136: {  	[hbm4b:s14+s3] =	stream.linear.scatter [tilespmem:s16], [sflag:$0x4], $0x400, $0x38;
	[tilespmem:$0x10400] =	vst v63  }
0x137: {  	s18 =	simm.s32 $0xF000;
	s14 =	sadd.s32 s2, s17  }
0x138: {  	[hbm4b:s14+s3] =	stream.linear.scatter [tilespmem:s18], [sflag:$0x4], $0x400, $0x38;
	[tilespmem:$0x10400] =	vst v63  }
0x139: {  	s12 =	sadd.s32 $0x180, s12;
	s16 =	simm.s32 $0xF400;
	s17 =	sor.u32 $0x4180, s13  }
0x13a: {  	[hbm4b:s12+s3] =	stream.linear.scatter [tilespmem:s16], [sflag:$0x4], $0x400, $0x38;
	[tilespmem:$0x10400] =	vst v63  }
0x13b: {  	s15 =	sor.u32 $0x8180, s13;
	s18 =	simm.s32 $0xF800;
	s12 =	sadd.s32 s2, s17  }
0x13c: {  	[hbm4b:s12+s3] =	stream.linear.scatter [tilespmem:s18], [sflag:$0x4], $0x400, $0x38;
	[tilespmem:$0x10400] =	vst v63  }
0x13d: {  	s16 =	simm.s32 $0xFC00;
	s17 =	sor.u32 $0xC180, s13;
	s12 =	sadd.s32 s2, s15  }
0x13e: {  	[hbm4b:s12+s3] =	stream.linear.scatter [tilespmem:s16], [sflag:$0x4], $0x400, $0x38;
	[tilespmem:$0x10400] =	vst v63  }
0x13f: {  	s18 =	simm.s32 $0x10000;
	s12 =	sadd.s32 s2, s17  }
0x140: {  	[hbm4b:s12+s3] =	stream.linear.scatter [tilespmem:s18], [sflag:$0x4], $0x400, $0x38;
	[tilespmem:$0x10400] =	vst v63  }
0x141: {  	_ =	swait.ge [sflag:s9], $0x400  }
0x142: {  	[sflag:s9] =	ssyncset.done $0x0  }
0x143: {  	[sflag:s9] =	ssyncadd.s32 $0xFFFFFC00  }
0x144: {  	_ =	swait.ge [sflag:s9], $0x400  }
0x145: {  	[sflag:s9] =	ssyncset.done $0x0  }
0x146: {  	[sflag:s9] =	ssyncadd.s32 $0xFFFFFC00  }
0x147: {  	_ =	swait.ge [sflag:s9], $0x400  }
0x148: {  	[sflag:s9] =	ssyncset.done $0x0  }
0x149: {  	[sflag:s9] =	ssyncadd.s32 $0xFFFFFC00  }
0x14a: {  	_ =	swait.ge [sflag:s9], $0x400  }
0x14b: {  	[sflag:s9] =	ssyncset.done $0x0  }
0x14c: {  	[sflag:s9] =	ssyncadd.s32 $0xFFFFFC00  }
0x14d: {  	_ =	swait.ge [sflag:s9], $0x400  }
0x14e: {  	[sflag:s9] =	ssyncset.done $0x0  }
0x14f: {  	[sflag:s9] =	ssyncadd.s32 $0xFFFFFC00  }
0x150: {  	_ =	swait.ge [sflag:s9], $0x400  }
0x151: {  	[sflag:s9] =	ssyncset.done $0x0  }
0x152: {  	[sflag:s9] =	ssyncadd.s32 $0xFFFFFC00  }
0x153: {  	_ =	swait.ge [sflag:s9], $0x400  }
0x154: {  	[sflag:s9] =	ssyncset.done $0x0  }
0x155: {  	[sflag:s9] =	ssyncadd.s32 $0xFFFFFC00  }
0x156: {  	_ =	swait.ge [sflag:s9], $0x400  }
0x157: {  	[sflag:s9] =	ssyncset.done $0x0  }
0x158: {  	[sflag:s9] =	ssyncadd.s32 $0xFFFFFC00  }
0x159: {  	_ =	swait.ge [sflag:s9], $0x400  }
0x15a: {  	[sflag:s9] =	ssyncset.done $0x0  }
0x15b: {  	[sflag:s9] =	ssyncadd.s32 $0xFFFFFC00  }
0x15c: {  	_ =	swait.ge [sflag:s9], $0x400  }
0x15d: {  	[sflag:s9] =	ssyncset.done $0x0  }
0x15e: {  	[sflag:s9] =	ssyncadd.s32 $0xFFFFFC00  }
0x15f: {  	_ =	swait.ge [sflag:s9], $0x400  }
0x160: {  	[sflag:s9] =	ssyncset.done $0x0  }
0x161: {  	[sflag:s9] =	ssyncadd.s32 $0xFFFFFC00  }
0x162: {  	_ =	swait.ge [sflag:s9], $0x400  }
0x163: {  	[sflag:s9] =	ssyncset.done $0x0  }
0x164: {  	[sflag:s9] =	ssyncadd.s32 $0xFFFFFC00  }
0x165: {  	_ =	swait.ge [sflag:s9], $0x400  }
0x166: {  	[sflag:s9] =	ssyncset.done $0x0  }
0x167: {  	[sflag:s9] =	ssyncadd.s32 $0xFFFFFC00  }
0x168: {  	_ =	swait.ge [sflag:s9], $0x400  }
0x169: {  	[sflag:s9] =	ssyncset.done $0x0  }
0x16a: {  	[sflag:s9] =	ssyncadd.s32 $0xFFFFFC00  }
0x16b: {  	_ =	swait.ge [sflag:s9], $0x400  }
0x16c: {  	[sflag:s9] =	ssyncset.done $0x0  }
0x16d: {  	[sflag:s9] =	ssyncadd.s32 $0xFFFFFC00  }
0x16e: {  	_ =	swait.ge [sflag:s9], $0x400  }
0x16f: {  	[sflag:s9] =	ssyncset.done $0x0  }
0x170: {  	[sflag:s9] =	ssyncadd.s32 $0xFFFFFC00  }
.LBB2_6:
0x171: {  	s11 =	sadd.s32 s11, s7;
	s12 =	simm.s32 $0x0  }
0x172: {  	[tilespmem:s31], [sflag:$0x5] =	stream.linear.gather [hbm4b:s11+s12], $0x200, $0x38;
	[tilespmem:$0x10400] =	vst v63  }
0x173: {  	_ =	swait.ge [sflag:s30], $0x200  }
0x174: {  	[sflag:s30] =	ssyncset.done $0x0  }
0x175: {  	s16 =	simm.s32 $0x4400;
	[sflag:s30] =	ssyncadd.s32 $0xFFFFFE00  }
0x176: {  	[tilespmem:s16], [sflag:$0x2] =	stream.indirect.gather [hbm4b:s5+s31], $0x20, s31, s31, $0xb8;
	[tilespmem:$0x10400] =	vst v63  }
0x177: {  	s18 =	simm.s32 $0x0;
	s17 =	sand.u32 $0x70, s12;
	_ =	swait.ge [sflag:s8], $0x4000  }
0x178: {  	s12 =	sand.u32 $0x1FFFF000, s18;
	s13 =	sshll.u32 s17, $0x5;
	[sflag:s8] =	ssyncset.done $0x0  }
0x179: {  	s13 =	sor.u32 s13, s12;
	[sflag:s8] =	ssyncadd.s32 $0xFFFFC000  }
0x17a: {  	v4 =	vld [tilespmem:s13+$0x410]  }
0x17b: {  	v5 =	vld [tilespmem:s13+$0x430]  }
0x17c: {  	v7 =	vld [tilespmem:s13+$0x450]  }
0x17d: {  	v9 =	vld [tilespmem:s13+$0x470]  }
0x17e: {  	v11 =	vld [tilespmem:s13+$0x4B0]  }
0x17f: {  	v19 =	vld [tilespmem:s13+$0x5D0]  }
0x180: {  	v24 =	vld [tilespmem:s13+$0x400]  }
0x181: {  	v29 =	vld [tilespmem:s13+$0x420]  }
0x182: {  	v31 =	vld [tilespmem:s13+$0x440]  }
0x183: {  	v32 =	vld [tilespmem:s13+$0x460]  }
0x184: {  	v35 =	vld [tilespmem:s13+$0x480]  }
0x185: {  	v36 =	vld [tilespmem:s13+$0x4A0]  }
0x186: {  	v37 =	vld [tilespmem:s13+$0x4C0]  }
0x187: {  	v40 =	vld [tilespmem:s13+$0x4E0]  }
0x188: {  	v43 =	vld [tilespmem:s13+$0x500]  }
0x189: {  	v55 =	vld [tilespmem:s13+$0x520]  }
0x18a: {  	v45 =	vld [tilespmem:s13+$0x540];
	v6 =	vperm.xlane v5, v0;
	v18 =	vperm.xlane v11, v0  }
0x18b: {  	v46 =	vld [tilespmem:s13+$0x560];
	v23 =	vperm.xlane v7, v0;
	v27 =	vperm.xlane v19, v0  }
0x18c: {  	v47 =	vld [tilespmem:s13+$0x580];
	v38 =	vperm.xlane v29, v0;
	v41 =	vperm.xlane v24, v0  }
0x18d: {  	v60 =	vld [tilespmem:s13+$0x5A0];
	v42 =	vperm.xlane v31, v0;
	v44 =	vperm.xlane v32, v0  }
0x18e: {  	v62 =	vld [tilespmem:s13+$0x5C0];
	v56 =	vperm.xlane v35, v0;
	v57 =	vperm.xlane v36, v0  }
0x18f: {  	v26 =	vld [tilespmem:s13+$0x5F0];
	v58 =	vperm.xlane v37, v0;
	v59 =	vperm.xlane v40, v0  }
0x190: {  	v61 =	vperm.xlane v43, v0;
	v63 =	vperm.xlane v55, v0  }
0x191: {  	v48 =	vperm.xlane v45, v0;
	v49 =	vperm.xlane v46, v0  }
0x192: {  	v50 =	vperm.xlane v47, v0;
	v51 =	vperm.xlane v60, v0  }
0x193: {  	v53 =	vperm.xlane v62, v0;
	v13 =	vsel vm0, v4, v6;
	v6 =	vperm.xlane v9, v0  }
0x194: {  	v4 =	vperm.xlane v4, v0;
	v23 =	vsel vm0, v23, v9;
	v27 =	vsel vm0, v27, v26  }
0x195: {  	v24 =	vsel vm0, v24, v38;
	v29 =	vsel vm0, v41, v29;
	v31 =	vsel vm0, v31, v44  }
0x196: {  	v16 =	vld [tilespmem:s13+$0x550];
	v26 =	vperm.xlane v26, v0;
	v32 =	vsel vm0, v42, v32;
	v35 =	vsel vm0, v35, v57  }
0x197: {  	v17 =	vld [tilespmem:s13+$0x590];
	v36 =	vsel vm0, v56, v36;
	v38 =	vsel vm0, v58, v40;
	v8 =	vperm.xlane v13, v1  }
0x198: {  	v10 =	vld [tilespmem:s13+$0x490];
	v37 =	vsel vm0, v37, v59;
	v52 =	vperm.xlane v31, v1;
	v54 =	vperm.xlane v24, v1  }
0x199: {  	v14 =	vld [tilespmem:s13+$0x4F0];
	v40 =	vsel vm0, v50, v60;
	v56 =	vperm.xlane v32, v1;
	v57 =	vperm.xlane v29, v1  }
0x19a: {  	v41 =	vsel vm0, v47, v51;
	v58 =	vperm.xlane v35, v1;
	v59 =	vperm.xlane v36, v1  }
0x19b: {  	v6 =	vsel vm0, v7, v6;
	v25 =	vsel vm0, v4, v5;
	v4 =	vperm.xlane v16, v0  }
0x19c: {  	v22 =	vld [tilespmem:s13+$0x570];
	v5 =	vperm.xlane v17, v0;
	v19 =	vsel vm0, v19, v26;
	v26 =	vsel vm0, v45, v49  }
0x19d: {  	v12 =	vld [tilespmem:s13+$0x4D0];
	v49 =	vperm.xlane v38, v1;
	v20 =	vperm.xlane v6, v1;
	v6 =	vsel vm1, v8, v6  }
0x19e: {  	v15 =	vld [tilespmem:s13+$0x510];
	v8 =	vsel vm0, v10, v18;
	v18 =	vperm.xlane v14, v0;
	v10 =	vperm.xlane v10, v0  }
0x19f: {  	v9 =	vperm.xlane v25, v1;
	v24 =	vsel vm1, v24, v52;
	v50 =	vperm.xlane v26, v1  }
0x1a0: {  	v31 =	vsel vm1, v54, v31;
	v29 =	vsel vm1, v29, v56;
	v32 =	vsel vm1, v57, v32  }
0x1a1: {  	v38 =	vsel vm1, v59, v38;
	v59 =	vperm.xlane v19, v1;
	v33 =	vsel vm0, v4, v22  }
0x1a2: {  	v21 =	vld [tilespmem:s13+$0x530];
	v22 =	vperm.xlane v22, v0;
	v54 =	vperm.xlane v8, v1;
	v7 =	vsel vm1, v13, v20  }
0x1a3: {  	v13 =	vsel vm0, v12, v18;
	v12 =	vperm.xlane v12, v0;
	v18 =	vperm.xlane v15, v0  }
0x1a4: {  	v30 =	vsel vm0, v10, v11;
	v9 =	vsel vm1, v9, v23;
	v23 =	vperm.xlane v23, v1  }
0x1a5: {  	v36 =	vsel vm1, v36, v49;
	v10 =	vperm.xlane v30, v1;
	v4 =	vperm.xlane v9, v2  }
0x1a6: {  	v20 =	vld [tilespmem:s13+$0x5B0];
	v16 =	vsel vm0, v16, v22;
	v22 =	vsel vm0, v43, v63;
	v63 =	vperm.xlane v13, v1  }
0x1a7: {  	v14 =	vsel vm0, v12, v14;
	v18 =	vsel vm0, v18, v21;
	v21 =	vperm.xlane v21, v0  }
0x1a8: {  	v45 =	vperm.xlane v22, v1;
	v57 =	vperm.xlane v16, v1;
	v22 =	vsel vm1, v22, v50  }
0x1a9: {  	v23 =	vsel vm1, v25, v23;
	v11 =	vperm.xlane v18, v1;
	v12 =	vsel vm1, v10, v14  }
0x1aa: {  	v14 =	vperm.xlane v14, v1;
	v25 =	vperm.xlane v22, v2;
	v4 =	vsel vm2, v4, v12  }
0x1ab: {  	v15 =	vsel vm0, v15, v21;
	v45 =	vsel vm1, v45, v26;
	v34 =	vsel vm0, v5, v20  }
0x1ac: {  	v10 =	vsel vm1, v11, v33;
	v39 =	vperm.xlane v4, v3;
	v20 =	vperm.xlane v20, v0  }
0x1ad: {  	v33 =	vperm.xlane v33, v1;
	v30 =	vsel vm1, v30, v14;
	v14 =	vperm.xlane v24, v2  }
0x1ae: {  	v5 =	vperm.xlane v34, v1;
	v28 =	vperm.xlane v10, v2;
	v17 =	vsel vm0, v17, v20  }
0x1af: {  	v20 =	vsel vm0, v48, v46;
	v48 =	vperm.xlane v37, v1;
	v37 =	vsel vm1, v58, v37  }
0x1b0: {  	v21 =	vld [tilespmem:s13+$0x5E0];
	v58 =	vperm.xlane v15, v1;
	v46 =	vsel vm1, v15, v57;
	v15 =	vperm.xlane v36, v2  }
0x1b1: {  	v33 =	vsel vm1, v18, v33;
	v18 =	vperm.xlane v31, v2;
	v51 =	vperm.xlane v20, v1  }
0x1b2: {  	v11 =	vsel vm1, v5, v27;
	v26 =	vperm.xlane v17, v1;
	v27 =	vperm.xlane v27, v1  }
0x1b3: {  	v47 =	vsel vm1, v17, v59;
	v17 =	vperm.xlane v29, v2;
	v5 =	vsel vm2, v28, v11  }
0x1b4: {  	v35 =	vsel vm1, v35, v48;
	v43 =	vsel vm1, v58, v16;
	v59 =	vperm.xlane v11, v2  }
0x1b5: {  	v28 =	vsel vm3, v39, v5;
	v39 =	vsel vm0, v61, v55;
	v55 =	vperm.xlane v21, v0  }
0x1b6: {  	v21 =	vsel vm0, v53, v21;
	v61 =	vperm.xlane v41, v1;
	v48 =	vsel vm1, v26, v19  }
0x1b7: {  	v16 =	vsel vm2, v14, v35;
	v14 =	vperm.xlane v38, v2;
	v19 =	vperm.xlane v32, v2  }
0x1b8: {  	v34 =	vsel vm1, v34, v27;
	v58 =	vperm.xlane v43, v2;
	v60 =	vperm.xlane v39, v1  }
0x1b9: {  	v53 =	vperm.xlane v21, v1;
	v39 =	vsel vm1, v39, v51;
	v51 =	vperm.xlane v7, v2  }
0x1ba: {  	v56 =	vperm.xlane v34, v2;
	v57 =	vperm.xlane v48, v2  }
0x1bb: {  	v44 =	vsel vm0, v62, v55;
	v62 =	vperm.xlane v40, v1;
	v26 =	vperm.xlane v39, v2  }
0x1bc: {  	v50 =	vsel vm2, v32, v14;
	v14 =	vsel vm2, v19, v38;
	v19 =	vperm.xlane v30, v2  }
0x1bd: {  	v13 =	vsel vm1, v54, v13;
	v38 =	vperm.xlane v23, v2;
	v55 =	vperm.xlane v46, v2  }
0x1be: {  	v52 =	vperm.xlane v44, v1;
	v20 =	vsel vm1, v60, v20;
	v42 =	vsel vm1, v61, v44  }
0x1bf: {  	v44 =	vsel vm1, v8, v63;
	v8 =	vperm.xlane v35, v2;
	v35 =	vsel vm2, v29, v15  }
0x1c0: {  	v15 =	vsel vm2, v17, v36;
	v36 =	vperm.xlane v45, v2;
	v60 =	vperm.xlane v6, v2  }
0x1c1: {  	v40 =	vsel vm1, v40, v53;
	v61 =	vperm.xlane v12, v2;
	v63 =	vperm.xlane v33, v2  }
0x1c2: {  	v10 =	vsel vm2, v10, v59;
	v17 =	vperm.xlane v40, v2;
	v29 =	vperm.xlane v42, v2  }
0x1c3: {  	v21 =	vsel vm1, v62, v21;
	v32 =	vperm.xlane v44, v2;
	v62 =	vperm.xlane v47, v2  }
0x1c4: {  	v26 =	vsel vm2, v26, v40;
	v12 =	vsel vm2, v51, v44;
	v19 =	vsel vm2, v23, v19  }
0x1c5: {  	v41 =	vsel vm1, v41, v52;
	v49 =	vsel vm2, v24, v8;
	v8 =	vperm.xlane v37, v2  }
0x1c6: {  	v11 =	vsel vm2, v63, v34;
	v34 =	vperm.xlane v15, v3;
	v24 =	vperm.xlane v41, v2  }
0x1c7: {  	v27 =	vsel vm2, v25, v41;
	v39 =	vsel vm2, v39, v17;
	v45 =	vsel vm2, v45, v29  }
0x1c8: {  	v25 =	vsel vm2, v36, v42;
	v17 =	vsel vm2, v9, v61;
	v23 =	vsel vm2, v46, v62  }
0x1c9: {  	v9 =	vsel vm2, v58, v48;
	v59 =	vperm.xlane v49, v3;
	v36 =	vperm.xlane v16, v3  }
0x1ca: {  	v31 =	vsel vm2, v31, v8;
	v8 =	vsel vm2, v18, v37;
	v18 =	vperm.xlane v21, v2  }
0x1cb: {  	v37 =	vperm.xlane v20, v2;
	v61 =	vperm.xlane v45, v3;
	v52 =	vsel vm2, v22, v24  }
0x1cc: {  	v22 =	vperm.xlane v13, v2;
	v62 =	vperm.xlane v31, v3;
	v29 =	vsel vm2, v20, v18  }
0x1cd: {  	v24 =	vsel vm2, v37, v21;
	v21 =	vsel vm2, v7, v32;
	v7 =	vsel vm2, v38, v30  }
0x1ce: {  	s11 =	sor.u32 s17, s12;
	v20 =	vsel vm2, v43, v57;
	v30 =	vperm.xlane v52, v3;
	v32 =	vsel vm3, v59, v52  }
0x1cf: {  	[tilespmem:s11+$0x9380] =	vst v28;
	v38 =	vperm.xlane v50, v3;
	v37 =	vperm.xlane v27, v3;
	v31 =	vsel vm3, v31, v61  }
0x1d0: {  	v18 =	vsel vm2, v6, v22;
	v6 =	vsel vm2, v60, v13;
	v60 =	vperm.xlane v39, v3;
	[tilespmem:s11+$0x8800] =	vst v32  }
0x1d1: {  	v13 =	vsel vm2, v55, v47;
	[tilespmem:s11+$0x8500] =	vst v31;
	v28 =	vsel vm3, v49, v30;
	v30 =	vperm.xlane v35, v3  }
0x1d2: {  	v22 =	vsel vm2, v33, v56;
	v63 =	vperm.xlane v29, v3;
	[tilespmem:s11+$0x8400] =	vst v28;
	v28 =	vsel vm3, v35, v60  }
0x1d3: {  	v33 =	vperm.xlane v25, v3;
	v32 =	vperm.xlane v8, v3;
	v30 =	vsel vm3, v30, v39;
	[tilespmem:s11+$0x8480] =	vst v28  }
0x1d4: {  	v31 =	vperm.xlane v14, v3;
	v35 =	vperm.xlane v26, v3;
	[tilespmem:s11+$0x8880] =	vst v30;
	v30 =	vsel vm3, v62, v45  }
0x1d5: {  	s14 =	simm.s32 $0x10;
	s12 =	simm.s32 $0x0;
	s13 =	simm.s32 $0x800;
	v28 =	vperm.xlane v24, v3;
	v39 =	vsel vm3, v50, v63;
	[tilespmem:s11+$0x8900] =	vst v30;
	v30 =	vperm.xlane v23, v3  }
.LBB2_7:
0x1d6: {  	s16 =	sand.u32 $0x70, s14;
	s15 =	sshrl.u32 s13, $0x2;
	v29 =	vsel vm3, v38, v29;
	[tilespmem:s11+$0x8580] =	vst v39;
	v38 =	vperm.xlane v21, v3;
	v39 =	vperm.xlane v22, v3  }
0x1d7: {  	v16 =	vsel vm3, v16, v37;
	v37 =	vperm.xlane v20, v3;
	s17 =	sand.u32 $0x1FFFF000, s15;
	s15 =	sshll.u32 s16, $0x5;
	[tilespmem:s11+$0x8980] =	vst v29;
	v29 =	vperm.xlane v19, v3  }
0x1d8: {  	v27 =	vsel vm3, v36, v27;
	v36 =	vperm.xlane v10, v3;
	s15 =	sor.u32 s15, s17;
	[tilespmem:s11+$0x8600] =	vst v16;
	v16 =	vperm.xlane v18, v3  }
0x1d9: {  	v15 =	vsel vm3, v15, v35;
	v35 =	vperm.xlane v13, v3;
	v40 =	vld [tilespmem:s15+$0x410];
	[tilespmem:s11+$0x8A00] =	vst v27;
	v27 =	vperm.xlane v17, v3  }
0x1da: {  	v26 =	vsel vm3, v34, v26;
	v34 =	vperm.xlane v11, v3;
	v41 =	vld [tilespmem:s15+$0x430];
	[tilespmem:s11+$0x8680] =	vst v15;
	v15 =	vperm.xlane v12, v3  }
0x1db: {  	v8 =	vsel vm3, v8, v33;
	v33 =	vperm.xlane v9, v3;
	v42 =	vld [tilespmem:s15+$0x450];
	[tilespmem:s11+$0x8A80] =	vst v26;
	v26 =	vperm.xlane v7, v3  }
0x1dc: {  	v25 =	vsel vm3, v32, v25;
	v32 =	vperm.xlane v6, v3;
	v43 =	vld [tilespmem:s15+$0x470];
	[tilespmem:s11+$0x8700] =	vst v8;
	v8 =	vperm.xlane v5, v3  }
0x1dd: {  	v14 =	vsel vm3, v14, v28;
	v24 =	vsel vm3, v31, v24;
	v21 =	vsel vm3, v21, v30;
	v5 =	vld [tilespmem:s15+$0x490];
	[tilespmem:s11+$0x8B00] =	vst v25  }
0x1de: {  	s12 =	sadd.s32 $0x2, s12;
	v23 =	vsel vm3, v38, v23;
	v25 =	vld [tilespmem:s15+$0x4B0];
	[tilespmem:s11+$0x8780] =	vst v14;
	v14 =	vsel vm3, v19, v39;
	v19 =	vsel vm3, v29, v22  }
0x1df: {  	p0 =	slt.u32 s12, $0x3E;
	v18 =	vsel vm3, v18, v37;
	v16 =	vsel vm3, v16, v20;
	v22 =	vld [tilespmem:s15+$0x4D0];
	v28 =	vperm.xlane v41, v0;
	[tilespmem:s11+$0x8B80] =	vst v24  }
0x1e0: {  	v17 =	vsel vm3, v17, v36;
	v12 =	vsel vm3, v12, v35;
	v10 =	vsel vm3, v27, v10;
	v24 =	vld [tilespmem:s15+$0x4F0];
	[tilespmem:s11+$0x8C00] =	vst v21  }
0x1e1: {  	v27 =	vld [tilespmem:s15+$0x510];
	v20 =	vsel vm0, v40, v28;
	v21 =	vperm.xlane v43, v0;
	v28 =	vsel vm3, v15, v13;
	[tilespmem:s11+$0x8C80] =	vst v14  }
0x1e2: {  	v7 =	vsel vm3, v7, v34;
	v11 =	vsel vm3, v26, v11;
	v29 =	vld [tilespmem:s15+$0x550];
	v13 =	vperm.xlane v20, v1;
	[tilespmem:s11+$0x8D00] =	vst v18  }
0x1e3: {  	v18 =	vsel vm3, v6, v33;
	v26 =	vld [tilespmem:s15+$0x590];
	v14 =	vsel vm0, v42, v21;
	v15 =	vperm.xlane v25, v0;
	[tilespmem:s11+$0x8D80] =	vst v17  }
0x1e4: {  	v31 =	vsel vm3, v32, v9;
	v30 =	vld [tilespmem:s15+$0x5D0];
	v17 =	vperm.xlane v14, v1;
	v6 =	vsel vm1, v13, v14;
	[tilespmem:s11+$0x8E00] =	vst v12  }
0x1e5: {  	v9 =	vperm.xlane v40, v0;
	v32 =	vld [tilespmem:s15+$0x530];
	v13 =	vsel vm0, v5, v15;
	v12 =	vperm.xlane v24, v0;
	[tilespmem:s11+$0x8E80] =	vst v7  }
0x1e6: {  	v21 =	vperm.xlane v42, v0;
	v5 =	vperm.xlane v5, v0;
	v33 =	vld [tilespmem:s15+$0x570];
	v7 =	vsel vm1, v20, v17;
	[tilespmem:s11+$0x8F00] =	vst v18  }
0x1e7: {  	v18 =	vperm.xlane v27, v0;
	v34 =	vld [tilespmem:s15+$0x5B0];
	v14 =	vsel vm0, v22, v12;
	v12 =	vperm.xlane v22, v0;
	[tilespmem:s11+$0x9000] =	vst v23  }
0x1e8: {  	v15 =	vsel vm0, v9, v41;
	v23 =	vperm.xlane v29, v0;
	v22 =	vld [tilespmem:s15+$0x400];
	v35 =	vperm.xlane v26, v0;
	[tilespmem:s11+$0x9080] =	vst v19  }
0x1e9: {  	v20 =	vsel vm0, v21, v43;
	v9 =	vperm.xlane v15, v1;
	v36 =	vld [tilespmem:s15+$0x5F0];
	v19 =	vperm.xlane v30, v0;
	[tilespmem:s11+$0x9100] =	vst v16  }
0x1ea: {  	v17 =	vsel vm0, v5, v25;
	v21 =	vsel vm0, v12, v24;
	v37 =	vld [tilespmem:s15+$0x420];
	v16 =	vsel vm0, v18, v32;
	[tilespmem:s11+$0x9180] =	vst v10  }
0x1eb: {  	v9 =	vsel vm1, v9, v20;
	v5 =	vperm.xlane v17, v1;
	v24 =	vld [tilespmem:s15+$0x440];
	v10 =	vperm.xlane v16, v1;
	[tilespmem:s11+$0x9200] =	vst v28  }
0x1ec: {  	v23 =	vsel vm0, v23, v33;
	v28 =	vperm.xlane v9, v2;
	v25 =	vld [tilespmem:s15+$0x460];
	v18 =	vsel vm0, v35, v34;
	[tilespmem:s11+$0x9280] =	vst v11  }
0x1ed: {  	v12 =	vsel vm1, v5, v21;
	v35 =	vld [tilespmem:s15+$0x480];
	v10 =	vsel vm1, v10, v23;
	v5 =	vperm.xlane v18, v1;
	[tilespmem:s11+$0x9300] =	vst v31  }
0x1ee: {  	v31 =	vld [tilespmem:s15+$0x4A0];
	v38 =	vsel vm0, v19, v36;
	v19 =	vsel vm2, v28, v12;
	v28 =	vperm.xlane v10, v2  }
0x1ef: {  	v39 =	vld [tilespmem:s15+$0x4C0];
	v40 =	vperm.xlane v37, v0;
	v11 =	vsel vm1, v5, v38;
	v41 =	vperm.xlane v19, v3  }
0x1f0: {  	v43 =	vperm.xlane v22, v0;
	v42 =	vld [tilespmem:s15+$0x4E0];
	v44 =	vperm.xlane v24, v0;
	v5 =	vsel vm2, v28, v11  }
0x1f1: {  	s16 =	sor.u32 s16, s17;
	v32 =	vperm.xlane v32, v0;
	v28 =	vld [tilespmem:s15+$0x500];
	v45 =	vperm.xlane v25, v0;
	v41 =	vsel vm3, v41, v5  }
0x1f2: {  	v33 =	vperm.xlane v33, v0;
	v22 =	vsel vm0, v22, v40;
	v46 =	vld [tilespmem:s15+$0x520];
	v40 =	vperm.xlane v35, v0;
	[tilespmem:s16+$0x9380] =	vst v41  }
0x1f3: {  	v34 =	vperm.xlane v34, v0;
	v37 =	vsel vm0, v43, v37;
	v41 =	vld [tilespmem:s15+$0x540];
	v43 =	vperm.xlane v31, v0  }
0x1f4: {  	v36 =	vperm.xlane v36, v0;
	v24 =	vsel vm0, v24, v45;
	v47 =	vld [tilespmem:s15+$0x560];
	v45 =	vperm.xlane v39, v0  }
0x1f5: {  	v25 =	vsel vm0, v44, v25;
	v48 =	vld [tilespmem:s15+$0x580];
	v35 =	vsel vm0, v35, v43;
	v43 =	vperm.xlane v42, v0  }
0x1f6: {  	v31 =	vsel vm0, v40, v31;
	v44 =	vld [tilespmem:s15+$0x5A0];
	v40 =	vsel vm0, v45, v42;
	v42 =	vperm.xlane v28, v0  }
0x1f7: {  	v27 =	vsel vm0, v27, v32;
	v45 =	vld [tilespmem:s15+$0x5C0];
	v39 =	vsel vm0, v39, v43;
	v43 =	vperm.xlane v46, v0  }
0x1f8: {  	v29 =	vsel vm0, v29, v33;
	v32 =	vld [tilespmem:s15+$0x5E0];
	v42 =	vsel vm0, v42, v46;
	v46 =	vperm.xlane v41, v0  }
0x1f9: {  	v26 =	vsel vm0, v26, v34;
	v28 =	vsel vm0, v28, v43;
	v33 =	vperm.xlane v47, v0  }
0x1fa: {  	v30 =	vsel vm0, v30, v36;
	v34 =	vsel vm0, v46, v47;
	v43 =	vperm.xlane v48, v0  }
0x1fb: {  	v33 =	vsel vm0, v41, v33;
	v36 =	vperm.xlane v44, v0;
	v41 =	vperm.xlane v24, v1  }
0x1fc: {  	v46 =	vperm.xlane v22, v1;
	v43 =	vsel vm0, v43, v44;
	v44 =	vperm.xlane v45, v0  }
0x1fd: {  	v36 =	vsel vm0, v48, v36;
	v47 =	vperm.xlane v32, v0;
	v48 =	vperm.xlane v25, v1  }
0x1fe: {  	v49 =	vperm.xlane v39, v1;
	v32 =	vsel vm0, v44, v32;
	v44 =	vperm.xlane v37, v1  }
0x1ff: {  	v50 =	vperm.xlane v40, v1;
	v45 =	vsel vm0, v45, v47;
	v47 =	vperm.xlane v35, v1  }
0x200: {  	v51 =	vperm.xlane v33, v1;
	v22 =	vsel vm1, v22, v41;
	v41 =	vperm.xlane v31, v1  }
0x201: {  	v52 =	vperm.xlane v34, v1;
	v24 =	vsel vm1, v46, v24;
	v46 =	vperm.xlane v28, v1  }
0x202: {  	v37 =	vsel vm1, v37, v48;
	v48 =	vperm.xlane v42, v1;
	v53 =	vperm.xlane v45, v1  }
0x203: {  	v54 =	vperm.xlane v32, v1;
	v25 =	vsel vm1, v44, v25;
	v44 =	vperm.xlane v36, v1  }
0x204: {  	v20 =	vperm.xlane v20, v1;
	v35 =	vsel vm1, v35, v49;
	v49 =	vperm.xlane v43, v1  }
0x205: {  	v55 =	vperm.xlane v13, v1;
	v39 =	vsel vm1, v47, v39;
	v47 =	vperm.xlane v14, v1  }
0x206: {  	v21 =	vperm.xlane v21, v1;
	v31 =	vsel vm1, v31, v50;
	v50 =	vperm.xlane v29, v1  }
0x207: {  	v23 =	vperm.xlane v23, v1;
	v40 =	vsel vm1, v41, v40;
	v41 =	vperm.xlane v27, v1  }
0x208: {  	v56 =	vperm.xlane v26, v1;
	v28 =	vsel vm1, v28, v51;
	v51 =	vperm.xlane v30, v1  }
0x209: {  	v38 =	vperm.xlane v38, v1;
	v33 =	vsel vm1, v46, v33;
	v42 =	vsel vm1, v42, v52  }
0x20a: {  	v34 =	vsel vm1, v48, v34;
	v36 =	vsel vm1, v36, v53;
	v44 =	vsel vm1, v44, v45  }
0x20b: {  	v20 =	vsel vm1, v15, v20;
	v43 =	vsel vm1, v43, v54;
	v32 =	vsel vm1, v49, v32  }
0x20c: {  	v17 =	vsel vm1, v17, v21;
	v45 =	vsel vm1, v55, v14;
	v13 =	vsel vm1, v13, v47  }
0x20d: {  	v46 =	vsel vm1, v27, v50;
	v41 =	vsel vm1, v41, v29;
	v47 =	vsel vm1, v16, v23  }
0x20e: {  	v38 =	vsel vm1, v18, v38;
	v30 =	vsel vm1, v56, v30;
	v48 =	vsel vm1, v26, v51  }
0x20f: {  	v8 =	vsel vm3, v4, v8;
	v4 =	vmovc v19;
	v15 =	vperm.xlane v22, v2;
	v14 =	vperm.xlane v35, v2  }
0x210: {  	v18 =	vperm.xlane v31, v2;
	v19 =	vperm.xlane v37, v2;
	[tilespmem:s11+$0x8F80] =	vst v8;
	s11 =	smov.u32 s16  }
0x211: {  	v49 =	vsel vm2, v22, v14;
	v14 =	vperm.xlane v24, v2;
	v8 =	vperm.xlane v39, v2  }
0x212: {  	v21 =	vperm.xlane v40, v2;
	v16 =	vsel vm2, v15, v35;
	v22 =	vperm.xlane v25, v2  }
0x213: {  	v35 =	vsel vm2, v37, v18;
	v18 =	vperm.xlane v36, v2;
	v23 =	vperm.xlane v28, v2  }
0x214: {  	v26 =	vperm.xlane v42, v2;
	v15 =	vsel vm2, v19, v31;
	v19 =	vperm.xlane v43, v2  }
0x215: {  	v29 =	vperm.xlane v33, v2;
	v31 =	vsel vm2, v24, v8;
	v24 =	vperm.xlane v44, v2  }
0x216: {  	v37 =	vperm.xlane v32, v2;
	v8 =	vsel vm2, v14, v39;
	v39 =	vperm.xlane v34, v2  }
0x217: {  	v51 =	vperm.xlane v7, v2;
	v50 =	vsel vm2, v25, v21;
	v21 =	vperm.xlane v13, v2  }
0x218: {  	v14 =	vsel vm2, v22, v40;
	v22 =	vperm.xlane v17, v2;
	v40 =	vperm.xlane v20, v2  }
0x219: {  	v52 =	vperm.xlane v6, v2;
	v28 =	vsel vm2, v28, v18;
	v18 =	vperm.xlane v45, v2  }
0x21a: {  	v27 =	vsel vm2, v23, v36;
	v23 =	vperm.xlane v12, v2;
	v36 =	vperm.xlane v48, v2  }
0x21b: {  	v54 =	vperm.xlane v38, v2;
	v53 =	vperm.xlane v46, v2;
	v42 =	vsel vm2, v42, v19  }
0x21c: {  	v55 =	vperm.xlane v30, v2;
	v26 =	vsel vm2, v26, v43;
	v43 =	vperm.xlane v47, v2  }
0x21d: {  	v57 =	vperm.xlane v11, v2;
	v56 =	vsel vm2, v33, v24;
	v33 =	vperm.xlane v41, v2  }
0x21e: {  	v25 =	vsel vm2, v29, v44;
	v29 =	vsel vm2, v34, v37;
	v24 =	vsel vm2, v39, v32  }
0x21f: {  	v12 =	vsel vm2, v51, v13;
	v21 =	vsel vm2, v7, v21;
	v19 =	vsel vm2, v20, v22  }
0x220: {  	v18 =	vsel vm2, v6, v18;
	v6 =	vsel vm2, v52, v45;
	v7 =	vsel vm2, v40, v17  }
0x221: {  	v13 =	vsel vm2, v53, v48;
	v17 =	vsel vm2, v9, v23;
	v23 =	vsel vm2, v46, v36  }
0x222: {  	v11 =	vsel vm2, v43, v38;
	v22 =	vsel vm2, v47, v54;
	v20 =	vsel vm2, v41, v55  }
0x223: {  	v10 =	vsel vm2, v10, v57;
	v32 =	vperm.xlane v28, v3;
	v9 =	vsel vm2, v33, v30  }
0x224: {  	v30 =	vperm.xlane v49, v3;
	v33 =	vperm.xlane v42, v3  }
0x225: {  	v34 =	vperm.xlane v35, v3;
	v39 =	vperm.xlane v56, v3;
	v32 =	vsel vm3, v49, v32  }
0x226: {  	v40 =	vperm.xlane v29, v3;
	v28 =	vsel vm3, v30, v28;
	v30 =	vperm.xlane v31, v3;
	[tilespmem:s11+$0x8400] =	vst v32  }
.Ltmp2:
0x227: {  	v38 =	vperm.xlane v50, v3;
	v37 =	vperm.xlane v27, v3;
	v32 =	vsel vm3, v35, v33;
	[tilespmem:s11+$0x8800] =	vst v28;
	(pc) =	sbr.rel @p0 .LBB2_7-.Ltmp2, $4  }
0x228: {  	v36 =	vperm.xlane v16, v3;
	v35 =	vperm.xlane v26, v3;
	v28 =	vsel vm3, v34, v42;
	[tilespmem:s11+$0x8480] =	vst v32  }
0x229: {  	v31 =	vsel vm3, v31, v39;
	v33 =	vperm.xlane v25, v3;
	v34 =	vperm.xlane v15, v3;
	[tilespmem:s11+$0x8880] =	vst v28  }
0x22a: {  	v30 =	vsel vm3, v30, v56;
	v32 =	vperm.xlane v8, v3;
	v28 =	vperm.xlane v24, v3;
	[tilespmem:s11+$0x8500] =	vst v31  }
0x22b: {  	s13 =	sadd.s32 $0x800, s13;
	s14 =	sadd.s32 $0x10, s14;
	v39 =	vsel vm3, v50, v40;
	v31 =	vperm.xlane v14, v3;
	[tilespmem:s11+$0x8900] =	vst v30;
	v30 =	vperm.xlane v23, v3  }
0x22c: {  	v29 =	vsel vm3, v38, v29;
	[tilespmem:s11+$0x8580] =	vst v39  }
0x22d: {  	v16 =	vsel vm3, v16, v37;
	[tilespmem:s11+$0x8980] =	vst v29  }
0x22e: {  	v27 =	vsel vm3, v36, v27;
	[tilespmem:s11+$0x8600] =	vst v16  }
0x22f: {  	v15 =	vsel vm3, v15, v35;
	[tilespmem:s11+$0x8A00] =	vst v27  }
0x230: {  	v45 =	vsel vm3, v34, v26;
	[tilespmem:s11+$0x8680] =	vst v15  }
0x231: {  	v8 =	vsel vm3, v8, v33;
	[tilespmem:s11+$0x8A80] =	vst v45  }
0x232: {  	v46 =	vsel vm3, v32, v25;
	[tilespmem:s11+$0x8700] =	vst v8  }
0x233: {  	v47 =	vsel vm3, v14, v28;
	[tilespmem:s11+$0x8B00] =	vst v46  }
0x234: {  	v48 =	vperm.xlane v22, v3;
	v49 =	vsel vm3, v31, v24;
	[tilespmem:s11+$0x8780] =	vst v47  }
0x235: {  	v50 =	vperm.xlane v20, v3;
	v51 =	vsel vm3, v21, v30;
	[tilespmem:s11+$0x8B80] =	vst v49  }
0x236: {  	v52 =	vperm.xlane v10, v3;
	v14 =	vsel vm3, v19, v48;
	[tilespmem:s11+$0x8C00] =	vst v51  }
0x237: {  	v53 =	vperm.xlane v13, v3;
	v8 =	vsel vm3, v18, v50;
	[tilespmem:s11+$0x8C80] =	vst v14  }
0x238: {  	v60 =	vperm.xlane v12, v3;
	v15 =	vsel vm3, v17, v52;
	[tilespmem:s11+$0x8D00] =	vst v8  }
0x239: {  	v5 =	vperm.xlane v5, v3;
	v16 =	vsel vm3, v12, v53;
	[tilespmem:s11+$0x8D80] =	vst v15  }
0x23a: {  	v54 =	vperm.xlane v11, v3;
	v63 =	vsel vm3, v60, v13;
	[tilespmem:s11+$0x8E00] =	vst v16  }
0x23b: {  	v55 =	vperm.xlane v9, v3;
	v4 =	vsel vm3, v4, v5;
	[tilespmem:s11+$0x9200] =	vst v63  }
0x23c: {  	v56 =	vperm.xlane v21, v3;
	v14 =	vsel vm3, v7, v54;
	[tilespmem:s11+$0x8F80] =	vst v4  }
0x23d: {  	v57 =	vperm.xlane v19, v3;
	v8 =	vsel vm3, v6, v55;
	[tilespmem:s11+$0x8E80] =	vst v14  }
0x23e: {  	v61 =	vperm.xlane v7, v3;
	v15 =	vsel vm3, v56, v23;
	[tilespmem:s11+$0x8F00] =	vst v8  }
0x23f: {  	v62 =	vperm.xlane v6, v3;
	v16 =	vsel vm3, v57, v22;
	[tilespmem:s11+$0x9000] =	vst v15  }
0x240: {  	v58 =	vperm.xlane v18, v3;
	v7 =	vsel vm3, v61, v11;
	[tilespmem:s11+$0x9080] =	vst v16  }
0x241: {  	v59 =	vperm.xlane v17, v3;
	s12 =	sshll.u32 s10, $0x14;
	v6 =	vsel vm3, v62, v9;
	[tilespmem:s11+$0x9280] =	vst v7  }
0x242: {  	s12 =	sor.u32 s6, s12;
	v14 =	vsel vm3, v58, v20;
	[tilespmem:s11+$0x9300] =	vst v6  }
0x243: {  	s12 =	sshrl.u32 s12, $0x3;
	v8 =	vsel vm3, v59, v10;
	[tilespmem:s11+$0x9100] =	vst v14  }
0x244: {  	s13 =	simm.s32 $0x8400;
	[tilespmem:s11+$0x9180] =	vst v8;
	s11 =	sadd.s32 s2, s12  }
0x245: {  	[hbm4b:s11+s3] =	stream.linear.scatter [tilespmem:s13], [sflag:$0x3], $0x400, $0x38;
	[tilespmem:$0x10400] =	vst v63  }
0x246: {  	s14 =	simm.s32 $0x8800;
	s18 =	sadd.s32 s12, s26  }
0x247: {  	[hbm4b:s18+s3] =	stream.linear.scatter [tilespmem:s14], [sflag:$0x3], $0x400, $0x38;
	[tilespmem:$0x10400] =	vst v63  }
0x248: {  	s16 =	simm.s32 $0x8C00;
	s15 =	sadd.s32 s12, s28  }
0x249: {  	[hbm4b:s15+s3] =	stream.linear.scatter [tilespmem:s16], [sflag:$0x3], $0x400, $0x38;
	[tilespmem:$0x10400] =	vst v63  }
0x24a: {  	s17 =	sadd.s32 s12, s29;
	s18 =	simm.s32 $0x9000  }
0x24b: {  	[hbm4b:s17+s3] =	stream.linear.scatter [tilespmem:s18], [sflag:$0x3], $0x400, $0x38;
	[tilespmem:$0x10400] =	vst v63  }
0x24c: {  	s15 =	sadd.s32 $0x80, s11;
	s16 =	simm.s32 $0x9400;
	s17 =	sor.u32 $0x4080, s12  }
0x24d: {  	[hbm4b:s15+s3] =	stream.linear.scatter [tilespmem:s16], [sflag:$0x3], $0x400, $0x38;
	[tilespmem:$0x10400] =	vst v63  }
0x24e: {  	s18 =	simm.s32 $0x9800;
	s13 =	sadd.s32 s2, s17;
	s15 =	sor.u32 $0x8080, s12  }
0x24f: {  	[hbm4b:s13+s3] =	stream.linear.scatter [tilespmem:s18], [sflag:$0x3], $0x400, $0x38;
	[tilespmem:$0x10400] =	vst v63  }
0x250: {  	s17 =	sor.u32 $0xC080, s12;
	s16 =	simm.s32 $0x9C00;
	s13 =	sadd.s32 s2, s15  }
0x251: {  	[hbm4b:s13+s3] =	stream.linear.scatter [tilespmem:s16], [sflag:$0x3], $0x400, $0x38;
	[tilespmem:$0x10400] =	vst v63  }
0x252: {  	s18 =	simm.s32 $0xA000;
	s13 =	sadd.s32 s2, s17  }
0x253: {  	[hbm4b:s13+s3] =	stream.linear.scatter [tilespmem:s18], [sflag:$0x3], $0x400, $0x38;
	[tilespmem:$0x10400] =	vst v63  }
0x254: {  	s15 =	sadd.s32 $0x100, s11;
	s16 =	simm.s32 $0xA400;
	s17 =	sor.u32 $0x4100, s12  }
0x255: {  	[hbm4b:s15+s3] =	stream.linear.scatter [tilespmem:s16], [sflag:$0x3], $0x400, $0x38;
	[tilespmem:$0x10400] =	vst v63  }
0x256: {  	s14 =	sor.u32 $0x8100, s12;
	s13 =	sadd.s32 s2, s17;
	s18 =	simm.s32 $0xA800  }
0x257: {  	[hbm4b:s13+s3] =	stream.linear.scatter [tilespmem:s18], [sflag:$0x3], $0x400, $0x38;
	[tilespmem:$0x10400] =	vst v63  }
0x258: {  	s15 =	sor.u32 $0xC100, s12;
	s13 =	sadd.s32 s2, s14  }
0x259: {  	[hbm4b:s13+s3] =	stream.linear.scatter [tilespmem:s19], [sflag:$0x3], $0x400, $0x38;
	[tilespmem:$0x10400] =	vst v63  }
0x25a: {  	s13 =	sadd.s32 s2, s15  }
0x25b: {  	[hbm4b:s13+s3] =	stream.linear.scatter [tilespmem:s20], [sflag:$0x3], $0x400, $0x38;
	[tilespmem:$0x10400] =	vst v63  }
0x25c: {  	s10 =	sadd.s32 $0x1, s10;
	s11 =	sadd.s32 $0x180, s11;
	s16 =	sor.u32 $0x4180, s12  }
0x25d: {  	[hbm4b:s11+s3] =	stream.linear.scatter [tilespmem:s21], [sflag:$0x3], $0x400, $0x38;
	[tilespmem:$0x10400] =	vst v63  }
0x25e: {  	p0 =	sne.s32 s10, $0x19;
	s11 =	sadd.s32 s2, s16  }
0x25f: {  	[hbm4b:s11+s3] =	stream.linear.scatter [tilespmem:s23], [sflag:$0x3], $0x400, $0x38;
	[tilespmem:$0x10400] =	vst v63  }
.Ltmp3:
0x260: {  	s17 =	sor.u32 $0x8180, s12;
	(pc) =	sbr.rel @p0 .LBB2_2-.Ltmp3, $4  }
0x261: {  	s18 =	sor.u32 $0xC180, s12;
	s11 =	sadd.s32 s2, s17  }
0x262: {  	[hbm4b:s11+s3] =	stream.linear.scatter [tilespmem:s24], [sflag:$0x3], $0x400, $0x38;
	[tilespmem:$0x10400] =	vst v63  }
0x263: {  	s11 =	sadd.s32 s2, s18  }
0x264: {  	[hbm4b:s11+s3] =	stream.linear.scatter [tilespmem:s25], [sflag:$0x3], $0x400, $0x38;
	[tilespmem:$0x10400] =	vst v63  }
0x265: {  	s10 =	simm.s32 $0x0  }
0x266: {  	_ =	swait.ge [sflag:s0], $0x4000;
	s11 =	simm.s32 $0x0;
	s10 =	sand.u32 $0x70, s10  }
0x267: {  	[sflag:s0] =	ssyncset.done $0x0;
	s11 =	sand.u32 $0x1FFFF000, s11;
	s12 =	sshll.u32 s10, $0x5  }
0x268: {  	[sflag:s0] =	ssyncadd.s32 $0xFFFFC000;
	s12 =	sor.u32 s12, s11  }
0x269: {  	v4 =	vld [tilespmem:s12+$0x4410]  }
0x26a: {  	v5 =	vld [tilespmem:s12+$0x4430]  }
0x26b: {  	v7 =	vld [tilespmem:s12+$0x4450]  }
0x26c: {  	v9 =	vld [tilespmem:s12+$0x4470]  }
0x26d: {  	v11 =	vld [tilespmem:s12+$0x44B0]  }
0x26e: {  	v19 =	vld [tilespmem:s12+$0x45D0]  }
0x26f: {  	v24 =	vld [tilespmem:s12+$0x4400]  }
0x270: {  	v29 =	vld [tilespmem:s12+$0x4420]  }
0x271: {  	v31 =	vld [tilespmem:s12+$0x4440]  }
0x272: {  	v32 =	vld [tilespmem:s12+$0x4460]  }
0x273: {  	v35 =	vld [tilespmem:s12+$0x4480]  }
0x274: {  	v36 =	vld [tilespmem:s12+$0x44A0]  }
0x275: {  	v37 =	vld [tilespmem:s12+$0x44C0]  }
0x276: {  	v40 =	vld [tilespmem:s12+$0x44E0]  }
0x277: {  	v43 =	vld [tilespmem:s12+$0x4500]  }
0x278: {  	v55 =	vld [tilespmem:s12+$0x4520]  }
0x279: {  	v45 =	vld [tilespmem:s12+$0x4540];
	v6 =	vperm.xlane v5, v0;
	v18 =	vperm.xlane v11, v0  }
0x27a: {  	v46 =	vld [tilespmem:s12+$0x4560];
	v23 =	vperm.xlane v7, v0;
	v27 =	vperm.xlane v19, v0  }
0x27b: {  	v47 =	vld [tilespmem:s12+$0x4580];
	v38 =	vperm.xlane v29, v0;
	v41 =	vperm.xlane v24, v0  }
0x27c: {  	v60 =	vld [tilespmem:s12+$0x45A0];
	v42 =	vperm.xlane v31, v0;
	v44 =	vperm.xlane v32, v0  }
0x27d: {  	v62 =	vld [tilespmem:s12+$0x45C0];
	v56 =	vperm.xlane v35, v0;
	v57 =	vperm.xlane v36, v0  }
0x27e: {  	v26 =	vld [tilespmem:s12+$0x45F0];
	v58 =	vperm.xlane v37, v0;
	v59 =	vperm.xlane v40, v0  }
0x27f: {  	v61 =	vperm.xlane v43, v0;
	v63 =	vperm.xlane v55, v0  }
0x280: {  	v48 =	vperm.xlane v45, v0;
	v49 =	vperm.xlane v46, v0  }
0x281: {  	v50 =	vperm.xlane v47, v0;
	v51 =	vperm.xlane v60, v0  }
0x282: {  	v53 =	vperm.xlane v62, v0;
	v13 =	vsel vm0, v4, v6;
	v6 =	vperm.xlane v9, v0  }
0x283: {  	v4 =	vperm.xlane v4, v0;
	v23 =	vsel vm0, v23, v9;
	v27 =	vsel vm0, v27, v26  }
0x284: {  	v24 =	vsel vm0, v24, v38;
	v29 =	vsel vm0, v41, v29;
	v31 =	vsel vm0, v31, v44  }
0x285: {  	v16 =	vld [tilespmem:s12+$0x4550];
	v26 =	vperm.xlane v26, v0;
	v32 =	vsel vm0, v42, v32;
	v35 =	vsel vm0, v35, v57  }
0x286: {  	v17 =	vld [tilespmem:s12+$0x4590];
	v36 =	vsel vm0, v56, v36;
	v38 =	vsel vm0, v58, v40;
	v8 =	vperm.xlane v13, v1  }
0x287: {  	v10 =	vld [tilespmem:s12+$0x4490];
	v37 =	vsel vm0, v37, v59;
	v52 =	vperm.xlane v31, v1;
	v54 =	vperm.xlane v24, v1  }
0x288: {  	v14 =	vld [tilespmem:s12+$0x44F0];
	v40 =	vsel vm0, v50, v60;
	v56 =	vperm.xlane v32, v1;
	v57 =	vperm.xlane v29, v1  }
0x289: {  	v41 =	vsel vm0, v47, v51;
	v58 =	vperm.xlane v35, v1;
	v59 =	vperm.xlane v36, v1  }
0x28a: {  	v6 =	vsel vm0, v7, v6;
	v25 =	vsel vm0, v4, v5;
	v4 =	vperm.xlane v16, v0  }
0x28b: {  	v22 =	vld [tilespmem:s12+$0x4570];
	v5 =	vperm.xlane v17, v0;
	v19 =	vsel vm0, v19, v26;
	v26 =	vsel vm0, v45, v49  }
0x28c: {  	v12 =	vld [tilespmem:s12+$0x44D0];
	v49 =	vperm.xlane v38, v1;
	v20 =	vperm.xlane v6, v1;
	v6 =	vsel vm1, v8, v6  }
0x28d: {  	v15 =	vld [tilespmem:s12+$0x4510];
	v8 =	vsel vm0, v10, v18;
	v18 =	vperm.xlane v14, v0;
	v10 =	vperm.xlane v10, v0  }
0x28e: {  	v9 =	vperm.xlane v25, v1;
	v24 =	vsel vm1, v24, v52;
	v50 =	vperm.xlane v26, v1  }
0x28f: {  	v31 =	vsel vm1, v54, v31;
	v29 =	vsel vm1, v29, v56;
	v32 =	vsel vm1, v57, v32  }
0x290: {  	v38 =	vsel vm1, v59, v38;
	v59 =	vperm.xlane v19, v1;
	v33 =	vsel vm0, v4, v22  }
0x291: {  	v21 =	vld [tilespmem:s12+$0x4530];
	v22 =	vperm.xlane v22, v0;
	v54 =	vperm.xlane v8, v1;
	v7 =	vsel vm1, v13, v20  }
0x292: {  	v13 =	vsel vm0, v12, v18;
	v12 =	vperm.xlane v12, v0;
	v18 =	vperm.xlane v15, v0  }
0x293: {  	v30 =	vsel vm0, v10, v11;
	v9 =	vsel vm1, v9, v23;
	v23 =	vperm.xlane v23, v1  }
0x294: {  	v36 =	vsel vm1, v36, v49;
	v10 =	vperm.xlane v30, v1;
	v4 =	vperm.xlane v9, v2  }
0x295: {  	v20 =	vld [tilespmem:s12+$0x45B0];
	v16 =	vsel vm0, v16, v22;
	v22 =	vsel vm0, v43, v63;
	v63 =	vperm.xlane v13, v1  }
0x296: {  	v14 =	vsel vm0, v12, v14;
	v18 =	vsel vm0, v18, v21;
	v21 =	vperm.xlane v21, v0  }
0x297: {  	v45 =	vperm.xlane v22, v1;
	v57 =	vperm.xlane v16, v1;
	v22 =	vsel vm1, v22, v50  }
0x298: {  	v23 =	vsel vm1, v25, v23;
	v11 =	vperm.xlane v18, v1;
	v12 =	vsel vm1, v10, v14  }
0x299: {  	v14 =	vperm.xlane v14, v1;
	v25 =	vperm.xlane v22, v2;
	v4 =	vsel vm2, v4, v12  }
0x29a: {  	v15 =	vsel vm0, v15, v21;
	v45 =	vsel vm1, v45, v26;
	v34 =	vsel vm0, v5, v20  }
0x29b: {  	v10 =	vsel vm1, v11, v33;
	v39 =	vperm.xlane v4, v3;
	v20 =	vperm.xlane v20, v0  }
0x29c: {  	v33 =	vperm.xlane v33, v1;
	v30 =	vsel vm1, v30, v14;
	v14 =	vperm.xlane v24, v2  }
0x29d: {  	v5 =	vperm.xlane v34, v1;
	v28 =	vperm.xlane v10, v2;
	v17 =	vsel vm0, v17, v20  }
0x29e: {  	v20 =	vsel vm0, v48, v46;
	v48 =	vperm.xlane v37, v1;
	v37 =	vsel vm1, v58, v37  }
0x29f: {  	v21 =	vld [tilespmem:s12+$0x45E0];
	v58 =	vperm.xlane v15, v1;
	v46 =	vsel vm1, v15, v57;
	v15 =	vperm.xlane v36, v2  }
0x2a0: {  	v33 =	vsel vm1, v18, v33;
	v18 =	vperm.xlane v31, v2;
	v51 =	vperm.xlane v20, v1  }
0x2a1: {  	v11 =	vsel vm1, v5, v27;
	v26 =	vperm.xlane v17, v1;
	v27 =	vperm.xlane v27, v1  }
0x2a2: {  	v47 =	vsel vm1, v17, v59;
	v17 =	vperm.xlane v29, v2;
	v5 =	vsel vm2, v28, v11  }
0x2a3: {  	v35 =	vsel vm1, v35, v48;
	v43 =	vsel vm1, v58, v16;
	v59 =	vperm.xlane v11, v2  }
0x2a4: {  	v28 =	vsel vm3, v39, v5;
	v39 =	vsel vm0, v61, v55;
	v55 =	vperm.xlane v21, v0  }
0x2a5: {  	v21 =	vsel vm0, v53, v21;
	v61 =	vperm.xlane v41, v1;
	v48 =	vsel vm1, v26, v19  }
0x2a6: {  	v16 =	vsel vm2, v14, v35;
	v14 =	vperm.xlane v38, v2;
	v19 =	vperm.xlane v32, v2  }
0x2a7: {  	v34 =	vsel vm1, v34, v27;
	v58 =	vperm.xlane v43, v2;
	v60 =	vperm.xlane v39, v1  }
0x2a8: {  	v53 =	vperm.xlane v21, v1;
	v39 =	vsel vm1, v39, v51;
	v51 =	vperm.xlane v7, v2  }
0x2a9: {  	v56 =	vperm.xlane v34, v2;
	v57 =	vperm.xlane v48, v2  }
0x2aa: {  	v44 =	vsel vm0, v62, v55;
	v62 =	vperm.xlane v40, v1;
	v26 =	vperm.xlane v39, v2  }
0x2ab: {  	v50 =	vsel vm2, v32, v14;
	v14 =	vsel vm2, v19, v38;
	v19 =	vperm.xlane v30, v2  }
0x2ac: {  	v13 =	vsel vm1, v54, v13;
	v38 =	vperm.xlane v23, v2;
	v55 =	vperm.xlane v46, v2  }
0x2ad: {  	v52 =	vperm.xlane v44, v1;
	v20 =	vsel vm1, v60, v20;
	v42 =	vsel vm1, v61, v44  }
0x2ae: {  	v44 =	vsel vm1, v8, v63;
	v8 =	vperm.xlane v35, v2;
	v35 =	vsel vm2, v29, v15  }
0x2af: {  	v15 =	vsel vm2, v17, v36;
	v36 =	vperm.xlane v45, v2;
	v60 =	vperm.xlane v6, v2  }
0x2b0: {  	v40 =	vsel vm1, v40, v53;
	v61 =	vperm.xlane v12, v2;
	v63 =	vperm.xlane v33, v2  }
0x2b1: {  	v10 =	vsel vm2, v10, v59;
	v17 =	vperm.xlane v40, v2;
	v29 =	vperm.xlane v42, v2  }
0x2b2: {  	v21 =	vsel vm1, v62, v21;
	v32 =	vperm.xlane v44, v2;
	v62 =	vperm.xlane v47, v2  }
0x2b3: {  	v26 =	vsel vm2, v26, v40;
	v12 =	vsel vm2, v51, v44;
	v19 =	vsel vm2, v23, v19  }
0x2b4: {  	v41 =	vsel vm1, v41, v52;
	v49 =	vsel vm2, v24, v8;
	v8 =	vperm.xlane v37, v2  }
0x2b5: {  	v11 =	vsel vm2, v63, v34;
	v34 =	vperm.xlane v15, v3;
	v24 =	vperm.xlane v41, v2  }
0x2b6: {  	v27 =	vsel vm2, v25, v41;
	v39 =	vsel vm2, v39, v17;
	v45 =	vsel vm2, v45, v29  }
0x2b7: {  	v25 =	vsel vm2, v36, v42;
	v17 =	vsel vm2, v9, v61;
	v23 =	vsel vm2, v46, v62  }
0x2b8: {  	v9 =	vsel vm2, v58, v48;
	v59 =	vperm.xlane v49, v3;
	v36 =	vperm.xlane v16, v3  }
0x2b9: {  	v31 =	vsel vm2, v31, v8;
	v8 =	vsel vm2, v18, v37;
	v18 =	vperm.xlane v21, v2  }
0x2ba: {  	v37 =	vperm.xlane v20, v2;
	v61 =	vperm.xlane v45, v3;
	v52 =	vsel vm2, v22, v24  }
0x2bb: {  	v22 =	vperm.xlane v13, v2;
	v62 =	vperm.xlane v31, v3;
	v29 =	vsel vm2, v20, v18  }
0x2bc: {  	v24 =	vsel vm2, v37, v21;
	v21 =	vsel vm2, v7, v32;
	v7 =	vsel vm2, v38, v30  }
0x2bd: {  	s10 =	sor.u32 s10, s11;
	v20 =	vsel vm2, v43, v57;
	v30 =	vperm.xlane v52, v3;
	v32 =	vsel vm3, v59, v52  }
0x2be: {  	[tilespmem:s10+$0xD380] =	vst v28;
	v38 =	vperm.xlane v50, v3;
	v37 =	vperm.xlane v27, v3;
	v31 =	vsel vm3, v31, v61  }
0x2bf: {  	v18 =	vsel vm2, v6, v22;
	v6 =	vsel vm2, v60, v13;
	v60 =	vperm.xlane v39, v3;
	[tilespmem:s10+$0xC800] =	vst v32  }
0x2c0: {  	v13 =	vsel vm2, v55, v47;
	[tilespmem:s10+$0xC500] =	vst v31;
	v28 =	vsel vm3, v49, v30;
	v30 =	vperm.xlane v35, v3  }
0x2c1: {  	v22 =	vsel vm2, v33, v56;
	v63 =	vperm.xlane v29, v3;
	[tilespmem:s10+$0xC400] =	vst v28;
	v28 =	vsel vm3, v35, v60  }
0x2c2: {  	v33 =	vperm.xlane v25, v3;
	v32 =	vperm.xlane v8, v3;
	v30 =	vsel vm3, v30, v39;
	[tilespmem:s10+$0xC480] =	vst v28  }
0x2c3: {  	v31 =	vperm.xlane v14, v3;
	v35 =	vperm.xlane v26, v3;
	[tilespmem:s10+$0xC880] =	vst v30;
	v30 =	vsel vm3, v62, v45  }
0x2c4: {  	s13 =	simm.s32 $0x10;
	s11 =	simm.s32 $0x0;
	s12 =	simm.s32 $0x800;
	v28 =	vperm.xlane v24, v3;
	v39 =	vsel vm3, v50, v63;
	[tilespmem:s10+$0xC900] =	vst v30;
	v30 =	vperm.xlane v23, v3  }
.LBB2_10:
0x2c5: {  	s15 =	sand.u32 $0x70, s13;
	s14 =	sshrl.u32 s12, $0x2;
	v29 =	vsel vm3, v38, v29;
	[tilespmem:s10+$0xC580] =	vst v39;
	v38 =	vperm.xlane v21, v3;
	v39 =	vperm.xlane v22, v3  }
0x2c6: {  	v16 =	vsel vm3, v16, v37;
	v37 =	vperm.xlane v20, v3;
	s16 =	sand.u32 $0x1FFFF000, s14;
	s14 =	sshll.u32 s15, $0x5;
	[tilespmem:s10+$0xC980] =	vst v29;
	v29 =	vperm.xlane v19, v3  }
0x2c7: {  	v27 =	vsel vm3, v36, v27;
	v36 =	vperm.xlane v10, v3;
	s14 =	sor.u32 s14, s16;
	[tilespmem:s10+$0xC600] =	vst v16;
	v16 =	vperm.xlane v18, v3  }
0x2c8: {  	v15 =	vsel vm3, v15, v35;
	v35 =	vperm.xlane v13, v3;
	v40 =	vld [tilespmem:s14+$0x4410];
	[tilespmem:s10+$0xCA00] =	vst v27;
	v27 =	vperm.xlane v17, v3  }
0x2c9: {  	v26 =	vsel vm3, v34, v26;
	v34 =	vperm.xlane v11, v3;
	v41 =	vld [tilespmem:s14+$0x4430];
	[tilespmem:s10+$0xC680] =	vst v15;
	v15 =	vperm.xlane v12, v3  }
0x2ca: {  	v8 =	vsel vm3, v8, v33;
	v33 =	vperm.xlane v9, v3;
	v42 =	vld [tilespmem:s14+$0x4450];
	[tilespmem:s10+$0xCA80] =	vst v26;
	v26 =	vperm.xlane v7, v3  }
0x2cb: {  	v25 =	vsel vm3, v32, v25;
	v32 =	vperm.xlane v6, v3;
	v43 =	vld [tilespmem:s14+$0x4470];
	[tilespmem:s10+$0xC700] =	vst v8;
	v8 =	vperm.xlane v5, v3  }
0x2cc: {  	v14 =	vsel vm3, v14, v28;
	v24 =	vsel vm3, v31, v24;
	v21 =	vsel vm3, v21, v30;
	v5 =	vld [tilespmem:s14+$0x4490];
	[tilespmem:s10+$0xCB00] =	vst v25  }
0x2cd: {  	s11 =	sadd.s32 $0x2, s11;
	v23 =	vsel vm3, v38, v23;
	v25 =	vld [tilespmem:s14+$0x44B0];
	[tilespmem:s10+$0xC780] =	vst v14;
	v14 =	vsel vm3, v19, v39;
	v19 =	vsel vm3, v29, v22  }
0x2ce: {  	p0 =	slt.u32 s11, $0x3E;
	v18 =	vsel vm3, v18, v37;
	v16 =	vsel vm3, v16, v20;
	v22 =	vld [tilespmem:s14+$0x44D0];
	v28 =	vperm.xlane v41, v0;
	[tilespmem:s10+$0xCB80] =	vst v24  }
0x2cf: {  	v17 =	vsel vm3, v17, v36;
	v12 =	vsel vm3, v12, v35;
	v10 =	vsel vm3, v27, v10;
	v24 =	vld [tilespmem:s14+$0x44F0];
	[tilespmem:s10+$0xCC00] =	vst v21  }
0x2d0: {  	v27 =	vld [tilespmem:s14+$0x4510];
	v20 =	vsel vm0, v40, v28;
	v21 =	vperm.xlane v43, v0;
	v28 =	vsel vm3, v15, v13;
	[tilespmem:s10+$0xCC80] =	vst v14  }
0x2d1: {  	v7 =	vsel vm3, v7, v34;
	v11 =	vsel vm3, v26, v11;
	v29 =	vld [tilespmem:s14+$0x4550];
	v13 =	vperm.xlane v20, v1;
	[tilespmem:s10+$0xCD00] =	vst v18  }
0x2d2: {  	v18 =	vsel vm3, v6, v33;
	v26 =	vld [tilespmem:s14+$0x4590];
	v14 =	vsel vm0, v42, v21;
	v15 =	vperm.xlane v25, v0;
	[tilespmem:s10+$0xCD80] =	vst v17  }
0x2d3: {  	v31 =	vsel vm3, v32, v9;
	v30 =	vld [tilespmem:s14+$0x45D0];
	v17 =	vperm.xlane v14, v1;
	v6 =	vsel vm1, v13, v14;
	[tilespmem:s10+$0xCE00] =	vst v12  }
0x2d4: {  	v9 =	vperm.xlane v40, v0;
	v32 =	vld [tilespmem:s14+$0x4530];
	v13 =	vsel vm0, v5, v15;
	v12 =	vperm.xlane v24, v0;
	[tilespmem:s10+$0xCE80] =	vst v7  }
0x2d5: {  	v21 =	vperm.xlane v42, v0;
	v5 =	vperm.xlane v5, v0;
	v33 =	vld [tilespmem:s14+$0x4570];
	v7 =	vsel vm1, v20, v17;
	[tilespmem:s10+$0xCF00] =	vst v18  }
0x2d6: {  	v18 =	vperm.xlane v27, v0;
	v34 =	vld [tilespmem:s14+$0x45B0];
	v14 =	vsel vm0, v22, v12;
	v12 =	vperm.xlane v22, v0;
	[tilespmem:s10+$0xD000] =	vst v23  }
0x2d7: {  	v15 =	vsel vm0, v9, v41;
	v23 =	vperm.xlane v29, v0;
	v22 =	vld [tilespmem:s14+$0x4400];
	v35 =	vperm.xlane v26, v0;
	[tilespmem:s10+$0xD080] =	vst v19  }
0x2d8: {  	v20 =	vsel vm0, v21, v43;
	v9 =	vperm.xlane v15, v1;
	v36 =	vld [tilespmem:s14+$0x45F0];
	v19 =	vperm.xlane v30, v0;
	[tilespmem:s10+$0xD100] =	vst v16  }
0x2d9: {  	v17 =	vsel vm0, v5, v25;
	v21 =	vsel vm0, v12, v24;
	v37 =	vld [tilespmem:s14+$0x4420];
	v16 =	vsel vm0, v18, v32;
	[tilespmem:s10+$0xD180] =	vst v10  }
0x2da: {  	v9 =	vsel vm1, v9, v20;
	v5 =	vperm.xlane v17, v1;
	v24 =	vld [tilespmem:s14+$0x4440];
	v10 =	vperm.xlane v16, v1;
	[tilespmem:s10+$0xD200] =	vst v28  }
0x2db: {  	v23 =	vsel vm0, v23, v33;
	v28 =	vperm.xlane v9, v2;
	v25 =	vld [tilespmem:s14+$0x4460];
	v18 =	vsel vm0, v35, v34;
	[tilespmem:s10+$0xD280] =	vst v11  }
0x2dc: {  	v12 =	vsel vm1, v5, v21;
	v35 =	vld [tilespmem:s14+$0x4480];
	v10 =	vsel vm1, v10, v23;
	v5 =	vperm.xlane v18, v1;
	[tilespmem:s10+$0xD300] =	vst v31  }
0x2dd: {  	v31 =	vld [tilespmem:s14+$0x44A0];
	v38 =	vsel vm0, v19, v36;
	v19 =	vsel vm2, v28, v12;
	v28 =	vperm.xlane v10, v2  }
0x2de: {  	v39 =	vld [tilespmem:s14+$0x44C0];
	v40 =	vperm.xlane v37, v0;
	v11 =	vsel vm1, v5, v38;
	v41 =	vperm.xlane v19, v3  }
0x2df: {  	v43 =	vperm.xlane v22, v0;
	v42 =	vld [tilespmem:s14+$0x44E0];
	v44 =	vperm.xlane v24, v0;
	v5 =	vsel vm2, v28, v11  }
0x2e0: {  	s15 =	sor.u32 s15, s16;
	v32 =	vperm.xlane v32, v0;
	v28 =	vld [tilespmem:s14+$0x4500];
	v45 =	vperm.xlane v25, v0;
	v41 =	vsel vm3, v41, v5  }
0x2e1: {  	v33 =	vperm.xlane v33, v0;
	v22 =	vsel vm0, v22, v40;
	v46 =	vld [tilespmem:s14+$0x4520];
	v40 =	vperm.xlane v35, v0;
	[tilespmem:s15+$0xD380] =	vst v41  }
0x2e2: {  	v34 =	vperm.xlane v34, v0;
	v37 =	vsel vm0, v43, v37;
	v41 =	vld [tilespmem:s14+$0x4540];
	v43 =	vperm.xlane v31, v0  }
0x2e3: {  	v36 =	vperm.xlane v36, v0;
	v24 =	vsel vm0, v24, v45;
	v47 =	vld [tilespmem:s14+$0x4560];
	v45 =	vperm.xlane v39, v0  }
0x2e4: {  	v25 =	vsel vm0, v44, v25;
	v48 =	vld [tilespmem:s14+$0x4580];
	v35 =	vsel vm0, v35, v43;
	v43 =	vperm.xlane v42, v0  }
0x2e5: {  	v31 =	vsel vm0, v40, v31;
	v44 =	vld [tilespmem:s14+$0x45A0];
	v40 =	vsel vm0, v45, v42;
	v42 =	vperm.xlane v28, v0  }
0x2e6: {  	v27 =	vsel vm0, v27, v32;
	v45 =	vld [tilespmem:s14+$0x45C0];
	v39 =	vsel vm0, v39, v43;
	v43 =	vperm.xlane v46, v0  }
0x2e7: {  	v29 =	vsel vm0, v29, v33;
	v32 =	vld [tilespmem:s14+$0x45E0];
	v42 =	vsel vm0, v42, v46;
	v46 =	vperm.xlane v41, v0  }
0x2e8: {  	v26 =	vsel vm0, v26, v34;
	v28 =	vsel vm0, v28, v43;
	v33 =	vperm.xlane v47, v0  }
0x2e9: {  	v30 =	vsel vm0, v30, v36;
	v34 =	vsel vm0, v46, v47;
	v43 =	vperm.xlane v48, v0  }
0x2ea: {  	v33 =	vsel vm0, v41, v33;
	v36 =	vperm.xlane v44, v0;
	v41 =	vperm.xlane v24, v1  }
0x2eb: {  	v46 =	vperm.xlane v22, v1;
	v43 =	vsel vm0, v43, v44;
	v44 =	vperm.xlane v45, v0  }
0x2ec: {  	v36 =	vsel vm0, v48, v36;
	v47 =	vperm.xlane v32, v0;
	v48 =	vperm.xlane v25, v1  }
0x2ed: {  	v49 =	vperm.xlane v39, v1;
	v32 =	vsel vm0, v44, v32;
	v44 =	vperm.xlane v37, v1  }
0x2ee: {  	v50 =	vperm.xlane v40, v1;
	v45 =	vsel vm0, v45, v47;
	v47 =	vperm.xlane v35, v1  }
0x2ef: {  	v51 =	vperm.xlane v33, v1;
	v22 =	vsel vm1, v22, v41;
	v41 =	vperm.xlane v31, v1  }
0x2f0: {  	v52 =	vperm.xlane v34, v1;
	v24 =	vsel vm1, v46, v24;
	v46 =	vperm.xlane v28, v1  }
0x2f1: {  	v37 =	vsel vm1, v37, v48;
	v48 =	vperm.xlane v42, v1;
	v53 =	vperm.xlane v45, v1  }
0x2f2: {  	v54 =	vperm.xlane v32, v1;
	v25 =	vsel vm1, v44, v25;
	v44 =	vperm.xlane v36, v1  }
0x2f3: {  	v20 =	vperm.xlane v20, v1;
	v35 =	vsel vm1, v35, v49;
	v49 =	vperm.xlane v43, v1  }
0x2f4: {  	v55 =	vperm.xlane v13, v1;
	v39 =	vsel vm1, v47, v39;
	v47 =	vperm.xlane v14, v1  }
0x2f5: {  	v21 =	vperm.xlane v21, v1;
	v31 =	vsel vm1, v31, v50;
	v50 =	vperm.xlane v29, v1  }
0x2f6: {  	v23 =	vperm.xlane v23, v1;
	v40 =	vsel vm1, v41, v40;
	v41 =	vperm.xlane v27, v1  }
0x2f7: {  	v56 =	vperm.xlane v26, v1;
	v28 =	vsel vm1, v28, v51;
	v51 =	vperm.xlane v30, v1  }
0x2f8: {  	v38 =	vperm.xlane v38, v1;
	v33 =	vsel vm1, v46, v33;
	v42 =	vsel vm1, v42, v52  }
0x2f9: {  	v34 =	vsel vm1, v48, v34;
	v36 =	vsel vm1, v36, v53;
	v44 =	vsel vm1, v44, v45  }
0x2fa: {  	v20 =	vsel vm1, v15, v20;
	v43 =	vsel vm1, v43, v54;
	v32 =	vsel vm1, v49, v32  }
0x2fb: {  	v17 =	vsel vm1, v17, v21;
	v45 =	vsel vm1, v55, v14;
	v13 =	vsel vm1, v13, v47  }
0x2fc: {  	v46 =	vsel vm1, v27, v50;
	v41 =	vsel vm1, v41, v29;
	v47 =	vsel vm1, v16, v23  }
0x2fd: {  	v38 =	vsel vm1, v18, v38;
	v30 =	vsel vm1, v56, v30;
	v48 =	vsel vm1, v26, v51  }
0x2fe: {  	v8 =	vsel vm3, v4, v8;
	v4 =	vmovc v19;
	v15 =	vperm.xlane v22, v2;
	v14 =	vperm.xlane v35, v2  }
0x2ff: {  	v18 =	vperm.xlane v31, v2;
	v19 =	vperm.xlane v37, v2;
	[tilespmem:s10+$0xCF80] =	vst v8;
	s10 =	smov.u32 s15  }
0x300: {  	v49 =	vsel vm2, v22, v14;
	v14 =	vperm.xlane v24, v2;
	v8 =	vperm.xlane v39, v2  }
0x301: {  	v21 =	vperm.xlane v40, v2;
	v16 =	vsel vm2, v15, v35;
	v22 =	vperm.xlane v25, v2  }
0x302: {  	v35 =	vsel vm2, v37, v18;
	v18 =	vperm.xlane v36, v2;
	v23 =	vperm.xlane v28, v2  }
0x303: {  	v26 =	vperm.xlane v42, v2;
	v15 =	vsel vm2, v19, v31;
	v19 =	vperm.xlane v43, v2  }
0x304: {  	v29 =	vperm.xlane v33, v2;
	v31 =	vsel vm2, v24, v8;
	v24 =	vperm.xlane v44, v2  }
0x305: {  	v37 =	vperm.xlane v32, v2;
	v8 =	vsel vm2, v14, v39;
	v39 =	vperm.xlane v34, v2  }
0x306: {  	v51 =	vperm.xlane v7, v2;
	v50 =	vsel vm2, v25, v21;
	v21 =	vperm.xlane v13, v2  }
0x307: {  	v14 =	vsel vm2, v22, v40;
	v22 =	vperm.xlane v17, v2;
	v40 =	vperm.xlane v20, v2  }
0x308: {  	v52 =	vperm.xlane v6, v2;
	v28 =	vsel vm2, v28, v18;
	v18 =	vperm.xlane v45, v2  }
0x309: {  	v27 =	vsel vm2, v23, v36;
	v23 =	vperm.xlane v12, v2;
	v36 =	vperm.xlane v48, v2  }
0x30a: {  	v54 =	vperm.xlane v38, v2;
	v53 =	vperm.xlane v46, v2;
	v42 =	vsel vm2, v42, v19  }
0x30b: {  	v55 =	vperm.xlane v30, v2;
	v26 =	vsel vm2, v26, v43;
	v43 =	vperm.xlane v47, v2  }
0x30c: {  	v57 =	vperm.xlane v11, v2;
	v56 =	vsel vm2, v33, v24;
	v33 =	vperm.xlane v41, v2  }
0x30d: {  	v25 =	vsel vm2, v29, v44;
	v29 =	vsel vm2, v34, v37;
	v24 =	vsel vm2, v39, v32  }
0x30e: {  	v12 =	vsel vm2, v51, v13;
	v21 =	vsel vm2, v7, v21;
	v19 =	vsel vm2, v20, v22  }
0x30f: {  	v18 =	vsel vm2, v6, v18;
	v6 =	vsel vm2, v52, v45;
	v7 =	vsel vm2, v40, v17  }
0x310: {  	v13 =	vsel vm2, v53, v48;
	v17 =	vsel vm2, v9, v23;
	v23 =	vsel vm2, v46, v36  }
0x311: {  	v11 =	vsel vm2, v43, v38;
	v22 =	vsel vm2, v47, v54;
	v20 =	vsel vm2, v41, v55  }
0x312: {  	v10 =	vsel vm2, v10, v57;
	v32 =	vperm.xlane v28, v3;
	v9 =	vsel vm2, v33, v30  }
0x313: {  	v30 =	vperm.xlane v49, v3;
	v33 =	vperm.xlane v42, v3  }
0x314: {  	v34 =	vperm.xlane v35, v3;
	v39 =	vperm.xlane v56, v3;
	v32 =	vsel vm3, v49, v32  }
0x315: {  	v40 =	vperm.xlane v29, v3;
	v28 =	vsel vm3, v30, v28;
	v30 =	vperm.xlane v31, v3;
	[tilespmem:s10+$0xC400] =	vst v32  }
.Ltmp4:
0x316: {  	v38 =	vperm.xlane v50, v3;
	v37 =	vperm.xlane v27, v3;
	v32 =	vsel vm3, v35, v33;
	[tilespmem:s10+$0xC800] =	vst v28;
	(pc) =	sbr.rel @p0 .LBB2_10-.Ltmp4, $4  }
0x317: {  	v36 =	vperm.xlane v16, v3;
	v35 =	vperm.xlane v26, v3;
	v28 =	vsel vm3, v34, v42;
	[tilespmem:s10+$0xC480] =	vst v32  }
0x318: {  	v31 =	vsel vm3, v31, v39;
	v33 =	vperm.xlane v25, v3;
	v34 =	vperm.xlane v15, v3;
	[tilespmem:s10+$0xC880] =	vst v28  }
0x319: {  	v30 =	vsel vm3, v30, v56;
	v32 =	vperm.xlane v8, v3;
	v28 =	vperm.xlane v24, v3;
	[tilespmem:s10+$0xC500] =	vst v31  }
0x31a: {  	s12 =	sadd.s32 $0x800, s12;
	s13 =	sadd.s32 $0x10, s13;
	v39 =	vsel vm3, v50, v40;
	v31 =	vperm.xlane v14, v3;
	[tilespmem:s10+$0xC900] =	vst v30;
	v30 =	vperm.xlane v23, v3  }
0x31b: {  	v29 =	vsel vm3, v38, v29;
	[tilespmem:s10+$0xC580] =	vst v39  }
0x31c: {  	v16 =	vsel vm3, v16, v37;
	[tilespmem:s10+$0xC980] =	vst v29  }
0x31d: {  	v27 =	vsel vm3, v36, v27;
	[tilespmem:s10+$0xC600] =	vst v16  }
0x31e: {  	v15 =	vsel vm3, v15, v35;
	[tilespmem:s10+$0xCA00] =	vst v27  }
0x31f: {  	v45 =	vsel vm3, v34, v26;
	[tilespmem:s10+$0xC680] =	vst v15  }
0x320: {  	v8 =	vsel vm3, v8, v33;
	[tilespmem:s10+$0xCA80] =	vst v45  }
0x321: {  	v46 =	vsel vm3, v32, v25;
	[tilespmem:s10+$0xC700] =	vst v8  }
0x322: {  	v47 =	vsel vm3, v14, v28;
	[tilespmem:s10+$0xCB00] =	vst v46  }
0x323: {  	v48 =	vperm.xlane v22, v3;
	v49 =	vsel vm3, v31, v24;
	[tilespmem:s10+$0xC780] =	vst v47  }
0x324: {  	v50 =	vperm.xlane v20, v3;
	v51 =	vsel vm3, v21, v30;
	[tilespmem:s10+$0xCB80] =	vst v49  }
0x325: {  	v52 =	vperm.xlane v10, v3;
	v14 =	vsel vm3, v19, v48;
	[tilespmem:s10+$0xCC00] =	vst v51  }
0x326: {  	v53 =	vperm.xlane v13, v3;
	v8 =	vsel vm3, v18, v50;
	[tilespmem:s10+$0xCC80] =	vst v14  }
0x327: {  	v60 =	vperm.xlane v12, v3;
	v15 =	vsel vm3, v17, v52;
	[tilespmem:s10+$0xCD00] =	vst v8  }
0x328: {  	v5 =	vperm.xlane v5, v3;
	v16 =	vsel vm3, v12, v53;
	[tilespmem:s10+$0xCD80] =	vst v15  }
0x329: {  	v54 =	vperm.xlane v11, v3;
	v63 =	vsel vm3, v60, v13;
	[tilespmem:s10+$0xCE00] =	vst v16  }
0x32a: {  	v55 =	vperm.xlane v9, v3;
	v4 =	vsel vm3, v4, v5;
	[tilespmem:s10+$0xD200] =	vst v63  }
0x32b: {  	v56 =	vperm.xlane v21, v3;
	v14 =	vsel vm3, v7, v54;
	[tilespmem:s10+$0xCF80] =	vst v4  }
0x32c: {  	v57 =	vperm.xlane v19, v3;
	v8 =	vsel vm3, v6, v55;
	[tilespmem:s10+$0xCE80] =	vst v14  }
0x32d: {  	v61 =	vperm.xlane v7, v3;
	v15 =	vsel vm3, v56, v23;
	[tilespmem:s10+$0xCF00] =	vst v8  }
0x32e: {  	v62 =	vperm.xlane v6, v3;
	v16 =	vsel vm3, v57, v22;
	[tilespmem:s10+$0xD000] =	vst v15  }
0x32f: {  	v58 =	vperm.xlane v18, v3;
	v7 =	vsel vm3, v61, v11;
	[tilespmem:s10+$0xD080] =	vst v16  }
0x330: {  	v59 =	vperm.xlane v17, v3;
	v6 =	vsel vm3, v62, v9;
	[tilespmem:s10+$0xD280] =	vst v7  }
0x331: {  	v14 =	vsel vm3, v58, v20;
	[tilespmem:s10+$0xD300] =	vst v6  }
0x332: {  	v8 =	vsel vm3, v59, v10;
	[tilespmem:s10+$0xD100] =	vst v14  }
0x333: {  	[tilespmem:s10+$0xD180] =	vst v8  }
0x334: {  	s11 =	simm.s32 $0xC400;
	s10 =	rddreg [dreg:$0x3]  }
0x335: {  	[hbm4b:s10+s3] =	stream.linear.scatter [tilespmem:s11], [sflag:$0x4], $0x400, $0x38;
	[tilespmem:$0x10400] =	vst v63  }
0x336: {  	s12 =	simm.s32 $0xC800;
	s11 =	rddreg [dreg:$0x4]  }
0x337: {  	[hbm4b:s11+s3] =	stream.linear.scatter [tilespmem:s12], [sflag:$0x4], $0x400, $0x38;
	[tilespmem:$0x10400] =	vst v63  }
0x338: {  	s14 =	simm.s32 $0xCC00;
	s13 =	rddreg [dreg:$0x5]  }
0x339: {  	[hbm4b:s13+s3] =	stream.linear.scatter [tilespmem:s14], [sflag:$0x4], $0x400, $0x38;
	[tilespmem:$0x10400] =	vst v63  }
0x33a: {  	s16 =	simm.s32 $0xD000;
	s15 =	rddreg [dreg:$0x6]  }
0x33b: {  	[hbm4b:s15+s3] =	stream.linear.scatter [tilespmem:s16], [sflag:$0x4], $0x400, $0x38;
	[tilespmem:$0x10400] =	vst v63  }
0x33c: {  	s18 =	simm.s32 $0xD400;
	s17 =	rddreg [dreg:$0x7]  }
0x33d: {  	[hbm4b:s17+s3] =	stream.linear.scatter [tilespmem:s18], [sflag:$0x4], $0x400, $0x38;
	[tilespmem:$0x10400] =	vst v63  }
0x33e: {  	s11 =	rddreg [dreg:$0x8];
	s12 =	simm.s32 $0xD800  }
0x33f: {  	[hbm4b:s11+s3] =	stream.linear.scatter [tilespmem:s12], [sflag:$0x4], $0x400, $0x38;
	[tilespmem:$0x10400] =	vst v63  }
0x340: {  	s13 =	rddreg [dreg:$0x9];
	s14 =	simm.s32 $0xDC00  }
0x341: {  	[hbm4b:s13+s3] =	stream.linear.scatter [tilespmem:s14], [sflag:$0x4], $0x400, $0x38;
	[tilespmem:$0x10400] =	vst v63  }
0x342: {  	s15 =	rddreg [dreg:$0xa];
	s16 =	simm.s32 $0xE000  }
0x343: {  	[hbm4b:s15+s3] =	stream.linear.scatter [tilespmem:s16], [sflag:$0x4], $0x400, $0x38;
	[tilespmem:$0x10400] =	vst v63  }
0x344: {  	s17 =	rddreg [dreg:$0xb];
	s18 =	simm.s32 $0xE400  }
0x345: {  	[hbm4b:s17+s3] =	stream.linear.scatter [tilespmem:s18], [sflag:$0x4], $0x400, $0x38;
	[tilespmem:$0x10400] =	vst v63  }
0x346: {  	s11 =	rddreg [dreg:$0xc];
	s12 =	simm.s32 $0xE800  }
0x347: {  	[hbm4b:s11+s3] =	stream.linear.scatter [tilespmem:s12], [sflag:$0x4], $0x400, $0x38;
	[tilespmem:$0x10400] =	vst v63  }
0x348: {  	s13 =	rddreg [dreg:$0xd];
	s14 =	simm.s32 $0xEC00  }
0x349: {  	[hbm4b:s13+s3] =	stream.linear.scatter [tilespmem:s14], [sflag:$0x4], $0x400, $0x38;
	[tilespmem:$0x10400] =	vst v63  }
0x34a: {  	s15 =	rddreg [dreg:$0xe];
	s16 =	simm.s32 $0xF000  }
0x34b: {  	[hbm4b:s15+s3] =	stream.linear.scatter [tilespmem:s16], [sflag:$0x4], $0x400, $0x38;
	[tilespmem:$0x10400] =	vst v63  }
0x34c: {  	s17 =	rddreg [dreg:$0xf];
	s18 =	simm.s32 $0xF400  }
0x34d: {  	[hbm4b:s17+s3] =	stream.linear.scatter [tilespmem:s18], [sflag:$0x4], $0x400, $0x38;
	[tilespmem:$0x10400] =	vst v63  }
0x34e: {  	s11 =	rddreg [dreg:$0x10];
	s12 =	simm.s32 $0xF800  }
0x34f: {  	[hbm4b:s11+s3] =	stream.linear.scatter [tilespmem:s12], [sflag:$0x4], $0x400, $0x38;
	[tilespmem:$0x10400] =	vst v63  }
0x350: {  	s13 =	rddreg [dreg:$0x11];
	s14 =	simm.s32 $0xFC00  }
0x351: {  	[hbm4b:s13+s3] =	stream.linear.scatter [tilespmem:s14], [sflag:$0x4], $0x400, $0x38;
	[tilespmem:$0x10400] =	vst v63  }
0x352: {  	s15 =	rddreg [dreg:$0x12];
	s16 =	simm.s32 $0x10000  }
0x353: {  	[hbm4b:s15+s3] =	stream.linear.scatter [tilespmem:s16], [sflag:$0x4], $0x400, $0x38;
	[tilespmem:$0x10400] =	vst v63  }
0x354: {  	_ =	swait.ge [sflag:s1], $0x400  }
0x355: {  	[sflag:s1] =	ssyncset.done $0x0  }
0x356: {  	[sflag:s1] =	ssyncadd.s32 $0xFFFFFC00  }
0x357: {  	_ =	swait.ge [sflag:s1], $0x400  }
0x358: {  	[sflag:s1] =	ssyncset.done $0x0  }
0x359: {  	[sflag:s1] =	ssyncadd.s32 $0xFFFFFC00  }
0x35a: {  	_ =	swait.ge [sflag:s1], $0x400  }
0x35b: {  	[sflag:s1] =	ssyncset.done $0x0  }
0x35c: {  	[sflag:s1] =	ssyncadd.s32 $0xFFFFFC00  }
0x35d: {  	_ =	swait.ge [sflag:s1], $0x400  }
0x35e: {  	[sflag:s1] =	ssyncset.done $0x0  }
0x35f: {  	[sflag:s1] =	ssyncadd.s32 $0xFFFFFC00  }
0x360: {  	_ =	swait.ge [sflag:s1], $0x400  }
0x361: {  	[sflag:s1] =	ssyncset.done $0x0  }
0x362: {  	[sflag:s1] =	ssyncadd.s32 $0xFFFFFC00  }
0x363: {  	_ =	swait.ge [sflag:s1], $0x400  }
0x364: {  	[sflag:s1] =	ssyncset.done $0x0  }
0x365: {  	[sflag:s1] =	ssyncadd.s32 $0xFFFFFC00  }
0x366: {  	_ =	swait.ge [sflag:s1], $0x400  }
0x367: {  	[sflag:s1] =	ssyncset.done $0x0  }
0x368: {  	[sflag:s1] =	ssyncadd.s32 $0xFFFFFC00  }
0x369: {  	_ =	swait.ge [sflag:s1], $0x400  }
0x36a: {  	[sflag:s1] =	ssyncset.done $0x0  }
0x36b: {  	[sflag:s1] =	ssyncadd.s32 $0xFFFFFC00  }
0x36c: {  	_ =	swait.ge [sflag:s1], $0x400  }
0x36d: {  	[sflag:s1] =	ssyncset.done $0x0  }
0x36e: {  	[sflag:s1] =	ssyncadd.s32 $0xFFFFFC00  }
0x36f: {  	_ =	swait.ge [sflag:s1], $0x400  }
0x370: {  	[sflag:s1] =	ssyncset.done $0x0  }
0x371: {  	[sflag:s1] =	ssyncadd.s32 $0xFFFFFC00  }
0x372: {  	_ =	swait.ge [sflag:s1], $0x400  }
0x373: {  	[sflag:s1] =	ssyncset.done $0x0  }
0x374: {  	[sflag:s1] =	ssyncadd.s32 $0xFFFFFC00  }
0x375: {  	_ =	swait.ge [sflag:s1], $0x400  }
0x376: {  	[sflag:s1] =	ssyncset.done $0x0  }
0x377: {  	[sflag:s1] =	ssyncadd.s32 $0xFFFFFC00  }
0x378: {  	_ =	swait.ge [sflag:s1], $0x400  }
0x379: {  	[sflag:s1] =	ssyncset.done $0x0  }
0x37a: {  	[sflag:s1] =	ssyncadd.s32 $0xFFFFFC00  }
0x37b: {  	_ =	swait.ge [sflag:s1], $0x400  }
0x37c: {  	[sflag:s1] =	ssyncset.done $0x0  }
0x37d: {  	[sflag:s1] =	ssyncadd.s32 $0xFFFFFC00  }
0x37e: {  	_ =	swait.ge [sflag:s1], $0x400  }
0x37f: {  	[sflag:s1] =	ssyncset.done $0x0  }
0x380: {  	[sflag:s1] =	ssyncadd.s32 $0xFFFFFC00  }
0x381: {  	_ =	swait.ge [sflag:s1], $0x400  }
0x382: {  	[sflag:s1] =	ssyncset.done $0x0  }
0x383: {  	[sflag:s1] =	ssyncadd.s32 $0xFFFFFC00  }
0x384: {  	_ =	swait.ge [sflag:s9], $0x400  }
0x385: {  	[sflag:s9] =	ssyncset.done $0x0  }
0x386: {  	[sflag:s9] =	ssyncadd.s32 $0xFFFFFC00  }
0x387: {  	_ =	swait.ge [sflag:s9], $0x400  }
0x388: {  	[sflag:s9] =	ssyncset.done $0x0  }
0x389: {  	[sflag:s9] =	ssyncadd.s32 $0xFFFFFC00  }
0x38a: {  	_ =	swait.ge [sflag:s9], $0x400  }
0x38b: {  	[sflag:s9] =	ssyncset.done $0x0  }
0x38c: {  	[sflag:s9] =	ssyncadd.s32 $0xFFFFFC00  }
0x38d: {  	_ =	swait.ge [sflag:s9], $0x400  }
0x38e: {  	[sflag:s9] =	ssyncset.done $0x0  }
0x38f: {  	[sflag:s9] =	ssyncadd.s32 $0xFFFFFC00  }
0x390: {  	_ =	swait.ge [sflag:s9], $0x400  }
0x391: {  	[sflag:s9] =	ssyncset.done $0x0  }
0x392: {  	[sflag:s9] =	ssyncadd.s32 $0xFFFFFC00  }
0x393: {  	_ =	swait.ge [sflag:s9], $0x400  }
0x394: {  	[sflag:s9] =	ssyncset.done $0x0  }
0x395: {  	[sflag:s9] =	ssyncadd.s32 $0xFFFFFC00  }
0x396: {  	_ =	swait.ge [sflag:s9], $0x400  }
0x397: {  	[sflag:s9] =	ssyncset.done $0x0  }
0x398: {  	[sflag:s9] =	ssyncadd.s32 $0xFFFFFC00  }
0x399: {  	_ =	swait.ge [sflag:s9], $0x400  }
0x39a: {  	[sflag:s9] =	ssyncset.done $0x0  }
0x39b: {  	[sflag:s9] =	ssyncadd.s32 $0xFFFFFC00  }
0x39c: {  	_ =	swait.ge [sflag:s9], $0x400  }
0x39d: {  	[sflag:s9] =	ssyncset.done $0x0  }
0x39e: {  	[sflag:s9] =	ssyncadd.s32 $0xFFFFFC00  }
0x39f: {  	_ =	swait.ge [sflag:s9], $0x400  }
0x3a0: {  	[sflag:s9] =	ssyncset.done $0x0  }
0x3a1: {  	[sflag:s9] =	ssyncadd.s32 $0xFFFFFC00  }
0x3a2: {  	_ =	swait.ge [sflag:s9], $0x400  }
0x3a3: {  	[sflag:s9] =	ssyncset.done $0x0  }
0x3a4: {  	[sflag:s9] =	ssyncadd.s32 $0xFFFFFC00  }
0x3a5: {  	_ =	swait.ge [sflag:s9], $0x400  }
0x3a6: {  	[sflag:s9] =	ssyncset.done $0x0  }
0x3a7: {  	[sflag:s9] =	ssyncadd.s32 $0xFFFFFC00  }
0x3a8: {  	_ =	swait.ge [sflag:s9], $0x400  }
0x3a9: {  	[sflag:s9] =	ssyncset.done $0x0  }
0x3aa: {  	[sflag:s9] =	ssyncadd.s32 $0xFFFFFC00  }
0x3ab: {  	_ =	swait.ge [sflag:s9], $0x400  }
0x3ac: {  	[sflag:s9] =	ssyncset.done $0x0  }
0x3ad: {  	[sflag:s9] =	ssyncadd.s32 $0xFFFFFC00  }
0x3ae: {  	_ =	swait.ge [sflag:s9], $0x400  }
0x3af: {  	[sflag:s9] =	ssyncset.done $0x0  }
0x3b0: {  	[sflag:s9] =	ssyncadd.s32 $0xFFFFFC00  }
0x3b1: {  	_ =	swait.ge [sflag:s9], $0x400  }
0x3b2: {  	s17 =	rddreg [dreg:$0x14]  }
0x3b3: {  	s18 =	rddreg [dreg:$0x13];
	s11 =	sadd.s32 $0x1, s17  }
0x3b4: {  	p0 =	sne.s32 s11, s18  }
.Ltmp5:
0x3b5: {  	_ = 	snop;
	(pc) =	sbr.rel @p0 .LBB2_1-.Ltmp5, $3  }
0x3b6: {  	_ =	sdelay $0x1  }
0x3b7: {  	[sflag:s9] =	ssyncset.done $0x0  }
0x3b8: {  	[sflag:s9] =	ssyncadd.s32 $0xFFFFFC00  }
0x3b9: {  	_ =	sfence.sel $0x180000  }
0x3ba: {  	[bflag:$0x0] =	sbarrier.arrive $0xFFFF  }
0x3bb: {  	_ =	strace $0x90000047  }
0x3bc: {  	s0 =	stileid.u32;
	[bflag:$0x2] =	sbarrier.arrive $0xFFFF  }
0x3bd: {  	p0 =	sne.s32 s0, $0x0;
	s0 =	rddreg [dreg:$0x2]  }
0x3be: {  	s0 =	sadd.s32 @!p0 $0x100000, s0  }
0x3bf: {  	[sflag:s0] =	ssyncadd.tile.s32 @!p0 $0x1;
	_ =	shalt  }
.Lfunc_end2:
_tile_overlayer_lowered:
.L_overlay_start_2:
0x3c0: {  	(tag) =	ssettag $0x2  }
0x3c1: {  	s0 =	rddreg [dreg:$0x0];
	s2 =	stileid.u32  }
0x3c2: {  	s1 =	rddreg [dreg:$0x1];
	p0 =	sne.s32 s2, $0x0  }
0x3c3: {  	s3 =	rddreg [dreg:$0x2];
	[bflag:$0x3] =	sbarrier.arrive $0xFFFF;
	s2 =	simm.s32 @!p0 $0x1C05  }
0x3c4: {  	[timem:s3], [sflag:s2] =	dma.local @!p0 [hbm:s0], s1  }
0x3c5: {  	s0 =	simm.s32 @!p0 $0x5  }
0x3c6: {  	_ =	swait.ge @!p0 [sflag:s0], s1  }
0x3c7: {  	s1 =	ssub.s32 @!p0 $0x0, s1;
	[sflag:s0] =	ssyncset.done @!p0 $0x0  }
0x3c8: {  	[sflag:s0] =	ssyncadd.s32 @!p0 s1  }
0x3c9: {  	[bflag:$0x3] =	sbarrier.arrive $0xFFFF  }
0x3ca: {  	_ =	shalt  }

</sc_bundles>
